<compile_context>
chip_gen: v7x
topology: tpu7x:2x2x1
jax: 0.10.2.dev20260603
libtpu: 0.0.44.dev20260713+nightly
codegen_flags: <defaults>
</compile_context>

<pallas_src>
import functools

import jax
import jax.numpy as jnp
from jax import lax
from jax.experimental import pallas as pl
from jax.experimental.pallas import tpu as pltpu
from jax.experimental.pallas import tpu_sc as plsc

N_NODES = 50000
C = 32
NPAD = 50176
E = 800000
CHUNK = 128
NCHUNKS = 6272
EPAD = NCHUNKS * CHUNK
NCORES, NSUB = 2, 16
CH_PER_SC = NCHUNKS // NCORES
CH_PER_TILE = CH_PER_SC // NSUB
ROWS_PER_TILE = NPAD // NSUB
GRP = 14
NGRP = CH_PER_TILE // GRP
NBUF = 4
ZB = 196

_mesh = plsc.VectorSubcoreMesh(
    core_axis_name="c", subcore_axis_name="s",
    num_cores=NCORES, num_subcores=NSUB)
_sc_params = pltpu.CompilerParams(use_tc_tiling_on_sc=False,
                                  needs_layout_passes=False)


@functools.partial(
    pl.kernel,
    out_type=jax.ShapeDtypeStruct((NCORES * NSUB, NPAD), jnp.float32),
    mesh=_mesh,
    compiler_params=_sc_params,
    scratch_types=[
        pltpu.VMEM((CH_PER_TILE, CHUNK), jnp.int32),
        pltpu.VMEM((NPAD,), jnp.float32),
    ],
)
def _sc_degree(edges, out, didx, deg_v):
    cid = lax.axis_index("c")
    sid = lax.axis_index("s")
    wid = cid * NSUB + sid
    ch0 = cid * CH_PER_SC + sid * CH_PER_TILE
    pltpu.sync_copy(edges.at[1, pl.ds(ch0, CH_PER_TILE), :], didx)
    zero16 = jnp.zeros((16,), jnp.float32)

    def zbody(i, carry):
        deg_v[pl.ds(i * 16, 16)] = zero16
        return carry

    lax.fori_loop(0, NPAD // 16, zbody, 0)
    one16 = jnp.ones((16,), jnp.float32)

    def body(j, carry):
        for k in range(CHUNK // 16):
            idx = didx[j, pl.ds(k * 16, 16)]
            plsc.addupdate_scatter(deg_v, [idx], one16)
        return carry

    lax.fori_loop(0, CH_PER_TILE, body, 0)
    pltpu.sync_copy(deg_v, out.at[wid, :])


@functools.partial(
    pl.kernel,
    out_type=jax.ShapeDtypeStruct((NCORES, NPAD, C), jnp.float32),
    mesh=_mesh,
    compiler_params=_sc_params,
    scratch_types=[
        pltpu.VMEM((2, GRP, CHUNK), jnp.int32),
        pltpu.VMEM((2, GRP, CHUNK), jnp.int32),
        [pltpu.VMEM((CHUNK, C), jnp.float32)] * NBUF,
        pltpu.VMEM((ZB, C), jnp.float32),
        pltpu.VMEM_SHARED((NPAD, C), jnp.float32),
        pltpu.SemaphoreType.DMA,
        [pltpu.SemaphoreType.DMA] * NBUF,
        [pltpu.SemaphoreType.DMA] * NBUF,
    ],
)
def _sc_prop(edges, table, zer_h, out, sidxb, didxb, rows, zb,
             acc_sh, sem_i, gsems, ssems):
    cid = lax.axis_index("c")
    sid = lax.axis_index("s")
    base = sid * ROWS_PER_TILE
    ch0 = cid * CH_PER_SC + sid * CH_PER_TILE

    def idx_start(g, pb):
        pltpu.async_copy(edges.at[0, pl.ds(ch0 + g * GRP, GRP), :],
                         sidxb.at[pb], sem_i)
        pltpu.async_copy(edges.at[1, pl.ds(ch0 + g * GRP, GRP), :],
                         didxb.at[pb], sem_i)

    def idx_wait(g, pb):
        pltpu.make_async_copy(edges.at[0, pl.ds(ch0 + g * GRP, GRP), :],
                              sidxb.at[pb], sem_i).wait()
        pltpu.make_async_copy(edges.at[1, pl.ds(ch0 + g * GRP, GRP), :],
                              didxb.at[pb], sem_i).wait()

    idx_start(0, 0)
    pltpu.sync_copy(zer_h, zb)
    for k in range(ROWS_PER_TILE // ZB):
        pltpu.sync_copy(zb, acc_sh.at[pl.ds(base + k * ZB, ZB), :])
    plsc.subcore_barrier()

    def group_body(g, carry):
        pb = lax.rem(g, 2)
        idx_wait(g, pb)

        @pl.when(g + 1 < NGRP)
        def _():
            idx_start(g + 1, 1 - pb)

        gd = [None] * NBUF
        sd = [None] * NBUF
        for jj in range(GRP):
            b = jj % NBUF
            if sd[b] is not None:
                sd[b].wait()
                sd[b] = None
            gd[b] = pltpu.async_copy(
                table.at[sidxb.at[pb, jj]], rows[b], gsems[b])
            if jj > 0:
                b1 = (jj - 1) % NBUF
                gd[b1].wait()
                sd[b1] = pltpu.async_copy(
                    rows[b1], acc_sh.at[didxb.at[pb, jj - 1]], ssems[b1],
                    add=True)
        bl = (GRP - 1) % NBUF
        gd[bl].wait()
        sd[bl] = pltpu.async_copy(
            rows[bl], acc_sh.at[didxb.at[pb, GRP - 1]], ssems[bl], add=True)
        for b in range(NBUF):
            if sd[b] is not None:
                sd[b].wait()
        return carry

    lax.fori_loop(0, NGRP, group_body, 0)
    plsc.subcore_barrier()
    for k in range(ROWS_PER_TILE // ZB):
        pltpu.sync_copy(acc_sh.at[pl.ds(base + k * ZB, ZB), :], zb)
        pltpu.sync_copy(zb, out.at[cid, pl.ds(base + k * ZB, ZB), :])


TB = 3584


def _tca1_body(x_ref, pe_ref, moh_ref, m2_ref, g_ref):
    x = x_ref[...]
    io = lax.broadcasted_iota(jnp.int32, (TB, C), 1)
    oh = (x == io).astype(jnp.float32)
    g = jnp.dot(oh, moh_ref[...], preferred_element_type=jnp.float32)
    g_ref[...] = g + jnp.dot(pe_ref[...], m2_ref[...],
                             preferred_element_type=jnp.float32)


def _tc_a1(x_pad, pe8, moh, m2):
    return pl.pallas_call(
        _tca1_body,
        grid=(NPAD // TB,),
        in_specs=[
            pl.BlockSpec((TB, 1), lambda i: (i, 0)),
            pl.BlockSpec((TB, 8), lambda i: (i, 0)),
            pl.BlockSpec((C, C), lambda i: (0, 0)),
            pl.BlockSpec((8, C), lambda i: (0, 0)),
        ],
        out_specs=pl.BlockSpec((TB, C), lambda i: (i, 0)),
        out_shape=jax.ShapeDtypeStruct((NPAD, C), jnp.float32),
    )(x_pad, pe8, moh, m2)


def _tca2_body(g_ref, dg_ref, gs_ref, dinv_ref):
    deg = lax.dot_general(
        dg_ref[...], jnp.ones((NCORES * NSUB, 1), jnp.float32),
        (((0,), (0,)), ((), ())), preferred_element_type=jnp.float32) + 1.0
    dinv = lax.rsqrt(deg)
    dinv_ref[...] = dinv
    gs_ref[...] = g_ref[...] * dinv


def _tc_a2(g1, degp):
    return pl.pallas_call(
        _tca2_body,
        grid=(NPAD // TB,),
        in_specs=[
            pl.BlockSpec((TB, C), lambda i: (i, 0)),
            pl.BlockSpec((NCORES * NSUB, TB), lambda i: (0, i)),
        ],
        out_specs=[
            pl.BlockSpec((TB, C), lambda i: (i, 0)),
            pl.BlockSpec((TB, 1), lambda i: (i, 0)),
        ],
        out_shape=[
            jax.ShapeDtypeStruct((NPAD, C), jnp.float32),
            jax.ShapeDtypeStruct((NPAD, 1), jnp.float32),
        ],
    )(g1, degp)


def _tcb_body(a_ref, gs_ref, dinv_ref, b1_ref, hs_ref):
    s = a_ref[0] + a_ref[1] + gs_ref[...]
    z = s * dinv_ref[...] + b1_ref[0:1, :]
    hs_ref[...] = jnp.maximum(z, 0.0) * dinv_ref[...]


def _tc_b(acc, gs, dinv, b1m):
    return pl.pallas_call(
        _tcb_body,
        grid=(NPAD // TB,),
        in_specs=[
            pl.BlockSpec((NCORES, TB, C), lambda i: (0, i, 0)),
            pl.BlockSpec((TB, C), lambda i: (i, 0)),
            pl.BlockSpec((TB, 1), lambda i: (i, 0)),
            pl.BlockSpec((8, C), lambda i: (0, 0)),
        ],
        out_specs=pl.BlockSpec((TB, C), lambda i: (i, 0)),
        out_shape=jax.ShapeDtypeStruct((NPAD, C), jnp.float32),
    )(acc, gs, dinv, b1m)


def _tcc_body(a_ref, hs_ref, dinv_ref, wml_ref, bml_ref, o_ref):
    p = (a_ref[0] + a_ref[1] + hs_ref[...]) * dinv_ref[...]
    o_ref[...] = (jnp.dot(p, wml_ref[...], preferred_element_type=jnp.float32)
                  + bml_ref[0:1, :])


def _tc_c(acc, hs, dinv, wml, bml):
    return pl.pallas_call(
        _tcc_body,
        grid=(NPAD // TB,),
        in_specs=[
            pl.BlockSpec((NCORES, TB, C), lambda i: (0, i, 0)),
            pl.BlockSpec((TB, C), lambda i: (i, 0)),
            pl.BlockSpec((TB, 1), lambda i: (i, 0)),
            pl.BlockSpec((C, 2 * C), lambda i: (0, 0)),
            pl.BlockSpec((8, 2 * C), lambda i: (0, 0)),
        ],
        out_specs=pl.BlockSpec((TB, 2 * C), lambda i: (i, 0)),
        out_shape=jax.ShapeDtypeStruct((NPAD, 2 * C), jnp.float32),
    )(acc, hs, dinv, wml, bml)


def kernel(x, edge_index, laplacian_eigenvector_pe, embed_table, trans_W,
           trans_b, W1, b1, W_mu, b_mu, W_ls, b_ls):
    f32 = jnp.float32
    ei = edge_index.astype(jnp.int32)
    pad = jnp.full((2, EPAD - E), N_NODES, jnp.int32)
    edges = jnp.concatenate([ei, pad], axis=1).reshape(2, NCHUNKS, CHUNK)

    x_pad = jnp.pad(x.astype(jnp.int32).reshape(N_NODES, 1),
                    ((0, NPAD - N_NODES), (0, 0)))
    peb = jnp.pad(laplacian_eigenvector_pe.astype(f32),
                  ((0, NPAD - N_NODES), (0, 0)))
    pe8 = jnp.concatenate(
        [peb, jnp.ones((NPAD, 1), f32), jnp.zeros((NPAD, 2), f32)], axis=1)

    moh = jnp.pad(embed_table.astype(f32) @ W1, ((0, C - 28), (0, 0)))
    m2 = jnp.concatenate(
        [trans_W @ W1, (trans_b @ W1)[None, :], jnp.zeros((2, C), f32)],
        axis=0)
    b1m = jnp.pad(b1[None, :], ((0, 7), (0, 0)))
    wml = jnp.concatenate([W_mu, W_ls], axis=1)
    bml = jnp.pad(jnp.concatenate([b_mu, b_ls])[None, :], ((0, 7), (0, 0)))

    zprop = jnp.zeros((ZB, C), f32)

    degp = _sc_degree(edges)
    g1 = _tc_a1(x_pad, pe8, moh, m2)
    gs, dinv = _tc_a2(g1, degp)
    acc1 = _sc_prop(edges, gs, zprop)
    hs = _tc_b(acc1, gs, dinv, b1m)
    acc2 = _sc_prop(edges, hs, zprop)
    out = _tc_c(acc2, hs, dinv, wml, bml)
    return out[:N_NODES, :C], out[:N_NODES, C:]

# --- scband reference (transcript-rebuilt; emitter-appended) ---
"""Pipeline reference for scband-variational-encoder-1331439862311 (READ-ONLY COPY).

The authoritative reference and input builder live on the scoring server;
editing this copy changes nothing except your own understanding.
"""

import jax, jax.numpy as jnp
import numpy as np

N_NODES = 50000


def gcn_conv(x, edge_index, W, b, num_nodes):
    # PyG GCNConv: add self loops, symmetric normalization, linear transform, scatter-add
    src = edge_index[0]
    dst = edge_index[1]
    loop = jnp.arange(num_nodes, dtype=edge_index.dtype)
    src = jnp.concatenate([src, loop])
    dst = jnp.concatenate([dst, loop])
    h = x @ W
    deg = jnp.zeros((num_nodes,), dtype=h.dtype).at[dst].add(1.0)
    dinv = jax.lax.rsqrt(deg)
    norm = dinv[src] * dinv[dst]
    msg = h[src] * norm[:, None]
    out = jnp.zeros_like(h).at[dst].add(msg)
    return out + b


def setup_inputs(seed: int = 0) -> dict:
    key = jax.random.key(seed)
    ks = jax.random.split(key, 12)
    out_channels = 32
    two_out = 2 * out_channels
    inp = {}
    inp["x"] = jax.random.randint(ks[0], (N_NODES, 1), 0, 28, dtype=jnp.int64)
    inp["edge_index"] = jax.random.randint(ks[1], (2, 800000), 0, N_NODES, dtype=jnp.int64)
    inp["laplacian_eigenvector_pe"] = jax.random.normal(ks[2], (N_NODES, 5), dtype=jnp.float32)
    # parameters
    inp["embed_table"] = jax.random.normal(ks[3], (28, two_out), dtype=jnp.float32) * 0.1
    inp["trans_W"] = jax.random.normal(ks[4], (5, two_out), dtype=jnp.float32) * 0.1
    inp["trans_b"] = jnp.zeros((two_out,), dtype=jnp.float32)
    inp["W1"] = jax.random.normal(ks[5], (two_out, out_channels), dtype=jnp.float32) * 0.1
    inp["b1"] = jnp.zeros((out_channels,), dtype=jnp.float32)
    inp["W_mu"] = jax.random.normal(ks[6], (out_channels, out_channels), dtype=jnp.float32) * 0.1
    inp["b_mu"] = jnp.zeros((out_channels,), dtype=jnp.float32)
    inp["W_ls"] = jax.random.normal(ks[7], (out_channels, out_channels), dtype=jnp.float32) * 0.1
    inp["b_ls"] = jnp.zeros((out_channels,), dtype=jnp.float32)
    return inp


def reference(x, edge_index, laplacian_eigenvector_pe, embed_table, trans_W, trans_b,
              W1, b1, W_mu, b_mu, W_ls, b_ls):
    # molecular=True: embedding lookup on atom-type indices, then squeeze(1)
    h = embed_table[x]            # [N, 1, 2*out]
    h = jnp.squeeze(h, axis=1)    # [N, 2*out]
    # transform=True: linear on laplacian positional encoding
    h = h + (laplacian_eigenvector_pe @ trans_W + trans_b)
    # layers=1: single GCNConv then relu
    h = jax.nn.relu(gcn_conv(h, edge_index, W1, b1, N_NODES))
    mu = gcn_conv(h, edge_index, W_mu, b_mu, N_NODES)
    logstd = gcn_conv(h, edge_index, W_ls, b_ls, N_NODES)
    return (mu, logstd)

if __name__ == "__main__":
    import jax
    _d = setup_inputs()
    print(jax.jit(kernel)(*tuple(_d.values())))

</pallas_src>

<mosaic_0001>
#map = affine_map<(d0, d1) -> (0, 0, 0)>
#map1 = affine_map<(d0, d1) -> (0, 0)>
module attributes {stable_mosaic.version = 14 : i64} {
  func.func @_sc_prop(%arg0: i32, %arg1: i32, %arg2: memref<2x6272x128xi32, #tpu.memory_space<hbm>>, %arg3: memref<50176x32xf32, #tpu.memory_space<hbm>>, %arg4: memref<196x32xf32, #tpu.memory_space<hbm>>, %arg5: memref<2x50176x32xf32, #tpu.memory_space<hbm>>, %arg6: memref<2x14x128xi32, #tpu.memory_space<vmem>>, %arg7: memref<2x14x128xi32, #tpu.memory_space<vmem>>, %arg8: memref<128x32xf32, #tpu.memory_space<vmem>>, %arg9: memref<128x32xf32, #tpu.memory_space<vmem>>, %arg10: memref<128x32xf32, #tpu.memory_space<vmem>>, %arg11: memref<128x32xf32, #tpu.memory_space<vmem>>, %arg12: memref<196x32xf32, #tpu.memory_space<vmem>>, %arg13: memref<50176x32xf32, #tpu.memory_space<vmem_shared>>, %arg14: memref<!tpu.dma_semaphore, #tpu.memory_space<semaphore_mem>>, %arg15: memref<!tpu.dma_semaphore, #tpu.memory_space<semaphore_mem>>, %arg16: memref<!tpu.dma_semaphore, #tpu.memory_space<semaphore_mem>>, %arg17: memref<!tpu.dma_semaphore, #tpu.memory_space<semaphore_mem>>, %arg18: memref<!tpu.dma_semaphore, #tpu.memory_space<semaphore_mem>>, %arg19: memref<!tpu.dma_semaphore, #tpu.memory_space<semaphore_mem>>, %arg20: memref<!tpu.dma_semaphore, #tpu.memory_space<semaphore_mem>>, %arg21: memref<!tpu.dma_semaphore, #tpu.memory_space<semaphore_mem>>, %arg22: memref<!tpu.dma_semaphore, #tpu.memory_space<semaphore_mem>>) attributes {dimension_semantics = [#tpu.dimension_semantics<core_parallel>, #tpu.dimension_semantics<subcore_parallel>], iteration_bounds = array<i64: 2, 16>, scalar_prefetch = 0 : i64, scratch_operands = 17 : i64, tpu.core_type = #tpu.core_type<sc_vector_subcore>, window_params = [{transform_indices = #map}, {transform_indices = #map1}, {transform_indices = #map1}, {transform_indices = #map}]} {
    %mul3A = arith.constant 3136 : i32
    %mul3A_0 = arith.muli %arg1, %mul3A : i32
    %mul3A_1 = arith.constant 3136 : i32
    %mul3A_2 = arith.muli %arg0, %mul3A_1 : i32
    %mul3A_3 = arith.constant 196 : i32
    %mul3A_4 = arith.muli %arg1, %mul3A_3 : i32
    %add3A = arith.addi %mul3A_2, %mul3A_4 : i32
    %add3A_5 = arith.constant 0 : i32
    %add3A_6 = arith.addi %add3A, %add3A_5 : i32
    %dma_start3A = arith.constant 0 : i32
    %dma_start3A_7 = arith.constant 0 : i32
    %dma_start3A_8 = arith.constant 0 : i32
    %dma_start3A_9 = arith.constant 0 : i32
    %dma_start3A_10 = tpu.memref_slice %arg6[%dma_start3A_7, %dma_start3A_8, %dma_start3A_9] : memref<2x14x128xi32, #tpu.memory_space<vmem>> -> memref<1x14x128xi32, #tpu.memory_space<vmem>>
    %dma_start3A_11 = tpu.memref_squeeze %dma_start3A_10 : memref<1x14x128xi32, #tpu.memory_space<vmem>> -> memref<14x128xi32, #tpu.memory_space<vmem>>
    %dma_start3A_12 = arith.constant 0 : i32
    %dma_start3A_13 = tpu.memref_slice %arg2[%dma_start3A, %add3A_6, %dma_start3A_12] : memref<2x6272x128xi32, #tpu.memory_space<hbm>> -> memref<1x14x128xi32, #tpu.memory_space<hbm>>
    %dma_start3A_14 = tpu.memref_squeeze %dma_start3A_13 : memref<1x14x128xi32, #tpu.memory_space<hbm>> -> memref<14x128xi32, #tpu.memory_space<hbm>>
    %dma_start3A_15 = arith.constant 0 : i32
    %dma_start3A_16 = arith.constant 0 : i32
    %dma_start3A_17 = tpu.memref_slice %arg6[%dma_start3A_7, %dma_start3A_15, %dma_start3A_16] : memref<2x14x128xi32, #tpu.memory_space<vmem>> -> memref<1x14x128xi32, #tpu.memory_space<vmem>>
    %dma_start3A_18 = tpu.memref_squeeze %dma_start3A_17 : memref<1x14x128xi32, #tpu.memory_space<vmem>> -> memref<14x128xi32, #tpu.memory_space<vmem>>
    %dma_start3A_19 = arith.constant 0 : i32
    %dma_start3A_20 = tpu.memref_slice %arg2[%dma_start3A, %add3A_6, %dma_start3A_19] : memref<2x6272x128xi32, #tpu.memory_space<hbm>> -> memref<1x14x128xi32, #tpu.memory_space<hbm>>
    %dma_start3A_21 = tpu.memref_squeeze %dma_start3A_20 : memref<1x14x128xi32, #tpu.memory_space<hbm>> -> memref<14x128xi32, #tpu.memory_space<hbm>>
    tpu.enqueue_dma source(%dma_start3A_21 : memref<14x128xi32, #tpu.memory_space<hbm>>) target(%dma_start3A_18 : memref<14x128xi32, #tpu.memory_space<vmem>>) target_semaphore(%arg14 : memref<!tpu.dma_semaphore, #tpu.memory_space<semaphore_mem>>)
    %add3A_22 = arith.constant 0 : i32
    %add3A_23 = arith.addi %add3A, %add3A_22 : i32
    %dma_start3A_24 = arith.constant 1 : i32
    %dma_start3A_25 = arith.constant 0 : i32
    %dma_start3A_26 = arith.constant 0 : i32
    %dma_start3A_27 = arith.constant 0 : i32
    %dma_start3A_28 = tpu.memref_slice %arg7[%dma_start3A_25, %dma_start3A_26, %dma_start3A_27] : memref<2x14x128xi32, #tpu.memory_space<vmem>> -> memref<1x14x128xi32, #tpu.memory_space<vmem>>
    %dma_start3A_29 = tpu.memref_squeeze %dma_start3A_28 : memref<1x14x128xi32, #tpu.memory_space<vmem>> -> memref<14x128xi32, #tpu.memory_space<vmem>>
    %dma_start3A_30 = arith.constant 0 : i32
    %dma_start3A_31 = tpu.memref_slice %arg2[%dma_start3A_24, %add3A_23, %dma_start3A_30] : memref<2x6272x128xi32, #tpu.memory_space<hbm>> -> memref<1x14x128xi32, #tpu.memory_space<hbm>>
    %dma_start3A_32 = tpu.memref_squeeze %dma_start3A_31 : memref<1x14x128xi32, #tpu.memory_space<hbm>> -> memref<14x128xi32, #tpu.memory_space<hbm>>
    %dma_start3A_33 = arith.constant 0 : i32
    %dma_start3A_34 = arith.constant 0 : i32
    %dma_start3A_35 = tpu.memref_slice %arg7[%dma_start3A_25, %dma_start3A_33, %dma_start3A_34] : memref<2x14x128xi32, #tpu.memory_space<vmem>> -> memref<1x14x128xi32, #tpu.memory_space<vmem>>
    %dma_start3A_36 = tpu.memref_squeeze %dma_start3A_35 : memref<1x14x128xi32, #tpu.memory_space<vmem>> -> memref<14x128xi32, #tpu.memory_space<vmem>>
    %dma_start3A_37 = arith.constant 0 : i32
    %dma_start3A_38 = tpu.memref_slice %arg2[%dma_start3A_24, %add3A_23, %dma_start3A_37] : memref<2x6272x128xi32, #tpu.memory_space<hbm>> -> memref<1x14x128xi32, #tpu.memory_space<hbm>>
    %dma_start3A_39 = tpu.memref_squeeze %dma_start3A_38 : memref<1x14x128xi32, #tpu.memory_space<hbm>> -> memref<14x128xi32, #tpu.memory_space<hbm>>
    tpu.enqueue_dma source(%dma_start3A_39 : memref<14x128xi32, #tpu.memory_space<hbm>>) target(%dma_start3A_36 : memref<14x128xi32, #tpu.memory_space<vmem>>) target_semaphore(%arg14 : memref<!tpu.dma_semaphore, #tpu.memory_space<semaphore_mem>>)
    "tpu.region"() ({
      %run_scoped3A = tpu.sem_alloc : memref<!tpu.dma_semaphore, #tpu.memory_space<semaphore_mem>>
      tpu.enqueue_dma source(%arg4 : memref<196x32xf32, #tpu.memory_space<hbm>>) target(%arg12 : memref<196x32xf32, #tpu.memory_space<vmem>>) target_semaphore(%run_scoped3A : memref<!tpu.dma_semaphore, #tpu.memory_space<semaphore_mem>>)
      tpu.wait_dma2 semaphore(%run_scoped3A : memref<!tpu.dma_semaphore, #tpu.memory_space<semaphore_mem>>) src(%arg4 : memref<196x32xf32, #tpu.memory_space<hbm>>) dst(%arg12 : memref<196x32xf32, #tpu.memory_space<vmem>>)
      tpu.yield
    }) : () -> ()
    %add3A_40 = arith.constant 0 : i32
    %add3A_41 = arith.addi %mul3A_0, %add3A_40 : i32
    "tpu.region"() ({
      %run_scoped3A = tpu.sem_alloc : memref<!tpu.dma_semaphore, #tpu.memory_space<semaphore_mem>>
      %dma_start3A_142 = arith.constant 0 : i32
      %dma_start3A_143 = tpu.memref_slice %arg13[%add3A_41, %dma_start3A_142] : memref<50176x32xf32, #tpu.memory_space<vmem_shared>> -> memref<196x32xf32, #tpu.memory_space<vmem_shared>>
      %dma_start3A_144 = arith.constant 0 : i32
      %dma_start3A_145 = tpu.memref_slice %arg13[%add3A_41, %dma_start3A_144] : memref<50176x32xf32, #tpu.memory_space<vmem_shared>> -> memref<196x32xf32, #tpu.memory_space<vmem_shared>>
      tpu.enqueue_dma source(%arg12 : memref<196x32xf32, #tpu.memory_space<vmem>>) target(%dma_start3A_145 : memref<196x32xf32, #tpu.memory_space<vmem_shared>>) target_semaphore(%run_scoped3A : memref<!tpu.dma_semaphore, #tpu.memory_space<semaphore_mem>>)
      %dma_wait3A = arith.constant 0 : i32
      %dma_wait3A_146 = tpu.memref_slice %arg13[%add3A_41, %dma_wait3A] : memref<50176x32xf32, #tpu.memory_space<vmem_shared>> -> memref<196x32xf32, #tpu.memory_space<vmem_shared>>
      %dma_wait3A_147 = arith.constant 0 : i32
      %dma_wait3A_148 = tpu.memref_slice %arg13[%add3A_41, %dma_wait3A_147] : memref<50176x32xf32, #tpu.memory_space<vmem_shared>> -> memref<196x32xf32, #tpu.memory_space<vmem_shared>>
      tpu.wait_dma2 semaphore(%run_scoped3A : memref<!tpu.dma_semaphore, #tpu.memory_space<semaphore_mem>>) src(%arg12 : memref<196x32xf32, #tpu.memory_space<vmem>>) dst(%dma_wait3A_148 : memref<196x32xf32, #tpu.memory_space<vmem_shared>>)
      tpu.yield
    }) : () -> ()
    %add3A_42 = arith.constant 196 : i32
    %add3A_43 = arith.addi %mul3A_0, %add3A_42 : i32
    "tpu.region"() ({
      %run_scoped3A = tpu.sem_alloc : memref<!tpu.dma_semaphore, #tpu.memory_space<semaphore_mem>>
      %dma_start3A_142 = arith.constant 0 : i32
      %dma_start3A_143 = tpu.memref_slice %arg13[%add3A_43, %dma_start3A_142] : memref<50176x32xf32, #tpu.memory_space<vmem_shared>> -> memref<196x32xf32, #tpu.memory_space<vmem_shared>>
      %dma_start3A_144 = arith.constant 0 : i32
      %dma_start3A_145 = tpu.memref_slice %arg13[%add3A_43, %dma_start3A_144] : memref<50176x32xf32, #tpu.memory_space<vmem_shared>> -> memref<196x32xf32, #tpu.memory_space<vmem_shared>>
      tpu.enqueue_dma source(%arg12 : memref<196x32xf32, #tpu.memory_space<vmem>>) target(%dma_start3A_145 : memref<196x32xf32, #tpu.memory_space<vmem_shared>>) target_semaphore(%run_scoped3A : memref<!tpu.dma_semaphore, #tpu.memory_space<semaphore_mem>>)
      %dma_wait3A = arith.constant 0 : i32
      %dma_wait3A_146 = tpu.memref_slice %arg13[%add3A_43, %dma_wait3A] : memref<50176x32xf32, #tpu.memory_space<vmem_shared>> -> memref<196x32xf32, #tpu.memory_space<vmem_shared>>
      %dma_wait3A_147 = arith.constant 0 : i32
      %dma_wait3A_148 = tpu.memref_slice %arg13[%add3A_43, %dma_wait3A_147] : memref<50176x32xf32, #tpu.memory_space<vmem_shared>> -> memref<196x32xf32, #tpu.memory_space<vmem_shared>>
      tpu.wait_dma2 semaphore(%run_scoped3A : memref<!tpu.dma_semaphore, #tpu.memory_space<semaphore_mem>>) src(%arg12 : memref<196x32xf32, #tpu.memory_space<vmem>>) dst(%dma_wait3A_148 : memref<196x32xf32, #tpu.memory_space<vmem_shared>>)
      tpu.yield
    }) : () -> ()
    %add3A_44 = arith.constant 392 : i32
    %add3A_45 = arith.addi %mul3A_0, %add3A_44 : i32
    "tpu.region"() ({
      %run_scoped3A = tpu.sem_alloc : memref<!tpu.dma_semaphore, #tpu.memory_space<semaphore_mem>>
      %dma_start3A_142 = arith.constant 0 : i32
      %dma_start3A_143 = tpu.memref_slice %arg13[%add3A_45, %dma_start3A_142] : memref<50176x32xf32, #tpu.memory_space<vmem_shared>> -> memref<196x32xf32, #tpu.memory_space<vmem_shared>>
      %dma_start3A_144 = arith.constant 0 : i32
      %dma_start3A_145 = tpu.memref_slice %arg13[%add3A_45, %dma_start3A_144] : memref<50176x32xf32, #tpu.memory_space<vmem_shared>> -> memref<196x32xf32, #tpu.memory_space<vmem_shared>>
      tpu.enqueue_dma source(%arg12 : memref<196x32xf32, #tpu.memory_space<vmem>>) target(%dma_start3A_145 : memref<196x32xf32, #tpu.memory_space<vmem_shared>>) target_semaphore(%run_scoped3A : memref<!tpu.dma_semaphore, #tpu.memory_space<semaphore_mem>>)
      %dma_wait3A = arith.constant 0 : i32
      %dma_wait3A_146 = tpu.memref_slice %arg13[%add3A_45, %dma_wait3A] : memref<50176x32xf32, #tpu.memory_space<vmem_shared>> -> memref<196x32xf32, #tpu.memory_space<vmem_shared>>
      %dma_wait3A_147 = arith.constant 0 : i32
      %dma_wait3A_148 = tpu.memref_slice %arg13[%add3A_45, %dma_wait3A_147] : memref<50176x32xf32, #tpu.memory_space<vmem_shared>> -> memref<196x32xf32, #tpu.memory_space<vmem_shared>>
      tpu.wait_dma2 semaphore(%run_scoped3A : memref<!tpu.dma_semaphore, #tpu.memory_space<semaphore_mem>>) src(%arg12 : memref<196x32xf32, #tpu.memory_space<vmem>>) dst(%dma_wait3A_148 : memref<196x32xf32, #tpu.memory_space<vmem_shared>>)
      tpu.yield
    }) : () -> ()
    %add3A_46 = arith.constant 588 : i32
    %add3A_47 = arith.addi %mul3A_0, %add3A_46 : i32
    "tpu.region"() ({
      %run_scoped3A = tpu.sem_alloc : memref<!tpu.dma_semaphore, #tpu.memory_space<semaphore_mem>>
      %dma_start3A_142 = arith.constant 0 : i32
      %dma_start3A_143 = tpu.memref_slice %arg13[%add3A_47, %dma_start3A_142] : memref<50176x32xf32, #tpu.memory_space<vmem_shared>> -> memref<196x32xf32, #tpu.memory_space<vmem_shared>>
      %dma_start3A_144 = arith.constant 0 : i32
      %dma_start3A_145 = tpu.memref_slice %arg13[%add3A_47, %dma_start3A_144] : memref<50176x32xf32, #tpu.memory_space<vmem_shared>> -> memref<196x32xf32, #tpu.memory_space<vmem_shared>>
      tpu.enqueue_dma source(%arg12 : memref<196x32xf32, #tpu.memory_space<vmem>>) target(%dma_start3A_145 : memref<196x32xf32, #tpu.memory_space<vmem_shared>>) target_semaphore(%run_scoped3A : memref<!tpu.dma_semaphore, #tpu.memory_space<semaphore_mem>>)
      %dma_wait3A = arith.constant 0 : i32
      %dma_wait3A_146 = tpu.memref_slice %arg13[%add3A_47, %dma_wait3A] : memref<50176x32xf32, #tpu.memory_space<vmem_shared>> -> memref<196x32xf32, #tpu.memory_space<vmem_shared>>
      %dma_wait3A_147 = arith.constant 0 : i32
      %dma_wait3A_148 = tpu.memref_slice %arg13[%add3A_47, %dma_wait3A_147] : memref<50176x32xf32, #tpu.memory_space<vmem_shared>> -> memref<196x32xf32, #tpu.memory_space<vmem_shared>>
      tpu.wait_dma2 semaphore(%run_scoped3A : memref<!tpu.dma_semaphore, #tpu.memory_space<semaphore_mem>>) src(%arg12 : memref<196x32xf32, #tpu.memory_space<vmem>>) dst(%dma_wait3A_148 : memref<196x32xf32, #tpu.memory_space<vmem_shared>>)
      tpu.yield
    }) : () -> ()
    %add3A_48 = arith.constant 784 : i32
    %add3A_49 = arith.addi %mul3A_0, %add3A_48 : i32
    "tpu.region"() ({
      %run_scoped3A = tpu.sem_alloc : memref<!tpu.dma_semaphore, #tpu.memory_space<semaphore_mem>>
      %dma_start3A_142 = arith.constant 0 : i32
      %dma_start3A_143 = tpu.memref_slice %arg13[%add3A_49, %dma_start3A_142] : memref<50176x32xf32, #tpu.memory_space<vmem_shared>> -> memref<196x32xf32, #tpu.memory_space<vmem_shared>>
      %dma_start3A_144 = arith.constant 0 : i32
      %dma_start3A_145 = tpu.memref_slice %arg13[%add3A_49, %dma_start3A_144] : memref<50176x32xf32, #tpu.memory_space<vmem_shared>> -> memref<196x32xf32, #tpu.memory_space<vmem_shared>>
      tpu.enqueue_dma source(%arg12 : memref<196x32xf32, #tpu.memory_space<vmem>>) target(%dma_start3A_145 : memref<196x32xf32, #tpu.memory_space<vmem_shared>>) target_semaphore(%run_scoped3A : memref<!tpu.dma_semaphore, #tpu.memory_space<semaphore_mem>>)
      %dma_wait3A = arith.constant 0 : i32
      %dma_wait3A_146 = tpu.memref_slice %arg13[%add3A_49, %dma_wait3A] : memref<50176x32xf32, #tpu.memory_space<vmem_shared>> -> memref<196x32xf32, #tpu.memory_space<vmem_shared>>
      %dma_wait3A_147 = arith.constant 0 : i32
      %dma_wait3A_148 = tpu.memref_slice %arg13[%add3A_49, %dma_wait3A_147] : memref<50176x32xf32, #tpu.memory_space<vmem_shared>> -> memref<196x32xf32, #tpu.memory_space<vmem_shared>>
      tpu.wait_dma2 semaphore(%run_scoped3A : memref<!tpu.dma_semaphore, #tpu.memory_space<semaphore_mem>>) src(%arg12 : memref<196x32xf32, #tpu.memory_space<vmem>>) dst(%dma_wait3A_148 : memref<196x32xf32, #tpu.memory_space<vmem_shared>>)
      tpu.yield
    }) : () -> ()
    %add3A_50 = arith.constant 980 : i32
    %add3A_51 = arith.addi %mul3A_0, %add3A_50 : i32
    "tpu.region"() ({
      %run_scoped3A = tpu.sem_alloc : memref<!tpu.dma_semaphore, #tpu.memory_space<semaphore_mem>>
      %dma_start3A_142 = arith.constant 0 : i32
      %dma_start3A_143 = tpu.memref_slice %arg13[%add3A_51, %dma_start3A_142] : memref<50176x32xf32, #tpu.memory_space<vmem_shared>> -> memref<196x32xf32, #tpu.memory_space<vmem_shared>>
      %dma_start3A_144 = arith.constant 0 : i32
      %dma_start3A_145 = tpu.memref_slice %arg13[%add3A_51, %dma_start3A_144] : memref<50176x32xf32, #tpu.memory_space<vmem_shared>> -> memref<196x32xf32, #tpu.memory_space<vmem_shared>>
      tpu.enqueue_dma source(%arg12 : memref<196x32xf32, #tpu.memory_space<vmem>>) target(%dma_start3A_145 : memref<196x32xf32, #tpu.memory_space<vmem_shared>>) target_semaphore(%run_scoped3A : memref<!tpu.dma_semaphore, #tpu.memory_space<semaphore_mem>>)
      %dma_wait3A = arith.constant 0 : i32
      %dma_wait3A_146 = tpu.memref_slice %arg13[%add3A_51, %dma_wait3A] : memref<50176x32xf32, #tpu.memory_space<vmem_shared>> -> memref<196x32xf32, #tpu.memory_space<vmem_shared>>
      %dma_wait3A_147 = arith.constant 0 : i32
      %dma_wait3A_148 = tpu.memref_slice %arg13[%add3A_51, %dma_wait3A_147] : memref<50176x32xf32, #tpu.memory_space<vmem_shared>> -> memref<196x32xf32, #tpu.memory_space<vmem_shared>>
      tpu.wait_dma2 semaphore(%run_scoped3A : memref<!tpu.dma_semaphore, #tpu.memory_space<semaphore_mem>>) src(%arg12 : memref<196x32xf32, #tpu.memory_space<vmem>>) dst(%dma_wait3A_148 : memref<196x32xf32, #tpu.memory_space<vmem_shared>>)
      tpu.yield
    }) : () -> ()
    %add3A_52 = arith.constant 1176 : i32
    %add3A_53 = arith.addi %mul3A_0, %add3A_52 : i32
    "tpu.region"() ({
      %run_scoped3A = tpu.sem_alloc : memref<!tpu.dma_semaphore, #tpu.memory_space<semaphore_mem>>
      %dma_start3A_142 = arith.constant 0 : i32
      %dma_start3A_143 = tpu.memref_slice %arg13[%add3A_53, %dma_start3A_142] : memref<50176x32xf32, #tpu.memory_space<vmem_shared>> -> memref<196x32xf32, #tpu.memory_space<vmem_shared>>
      %dma_start3A_144 = arith.constant 0 : i32
      %dma_start3A_145 = tpu.memref_slice %arg13[%add3A_53, %dma_start3A_144] : memref<50176x32xf32, #tpu.memory_space<vmem_shared>> -> memref<196x32xf32, #tpu.memory_space<vmem_shared>>
      tpu.enqueue_dma source(%arg12 : memref<196x32xf32, #tpu.memory_space<vmem>>) target(%dma_start3A_145 : memref<196x32xf32, #tpu.memory_space<vmem_shared>>) target_semaphore(%run_scoped3A : memref<!tpu.dma_semaphore, #tpu.memory_space<semaphore_mem>>)
      %dma_wait3A = arith.constant 0 : i32
      %dma_wait3A_146 = tpu.memref_slice %arg13[%add3A_53, %dma_wait3A] : memref<50176x32xf32, #tpu.memory_space<vmem_shared>> -> memref<196x32xf32, #tpu.memory_space<vmem_shared>>
      %dma_wait3A_147 = arith.constant 0 : i32
      %dma_wait3A_148 = tpu.memref_slice %arg13[%add3A_53, %dma_wait3A_147] : memref<50176x32xf32, #tpu.memory_space<vmem_shared>> -> memref<196x32xf32, #tpu.memory_space<vmem_shared>>
      tpu.wait_dma2 semaphore(%run_scoped3A : memref<!tpu.dma_semaphore, #tpu.memory_space<semaphore_mem>>) src(%arg12 : memref<196x32xf32, #tpu.memory_space<vmem>>) dst(%dma_wait3A_148 : memref<196x32xf32, #tpu.memory_space<vmem_shared>>)
      tpu.yield
    }) : () -> ()
    %add3A_54 = arith.constant 1372 : i32
    %add3A_55 = arith.addi %mul3A_0, %add3A_54 : i32
    "tpu.region"() ({
      %run_scoped3A = tpu.sem_alloc : memref<!tpu.dma_semaphore, #tpu.memory_space<semaphore_mem>>
      %dma_start3A_142 = arith.constant 0 : i32
      %dma_start3A_143 = tpu.memref_slice %arg13[%add3A_55, %dma_start3A_142] : memref<50176x32xf32, #tpu.memory_space<vmem_shared>> -> memref<196x32xf32, #tpu.memory_space<vmem_shared>>
      %dma_start3A_144 = arith.constant 0 : i32
      %dma_start3A_145 = tpu.memref_slice %arg13[%add3A_55, %dma_start3A_144] : memref<50176x32xf32, #tpu.memory_space<vmem_shared>> -> memref<196x32xf32, #tpu.memory_space<vmem_shared>>
      tpu.enqueue_dma source(%arg12 : memref<196x32xf32, #tpu.memory_space<vmem>>) target(%dma_start3A_145 : memref<196x32xf32, #tpu.memory_space<vmem_shared>>) target_semaphore(%run_scoped3A : memref<!tpu.dma_semaphore, #tpu.memory_space<semaphore_mem>>)
      %dma_wait3A = arith.constant 0 : i32
      %dma_wait3A_146 = tpu.memref_slice %arg13[%add3A_55, %dma_wait3A] : memref<50176x32xf32, #tpu.memory_space<vmem_shared>> -> memref<196x32xf32, #tpu.memory_space<vmem_shared>>
      %dma_wait3A_147 = arith.constant 0 : i32
      %dma_wait3A_148 = tpu.memref_slice %arg13[%add3A_55, %dma_wait3A_147] : memref<50176x32xf32, #tpu.memory_space<vmem_shared>> -> memref<196x32xf32, #tpu.memory_space<vmem_shared>>
      tpu.wait_dma2 semaphore(%run_scoped3A : memref<!tpu.dma_semaphore, #tpu.memory_space<semaphore_mem>>) src(%arg12 : memref<196x32xf32, #tpu.memory_space<vmem>>) dst(%dma_wait3A_148 : memref<196x32xf32, #tpu.memory_space<vmem_shared>>)
      tpu.yield
    }) : () -> ()
    %add3A_56 = arith.constant 1568 : i32
    %add3A_57 = arith.addi %mul3A_0, %add3A_56 : i32
    "tpu.region"() ({
      %run_scoped3A = tpu.sem_alloc : memref<!tpu.dma_semaphore, #tpu.memory_space<semaphore_mem>>
      %dma_start3A_142 = arith.constant 0 : i32
      %dma_start3A_143 = tpu.memref_slice %arg13[%add3A_57, %dma_start3A_142] : memref<50176x32xf32, #tpu.memory_space<vmem_shared>> -> memref<196x32xf32, #tpu.memory_space<vmem_shared>>
      %dma_start3A_144 = arith.constant 0 : i32
      %dma_start3A_145 = tpu.memref_slice %arg13[%add3A_57, %dma_start3A_144] : memref<50176x32xf32, #tpu.memory_space<vmem_shared>> -> memref<196x32xf32, #tpu.memory_space<vmem_shared>>
      tpu.enqueue_dma source(%arg12 : memref<196x32xf32, #tpu.memory_space<vmem>>) target(%dma_start3A_145 : memref<196x32xf32, #tpu.memory_space<vmem_shared>>) target_semaphore(%run_scoped3A : memref<!tpu.dma_semaphore, #tpu.memory_space<semaphore_mem>>)
      %dma_wait3A = arith.constant 0 : i32
      %dma_wait3A_146 = tpu.memref_slice %arg13[%add3A_57, %dma_wait3A] : memref<50176x32xf32, #tpu.memory_space<vmem_shared>> -> memref<196x32xf32, #tpu.memory_space<vmem_shared>>
      %dma_wait3A_147 = arith.constant 0 : i32
      %dma_wait3A_148 = tpu.memref_slice %arg13[%add3A_57, %dma_wait3A_147] : memref<50176x32xf32, #tpu.memory_space<vmem_shared>> -> memref<196x32xf32, #tpu.memory_space<vmem_shared>>
      tpu.wait_dma2 semaphore(%run_scoped3A : memref<!tpu.dma_semaphore, #tpu.memory_space<semaphore_mem>>) src(%arg12 : memref<196x32xf32, #tpu.memory_space<vmem>>) dst(%dma_wait3A_148 : memref<196x32xf32, #tpu.memory_space<vmem_shared>>)
      tpu.yield
    }) : () -> ()
    %add3A_58 = arith.constant 1764 : i32
    %add3A_59 = arith.addi %mul3A_0, %add3A_58 : i32
    "tpu.region"() ({
      %run_scoped3A = tpu.sem_alloc : memref<!tpu.dma_semaphore, #tpu.memory_space<semaphore_mem>>
      %dma_start3A_142 = arith.constant 0 : i32
      %dma_start3A_143 = tpu.memref_slice %arg13[%add3A_59, %dma_start3A_142] : memref<50176x32xf32, #tpu.memory_space<vmem_shared>> -> memref<196x32xf32, #tpu.memory_space<vmem_shared>>
      %dma_start3A_144 = arith.constant 0 : i32
      %dma_start3A_145 = tpu.memref_slice %arg13[%add3A_59, %dma_start3A_144] : memref<50176x32xf32, #tpu.memory_space<vmem_shared>> -> memref<196x32xf32, #tpu.memory_space<vmem_shared>>
      tpu.enqueue_dma source(%arg12 : memref<196x32xf32, #tpu.memory_space<vmem>>) target(%dma_start3A_145 : memref<196x32xf32, #tpu.memory_space<vmem_shared>>) target_semaphore(%run_scoped3A : memref<!tpu.dma_semaphore, #tpu.memory_space<semaphore_mem>>)
      %dma_wait3A = arith.constant 0 : i32
      %dma_wait3A_146 = tpu.memref_slice %arg13[%add3A_59, %dma_wait3A] : memref<50176x32xf32, #tpu.memory_space<vmem_shared>> -> memref<196x32xf32, #tpu.memory_space<vmem_shared>>
      %dma_wait3A_147 = arith.constant 0 : i32
      %dma_wait3A_148 = tpu.memref_slice %arg13[%add3A_59, %dma_wait3A_147] : memref<50176x32xf32, #tpu.memory_space<vmem_shared>> -> memref<196x32xf32, #tpu.memory_space<vmem_shared>>
      tpu.wait_dma2 semaphore(%run_scoped3A : memref<!tpu.dma_semaphore, #tpu.memory_space<semaphore_mem>>) src(%arg12 : memref<196x32xf32, #tpu.memory_space<vmem>>) dst(%dma_wait3A_148 : memref<196x32xf32, #tpu.memory_space<vmem_shared>>)
      tpu.yield
    }) : () -> ()
    %add3A_60 = arith.constant 1960 : i32
    %add3A_61 = arith.addi %mul3A_0, %add3A_60 : i32
    "tpu.region"() ({
      %run_scoped3A = tpu.sem_alloc : memref<!tpu.dma_semaphore, #tpu.memory_space<semaphore_mem>>
      %dma_start3A_142 = arith.constant 0 : i32
      %dma_start3A_143 = tpu.memref_slice %arg13[%add3A_61, %dma_start3A_142] : memref<50176x32xf32, #tpu.memory_space<vmem_shared>> -> memref<196x32xf32, #tpu.memory_space<vmem_shared>>
      %dma_start3A_144 = arith.constant 0 : i32
      %dma_start3A_145 = tpu.memref_slice %arg13[%add3A_61, %dma_start3A_144] : memref<50176x32xf32, #tpu.memory_space<vmem_shared>> -> memref<196x32xf32, #tpu.memory_space<vmem_shared>>
      tpu.enqueue_dma source(%arg12 : memref<196x32xf32, #tpu.memory_space<vmem>>) target(%dma_start3A_145 : memref<196x32xf32, #tpu.memory_space<vmem_shared>>) target_semaphore(%run_scoped3A : memref<!tpu.dma_semaphore, #tpu.memory_space<semaphore_mem>>)
      %dma_wait3A = arith.constant 0 : i32
      %dma_wait3A_146 = tpu.memref_slice %arg13[%add3A_61, %dma_wait3A] : memref<50176x32xf32, #tpu.memory_space<vmem_shared>> -> memref<196x32xf32, #tpu.memory_space<vmem_shared>>
      %dma_wait3A_147 = arith.constant 0 : i32
      %dma_wait3A_148 = tpu.memref_slice %arg13[%add3A_61, %dma_wait3A_147] : memref<50176x32xf32, #tpu.memory_space<vmem_shared>> -> memref<196x32xf32, #tpu.memory_space<vmem_shared>>
      tpu.wait_dma2 semaphore(%run_scoped3A : memref<!tpu.dma_semaphore, #tpu.memory_space<semaphore_mem>>) src(%arg12 : memref<196x32xf32, #tpu.memory_space<vmem>>) dst(%dma_wait3A_148 : memref<196x32xf32, #tpu.memory_space<vmem_shared>>)
      tpu.yield
    }) : () -> ()
    %add3A_62 = arith.constant 2156 : i32
    %add3A_63 = arith.addi %mul3A_0, %add3A_62 : i32
    "tpu.region"() ({
      %run_scoped3A = tpu.sem_alloc : memref<!tpu.dma_semaphore, #tpu.memory_space<semaphore_mem>>
      %dma_start3A_142 = arith.constant 0 : i32
      %dma_start3A_143 = tpu.memref_slice %arg13[%add3A_63, %dma_start3A_142] : memref<50176x32xf32, #tpu.memory_space<vmem_shared>> -> memref<196x32xf32, #tpu.memory_space<vmem_shared>>
      %dma_start3A_144 = arith.constant 0 : i32
      %dma_start3A_145 = tpu.memref_slice %arg13[%add3A_63, %dma_start3A_144] : memref<50176x32xf32, #tpu.memory_space<vmem_shared>> -> memref<196x32xf32, #tpu.memory_space<vmem_shared>>
      tpu.enqueue_dma source(%arg12 : memref<196x32xf32, #tpu.memory_space<vmem>>) target(%dma_start3A_145 : memref<196x32xf32, #tpu.memory_space<vmem_shared>>) target_semaphore(%run_scoped3A : memref<!tpu.dma_semaphore, #tpu.memory_space<semaphore_mem>>)
      %dma_wait3A = arith.constant 0 : i32
      %dma_wait3A_146 = tpu.memref_slice %arg13[%add3A_63, %dma_wait3A] : memref<50176x32xf32, #tpu.memory_space<vmem_shared>> -> memref<196x32xf32, #tpu.memory_space<vmem_shared>>
      %dma_wait3A_147 = arith.constant 0 : i32
      %dma_wait3A_148 = tpu.memref_slice %arg13[%add3A_63, %dma_wait3A_147] : memref<50176x32xf32, #tpu.memory_space<vmem_shared>> -> memref<196x32xf32, #tpu.memory_space<vmem_shared>>
      tpu.wait_dma2 semaphore(%run_scoped3A : memref<!tpu.dma_semaphore, #tpu.memory_space<semaphore_mem>>) src(%arg12 : memref<196x32xf32, #tpu.memory_space<vmem>>) dst(%dma_wait3A_148 : memref<196x32xf32, #tpu.memory_space<vmem_shared>>)
      tpu.yield
    }) : () -> ()
    %add3A_64 = arith.constant 2352 : i32
    %add3A_65 = arith.addi %mul3A_0, %add3A_64 : i32
    "tpu.region"() ({
      %run_scoped3A = tpu.sem_alloc : memref<!tpu.dma_semaphore, #tpu.memory_space<semaphore_mem>>
      %dma_start3A_142 = arith.constant 0 : i32
      %dma_start3A_143 = tpu.memref_slice %arg13[%add3A_65, %dma_start3A_142] : memref<50176x32xf32, #tpu.memory_space<vmem_shared>> -> memref<196x32xf32, #tpu.memory_space<vmem_shared>>
      %dma_start3A_144 = arith.constant 0 : i32
      %dma_start3A_145 = tpu.memref_slice %arg13[%add3A_65, %dma_start3A_144] : memref<50176x32xf32, #tpu.memory_space<vmem_shared>> -> memref<196x32xf32, #tpu.memory_space<vmem_shared>>
      tpu.enqueue_dma source(%arg12 : memref<196x32xf32, #tpu.memory_space<vmem>>) target(%dma_start3A_145 : memref<196x32xf32, #tpu.memory_space<vmem_shared>>) target_semaphore(%run_scoped3A : memref<!tpu.dma_semaphore, #tpu.memory_space<semaphore_mem>>)
      %dma_wait3A = arith.constant 0 : i32
      %dma_wait3A_146 = tpu.memref_slice %arg13[%add3A_65, %dma_wait3A] : memref<50176x32xf32, #tpu.memory_space<vmem_shared>> -> memref<196x32xf32, #tpu.memory_space<vmem_shared>>
      %dma_wait3A_147 = arith.constant 0 : i32
      %dma_wait3A_148 = tpu.memref_slice %arg13[%add3A_65, %dma_wait3A_147] : memref<50176x32xf32, #tpu.memory_space<vmem_shared>> -> memref<196x32xf32, #tpu.memory_space<vmem_shared>>
      tpu.wait_dma2 semaphore(%run_scoped3A : memref<!tpu.dma_semaphore, #tpu.memory_space<semaphore_mem>>) src(%arg12 : memref<196x32xf32, #tpu.memory_space<vmem>>) dst(%dma_wait3A_148 : memref<196x32xf32, #tpu.memory_space<vmem_shared>>)
      tpu.yield
    }) : () -> ()
    %add3A_66 = arith.constant 2548 : i32
    %add3A_67 = arith.addi %mul3A_0, %add3A_66 : i32
    "tpu.region"() ({
      %run_scoped3A = tpu.sem_alloc : memref<!tpu.dma_semaphore, #tpu.memory_space<semaphore_mem>>
      %dma_start3A_142 = arith.constant 0 : i32
      %dma_start3A_143 = tpu.memref_slice %arg13[%add3A_67, %dma_start3A_142] : memref<50176x32xf32, #tpu.memory_space<vmem_shared>> -> memref<196x32xf32, #tpu.memory_space<vmem_shared>>
      %dma_start3A_144 = arith.constant 0 : i32
      %dma_start3A_145 = tpu.memref_slice %arg13[%add3A_67, %dma_start3A_144] : memref<50176x32xf32, #tpu.memory_space<vmem_shared>> -> memref<196x32xf32, #tpu.memory_space<vmem_shared>>
      tpu.enqueue_dma source(%arg12 : memref<196x32xf32, #tpu.memory_space<vmem>>) target(%dma_start3A_145 : memref<196x32xf32, #tpu.memory_space<vmem_shared>>) target_semaphore(%run_scoped3A : memref<!tpu.dma_semaphore, #tpu.memory_space<semaphore_mem>>)
      %dma_wait3A = arith.constant 0 : i32
      %dma_wait3A_146 = tpu.memref_slice %arg13[%add3A_67, %dma_wait3A] : memref<50176x32xf32, #tpu.memory_space<vmem_shared>> -> memref<196x32xf32, #tpu.memory_space<vmem_shared>>
      %dma_wait3A_147 = arith.constant 0 : i32
      %dma_wait3A_148 = tpu.memref_slice %arg13[%add3A_67, %dma_wait3A_147] : memref<50176x32xf32, #tpu.memory_space<vmem_shared>> -> memref<196x32xf32, #tpu.memory_space<vmem_shared>>
      tpu.wait_dma2 semaphore(%run_scoped3A : memref<!tpu.dma_semaphore, #tpu.memory_space<semaphore_mem>>) src(%arg12 : memref<196x32xf32, #tpu.memory_space<vmem>>) dst(%dma_wait3A_148 : memref<196x32xf32, #tpu.memory_space<vmem_shared>>)
      tpu.yield
    }) : () -> ()
    %add3A_68 = arith.constant 2744 : i32
    %add3A_69 = arith.addi %mul3A_0, %add3A_68 : i32
    "tpu.region"() ({
      %run_scoped3A = tpu.sem_alloc : memref<!tpu.dma_semaphore, #tpu.memory_space<semaphore_mem>>
      %dma_start3A_142 = arith.constant 0 : i32
      %dma_start3A_143 = tpu.memref_slice %arg13[%add3A_69, %dma_start3A_142] : memref<50176x32xf32, #tpu.memory_space<vmem_shared>> -> memref<196x32xf32, #tpu.memory_space<vmem_shared>>
      %dma_start3A_144 = arith.constant 0 : i32
      %dma_start3A_145 = tpu.memref_slice %arg13[%add3A_69, %dma_start3A_144] : memref<50176x32xf32, #tpu.memory_space<vmem_shared>> -> memref<196x32xf32, #tpu.memory_space<vmem_shared>>
      tpu.enqueue_dma source(%arg12 : memref<196x32xf32, #tpu.memory_space<vmem>>) target(%dma_start3A_145 : memref<196x32xf32, #tpu.memory_space<vmem_shared>>) target_semaphore(%run_scoped3A : memref<!tpu.dma_semaphore, #tpu.memory_space<semaphore_mem>>)
      %dma_wait3A = arith.constant 0 : i32
      %dma_wait3A_146 = tpu.memref_slice %arg13[%add3A_69, %dma_wait3A] : memref<50176x32xf32, #tpu.memory_space<vmem_shared>> -> memref<196x32xf32, #tpu.memory_space<vmem_shared>>
      %dma_wait3A_147 = arith.constant 0 : i32
      %dma_wait3A_148 = tpu.memref_slice %arg13[%add3A_69, %dma_wait3A_147] : memref<50176x32xf32, #tpu.memory_space<vmem_shared>> -> memref<196x32xf32, #tpu.memory_space<vmem_shared>>
      tpu.wait_dma2 semaphore(%run_scoped3A : memref<!tpu.dma_semaphore, #tpu.memory_space<semaphore_mem>>) src(%arg12 : memref<196x32xf32, #tpu.memory_space<vmem>>) dst(%dma_wait3A_148 : memref<196x32xf32, #tpu.memory_space<vmem_shared>>)
      tpu.yield
    }) : () -> ()
    %add3A_70 = arith.constant 2940 : i32
    %add3A_71 = arith.addi %mul3A_0, %add3A_70 : i32
    "tpu.region"() ({
      %run_scoped3A = tpu.sem_alloc : memref<!tpu.dma_semaphore, #tpu.memory_space<semaphore_mem>>
      %dma_start3A_142 = arith.constant 0 : i32
      %dma_start3A_143 = tpu.memref_slice %arg13[%add3A_71, %dma_start3A_142] : memref<50176x32xf32, #tpu.memory_space<vmem_shared>> -> memref<196x32xf32, #tpu.memory_space<vmem_shared>>
      %dma_start3A_144 = arith.constant 0 : i32
      %dma_start3A_145 = tpu.memref_slice %arg13[%add3A_71, %dma_start3A_144] : memref<50176x32xf32, #tpu.memory_space<vmem_shared>> -> memref<196x32xf32, #tpu.memory_space<vmem_shared>>
      tpu.enqueue_dma source(%arg12 : memref<196x32xf32, #tpu.memory_space<vmem>>) target(%dma_start3A_145 : memref<196x32xf32, #tpu.memory_space<vmem_shared>>) target_semaphore(%run_scoped3A : memref<!tpu.dma_semaphore, #tpu.memory_space<semaphore_mem>>)
      %dma_wait3A = arith.constant 0 : i32
      %dma_wait3A_146 = tpu.memref_slice %arg13[%add3A_71, %dma_wait3A] : memref<50176x32xf32, #tpu.memory_space<vmem_shared>> -> memref<196x32xf32, #tpu.memory_space<vmem_shared>>
      %dma_wait3A_147 = arith.constant 0 : i32
      %dma_wait3A_148 = tpu.memref_slice %arg13[%add3A_71, %dma_wait3A_147] : memref<50176x32xf32, #tpu.memory_space<vmem_shared>> -> memref<196x32xf32, #tpu.memory_space<vmem_shared>>
      tpu.wait_dma2 semaphore(%run_scoped3A : memref<!tpu.dma_semaphore, #tpu.memory_space<semaphore_mem>>) src(%arg12 : memref<196x32xf32, #tpu.memory_space<vmem>>) dst(%dma_wait3A_148 : memref<196x32xf32, #tpu.memory_space<vmem_shared>>)
      tpu.yield
    }) : () -> ()
    %barrier3A = arith.constant 0 : index
    tpu.barrier barrier_id(%barrier3A)
    %scan3A = arith.constant 0 : i32
    %scan3A_72 = arith.constant 0 : i32
    %scan3A_73 = arith.constant 14 : i32
    %scan3A_74 = arith.addi %scan3A_72, %scan3A_73 : i32
    %scan3A_75 = arith.constant 1 : i32
    scf.for %scan3A_142 = %scan3A_72 to %scan3A_74 step %scan3A_75  : i32 {
      %rem3A = arith.constant 2 : i32
      %rem3A_143 = arith.remsi %scan3A_142, %rem3A : i32
      %mul3A_144 = arith.constant 14 : i32
      %mul3A_145 = arith.muli %scan3A_142, %mul3A_144 : i32
      %add3A_146 = arith.addi %add3A, %mul3A_145 : i32
      %dma_wait3A = arith.constant 0 : i32
      %dma_wait3A_147 = arith.constant 0 : i32
      %dma_wait3A_148 = arith.constant 0 : i32
      %dma_wait3A_149 = tpu.memref_slice %arg6[%rem3A_143, %dma_wait3A_147, %dma_wait3A_148] : memref<2x14x128xi32, #tpu.memory_space<vmem>> -> memref<1x14x128xi32, #tpu.memory_space<vmem>>
      %dma_wait3A_150 = tpu.memref_squeeze %dma_wait3A_149 : memref<1x14x128xi32, #tpu.memory_space<vmem>> -> memref<14x128xi32, #tpu.memory_space<vmem>>
      %dma_wait3A_151 = arith.constant 0 : i32
      %dma_wait3A_152 = tpu.memref_slice %arg2[%dma_wait3A, %add3A_146, %dma_wait3A_151] : memref<2x6272x128xi32, #tpu.memory_space<hbm>> -> memref<1x14x128xi32, #tpu.memory_space<hbm>>
      %dma_wait3A_153 = tpu.memref_squeeze %dma_wait3A_152 : memref<1x14x128xi32, #tpu.memory_space<hbm>> -> memref<14x128xi32, #tpu.memory_space<hbm>>
      %dma_wait3A_154 = arith.constant 0 : i32
      %dma_wait3A_155 = arith.constant 0 : i32
      %dma_wait3A_156 = tpu.memref_slice %arg6[%rem3A_143, %dma_wait3A_154, %dma_wait3A_155] : memref<2x14x128xi32, #tpu.memory_space<vmem>> -> memref<1x14x128xi32, #tpu.memory_space<vmem>>
      %dma_wait3A_157 = tpu.memref_squeeze %dma_wait3A_156 : memref<1x14x128xi32, #tpu.memory_space<vmem>> -> memref<14x128xi32, #tpu.memory_space<vmem>>
      %dma_wait3A_158 = arith.constant 0 : i32
      %dma_wait3A_159 = tpu.memref_slice %arg2[%dma_wait3A, %add3A_146, %dma_wait3A_158] : memref<2x6272x128xi32, #tpu.memory_space<hbm>> -> memref<1x14x128xi32, #tpu.memory_space<hbm>>
      %dma_wait3A_160 = tpu.memref_squeeze %dma_wait3A_159 : memref<1x14x128xi32, #tpu.memory_space<hbm>> -> memref<14x128xi32, #tpu.memory_space<hbm>>
      tpu.wait_dma2 semaphore(%arg14 : memref<!tpu.dma_semaphore, #tpu.memory_space<semaphore_mem>>) src(%dma_wait3A_160 : memref<14x128xi32, #tpu.memory_space<hbm>>) dst(%dma_wait3A_157 : memref<14x128xi32, #tpu.memory_space<vmem>>)
      %mul3A_161 = arith.constant 14 : i32
      %mul3A_162 = arith.muli %scan3A_142, %mul3A_161 : i32
      %add3A_163 = arith.addi %add3A, %mul3A_162 : i32
      %dma_wait3A_164 = arith.constant 1 : i32
      %dma_wait3A_165 = arith.constant 0 : i32
      %dma_wait3A_166 = arith.constant 0 : i32
      %dma_wait3A_167 = tpu.memref_slice %arg7[%rem3A_143, %dma_wait3A_165, %dma_wait3A_166] : memref<2x14x128xi32, #tpu.memory_space<vmem>> -> memref<1x14x128xi32, #tpu.memory_space<vmem>>
      %dma_wait3A_168 = tpu.memref_squeeze %dma_wait3A_167 : memref<1x14x128xi32, #tpu.memory_space<vmem>> -> memref<14x128xi32, #tpu.memory_space<vmem>>
      %dma_wait3A_169 = arith.constant 0 : i32
      %dma_wait3A_170 = tpu.memref_slice %arg2[%dma_wait3A_164, %add3A_163, %dma_wait3A_169] : memref<2x6272x128xi32, #tpu.memory_space<hbm>> -> memref<1x14x128xi32, #tpu.memory_space<hbm>>
      %dma_wait3A_171 = tpu.memref_squeeze %dma_wait3A_170 : memref<1x14x128xi32, #tpu.memory_space<hbm>> -> memref<14x128xi32, #tpu.memory_space<hbm>>
      %dma_wait3A_172 = arith.constant 0 : i32
      %dma_wait3A_173 = arith.constant 0 : i32
      %dma_wait3A_174 = tpu.memref_slice %arg7[%rem3A_143, %dma_wait3A_172, %dma_wait3A_173] : memref<2x14x128xi32, #tpu.memory_space<vmem>> -> memref<1x14x128xi32, #tpu.memory_space<vmem>>
      %dma_wait3A_175 = tpu.memref_squeeze %dma_wait3A_174 : memref<1x14x128xi32, #tpu.memory_space<vmem>> -> memref<14x128xi32, #tpu.memory_space<vmem>>
      %dma_wait3A_176 = arith.constant 0 : i32
      %dma_wait3A_177 = tpu.memref_slice %arg2[%dma_wait3A_164, %add3A_163, %dma_wait3A_176] : memref<2x6272x128xi32, #tpu.memory_space<hbm>> -> memref<1x14x128xi32, #tpu.memory_space<hbm>>
      %dma_wait3A_178 = tpu.memref_squeeze %dma_wait3A_177 : memref<1x14x128xi32, #tpu.memory_space<hbm>> -> memref<14x128xi32, #tpu.memory_space<hbm>>
      tpu.wait_dma2 semaphore(%arg14 : memref<!tpu.dma_semaphore, #tpu.memory_space<semaphore_mem>>) src(%dma_wait3A_178 : memref<14x128xi32, #tpu.memory_space<hbm>>) dst(%dma_wait3A_175 : memref<14x128xi32, #tpu.memory_space<vmem>>)
      %add3A_179 = arith.constant 1 : i32
      %add3A_180 = arith.addi %scan3A_142, %add3A_179 : i32
      %lt3A = arith.constant 14 : i32
      %lt3A_181 = arith.cmpi slt, %add3A_180, %lt3A : i32
      %convert_element_type3A = arith.extui %lt3A_181 : i1 to i32
      %cond3A = arith.constant 0 : i32
      %cond3A_182 = arith.cmpi ne, %convert_element_type3A, %cond3A : i32
      scf.if %cond3A_182 {
        %add3A_575 = arith.constant 1 : i32
        %add3A_576 = arith.addi %scan3A_142, %add3A_575 : i32
        %sub3A = arith.constant 1 : i32
        %sub3A_577 = arith.subi %sub3A, %rem3A_143 : i32
        %mul3A_578 = arith.constant 14 : i32
        %mul3A_579 = arith.muli %add3A_576, %mul3A_578 : i32
        %add3A_580 = arith.addi %add3A, %mul3A_579 : i32
        %dma_start3A_581 = arith.constant 0 : i32
        %dma_start3A_582 = arith.constant 0 : i32
        %dma_start3A_583 = arith.constant 0 : i32
        %dma_start3A_584 = tpu.memref_slice %arg6[%sub3A_577, %dma_start3A_582, %dma_start3A_583] : memref<2x14x128xi32, #tpu.memory_space<vmem>> -> memref<1x14x128xi32, #tpu.memory_space<vmem>>
        %dma_start3A_585 = tpu.memref_squeeze %dma_start3A_584 : memref<1x14x128xi32, #tpu.memory_space<vmem>> -> memref<14x128xi32, #tpu.memory_space<vmem>>
        %dma_start3A_586 = arith.constant 0 : i32
        %dma_start3A_587 = tpu.memref_slice %arg2[%dma_start3A_581, %add3A_580, %dma_start3A_586] : memref<2x6272x128xi32, #tpu.memory_space<hbm>> -> memref<1x14x128xi32, #tpu.memory_space<hbm>>
        %dma_start3A_588 = tpu.memref_squeeze %dma_start3A_587 : memref<1x14x128xi32, #tpu.memory_space<hbm>> -> memref<14x128xi32, #tpu.memory_space<hbm>>
        %dma_start3A_589 = arith.constant 0 : i32
        %dma_start3A_590 = arith.constant 0 : i32
        %dma_start3A_591 = tpu.memref_slice %arg6[%sub3A_577, %dma_start3A_589, %dma_start3A_590] : memref<2x14x128xi32, #tpu.memory_space<vmem>> -> memref<1x14x128xi32, #tpu.memory_space<vmem>>
        %dma_start3A_592 = tpu.memref_squeeze %dma_start3A_591 : memref<1x14x128xi32, #tpu.memory_space<vmem>> -> memref<14x128xi32, #tpu.memory_space<vmem>>
        %dma_start3A_593 = arith.constant 0 : i32
        %dma_start3A_594 = tpu.memref_slice %arg2[%dma_start3A_581, %add3A_580, %dma_start3A_593] : memref<2x6272x128xi32, #tpu.memory_space<hbm>> -> memref<1x14x128xi32, #tpu.memory_space<hbm>>
        %dma_start3A_595 = tpu.memref_squeeze %dma_start3A_594 : memref<1x14x128xi32, #tpu.memory_space<hbm>> -> memref<14x128xi32, #tpu.memory_space<hbm>>
        tpu.enqueue_dma source(%dma_start3A_595 : memref<14x128xi32, #tpu.memory_space<hbm>>) target(%dma_start3A_592 : memref<14x128xi32, #tpu.memory_space<vmem>>) target_semaphore(%arg14 : memref<!tpu.dma_semaphore, #tpu.memory_space<semaphore_mem>>)
        %mul3A_596 = arith.constant 14 : i32
        %mul3A_597 = arith.muli %add3A_576, %mul3A_596 : i32
        %add3A_598 = arith.addi %add3A, %mul3A_597 : i32
        %dma_start3A_599 = arith.constant 1 : i32
        %dma_start3A_600 = arith.constant 0 : i32
        %dma_start3A_601 = arith.constant 0 : i32
        %dma_start3A_602 = tpu.memref_slice %arg7[%sub3A_577, %dma_start3A_600, %dma_start3A_601] : memref<2x14x128xi32, #tpu.memory_space<vmem>> -> memref<1x14x128xi32, #tpu.memory_space<vmem>>
        %dma_start3A_603 = tpu.memref_squeeze %dma_start3A_602 : memref<1x14x128xi32, #tpu.memory_space<vmem>> -> memref<14x128xi32, #tpu.memory_space<vmem>>
        %dma_start3A_604 = arith.constant 0 : i32
        %dma_start3A_605 = tpu.memref_slice %arg2[%dma_start3A_599, %add3A_598, %dma_start3A_604] : memref<2x6272x128xi32, #tpu.memory_space<hbm>> -> memref<1x14x128xi32, #tpu.memory_space<hbm>>
        %dma_start3A_606 = tpu.memref_squeeze %dma_start3A_605 : memref<1x14x128xi32, #tpu.memory_space<hbm>> -> memref<14x128xi32, #tpu.memory_space<hbm>>
        %dma_start3A_607 = arith.constant 0 : i32
        %dma_start3A_608 = arith.constant 0 : i32
        %dma_start3A_609 = tpu.memref_slice %arg7[%sub3A_577, %dma_start3A_607, %dma_start3A_608] : memref<2x14x128xi32, #tpu.memory_space<vmem>> -> memref<1x14x128xi32, #tpu.memory_space<vmem>>
        %dma_start3A_610 = tpu.memref_squeeze %dma_start3A_609 : memref<1x14x128xi32, #tpu.memory_space<vmem>> -> memref<14x128xi32, #tpu.memory_space<vmem>>
        %dma_start3A_611 = arith.constant 0 : i32
        %dma_start3A_612 = tpu.memref_slice %arg2[%dma_start3A_599, %add3A_598, %dma_start3A_611] : memref<2x6272x128xi32, #tpu.memory_space<hbm>> -> memref<1x14x128xi32, #tpu.memory_space<hbm>>
        %dma_start3A_613 = tpu.memref_squeeze %dma_start3A_612 : memref<1x14x128xi32, #tpu.memory_space<hbm>> -> memref<14x128xi32, #tpu.memory_space<hbm>>
        tpu.enqueue_dma source(%dma_start3A_613 : memref<14x128xi32, #tpu.memory_space<hbm>>) target(%dma_start3A_610 : memref<14x128xi32, #tpu.memory_space<vmem>>) target_semaphore(%arg14 : memref<!tpu.dma_semaphore, #tpu.memory_space<semaphore_mem>>)
      } else {
      }
      %dma_start3A_183 = arith.constant 0 : i32
      %dma_start3A_184 = arith.constant 0 : i32
      %dma_start3A_185 = tpu.memref_slice %arg6[%rem3A_143, %dma_start3A_183, %dma_start3A_184] : memref<2x14x128xi32, #tpu.memory_space<vmem>> -> memref<1x1x128xi32, #tpu.memory_space<vmem>>
      %dma_start3A_186 = tpu.memref_squeeze %dma_start3A_185 : memref<1x1x128xi32, #tpu.memory_space<vmem>> -> memref<128xi32, #tpu.memory_space<vmem>>
      %dma_start3A_187 = arith.constant 0 : i32
      %dma_start3A_188 = arith.constant 0 : i32
      %dma_start3A_189 = tpu.memref_slice %arg3[%dma_start3A_187, %dma_start3A_188] : memref<50176x32xf32, #tpu.memory_space<hbm>> -> memref<50176x32xf32, #tpu.memory_space<hbm>>
      tpu.enqueue_indirect_dma source(%dma_start3A_189 : memref<50176x32xf32, #tpu.memory_space<hbm>>) target(%arg8 : memref<128x32xf32, #tpu.memory_space<vmem>>) offsets(%dma_start3A_186 : memref<128xi32, #tpu.memory_space<vmem>>) semaphore(%arg15 : memref<!tpu.dma_semaphore, #tpu.memory_space<semaphore_mem>>)
      %dma_start3A_190 = arith.constant 1 : i32
      %dma_start3A_191 = arith.constant 0 : i32
      %dma_start3A_192 = tpu.memref_slice %arg6[%rem3A_143, %dma_start3A_190, %dma_start3A_191] : memref<2x14x128xi32, #tpu.memory_space<vmem>> -> memref<1x1x128xi32, #tpu.memory_space<vmem>>
      %dma_start3A_193 = tpu.memref_squeeze %dma_start3A_192 : memref<1x1x128xi32, #tpu.memory_space<vmem>> -> memref<128xi32, #tpu.memory_space<vmem>>
      %dma_start3A_194 = arith.constant 0 : i32
      %dma_start3A_195 = arith.constant 0 : i32
      %dma_start3A_196 = tpu.memref_slice %arg3[%dma_start3A_194, %dma_start3A_195] : memref<50176x32xf32, #tpu.memory_space<hbm>> -> memref<50176x32xf32, #tpu.memory_space<hbm>>
      tpu.enqueue_indirect_dma source(%dma_start3A_196 : memref<50176x32xf32, #tpu.memory_space<hbm>>) target(%arg9 : memref<128x32xf32, #tpu.memory_space<vmem>>) offsets(%dma_start3A_193 : memref<128xi32, #tpu.memory_space<vmem>>) semaphore(%arg16 : memref<!tpu.dma_semaphore, #tpu.memory_space<semaphore_mem>>)
      %dma_wait3A_197 = arith.constant 0 : i32
      %dma_wait3A_198 = arith.constant 0 : i32
      %dma_wait3A_199 = tpu.memref_slice %arg6[%rem3A_143, %dma_wait3A_197, %dma_wait3A_198] : memref<2x14x128xi32, #tpu.memory_space<vmem>> -> memref<1x1x128xi32, #tpu.memory_space<vmem>>
      %dma_wait3A_200 = tpu.memref_squeeze %dma_wait3A_199 : memref<1x1x128xi32, #tpu.memory_space<vmem>> -> memref<128xi32, #tpu.memory_space<vmem>>
      %dma_wait3A_201 = arith.constant 0 : i32
      %dma_wait3A_202 = arith.constant 0 : i32
      %dma_wait3A_203 = tpu.memref_slice %arg3[%dma_wait3A_201, %dma_wait3A_202] : memref<50176x32xf32, #tpu.memory_space<hbm>> -> memref<50176x32xf32, #tpu.memory_space<hbm>>
      tpu.wait_indirect_dma semaphore(%arg15 : memref<!tpu.dma_semaphore, #tpu.memory_space<semaphore_mem>>) src(%dma_wait3A_203 : memref<50176x32xf32, #tpu.memory_space<hbm>>) dst(%arg8 : memref<128x32xf32, #tpu.memory_space<vmem>>)
      %dma_start3A_204 = arith.constant 0 : i32
      %dma_start3A_205 = arith.constant 0 : i32
      %dma_start3A_206 = tpu.memref_slice %arg7[%rem3A_143, %dma_start3A_204, %dma_start3A_205] : memref<2x14x128xi32, #tpu.memory_space<vmem>> -> memref<1x1x128xi32, #tpu.memory_space<vmem>>
      %dma_start3A_207 = tpu.memref_squeeze %dma_start3A_206 : memref<1x1x128xi32, #tpu.memory_space<vmem>> -> memref<128xi32, #tpu.memory_space<vmem>>
      %dma_start3A_208 = arith.constant 0 : i32
      %dma_start3A_209 = arith.constant 0 : i32
      %dma_start3A_210 = tpu.memref_slice %arg13[%dma_start3A_208, %dma_start3A_209] : memref<50176x32xf32, #tpu.memory_space<vmem_shared>> -> memref<50176x32xf32, #tpu.memory_space<vmem_shared>>
      tpu.enqueue_indirect_dma source(%arg8 : memref<128x32xf32, #tpu.memory_space<vmem>>) target(%dma_start3A_210 : memref<50176x32xf32, #tpu.memory_space<vmem_shared>>) offsets(%dma_start3A_207 : memref<128xi32, #tpu.memory_space<vmem>>) semaphore(%arg19 : memref<!tpu.dma_semaphore, #tpu.memory_space<semaphore_mem>>) {add = true}
      %dma_start3A_211 = arith.constant 2 : i32
      %dma_start3A_212 = arith.constant 0 : i32
      %dma_start3A_213 = tpu.memref_slice %arg6[%rem3A_143, %dma_start3A_211, %dma_start3A_212] : memref<2x14x128xi32, #tpu.memory_space<vmem>> -> memref<1x1x128xi32, #tpu.memory_space<vmem>>
      %dma_start3A_214 = tpu.memref_squeeze %dma_start3A_213 : memref<1x1x128xi32, #tpu.memory_space<vmem>> -> memref<128xi32, #tpu.memory_space<vmem>>
      %dma_start3A_215 = arith.constant 0 : i32
      %dma_start3A_216 = arith.constant 0 : i32
      %dma_start3A_217 = tpu.memref_slice %arg3[%dma_start3A_215, %dma_start3A_216] : memref<50176x32xf32, #tpu.memory_space<hbm>> -> memref<50176x32xf32, #tpu.memory_space<hbm>>
      tpu.enqueue_indirect_dma source(%dma_start3A_217 : memref<50176x32xf32, #tpu.memory_space<hbm>>) target(%arg10 : memref<128x32xf32, #tpu.memory_space<vmem>>) offsets(%dma_start3A_214 : memref<128xi32, #tpu.memory_space<vmem>>) semaphore(%arg17 : memref<!tpu.dma_semaphore, #tpu.memory_space<semaphore_mem>>)
      %dma_wait3A_218 = arith.constant 1 : i32
      %dma_wait3A_219 = arith.constant 0 : i32
      %dma_wait3A_220 = tpu.memref_slice %arg6[%rem3A_143, %dma_wait3A_218, %dma_wait3A_219] : memref<2x14x128xi32, #tpu.memory_space<vmem>> -> memref<1x1x128xi32, #tpu.memory_space<vmem>>
      %dma_wait3A_221 = tpu.memref_squeeze %dma_wait3A_220 : memref<1x1x128xi32, #tpu.memory_space<vmem>> -> memref<128xi32, #tpu.memory_space<vmem>>
      %dma_wait3A_222 = arith.constant 0 : i32
      %dma_wait3A_223 = arith.constant 0 : i32
      %dma_wait3A_224 = tpu.memref_slice %arg3[%dma_wait3A_222, %dma_wait3A_223] : memref<50176x32xf32, #tpu.memory_space<hbm>> -> memref<50176x32xf32, #tpu.memory_space<hbm>>
      tpu.wait_indirect_dma semaphore(%arg16 : memref<!tpu.dma_semaphore, #tpu.memory_space<semaphore_mem>>) src(%dma_wait3A_224 : memref<50176x32xf32, #tpu.memory_space<hbm>>) dst(%arg9 : memref<128x32xf32, #tpu.memory_space<vmem>>)
      %dma_start3A_225 = arith.constant 1 : i32
      %dma_start3A_226 = arith.constant 0 : i32
      %dma_start3A_227 = tpu.memref_slice %arg7[%rem3A_143, %dma_start3A_225, %dma_start3A_226] : memref<2x14x128xi32, #tpu.memory_space<vmem>> -> memref<1x1x128xi32, #tpu.memory_space<vmem>>
      %dma_start3A_228 = tpu.memref_squeeze %dma_start3A_227 : memref<1x1x128xi32, #tpu.memory_space<vmem>> -> memref<128xi32, #tpu.memory_space<vmem>>
      %dma_start3A_229 = arith.constant 0 : i32
      %dma_start3A_230 = arith.constant 0 : i32
      %dma_start3A_231 = tpu.memref_slice %arg13[%dma_start3A_229, %dma_start3A_230] : memref<50176x32xf32, #tpu.memory_space<vmem_shared>> -> memref<50176x32xf32, #tpu.memory_space<vmem_shared>>
      tpu.enqueue_indirect_dma source(%arg9 : memref<128x32xf32, #tpu.memory_space<vmem>>) target(%dma_start3A_231 : memref<50176x32xf32, #tpu.memory_space<vmem_shared>>) offsets(%dma_start3A_228 : memref<128xi32, #tpu.memory_space<vmem>>) semaphore(%arg20 : memref<!tpu.dma_semaphore, #tpu.memory_space<semaphore_mem>>) {add = true}
      %dma_start3A_232 = arith.constant 3 : i32
      %dma_start3A_233 = arith.constant 0 : i32
      %dma_start3A_234 = tpu.memref_slice %arg6[%rem3A_143, %dma_start3A_232, %dma_start3A_233] : memref<2x14x128xi32, #tpu.memory_space<vmem>> -> memref<1x1x128xi32, #tpu.memory_space<vmem>>
      %dma_start3A_235 = tpu.memref_squeeze %dma_start3A_234 : memref<1x1x128xi32, #tpu.memory_space<vmem>> -> memref<128xi32, #tpu.memory_space<vmem>>
      %dma_start3A_236 = arith.constant 0 : i32
      %dma_start3A_237 = arith.constant 0 : i32
      %dma_start3A_238 = tpu.memref_slice %arg3[%dma_start3A_236, %dma_start3A_237] : memref<50176x32xf32, #tpu.memory_space<hbm>> -> memref<50176x32xf32, #tpu.memory_space<hbm>>
      tpu.enqueue_indirect_dma source(%dma_start3A_238 : memref<50176x32xf32, #tpu.memory_space<hbm>>) target(%arg11 : memref<128x32xf32, #tpu.memory_space<vmem>>) offsets(%dma_start3A_235 : memref<128xi32, #tpu.memory_space<vmem>>) semaphore(%arg18 : memref<!tpu.dma_semaphore, #tpu.memory_space<semaphore_mem>>)
      %dma_wait3A_239 = arith.constant 2 : i32
      %dma_wait3A_240 = arith.constant 0 : i32
      %dma_wait3A_241 = tpu.memref_slice %arg6[%rem3A_143, %dma_wait3A_239, %dma_wait3A_240] : memref<2x14x128xi32, #tpu.memory_space<vmem>> -> memref<1x1x128xi32, #tpu.memory_space<vmem>>
      %dma_wait3A_242 = tpu.memref_squeeze %dma_wait3A_241 : memref<1x1x128xi32, #tpu.memory_space<vmem>> -> memref<128xi32, #tpu.memory_space<vmem>>
      %dma_wait3A_243 = arith.constant 0 : i32
      %dma_wait3A_244 = arith.constant 0 : i32
      %dma_wait3A_245 = tpu.memref_slice %arg3[%dma_wait3A_243, %dma_wait3A_244] : memref<50176x32xf32, #tpu.memory_space<hbm>> -> memref<50176x32xf32, #tpu.memory_space<hbm>>
      tpu.wait_indirect_dma semaphore(%arg17 : memref<!tpu.dma_semaphore, #tpu.memory_space<semaphore_mem>>) src(%dma_wait3A_245 : memref<50176x32xf32, #tpu.memory_space<hbm>>) dst(%arg10 : memref<128x32xf32, #tpu.memory_space<vmem>>)
      %dma_start3A_246 = arith.constant 2 : i32
      %dma_start3A_247 = arith.constant 0 : i32
      %dma_start3A_248 = tpu.memref_slice %arg7[%rem3A_143, %dma_start3A_246, %dma_start3A_247] : memref<2x14x128xi32, #tpu.memory_space<vmem>> -> memref<1x1x128xi32, #tpu.memory_space<vmem>>
      %dma_start3A_249 = tpu.memref_squeeze %dma_start3A_248 : memref<1x1x128xi32, #tpu.memory_space<vmem>> -> memref<128xi32, #tpu.memory_space<vmem>>
      %dma_start3A_250 = arith.constant 0 : i32
      %dma_start3A_251 = arith.constant 0 : i32
      %dma_start3A_252 = tpu.memref_slice %arg13[%dma_start3A_250, %dma_start3A_251] : memref<50176x32xf32, #tpu.memory_space<vmem_shared>> -> memref<50176x32xf32, #tpu.memory_space<vmem_shared>>
      tpu.enqueue_indirect_dma source(%arg10 : memref<128x32xf32, #tpu.memory_space<vmem>>) target(%dma_start3A_252 : memref<50176x32xf32, #tpu.memory_space<vmem_shared>>) offsets(%dma_start3A_249 : memref<128xi32, #tpu.memory_space<vmem>>) semaphore(%arg21 : memref<!tpu.dma_semaphore, #tpu.memory_space<semaphore_mem>>) {add = true}
      %dma_wait3A_253 = arith.constant 0 : i32
      %dma_wait3A_254 = arith.constant 0 : i32
      %dma_wait3A_255 = tpu.memref_slice %arg7[%rem3A_143, %dma_wait3A_253, %dma_wait3A_254] : memref<2x14x128xi32, #tpu.memory_space<vmem>> -> memref<1x1x128xi32, #tpu.memory_space<vmem>>
      %dma_wait3A_256 = tpu.memref_squeeze %dma_wait3A_255 : memref<1x1x128xi32, #tpu.memory_space<vmem>> -> memref<128xi32, #tpu.memory_space<vmem>>
      %dma_wait3A_257 = arith.constant 0 : i32
      %dma_wait3A_258 = arith.constant 0 : i32
      %dma_wait3A_259 = tpu.memref_slice %arg13[%dma_wait3A_257, %dma_wait3A_258] : memref<50176x32xf32, #tpu.memory_space<vmem_shared>> -> memref<50176x32xf32, #tpu.memory_space<vmem_shared>>
      tpu.wait_indirect_dma semaphore(%arg19 : memref<!tpu.dma_semaphore, #tpu.memory_space<semaphore_mem>>) src(%arg8 : memref<128x32xf32, #tpu.memory_space<vmem>>) dst(%dma_wait3A_259 : memref<50176x32xf32, #tpu.memory_space<vmem_shared>>)
      %dma_start3A_260 = arith.constant 4 : i32
      %dma_start3A_261 = arith.constant 0 : i32
      %dma_start3A_262 = tpu.memref_slice %arg6[%rem3A_143, %dma_start3A_260, %dma_start3A_261] : memref<2x14x128xi32, #tpu.memory_space<vmem>> -> memref<1x1x128xi32, #tpu.memory_space<vmem>>
      %dma_start3A_263 = tpu.memref_squeeze %dma_start3A_262 : memref<1x1x128xi32, #tpu.memory_space<vmem>> -> memref<128xi32, #tpu.memory_space<vmem>>
      %dma_start3A_264 = arith.constant 0 : i32
      %dma_start3A_265 = arith.constant 0 : i32
      %dma_start3A_266 = tpu.memref_slice %arg3[%dma_start3A_264, %dma_start3A_265] : memref<50176x32xf32, #tpu.memory_space<hbm>> -> memref<50176x32xf32, #tpu.memory_space<hbm>>
      tpu.enqueue_indirect_dma source(%dma_start3A_266 : memref<50176x32xf32, #tpu.memory_space<hbm>>) target(%arg8 : memref<128x32xf32, #tpu.memory_space<vmem>>) offsets(%dma_start3A_263 : memref<128xi32, #tpu.memory_space<vmem>>) semaphore(%arg15 : memref<!tpu.dma_semaphore, #tpu.memory_space<semaphore_mem>>)
      %dma_wait3A_267 = arith.constant 3 : i32
      %dma_wait3A_268 = arith.constant 0 : i32
      %dma_wait3A_269 = tpu.memref_slice %arg6[%rem3A_143, %dma_wait3A_267, %dma_wait3A_268] : memref<2x14x128xi32, #tpu.memory_space<vmem>> -> memref<1x1x128xi32, #tpu.memory_space<vmem>>
      %dma_wait3A_270 = tpu.memref_squeeze %dma_wait3A_269 : memref<1x1x128xi32, #tpu.memory_space<vmem>> -> memref<128xi32, #tpu.memory_space<vmem>>
      %dma_wait3A_271 = arith.constant 0 : i32
      %dma_wait3A_272 = arith.constant 0 : i32
      %dma_wait3A_273 = tpu.memref_slice %arg3[%dma_wait3A_271, %dma_wait3A_272] : memref<50176x32xf32, #tpu.memory_space<hbm>> -> memref<50176x32xf32, #tpu.memory_space<hbm>>
      tpu.wait_indirect_dma semaphore(%arg18 : memref<!tpu.dma_semaphore, #tpu.memory_space<semaphore_mem>>) src(%dma_wait3A_273 : memref<50176x32xf32, #tpu.memory_space<hbm>>) dst(%arg11 : memref<128x32xf32, #tpu.memory_space<vmem>>)
      %dma_start3A_274 = arith.constant 3 : i32
      %dma_start3A_275 = arith.constant 0 : i32
      %dma_start3A_276 = tpu.memref_slice %arg7[%rem3A_143, %dma_start3A_274, %dma_start3A_275] : memref<2x14x128xi32, #tpu.memory_space<vmem>> -> memref<1x1x128xi32, #tpu.memory_space<vmem>>
      %dma_start3A_277 = tpu.memref_squeeze %dma_start3A_276 : memref<1x1x128xi32, #tpu.memory_space<vmem>> -> memref<128xi32, #tpu.memory_space<vmem>>
      %dma_start3A_278 = arith.constant 0 : i32
      %dma_start3A_279 = arith.constant 0 : i32
      %dma_start3A_280 = tpu.memref_slice %arg13[%dma_start3A_278, %dma_start3A_279] : memref<50176x32xf32, #tpu.memory_space<vmem_shared>> -> memref<50176x32xf32, #tpu.memory_space<vmem_shared>>
      tpu.enqueue_indirect_dma source(%arg11 : memref<128x32xf32, #tpu.memory_space<vmem>>) target(%dma_start3A_280 : memref<50176x32xf32, #tpu.memory_space<vmem_shared>>) offsets(%dma_start3A_277 : memref<128xi32, #tpu.memory_space<vmem>>) semaphore(%arg22 : memref<!tpu.dma_semaphore, #tpu.memory_space<semaphore_mem>>) {add = true}
      %dma_wait3A_281 = arith.constant 1 : i32
      %dma_wait3A_282 = arith.constant 0 : i32
      %dma_wait3A_283 = tpu.memref_slice %arg7[%rem3A_143, %dma_wait3A_281, %dma_wait3A_282] : memref<2x14x128xi32, #tpu.memory_space<vmem>> -> memref<1x1x128xi32, #tpu.memory_space<vmem>>
      %dma_wait3A_284 = tpu.memref_squeeze %dma_wait3A_283 : memref<1x1x128xi32, #tpu.memory_space<vmem>> -> memref<128xi32, #tpu.memory_space<vmem>>
      %dma_wait3A_285 = arith.constant 0 : i32
      %dma_wait3A_286 = arith.constant 0 : i32
      %dma_wait3A_287 = tpu.memref_slice %arg13[%dma_wait3A_285, %dma_wait3A_286] : memref<50176x32xf32, #tpu.memory_space<vmem_shared>> -> memref<50176x32xf32, #tpu.memory_space<vmem_shared>>
      tpu.wait_indirect_dma semaphore(%arg20 : memref<!tpu.dma_semaphore, #tpu.memory_space<semaphore_mem>>) src(%arg9 : memref<128x32xf32, #tpu.memory_space<vmem>>) dst(%dma_wait3A_287 : memref<50176x32xf32, #tpu.memory_space<vmem_shared>>)
      %dma_start3A_288 = arith.constant 5 : i32
      %dma_start3A_289 = arith.constant 0 : i32
      %dma_start3A_290 = tpu.memref_slice %arg6[%rem3A_143, %dma_start3A_288, %dma_start3A_289] : memref<2x14x128xi32, #tpu.memory_space<vmem>> -> memref<1x1x128xi32, #tpu.memory_space<vmem>>
      %dma_start3A_291 = tpu.memref_squeeze %dma_start3A_290 : memref<1x1x128xi32, #tpu.memory_space<vmem>> -> memref<128xi32, #tpu.memory_space<vmem>>
      %dma_start3A_292 = arith.constant 0 : i32
      %dma_start3A_293 = arith.constant 0 : i32
      %dma_start3A_294 = tpu.memref_slice %arg3[%dma_start3A_292, %dma_start3A_293] : memref<50176x32xf32, #tpu.memory_space<hbm>> -> memref<50176x32xf32, #tpu.memory_space<hbm>>
      tpu.enqueue_indirect_dma source(%dma_start3A_294 : memref<50176x32xf32, #tpu.memory_space<hbm>>) target(%arg9 : memref<128x32xf32, #tpu.memory_space<vmem>>) offsets(%dma_start3A_291 : memref<128xi32, #tpu.memory_space<vmem>>) semaphore(%arg16 : memref<!tpu.dma_semaphore, #tpu.memory_space<semaphore_mem>>)
      %dma_wait3A_295 = arith.constant 4 : i32
      %dma_wait3A_296 = arith.constant 0 : i32
      %dma_wait3A_297 = tpu.memref_slice %arg6[%rem3A_143, %dma_wait3A_295, %dma_wait3A_296] : memref<2x14x128xi32, #tpu.memory_space<vmem>> -> memref<1x1x128xi32, #tpu.memory_space<vmem>>
      %dma_wait3A_298 = tpu.memref_squeeze %dma_wait3A_297 : memref<1x1x128xi32, #tpu.memory_space<vmem>> -> memref<128xi32, #tpu.memory_space<vmem>>
      %dma_wait3A_299 = arith.constant 0 : i32
      %dma_wait3A_300 = arith.constant 0 : i32
      %dma_wait3A_301 = tpu.memref_slice %arg3[%dma_wait3A_299, %dma_wait3A_300] : memref<50176x32xf32, #tpu.memory_space<hbm>> -> memref<50176x32xf32, #tpu.memory_space<hbm>>
      tpu.wait_indirect_dma semaphore(%arg15 : memref<!tpu.dma_semaphore, #tpu.memory_space<semaphore_mem>>) src(%dma_wait3A_301 : memref<50176x32xf32, #tpu.memory_space<hbm>>) dst(%arg8 : memref<128x32xf32, #tpu.memory_space<vmem>>)
      %dma_start3A_302 = arith.constant 4 : i32
      %dma_start3A_303 = arith.constant 0 : i32
      %dma_start3A_304 = tpu.memref_slice %arg7[%rem3A_143, %dma_start3A_302, %dma_start3A_303] : memref<2x14x128xi32, #tpu.memory_space<vmem>> -> memref<1x1x128xi32, #tpu.memory_space<vmem>>
      %dma_start3A_305 = tpu.memref_squeeze %dma_start3A_304 : memref<1x1x128xi32, #tpu.memory_space<vmem>> -> memref<128xi32, #tpu.memory_space<vmem>>
      %dma_start3A_306 = arith.constant 0 : i32
      %dma_start3A_307 = arith.constant 0 : i32
      %dma_start3A_308 = tpu.memref_slice %arg13[%dma_start3A_306, %dma_start3A_307] : memref<50176x32xf32, #tpu.memory_space<vmem_shared>> -> memref<50176x32xf32, #tpu.memory_space<vmem_shared>>
      tpu.enqueue_indirect_dma source(%arg8 : memref<128x32xf32, #tpu.memory_space<vmem>>) target(%dma_start3A_308 : memref<50176x32xf32, #tpu.memory_space<vmem_shared>>) offsets(%dma_start3A_305 : memref<128xi32, #tpu.memory_space<vmem>>) semaphore(%arg19 : memref<!tpu.dma_semaphore, #tpu.memory_space<semaphore_mem>>) {add = true}
      %dma_wait3A_309 = arith.constant 2 : i32
      %dma_wait3A_310 = arith.constant 0 : i32
      %dma_wait3A_311 = tpu.memref_slice %arg7[%rem3A_143, %dma_wait3A_309, %dma_wait3A_310] : memref<2x14x128xi32, #tpu.memory_space<vmem>> -> memref<1x1x128xi32, #tpu.memory_space<vmem>>
      %dma_wait3A_312 = tpu.memref_squeeze %dma_wait3A_311 : memref<1x1x128xi32, #tpu.memory_space<vmem>> -> memref<128xi32, #tpu.memory_space<vmem>>
      %dma_wait3A_313 = arith.constant 0 : i32
      %dma_wait3A_314 = arith.constant 0 : i32
      %dma_wait3A_315 = tpu.memref_slice %arg13[%dma_wait3A_313, %dma_wait3A_314] : memref<50176x32xf32, #tpu.memory_space<vmem_shared>> -> memref<50176x32xf32, #tpu.memory_space<vmem_shared>>
      tpu.wait_indirect_dma semaphore(%arg21 : memref<!tpu.dma_semaphore, #tpu.memory_space<semaphore_mem>>) src(%arg10 : memref<128x32xf32, #tpu.memory_space<vmem>>) dst(%dma_wait3A_315 : memref<50176x32xf32, #tpu.memory_space<vmem_shared>>)
      %dma_start3A_316 = arith.constant 6 : i32
      %dma_start3A_317 = arith.constant 0 : i32
      %dma_start3A_318 = tpu.memref_slice %arg6[%rem3A_143, %dma_start3A_316, %dma_start3A_317] : memref<2x14x128xi32, #tpu.memory_space<vmem>> -> memref<1x1x128xi32, #tpu.memory_space<vmem>>
      %dma_start3A_319 = tpu.memref_squeeze %dma_start3A_318 : memref<1x1x128xi32, #tpu.memory_space<vmem>> -> memref<128xi32, #tpu.memory_space<vmem>>
      %dma_start3A_320 = arith.constant 0 : i32
      %dma_start3A_321 = arith.constant 0 : i32
      %dma_start3A_322 = tpu.memref_slice %arg3[%dma_start3A_320, %dma_start3A_321] : memref<50176x32xf32, #tpu.memory_space<hbm>> -> memref<50176x32xf32, #tpu.memory_space<hbm>>
      tpu.enqueue_indirect_dma source(%dma_start3A_322 : memref<50176x32xf32, #tpu.memory_space<hbm>>) target(%arg10 : memref<128x32xf32, #tpu.memory_space<vmem>>) offsets(%dma_start3A_319 : memref<128xi32, #tpu.memory_space<vmem>>) semaphore(%arg17 : memref<!tpu.dma_semaphore, #tpu.memory_space<semaphore_mem>>)
      %dma_wait3A_323 = arith.constant 5 : i32
      %dma_wait3A_324 = arith.constant 0 : i32
      %dma_wait3A_325 = tpu.memref_slice %arg6[%rem3A_143, %dma_wait3A_323, %dma_wait3A_324] : memref<2x14x128xi32, #tpu.memory_space<vmem>> -> memref<1x1x128xi32, #tpu.memory_space<vmem>>
      %dma_wait3A_326 = tpu.memref_squeeze %dma_wait3A_325 : memref<1x1x128xi32, #tpu.memory_space<vmem>> -> memref<128xi32, #tpu.memory_space<vmem>>
      %dma_wait3A_327 = arith.constant 0 : i32
      %dma_wait3A_328 = arith.constant 0 : i32
      %dma_wait3A_329 = tpu.memref_slice %arg3[%dma_wait3A_327, %dma_wait3A_328] : memref<50176x32xf32, #tpu.memory_space<hbm>> -> memref<50176x32xf32, #tpu.memory_space<hbm>>
      tpu.wait_indirect_dma semaphore(%arg16 : memref<!tpu.dma_semaphore, #tpu.memory_space<semaphore_mem>>) src(%dma_wait3A_329 : memref<50176x32xf32, #tpu.memory_space<hbm>>) dst(%arg9 : memref<128x32xf32, #tpu.memory_space<vmem>>)
      %dma_start3A_330 = arith.constant 5 : i32
      %dma_start3A_331 = arith.constant 0 : i32
      %dma_start3A_332 = tpu.memref_slice %arg7[%rem3A_143, %dma_start3A_330, %dma_start3A_331] : memref<2x14x128xi32, #tpu.memory_space<vmem>> -> memref<1x1x128xi32, #tpu.memory_space<vmem>>
      %dma_start3A_333 = tpu.memref_squeeze %dma_start3A_332 : memref<1x1x128xi32, #tpu.memory_space<vmem>> -> memref<128xi32, #tpu.memory_space<vmem>>
      %dma_start3A_334 = arith.constant 0 : i32
      %dma_start3A_335 = arith.constant 0 : i32
      %dma_start3A_336 = tpu.memref_slice %arg13[%dma_start3A_334, %dma_start3A_335] : memref<50176x32xf32, #tpu.memory_space<vmem_shared>> -> memref<50176x32xf32, #tpu.memory_space<vmem_shared>>
      tpu.enqueue_indirect_dma source(%arg9 : memref<128x32xf32, #tpu.memory_space<vmem>>) target(%dma_start3A_336 : memref<50176x32xf32, #tpu.memory_space<vmem_shared>>) offsets(%dma_start3A_333 : memref<128xi32, #tpu.memory_space<vmem>>) semaphore(%arg20 : memref<!tpu.dma_semaphore, #tpu.memory_space<semaphore_mem>>) {add = true}
      %dma_wait3A_337 = arith.constant 3 : i32
      %dma_wait3A_338 = arith.constant 0 : i32
      %dma_wait3A_339 = tpu.memref_slice %arg7[%rem3A_143, %dma_wait3A_337, %dma_wait3A_338] : memref<2x14x128xi32, #tpu.memory_space<vmem>> -> memref<1x1x128xi32, #tpu.memory_space<vmem>>
      %dma_wait3A_340 = tpu.memref_squeeze %dma_wait3A_339 : memref<1x1x128xi32, #tpu.memory_space<vmem>> -> memref<128xi32, #tpu.memory_space<vmem>>
      %dma_wait3A_341 = arith.constant 0 : i32
      %dma_wait3A_342 = arith.constant 0 : i32
      %dma_wait3A_343 = tpu.memref_slice %arg13[%dma_wait3A_341, %dma_wait3A_342] : memref<50176x32xf32, #tpu.memory_space<vmem_shared>> -> memref<50176x32xf32, #tpu.memory_space<vmem_shared>>
      tpu.wait_indirect_dma semaphore(%arg22 : memref<!tpu.dma_semaphore, #tpu.memory_space<semaphore_mem>>) src(%arg11 : memref<128x32xf32, #tpu.memory_space<vmem>>) dst(%dma_wait3A_343 : memref<50176x32xf32, #tpu.memory_space<vmem_shared>>)
      %dma_start3A_344 = arith.constant 7 : i32
      %dma_start3A_345 = arith.constant 0 : i32
      %dma_start3A_346 = tpu.memref_slice %arg6[%rem3A_143, %dma_start3A_344, %dma_start3A_345] : memref<2x14x128xi32, #tpu.memory_space<vmem>> -> memref<1x1x128xi32, #tpu.memory_space<vmem>>
      %dma_start3A_347 = tpu.memref_squeeze %dma_start3A_346 : memref<1x1x128xi32, #tpu.memory_space<vmem>> -> memref<128xi32, #tpu.memory_space<vmem>>
      %dma_start3A_348 = arith.constant 0 : i32
      %dma_start3A_349 = arith.constant 0 : i32
      %dma_start3A_350 = tpu.memref_slice %arg3[%dma_start3A_348, %dma_start3A_349] : memref<50176x32xf32, #tpu.memory_space<hbm>> -> memref<50176x32xf32, #tpu.memory_space<hbm>>
      tpu.enqueue_indirect_dma source(%dma_start3A_350 : memref<50176x32xf32, #tpu.memory_space<hbm>>) target(%arg11 : memref<128x32xf32, #tpu.memory_space<vmem>>) offsets(%dma_start3A_347 : memref<128xi32, #tpu.memory_space<vmem>>) semaphore(%arg18 : memref<!tpu.dma_semaphore, #tpu.memory_space<semaphore_mem>>)
      %dma_wait3A_351 = arith.constant 6 : i32
      %dma_wait3A_352 = arith.constant 0 : i32
      %dma_wait3A_353 = tpu.memref_slice %arg6[%rem3A_143, %dma_wait3A_351, %dma_wait3A_352] : memref<2x14x128xi32, #tpu.memory_space<vmem>> -> memref<1x1x128xi32, #tpu.memory_space<vmem>>
      %dma_wait3A_354 = tpu.memref_squeeze %dma_wait3A_353 : memref<1x1x128xi32, #tpu.memory_space<vmem>> -> memref<128xi32, #tpu.memory_space<vmem>>
      %dma_wait3A_355 = arith.constant 0 : i32
      %dma_wait3A_356 = arith.constant 0 : i32
      %dma_wait3A_357 = tpu.memref_slice %arg3[%dma_wait3A_355, %dma_wait3A_356] : memref<50176x32xf32, #tpu.memory_space<hbm>> -> memref<50176x32xf32, #tpu.memory_space<hbm>>
      tpu.wait_indirect_dma semaphore(%arg17 : memref<!tpu.dma_semaphore, #tpu.memory_space<semaphore_mem>>) src(%dma_wait3A_357 : memref<50176x32xf32, #tpu.memory_space<hbm>>) dst(%arg10 : memref<128x32xf32, #tpu.memory_space<vmem>>)
      %dma_start3A_358 = arith.constant 6 : i32
      %dma_start3A_359 = arith.constant 0 : i32
      %dma_start3A_360 = tpu.memref_slice %arg7[%rem3A_143, %dma_start3A_358, %dma_start3A_359] : memref<2x14x128xi32, #tpu.memory_space<vmem>> -> memref<1x1x128xi32, #tpu.memory_space<vmem>>
      %dma_start3A_361 = tpu.memref_squeeze %dma_start3A_360 : memref<1x1x128xi32, #tpu.memory_space<vmem>> -> memref<128xi32, #tpu.memory_space<vmem>>
      %dma_start3A_362 = arith.constant 0 : i32
      %dma_start3A_363 = arith.constant 0 : i32
      %dma_start3A_364 = tpu.memref_slice %arg13[%dma_start3A_362, %dma_start3A_363] : memref<50176x32xf32, #tpu.memory_space<vmem_shared>> -> memref<50176x32xf32, #tpu.memory_space<vmem_shared>>
      tpu.enqueue_indirect_dma source(%arg10 : memref<128x32xf32, #tpu.memory_space<vmem>>) target(%dma_start3A_364 : memref<50176x32xf32, #tpu.memory_space<vmem_shared>>) offsets(%dma_start3A_361 : memref<128xi32, #tpu.memory_space<vmem>>) semaphore(%arg21 : memref<!tpu.dma_semaphore, #tpu.memory_space<semaphore_mem>>) {add = true}
      %dma_wait3A_365 = arith.constant 4 : i32
      %dma_wait3A_366 = arith.constant 0 : i32
      %dma_wait3A_367 = tpu.memref_slice %arg7[%rem3A_143, %dma_wait3A_365, %dma_wait3A_366] : memref<2x14x128xi32, #tpu.memory_space<vmem>> -> memref<1x1x128xi32, #tpu.memory_space<vmem>>
      %dma_wait3A_368 = tpu.memref_squeeze %dma_wait3A_367 : memref<1x1x128xi32, #tpu.memory_space<vmem>> -> memref<128xi32, #tpu.memory_space<vmem>>
      %dma_wait3A_369 = arith.constant 0 : i32
      %dma_wait3A_370 = arith.constant 0 : i32
      %dma_wait3A_371 = tpu.memref_slice %arg13[%dma_wait3A_369, %dma_wait3A_370] : memref<50176x32xf32, #tpu.memory_space<vmem_shared>> -> memref<50176x32xf32, #tpu.memory_space<vmem_shared>>
      tpu.wait_indirect_dma semaphore(%arg19 : memref<!tpu.dma_semaphore, #tpu.memory_space<semaphore_mem>>) src(%arg8 : memref<128x32xf32, #tpu.memory_space<vmem>>) dst(%dma_wait3A_371 : memref<50176x32xf32, #tpu.memory_space<vmem_shared>>)
      %dma_start3A_372 = arith.constant 8 : i32
      %dma_start3A_373 = arith.constant 0 : i32
      %dma_start3A_374 = tpu.memref_slice %arg6[%rem3A_143, %dma_start3A_372, %dma_start3A_373] : memref<2x14x128xi32, #tpu.memory_space<vmem>> -> memref<1x1x128xi32, #tpu.memory_space<vmem>>
      %dma_start3A_375 = tpu.memref_squeeze %dma_start3A_374 : memref<1x1x128xi32, #tpu.memory_space<vmem>> -> memref<128xi32, #tpu.memory_space<vmem>>
      %dma_start3A_376 = arith.constant 0 : i32
      %dma_start3A_377 = arith.constant 0 : i32
      %dma_start3A_378 = tpu.memref_slice %arg3[%dma_start3A_376, %dma_start3A_377] : memref<50176x32xf32, #tpu.memory_space<hbm>> -> memref<50176x32xf32, #tpu.memory_space<hbm>>
      tpu.enqueue_indirect_dma source(%dma_start3A_378 : memref<50176x32xf32, #tpu.memory_space<hbm>>) target(%arg8 : memref<128x32xf32, #tpu.memory_space<vmem>>) offsets(%dma_start3A_375 : memref<128xi32, #tpu.memory_space<vmem>>) semaphore(%arg15 : memref<!tpu.dma_semaphore, #tpu.memory_space<semaphore_mem>>)
      %dma_wait3A_379 = arith.constant 7 : i32
      %dma_wait3A_380 = arith.constant 0 : i32
      %dma_wait3A_381 = tpu.memref_slice %arg6[%rem3A_143, %dma_wait3A_379, %dma_wait3A_380] : memref<2x14x128xi32, #tpu.memory_space<vmem>> -> memref<1x1x128xi32, #tpu.memory_space<vmem>>
      %dma_wait3A_382 = tpu.memref_squeeze %dma_wait3A_381 : memref<1x1x128xi32, #tpu.memory_space<vmem>> -> memref<128xi32, #tpu.memory_space<vmem>>
      %dma_wait3A_383 = arith.constant 0 : i32
      %dma_wait3A_384 = arith.constant 0 : i32
      %dma_wait3A_385 = tpu.memref_slice %arg3[%dma_wait3A_383, %dma_wait3A_384] : memref<50176x32xf32, #tpu.memory_space<hbm>> -> memref<50176x32xf32, #tpu.memory_space<hbm>>
      tpu.wait_indirect_dma semaphore(%arg18 : memref<!tpu.dma_semaphore, #tpu.memory_space<semaphore_mem>>) src(%dma_wait3A_385 : memref<50176x32xf32, #tpu.memory_space<hbm>>) dst(%arg11 : memref<128x32xf32, #tpu.memory_space<vmem>>)
      %dma_start3A_386 = arith.constant 7 : i32
      %dma_start3A_387 = arith.constant 0 : i32
      %dma_start3A_388 = tpu.memref_slice %arg7[%rem3A_143, %dma_start3A_386, %dma_start3A_387] : memref<2x14x128xi32, #tpu.memory_space<vmem>> -> memref<1x1x128xi32, #tpu.memory_space<vmem>>
      %dma_start3A_389 = tpu.memref_squeeze %dma_start3A_388 : memref<1x1x128xi32, #tpu.memory_space<vmem>> -> memref<128xi32, #tpu.memory_space<vmem>>
      %dma_start3A_390 = arith.constant 0 : i32
      %dma_start3A_391 = arith.constant 0 : i32
      %dma_start3A_392 = tpu.memref_slice %arg13[%dma_start3A_390, %dma_start3A_391] : memref<50176x32xf32, #tpu.memory_space<vmem_shared>> -> memref<50176x32xf32, #tpu.memory_space<vmem_shared>>
      tpu.enqueue_indirect_dma source(%arg11 : memref<128x32xf32, #tpu.memory_space<vmem>>) target(%dma_start3A_392 : memref<50176x32xf32, #tpu.memory_space<vmem_shared>>) offsets(%dma_start3A_389 : memref<128xi32, #tpu.memory_space<vmem>>) semaphore(%arg22 : memref<!tpu.dma_semaphore, #tpu.memory_space<semaphore_mem>>) {add = true}
      %dma_wait3A_393 = arith.constant 5 : i32
      %dma_wait3A_394 = arith.constant 0 : i32
      %dma_wait3A_395 = tpu.memref_slice %arg7[%rem3A_143, %dma_wait3A_393, %dma_wait3A_394] : memref<2x14x128xi32, #tpu.memory_space<vmem>> -> memref<1x1x128xi32, #tpu.memory_space<vmem>>
      %dma_wait3A_396 = tpu.memref_squeeze %dma_wait3A_395 : memref<1x1x128xi32, #tpu.memory_space<vmem>> -> memref<128xi32, #tpu.memory_space<vmem>>
      %dma_wait3A_397 = arith.constant 0 : i32
      %dma_wait3A_398 = arith.constant 0 : i32
      %dma_wait3A_399 = tpu.memref_slice %arg13[%dma_wait3A_397, %dma_wait3A_398] : memref<50176x32xf32, #tpu.memory_space<vmem_shared>> -> memref<50176x32xf32, #tpu.memory_space<vmem_shared>>
      tpu.wait_indirect_dma semaphore(%arg20 : memref<!tpu.dma_semaphore, #tpu.memory_space<semaphore_mem>>) src(%arg9 : memref<128x32xf32, #tpu.memory_space<vmem>>) dst(%dma_wait3A_399 : memref<50176x32xf32, #tpu.memory_space<vmem_shared>>)
      %dma_start3A_400 = arith.constant 9 : i32
      %dma_start3A_401 = arith.constant 0 : i32
      %dma_start3A_402 = tpu.memref_slice %arg6[%rem3A_143, %dma_start3A_400, %dma_start3A_401] : memref<2x14x128xi32, #tpu.memory_space<vmem>> -> memref<1x1x128xi32, #tpu.memory_space<vmem>>
      %dma_start3A_403 = tpu.memref_squeeze %dma_start3A_402 : memref<1x1x128xi32, #tpu.memory_space<vmem>> -> memref<128xi32, #tpu.memory_space<vmem>>
      %dma_start3A_404 = arith.constant 0 : i32
      %dma_start3A_405 = arith.constant 0 : i32
      %dma_start3A_406 = tpu.memref_slice %arg3[%dma_start3A_404, %dma_start3A_405] : memref<50176x32xf32, #tpu.memory_space<hbm>> -> memref<50176x32xf32, #tpu.memory_space<hbm>>
      tpu.enqueue_indirect_dma source(%dma_start3A_406 : memref<50176x32xf32, #tpu.memory_space<hbm>>) target(%arg9 : memref<128x32xf32, #tpu.memory_space<vmem>>) offsets(%dma_start3A_403 : memref<128xi32, #tpu.memory_space<vmem>>) semaphore(%arg16 : memref<!tpu.dma_semaphore, #tpu.memory_space<semaphore_mem>>)
      %dma_wait3A_407 = arith.constant 8 : i32
      %dma_wait3A_408 = arith.constant 0 : i32
      %dma_wait3A_409 = tpu.memref_slice %arg6[%rem3A_143, %dma_wait3A_407, %dma_wait3A_408] : memref<2x14x128xi32, #tpu.memory_space<vmem>> -> memref<1x1x128xi32, #tpu.memory_space<vmem>>
      %dma_wait3A_410 = tpu.memref_squeeze %dma_wait3A_409 : memref<1x1x128xi32, #tpu.memory_space<vmem>> -> memref<128xi32, #tpu.memory_space<vmem>>
      %dma_wait3A_411 = arith.constant 0 : i32
      %dma_wait3A_412 = arith.constant 0 : i32
      %dma_wait3A_413 = tpu.memref_slice %arg3[%dma_wait3A_411, %dma_wait3A_412] : memref<50176x32xf32, #tpu.memory_space<hbm>> -> memref<50176x32xf32, #tpu.memory_space<hbm>>
      tpu.wait_indirect_dma semaphore(%arg15 : memref<!tpu.dma_semaphore, #tpu.memory_space<semaphore_mem>>) src(%dma_wait3A_413 : memref<50176x32xf32, #tpu.memory_space<hbm>>) dst(%arg8 : memref<128x32xf32, #tpu.memory_space<vmem>>)
      %dma_start3A_414 = arith.constant 8 : i32
      %dma_start3A_415 = arith.constant 0 : i32
      %dma_start3A_416 = tpu.memref_slice %arg7[%rem3A_143, %dma_start3A_414, %dma_start3A_415] : memref<2x14x128xi32, #tpu.memory_space<vmem>> -> memref<1x1x128xi32, #tpu.memory_space<vmem>>
      %dma_start3A_417 = tpu.memref_squeeze %dma_start3A_416 : memref<1x1x128xi32, #tpu.memory_space<vmem>> -> memref<128xi32, #tpu.memory_space<vmem>>
      %dma_start3A_418 = arith.constant 0 : i32
      %dma_start3A_419 = arith.constant 0 : i32
      %dma_start3A_420 = tpu.memref_slice %arg13[%dma_start3A_418, %dma_start3A_419] : memref<50176x32xf32, #tpu.memory_space<vmem_shared>> -> memref<50176x32xf32, #tpu.memory_space<vmem_shared>>
      tpu.enqueue_indirect_dma source(%arg8 : memref<128x32xf32, #tpu.memory_space<vmem>>) target(%dma_start3A_420 : memref<50176x32xf32, #tpu.memory_space<vmem_shared>>) offsets(%dma_start3A_417 : memref<128xi32, #tpu.memory_space<vmem>>) semaphore(%arg19 : memref<!tpu.dma_semaphore, #tpu.memory_space<semaphore_mem>>) {add = true}
      %dma_wait3A_421 = arith.constant 6 : i32
      %dma_wait3A_422 = arith.constant 0 : i32
      %dma_wait3A_423 = tpu.memref_slice %arg7[%rem3A_143, %dma_wait3A_421, %dma_wait3A_422] : memref<2x14x128xi32, #tpu.memory_space<vmem>> -> memref<1x1x128xi32, #tpu.memory_space<vmem>>
      %dma_wait3A_424 = tpu.memref_squeeze %dma_wait3A_423 : memref<1x1x128xi32, #tpu.memory_space<vmem>> -> memref<128xi32, #tpu.memory_space<vmem>>
      %dma_wait3A_425 = arith.constant 0 : i32
      %dma_wait3A_426 = arith.constant 0 : i32
      %dma_wait3A_427 = tpu.memref_slice %arg13[%dma_wait3A_425, %dma_wait3A_426] : memref<50176x32xf32, #tpu.memory_space<vmem_shared>> -> memref<50176x32xf32, #tpu.memory_space<vmem_shared>>
      tpu.wait_indirect_dma semaphore(%arg21 : memref<!tpu.dma_semaphore, #tpu.memory_space<semaphore_mem>>) src(%arg10 : memref<128x32xf32, #tpu.memory_space<vmem>>) dst(%dma_wait3A_427 : memref<50176x32xf32, #tpu.memory_space<vmem_shared>>)
      %dma_start3A_428 = arith.constant 10 : i32
      %dma_start3A_429 = arith.constant 0 : i32
      %dma_start3A_430 = tpu.memref_slice %arg6[%rem3A_143, %dma_start3A_428, %dma_start3A_429] : memref<2x14x128xi32, #tpu.memory_space<vmem>> -> memref<1x1x128xi32, #tpu.memory_space<vmem>>
      %dma_start3A_431 = tpu.memref_squeeze %dma_start3A_430 : memref<1x1x128xi32, #tpu.memory_space<vmem>> -> memref<128xi32, #tpu.memory_space<vmem>>
      %dma_start3A_432 = arith.constant 0 : i32
      %dma_start3A_433 = arith.constant 0 : i32
      %dma_start3A_434 = tpu.memref_slice %arg3[%dma_start3A_432, %dma_start3A_433] : memref<50176x32xf32, #tpu.memory_space<hbm>> -> memref<50176x32xf32, #tpu.memory_space<hbm>>
      tpu.enqueue_indirect_dma source(%dma_start3A_434 : memref<50176x32xf32, #tpu.memory_space<hbm>>) target(%arg10 : memref<128x32xf32, #tpu.memory_space<vmem>>) offsets(%dma_start3A_431 : memref<128xi32, #tpu.memory_space<vmem>>) semaphore(%arg17 : memref<!tpu.dma_semaphore, #tpu.memory_space<semaphore_mem>>)
      %dma_wait3A_435 = arith.constant 9 : i32
      %dma_wait3A_436 = arith.constant 0 : i32
      %dma_wait3A_437 = tpu.memref_slice %arg6[%rem3A_143, %dma_wait3A_435, %dma_wait3A_436] : memref<2x14x128xi32, #tpu.memory_space<vmem>> -> memref<1x1x128xi32, #tpu.memory_space<vmem>>
      %dma_wait3A_438 = tpu.memref_squeeze %dma_wait3A_437 : memref<1x1x128xi32, #tpu.memory_space<vmem>> -> memref<128xi32, #tpu.memory_space<vmem>>
      %dma_wait3A_439 = arith.constant 0 : i32
      %dma_wait3A_440 = arith.constant 0 : i32
      %dma_wait3A_441 = tpu.memref_slice %arg3[%dma_wait3A_439, %dma_wait3A_440] : memref<50176x32xf32, #tpu.memory_space<hbm>> -> memref<50176x32xf32, #tpu.memory_space<hbm>>
      tpu.wait_indirect_dma semaphore(%arg16 : memref<!tpu.dma_semaphore, #tpu.memory_space<semaphore_mem>>) src(%dma_wait3A_441 : memref<50176x32xf32, #tpu.memory_space<hbm>>) dst(%arg9 : memref<128x32xf32, #tpu.memory_space<vmem>>)
      %dma_start3A_442 = arith.constant 9 : i32
      %dma_start3A_443 = arith.constant 0 : i32
      %dma_start3A_444 = tpu.memref_slice %arg7[%rem3A_143, %dma_start3A_442, %dma_start3A_443] : memref<2x14x128xi32, #tpu.memory_space<vmem>> -> memref<1x1x128xi32, #tpu.memory_space<vmem>>
      %dma_start3A_445 = tpu.memref_squeeze %dma_start3A_444 : memref<1x1x128xi32, #tpu.memory_space<vmem>> -> memref<128xi32, #tpu.memory_space<vmem>>
      %dma_start3A_446 = arith.constant 0 : i32
      %dma_start3A_447 = arith.constant 0 : i32
      %dma_start3A_448 = tpu.memref_slice %arg13[%dma_start3A_446, %dma_start3A_447] : memref<50176x32xf32, #tpu.memory_space<vmem_shared>> -> memref<50176x32xf32, #tpu.memory_space<vmem_shared>>
      tpu.enqueue_indirect_dma source(%arg9 : memref<128x32xf32, #tpu.memory_space<vmem>>) target(%dma_start3A_448 : memref<50176x32xf32, #tpu.memory_space<vmem_shared>>) offsets(%dma_start3A_445 : memref<128xi32, #tpu.memory_space<vmem>>) semaphore(%arg20 : memref<!tpu.dma_semaphore, #tpu.memory_space<semaphore_mem>>) {add = true}
      %dma_wait3A_449 = arith.constant 7 : i32
      %dma_wait3A_450 = arith.constant 0 : i32
      %dma_wait3A_451 = tpu.memref_slice %arg7[%rem3A_143, %dma_wait3A_449, %dma_wait3A_450] : memref<2x14x128xi32, #tpu.memory_space<vmem>> -> memref<1x1x128xi32, #tpu.memory_space<vmem>>
      %dma_wait3A_452 = tpu.memref_squeeze %dma_wait3A_451 : memref<1x1x128xi32, #tpu.memory_space<vmem>> -> memref<128xi32, #tpu.memory_space<vmem>>
      %dma_wait3A_453 = arith.constant 0 : i32
      %dma_wait3A_454 = arith.constant 0 : i32
      %dma_wait3A_455 = tpu.memref_slice %arg13[%dma_wait3A_453, %dma_wait3A_454] : memref<50176x32xf32, #tpu.memory_space<vmem_shared>> -> memref<50176x32xf32, #tpu.memory_space<vmem_shared>>
      tpu.wait_indirect_dma semaphore(%arg22 : memref<!tpu.dma_semaphore, #tpu.memory_space<semaphore_mem>>) src(%arg11 : memref<128x32xf32, #tpu.memory_space<vmem>>) dst(%dma_wait3A_455 : memref<50176x32xf32, #tpu.memory_space<vmem_shared>>)
      %dma_start3A_456 = arith.constant 11 : i32
      %dma_start3A_457 = arith.constant 0 : i32
      %dma_start3A_458 = tpu.memref_slice %arg6[%rem3A_143, %dma_start3A_456, %dma_start3A_457] : memref<2x14x128xi32, #tpu.memory_space<vmem>> -> memref<1x1x128xi32, #tpu.memory_space<vmem>>
      %dma_start3A_459 = tpu.memref_squeeze %dma_start3A_458 : memref<1x1x128xi32, #tpu.memory_space<vmem>> -> memref<128xi32, #tpu.memory_space<vmem>>
      %dma_start3A_460 = arith.constant 0 : i32
      %dma_start3A_461 = arith.constant 0 : i32
      %dma_start3A_462 = tpu.memref_slice %arg3[%dma_start3A_460, %dma_start3A_461] : memref<50176x32xf32, #tpu.memory_space<hbm>> -> memref<50176x32xf32, #tpu.memory_space<hbm>>
      tpu.enqueue_indirect_dma source(%dma_start3A_462 : memref<50176x32xf32, #tpu.memory_space<hbm>>) target(%arg11 : memref<128x32xf32, #tpu.memory_space<vmem>>) offsets(%dma_start3A_459 : memref<128xi32, #tpu.memory_space<vmem>>) semaphore(%arg18 : memref<!tpu.dma_semaphore, #tpu.memory_space<semaphore_mem>>)
      %dma_wait3A_463 = arith.constant 10 : i32
      %dma_wait3A_464 = arith.constant 0 : i32
      %dma_wait3A_465 = tpu.memref_slice %arg6[%rem3A_143, %dma_wait3A_463, %dma_wait3A_464] : memref<2x14x128xi32, #tpu.memory_space<vmem>> -> memref<1x1x128xi32, #tpu.memory_space<vmem>>
      %dma_wait3A_466 = tpu.memref_squeeze %dma_wait3A_465 : memref<1x1x128xi32, #tpu.memory_space<vmem>> -> memref<128xi32, #tpu.memory_space<vmem>>
      %dma_wait3A_467 = arith.constant 0 : i32
      %dma_wait3A_468 = arith.constant 0 : i32
      %dma_wait3A_469 = tpu.memref_slice %arg3[%dma_wait3A_467, %dma_wait3A_468] : memref<50176x32xf32, #tpu.memory_space<hbm>> -> memref<50176x32xf32, #tpu.memory_space<hbm>>
      tpu.wait_indirect_dma semaphore(%arg17 : memref<!tpu.dma_semaphore, #tpu.memory_space<semaphore_mem>>) src(%dma_wait3A_469 : memref<50176x32xf32, #tpu.memory_space<hbm>>) dst(%arg10 : memref<128x32xf32, #tpu.memory_space<vmem>>)
      %dma_start3A_470 = arith.constant 10 : i32
      %dma_start3A_471 = arith.constant 0 : i32
      %dma_start3A_472 = tpu.memref_slice %arg7[%rem3A_143, %dma_start3A_470, %dma_start3A_471] : memref<2x14x128xi32, #tpu.memory_space<vmem>> -> memref<1x1x128xi32, #tpu.memory_space<vmem>>
      %dma_start3A_473 = tpu.memref_squeeze %dma_start3A_472 : memref<1x1x128xi32, #tpu.memory_space<vmem>> -> memref<128xi32, #tpu.memory_space<vmem>>
      %dma_start3A_474 = arith.constant 0 : i32
      %dma_start3A_475 = arith.constant 0 : i32
      %dma_start3A_476 = tpu.memref_slice %arg13[%dma_start3A_474, %dma_start3A_475] : memref<50176x32xf32, #tpu.memory_space<vmem_shared>> -> memref<50176x32xf32, #tpu.memory_space<vmem_shared>>
      tpu.enqueue_indirect_dma source(%arg10 : memref<128x32xf32, #tpu.memory_space<vmem>>) target(%dma_start3A_476 : memref<50176x32xf32, #tpu.memory_space<vmem_shared>>) offsets(%dma_start3A_473 : memref<128xi32, #tpu.memory_space<vmem>>) semaphore(%arg21 : memref<!tpu.dma_semaphore, #tpu.memory_space<semaphore_mem>>) {add = true}
      %dma_wait3A_477 = arith.constant 8 : i32
      %dma_wait3A_478 = arith.constant 0 : i32
      %dma_wait3A_479 = tpu.memref_slice %arg7[%rem3A_143, %dma_wait3A_477, %dma_wait3A_478] : memref<2x14x128xi32, #tpu.memory_space<vmem>> -> memref<1x1x128xi32, #tpu.memory_space<vmem>>
      %dma_wait3A_480 = tpu.memref_squeeze %dma_wait3A_479 : memref<1x1x128xi32, #tpu.memory_space<vmem>> -> memref<128xi32, #tpu.memory_space<vmem>>
      %dma_wait3A_481 = arith.constant 0 : i32
      %dma_wait3A_482 = arith.constant 0 : i32
      %dma_wait3A_483 = tpu.memref_slice %arg13[%dma_wait3A_481, %dma_wait3A_482] : memref<50176x32xf32, #tpu.memory_space<vmem_shared>> -> memref<50176x32xf32, #tpu.memory_space<vmem_shared>>
      tpu.wait_indirect_dma semaphore(%arg19 : memref<!tpu.dma_semaphore, #tpu.memory_space<semaphore_mem>>) src(%arg8 : memref<128x32xf32, #tpu.memory_space<vmem>>) dst(%dma_wait3A_483 : memref<50176x32xf32, #tpu.memory_space<vmem_shared>>)
      %dma_start3A_484 = arith.constant 12 : i32
      %dma_start3A_485 = arith.constant 0 : i32
      %dma_start3A_486 = tpu.memref_slice %arg6[%rem3A_143, %dma_start3A_484, %dma_start3A_485] : memref<2x14x128xi32, #tpu.memory_space<vmem>> -> memref<1x1x128xi32, #tpu.memory_space<vmem>>
      %dma_start3A_487 = tpu.memref_squeeze %dma_start3A_486 : memref<1x1x128xi32, #tpu.memory_space<vmem>> -> memref<128xi32, #tpu.memory_space<vmem>>
      %dma_start3A_488 = arith.constant 0 : i32
      %dma_start3A_489 = arith.constant 0 : i32
      %dma_start3A_490 = tpu.memref_slice %arg3[%dma_start3A_488, %dma_start3A_489] : memref<50176x32xf32, #tpu.memory_space<hbm>> -> memref<50176x32xf32, #tpu.memory_space<hbm>>
      tpu.enqueue_indirect_dma source(%dma_start3A_490 : memref<50176x32xf32, #tpu.memory_space<hbm>>) target(%arg8 : memref<128x32xf32, #tpu.memory_space<vmem>>) offsets(%dma_start3A_487 : memref<128xi32, #tpu.memory_space<vmem>>) semaphore(%arg15 : memref<!tpu.dma_semaphore, #tpu.memory_space<semaphore_mem>>)
      %dma_wait3A_491 = arith.constant 11 : i32
      %dma_wait3A_492 = arith.constant 0 : i32
      %dma_wait3A_493 = tpu.memref_slice %arg6[%rem3A_143, %dma_wait3A_491, %dma_wait3A_492] : memref<2x14x128xi32, #tpu.memory_space<vmem>> -> memref<1x1x128xi32, #tpu.memory_space<vmem>>
      %dma_wait3A_494 = tpu.memref_squeeze %dma_wait3A_493 : memref<1x1x128xi32, #tpu.memory_space<vmem>> -> memref<128xi32, #tpu.memory_space<vmem>>
      %dma_wait3A_495 = arith.constant 0 : i32
      %dma_wait3A_496 = arith.constant 0 : i32
      %dma_wait3A_497 = tpu.memref_slice %arg3[%dma_wait3A_495, %dma_wait3A_496] : memref<50176x32xf32, #tpu.memory_space<hbm>> -> memref<50176x32xf32, #tpu.memory_space<hbm>>
      tpu.wait_indirect_dma semaphore(%arg18 : memref<!tpu.dma_semaphore, #tpu.memory_space<semaphore_mem>>) src(%dma_wait3A_497 : memref<50176x32xf32, #tpu.memory_space<hbm>>) dst(%arg11 : memref<128x32xf32, #tpu.memory_space<vmem>>)
      %dma_start3A_498 = arith.constant 11 : i32
      %dma_start3A_499 = arith.constant 0 : i32
      %dma_start3A_500 = tpu.memref_slice %arg7[%rem3A_143, %dma_start3A_498, %dma_start3A_499] : memref<2x14x128xi32, #tpu.memory_space<vmem>> -> memref<1x1x128xi32, #tpu.memory_space<vmem>>
      %dma_start3A_501 = tpu.memref_squeeze %dma_start3A_500 : memref<1x1x128xi32, #tpu.memory_space<vmem>> -> memref<128xi32, #tpu.memory_space<vmem>>
      %dma_start3A_502 = arith.constant 0 : i32
      %dma_start3A_503 = arith.constant 0 : i32
      %dma_start3A_504 = tpu.memref_slice %arg13[%dma_start3A_502, %dma_start3A_503] : memref<50176x32xf32, #tpu.memory_space<vmem_shared>> -> memref<50176x32xf32, #tpu.memory_space<vmem_shared>>
      tpu.enqueue_indirect_dma source(%arg11 : memref<128x32xf32, #tpu.memory_space<vmem>>) target(%dma_start3A_504 : memref<50176x32xf32, #tpu.memory_space<vmem_shared>>) offsets(%dma_start3A_501 : memref<128xi32, #tpu.memory_space<vmem>>) semaphore(%arg22 : memref<!tpu.dma_semaphore, #tpu.memory_space<semaphore_mem>>) {add = true}
      %dma_wait3A_505 = arith.constant 9 : i32
      %dma_wait3A_506 = arith.constant 0 : i32
      %dma_wait3A_507 = tpu.memref_slice %arg7[%rem3A_143, %dma_wait3A_505, %dma_wait3A_506] : memref<2x14x128xi32, #tpu.memory_space<vmem>> -> memref<1x1x128xi32, #tpu.memory_space<vmem>>
      %dma_wait3A_508 = tpu.memref_squeeze %dma_wait3A_507 : memref<1x1x128xi32, #tpu.memory_space<vmem>> -> memref<128xi32, #tpu.memory_space<vmem>>
      %dma_wait3A_509 = arith.constant 0 : i32
      %dma_wait3A_510 = arith.constant 0 : i32
      %dma_wait3A_511 = tpu.memref_slice %arg13[%dma_wait3A_509, %dma_wait3A_510] : memref<50176x32xf32, #tpu.memory_space<vmem_shared>> -> memref<50176x32xf32, #tpu.memory_space<vmem_shared>>
      tpu.wait_indirect_dma semaphore(%arg20 : memref<!tpu.dma_semaphore, #tpu.memory_space<semaphore_mem>>) src(%arg9 : memref<128x32xf32, #tpu.memory_space<vmem>>) dst(%dma_wait3A_511 : memref<50176x32xf32, #tpu.memory_space<vmem_shared>>)
      %dma_start3A_512 = arith.constant 13 : i32
      %dma_start3A_513 = arith.constant 0 : i32
      %dma_start3A_514 = tpu.memref_slice %arg6[%rem3A_143, %dma_start3A_512, %dma_start3A_513] : memref<2x14x128xi32, #tpu.memory_space<vmem>> -> memref<1x1x128xi32, #tpu.memory_space<vmem>>
      %dma_start3A_515 = tpu.memref_squeeze %dma_start3A_514 : memref<1x1x128xi32, #tpu.memory_space<vmem>> -> memref<128xi32, #tpu.memory_space<vmem>>
      %dma_start3A_516 = arith.constant 0 : i32
      %dma_start3A_517 = arith.constant 0 : i32
      %dma_start3A_518 = tpu.memref_slice %arg3[%dma_start3A_516, %dma_start3A_517] : memref<50176x32xf32, #tpu.memory_space<hbm>> -> memref<50176x32xf32, #tpu.memory_space<hbm>>
      tpu.enqueue_indirect_dma source(%dma_start3A_518 : memref<50176x32xf32, #tpu.memory_space<hbm>>) target(%arg9 : memref<128x32xf32, #tpu.memory_space<vmem>>) offsets(%dma_start3A_515 : memref<128xi32, #tpu.memory_space<vmem>>) semaphore(%arg16 : memref<!tpu.dma_semaphore, #tpu.memory_space<semaphore_mem>>)
      %dma_wait3A_519 = arith.constant 12 : i32
      %dma_wait3A_520 = arith.constant 0 : i32
      %dma_wait3A_521 = tpu.memref_slice %arg6[%rem3A_143, %dma_wait3A_519, %dma_wait3A_520] : memref<2x14x128xi32, #tpu.memory_space<vmem>> -> memref<1x1x128xi32, #tpu.memory_space<vmem>>
      %dma_wait3A_522 = tpu.memref_squeeze %dma_wait3A_521 : memref<1x1x128xi32, #tpu.memory_space<vmem>> -> memref<128xi32, #tpu.memory_space<vmem>>
      %dma_wait3A_523 = arith.constant 0 : i32
      %dma_wait3A_524 = arith.constant 0 : i32
      %dma_wait3A_525 = tpu.memref_slice %arg3[%dma_wait3A_523, %dma_wait3A_524] : memref<50176x32xf32, #tpu.memory_space<hbm>> -> memref<50176x32xf32, #tpu.memory_space<hbm>>
      tpu.wait_indirect_dma semaphore(%arg15 : memref<!tpu.dma_semaphore, #tpu.memory_space<semaphore_mem>>) src(%dma_wait3A_525 : memref<50176x32xf32, #tpu.memory_space<hbm>>) dst(%arg8 : memref<128x32xf32, #tpu.memory_space<vmem>>)
      %dma_start3A_526 = arith.constant 12 : i32
      %dma_start3A_527 = arith.constant 0 : i32
      %dma_start3A_528 = tpu.memref_slice %arg7[%rem3A_143, %dma_start3A_526, %dma_start3A_527] : memref<2x14x128xi32, #tpu.memory_space<vmem>> -> memref<1x1x128xi32, #tpu.memory_space<vmem>>
      %dma_start3A_529 = tpu.memref_squeeze %dma_start3A_528 : memref<1x1x128xi32, #tpu.memory_space<vmem>> -> memref<128xi32, #tpu.memory_space<vmem>>
      %dma_start3A_530 = arith.constant 0 : i32
      %dma_start3A_531 = arith.constant 0 : i32
      %dma_start3A_532 = tpu.memref_slice %arg13[%dma_start3A_530, %dma_start3A_531] : memref<50176x32xf32, #tpu.memory_space<vmem_shared>> -> memref<50176x32xf32, #tpu.memory_space<vmem_shared>>
      tpu.enqueue_indirect_dma source(%arg8 : memref<128x32xf32, #tpu.memory_space<vmem>>) target(%dma_start3A_532 : memref<50176x32xf32, #tpu.memory_space<vmem_shared>>) offsets(%dma_start3A_529 : memref<128xi32, #tpu.memory_space<vmem>>) semaphore(%arg19 : memref<!tpu.dma_semaphore, #tpu.memory_space<semaphore_mem>>) {add = true}
      %dma_wait3A_533 = arith.constant 13 : i32
      %dma_wait3A_534 = arith.constant 0 : i32
      %dma_wait3A_535 = tpu.memref_slice %arg6[%rem3A_143, %dma_wait3A_533, %dma_wait3A_534] : memref<2x14x128xi32, #tpu.memory_space<vmem>> -> memref<1x1x128xi32, #tpu.memory_space<vmem>>
      %dma_wait3A_536 = tpu.memref_squeeze %dma_wait3A_535 : memref<1x1x128xi32, #tpu.memory_space<vmem>> -> memref<128xi32, #tpu.memory_space<vmem>>
      %dma_wait3A_537 = arith.constant 0 : i32
      %dma_wait3A_538 = arith.constant 0 : i32
      %dma_wait3A_539 = tpu.memref_slice %arg3[%dma_wait3A_537, %dma_wait3A_538] : memref<50176x32xf32, #tpu.memory_space<hbm>> -> memref<50176x32xf32, #tpu.memory_space<hbm>>
      tpu.wait_indirect_dma semaphore(%arg16 : memref<!tpu.dma_semaphore, #tpu.memory_space<semaphore_mem>>) src(%dma_wait3A_539 : memref<50176x32xf32, #tpu.memory_space<hbm>>) dst(%arg9 : memref<128x32xf32, #tpu.memory_space<vmem>>)
      %dma_start3A_540 = arith.constant 13 : i32
      %dma_start3A_541 = arith.constant 0 : i32
      %dma_start3A_542 = tpu.memref_slice %arg7[%rem3A_143, %dma_start3A_540, %dma_start3A_541] : memref<2x14x128xi32, #tpu.memory_space<vmem>> -> memref<1x1x128xi32, #tpu.memory_space<vmem>>
      %dma_start3A_543 = tpu.memref_squeeze %dma_start3A_542 : memref<1x1x128xi32, #tpu.memory_space<vmem>> -> memref<128xi32, #tpu.memory_space<vmem>>
      %dma_start3A_544 = arith.constant 0 : i32
      %dma_start3A_545 = arith.constant 0 : i32
      %dma_start3A_546 = tpu.memref_slice %arg13[%dma_start3A_544, %dma_start3A_545] : memref<50176x32xf32, #tpu.memory_space<vmem_shared>> -> memref<50176x32xf32, #tpu.memory_space<vmem_shared>>
      tpu.enqueue_indirect_dma source(%arg9 : memref<128x32xf32, #tpu.memory_space<vmem>>) target(%dma_start3A_546 : memref<50176x32xf32, #tpu.memory_space<vmem_shared>>) offsets(%dma_start3A_543 : memref<128xi32, #tpu.memory_space<vmem>>) semaphore(%arg20 : memref<!tpu.dma_semaphore, #tpu.memory_space<semaphore_mem>>) {add = true}
      %dma_wait3A_547 = arith.constant 12 : i32
      %dma_wait3A_548 = arith.constant 0 : i32
      %dma_wait3A_549 = tpu.memref_slice %arg7[%rem3A_143, %dma_wait3A_547, %dma_wait3A_548] : memref<2x14x128xi32, #tpu.memory_space<vmem>> -> memref<1x1x128xi32, #tpu.memory_space<vmem>>
      %dma_wait3A_550 = tpu.memref_squeeze %dma_wait3A_549 : memref<1x1x128xi32, #tpu.memory_space<vmem>> -> memref<128xi32, #tpu.memory_space<vmem>>
      %dma_wait3A_551 = arith.constant 0 : i32
      %dma_wait3A_552 = arith.constant 0 : i32
      %dma_wait3A_553 = tpu.memref_slice %arg13[%dma_wait3A_551, %dma_wait3A_552] : memref<50176x32xf32, #tpu.memory_space<vmem_shared>> -> memref<50176x32xf32, #tpu.memory_space<vmem_shared>>
      tpu.wait_indirect_dma semaphore(%arg19 : memref<!tpu.dma_semaphore, #tpu.memory_space<semaphore_mem>>) src(%arg8 : memref<128x32xf32, #tpu.memory_space<vmem>>) dst(%dma_wait3A_553 : memref<50176x32xf32, #tpu.memory_space<vmem_shared>>)
      %dma_wait3A_554 = arith.constant 13 : i32
      %dma_wait3A_555 = arith.constant 0 : i32
      %dma_wait3A_556 = tpu.memref_slice %arg7[%rem3A_143, %dma_wait3A_554, %dma_wait3A_555] : memref<2x14x128xi32, #tpu.memory_space<vmem>> -> memref<1x1x128xi32, #tpu.memory_space<vmem>>
      %dma_wait3A_557 = tpu.memref_squeeze %dma_wait3A_556 : memref<1x1x128xi32, #tpu.memory_space<vmem>> -> memref<128xi32, #tpu.memory_space<vmem>>
      %dma_wait3A_558 = arith.constant 0 : i32
      %dma_wait3A_559 = arith.constant 0 : i32
      %dma_wait3A_560 = tpu.memref_slice %arg13[%dma_wait3A_558, %dma_wait3A_559] : memref<50176x32xf32, #tpu.memory_space<vmem_shared>> -> memref<50176x32xf32, #tpu.memory_space<vmem_shared>>
      tpu.wait_indirect_dma semaphore(%arg20 : memref<!tpu.dma_semaphore, #tpu.memory_space<semaphore_mem>>) src(%arg9 : memref<128x32xf32, #tpu.memory_space<vmem>>) dst(%dma_wait3A_560 : memref<50176x32xf32, #tpu.memory_space<vmem_shared>>)
      %dma_wait3A_561 = arith.constant 10 : i32
      %dma_wait3A_562 = arith.constant 0 : i32
      %dma_wait3A_563 = tpu.memref_slice %arg7[%rem3A_143, %dma_wait3A_561, %dma_wait3A_562] : memref<2x14x128xi32, #tpu.memory_space<vmem>> -> memref<1x1x128xi32, #tpu.memory_space<vmem>>
      %dma_wait3A_564 = tpu.memref_squeeze %dma_wait3A_563 : memref<1x1x128xi32, #tpu.memory_space<vmem>> -> memref<128xi32, #tpu.memory_space<vmem>>
      %dma_wait3A_565 = arith.constant 0 : i32
      %dma_wait3A_566 = arith.constant 0 : i32
      %dma_wait3A_567 = tpu.memref_slice %arg13[%dma_wait3A_565, %dma_wait3A_566] : memref<50176x32xf32, #tpu.memory_space<vmem_shared>> -> memref<50176x32xf32, #tpu.memory_space<vmem_shared>>
      tpu.wait_indirect_dma semaphore(%arg21 : memref<!tpu.dma_semaphore, #tpu.memory_space<semaphore_mem>>) src(%arg10 : memref<128x32xf32, #tpu.memory_space<vmem>>) dst(%dma_wait3A_567 : memref<50176x32xf32, #tpu.memory_space<vmem_shared>>)
      %dma_wait3A_568 = arith.constant 11 : i32
      %dma_wait3A_569 = arith.constant 0 : i32
      %dma_wait3A_570 = tpu.memref_slice %arg7[%rem3A_143, %dma_wait3A_568, %dma_wait3A_569] : memref<2x14x128xi32, #tpu.memory_space<vmem>> -> memref<1x1x128xi32, #tpu.memory_space<vmem>>
      %dma_wait3A_571 = tpu.memref_squeeze %dma_wait3A_570 : memref<1x1x128xi32, #tpu.memory_space<vmem>> -> memref<128xi32, #tpu.memory_space<vmem>>
      %dma_wait3A_572 = arith.constant 0 : i32
      %dma_wait3A_573 = arith.constant 0 : i32
      %dma_wait3A_574 = tpu.memref_slice %arg13[%dma_wait3A_572, %dma_wait3A_573] : memref<50176x32xf32, #tpu.memory_space<vmem_shared>> -> memref<50176x32xf32, #tpu.memory_space<vmem_shared>>
      tpu.wait_indirect_dma semaphore(%arg22 : memref<!tpu.dma_semaphore, #tpu.memory_space<semaphore_mem>>) src(%arg11 : memref<128x32xf32, #tpu.memory_space<vmem>>) dst(%dma_wait3A_574 : memref<50176x32xf32, #tpu.memory_space<vmem_shared>>)
    }
    %scan3A_76 = arith.constant 14 : i32
    %barrier3A_77 = arith.constant 0 : index
    tpu.barrier barrier_id(%barrier3A_77)
    %add3A_78 = arith.constant 0 : i32
    %add3A_79 = arith.addi %mul3A_0, %add3A_78 : i32
    "tpu.region"() ({
      %run_scoped3A = tpu.sem_alloc : memref<!tpu.dma_semaphore, #tpu.memory_space<semaphore_mem>>
      %dma_start3A_142 = arith.constant 0 : i32
      %dma_start3A_143 = tpu.memref_slice %arg13[%add3A_79, %dma_start3A_142] : memref<50176x32xf32, #tpu.memory_space<vmem_shared>> -> memref<196x32xf32, #tpu.memory_space<vmem_shared>>
      %dma_start3A_144 = arith.constant 0 : i32
      %dma_start3A_145 = tpu.memref_slice %arg13[%add3A_79, %dma_start3A_144] : memref<50176x32xf32, #tpu.memory_space<vmem_shared>> -> memref<196x32xf32, #tpu.memory_space<vmem_shared>>
      tpu.enqueue_dma source(%dma_start3A_145 : memref<196x32xf32, #tpu.memory_space<vmem_shared>>) target(%arg12 : memref<196x32xf32, #tpu.memory_space<vmem>>) target_semaphore(%run_scoped3A : memref<!tpu.dma_semaphore, #tpu.memory_space<semaphore_mem>>)
      %dma_wait3A = arith.constant 0 : i32
      %dma_wait3A_146 = tpu.memref_slice %arg13[%add3A_79, %dma_wait3A] : memref<50176x32xf32, #tpu.memory_space<vmem_shared>> -> memref<196x32xf32, #tpu.memory_space<vmem_shared>>
      %dma_wait3A_147 = arith.constant 0 : i32
      %dma_wait3A_148 = tpu.memref_slice %arg13[%add3A_79, %dma_wait3A_147] : memref<50176x32xf32, #tpu.memory_space<vmem_shared>> -> memref<196x32xf32, #tpu.memory_space<vmem_shared>>
      tpu.wait_dma2 semaphore(%run_scoped3A : memref<!tpu.dma_semaphore, #tpu.memory_space<semaphore_mem>>) src(%dma_wait3A_148 : memref<196x32xf32, #tpu.memory_space<vmem_shared>>) dst(%arg12 : memref<196x32xf32, #tpu.memory_space<vmem>>)
      tpu.yield
    }) : () -> ()
    %add3A_80 = arith.constant 0 : i32
    %add3A_81 = arith.addi %mul3A_0, %add3A_80 : i32
    "tpu.region"() ({
      %run_scoped3A = tpu.sem_alloc : memref<!tpu.dma_semaphore, #tpu.memory_space<semaphore_mem>>
      %dma_start3A_142 = arith.constant 0 : i32
      %dma_start3A_143 = tpu.memref_slice %arg5[%arg0, %add3A_81, %dma_start3A_142] : memref<2x50176x32xf32, #tpu.memory_space<hbm>> -> memref<1x196x32xf32, #tpu.memory_space<hbm>>
      %dma_start3A_144 = tpu.memref_squeeze %dma_start3A_143 : memref<1x196x32xf32, #tpu.memory_space<hbm>> -> memref<196x32xf32, #tpu.memory_space<hbm>>
      %dma_start3A_145 = arith.constant 0 : i32
      %dma_start3A_146 = tpu.memref_slice %arg5[%arg0, %add3A_81, %dma_start3A_145] : memref<2x50176x32xf32, #tpu.memory_space<hbm>> -> memref<1x196x32xf32, #tpu.memory_space<hbm>>
      %dma_start3A_147 = tpu.memref_squeeze %dma_start3A_146 : memref<1x196x32xf32, #tpu.memory_space<hbm>> -> memref<196x32xf32, #tpu.memory_space<hbm>>
      tpu.enqueue_dma source(%arg12 : memref<196x32xf32, #tpu.memory_space<vmem>>) target(%dma_start3A_147 : memref<196x32xf32, #tpu.memory_space<hbm>>) target_semaphore(%run_scoped3A : memref<!tpu.dma_semaphore, #tpu.memory_space<semaphore_mem>>)
      %dma_wait3A = arith.constant 0 : i32
      %dma_wait3A_148 = tpu.memref_slice %arg5[%arg0, %add3A_81, %dma_wait3A] : memref<2x50176x32xf32, #tpu.memory_space<hbm>> -> memref<1x196x32xf32, #tpu.memory_space<hbm>>
      %dma_wait3A_149 = tpu.memref_squeeze %dma_wait3A_148 : memref<1x196x32xf32, #tpu.memory_space<hbm>> -> memref<196x32xf32, #tpu.memory_space<hbm>>
      %dma_wait3A_150 = arith.constant 0 : i32
      %dma_wait3A_151 = tpu.memref_slice %arg5[%arg0, %add3A_81, %dma_wait3A_150] : memref<2x50176x32xf32, #tpu.memory_space<hbm>> -> memref<1x196x32xf32, #tpu.memory_space<hbm>>
      %dma_wait3A_152 = tpu.memref_squeeze %dma_wait3A_151 : memref<1x196x32xf32, #tpu.memory_space<hbm>> -> memref<196x32xf32, #tpu.memory_space<hbm>>
      tpu.wait_dma2 semaphore(%run_scoped3A : memref<!tpu.dma_semaphore, #tpu.memory_space<semaphore_mem>>) src(%arg12 : memref<196x32xf32, #tpu.memory_space<vmem>>) dst(%dma_wait3A_152 : memref<196x32xf32, #tpu.memory_space<hbm>>)
      tpu.yield
    }) : () -> ()
    %add3A_82 = arith.constant 196 : i32
    %add3A_83 = arith.addi %mul3A_0, %add3A_82 : i32
    "tpu.region"() ({
      %run_scoped3A = tpu.sem_alloc : memref<!tpu.dma_semaphore, #tpu.memory_space<semaphore_mem>>
      %dma_start3A_142 = arith.constant 0 : i32
      %dma_start3A_143 = tpu.memref_slice %arg13[%add3A_83, %dma_start3A_142] : memref<50176x32xf32, #tpu.memory_space<vmem_shared>> -> memref<196x32xf32, #tpu.memory_space<vmem_shared>>
      %dma_start3A_144 = arith.constant 0 : i32
      %dma_start3A_145 = tpu.memref_slice %arg13[%add3A_83, %dma_start3A_144] : memref<50176x32xf32, #tpu.memory_space<vmem_shared>> -> memref<196x32xf32, #tpu.memory_space<vmem_shared>>
      tpu.enqueue_dma source(%dma_start3A_145 : memref<196x32xf32, #tpu.memory_space<vmem_shared>>) target(%arg12 : memref<196x32xf32, #tpu.memory_space<vmem>>) target_semaphore(%run_scoped3A : memref<!tpu.dma_semaphore, #tpu.memory_space<semaphore_mem>>)
      %dma_wait3A = arith.constant 0 : i32
      %dma_wait3A_146 = tpu.memref_slice %arg13[%add3A_83, %dma_wait3A] : memref<50176x32xf32, #tpu.memory_space<vmem_shared>> -> memref<196x32xf32, #tpu.memory_space<vmem_shared>>
      %dma_wait3A_147 = arith.constant 0 : i32
      %dma_wait3A_148 = tpu.memref_slice %arg13[%add3A_83, %dma_wait3A_147] : memref<50176x32xf32, #tpu.memory_space<vmem_shared>> -> memref<196x32xf32, #tpu.memory_space<vmem_shared>>
      tpu.wait_dma2 semaphore(%run_scoped3A : memref<!tpu.dma_semaphore, #tpu.memory_space<semaphore_mem>>) src(%dma_wait3A_148 : memref<196x32xf32, #tpu.memory_space<vmem_shared>>) dst(%arg12 : memref<196x32xf32, #tpu.memory_space<vmem>>)
      tpu.yield
    }) : () -> ()
    %add3A_84 = arith.constant 196 : i32
    %add3A_85 = arith.addi %mul3A_0, %add3A_84 : i32
    "tpu.region"() ({
      %run_scoped3A = tpu.sem_alloc : memref<!tpu.dma_semaphore, #tpu.memory_space<semaphore_mem>>
      %dma_start3A_142 = arith.constant 0 : i32
      %dma_start3A_143 = tpu.memref_slice %arg5[%arg0, %add3A_85, %dma_start3A_142] : memref<2x50176x32xf32, #tpu.memory_space<hbm>> -> memref<1x196x32xf32, #tpu.memory_space<hbm>>
      %dma_start3A_144 = tpu.memref_squeeze %dma_start3A_143 : memref<1x196x32xf32, #tpu.memory_space<hbm>> -> memref<196x32xf32, #tpu.memory_space<hbm>>
      %dma_start3A_145 = arith.constant 0 : i32
      %dma_start3A_146 = tpu.memref_slice %arg5[%arg0, %add3A_85, %dma_start3A_145] : memref<2x50176x32xf32, #tpu.memory_space<hbm>> -> memref<1x196x32xf32, #tpu.memory_space<hbm>>
      %dma_start3A_147 = tpu.memref_squeeze %dma_start3A_146 : memref<1x196x32xf32, #tpu.memory_space<hbm>> -> memref<196x32xf32, #tpu.memory_space<hbm>>
      tpu.enqueue_dma source(%arg12 : memref<196x32xf32, #tpu.memory_space<vmem>>) target(%dma_start3A_147 : memref<196x32xf32, #tpu.memory_space<hbm>>) target_semaphore(%run_scoped3A : memref<!tpu.dma_semaphore, #tpu.memory_space<semaphore_mem>>)
      %dma_wait3A = arith.constant 0 : i32
      %dma_wait3A_148 = tpu.memref_slice %arg5[%arg0, %add3A_85, %dma_wait3A] : memref<2x50176x32xf32, #tpu.memory_space<hbm>> -> memref<1x196x32xf32, #tpu.memory_space<hbm>>
      %dma_wait3A_149 = tpu.memref_squeeze %dma_wait3A_148 : memref<1x196x32xf32, #tpu.memory_space<hbm>> -> memref<196x32xf32, #tpu.memory_space<hbm>>
      %dma_wait3A_150 = arith.constant 0 : i32
      %dma_wait3A_151 = tpu.memref_slice %arg5[%arg0, %add3A_85, %dma_wait3A_150] : memref<2x50176x32xf32, #tpu.memory_space<hbm>> -> memref<1x196x32xf32, #tpu.memory_space<hbm>>
      %dma_wait3A_152 = tpu.memref_squeeze %dma_wait3A_151 : memref<1x196x32xf32, #tpu.memory_space<hbm>> -> memref<196x32xf32, #tpu.memory_space<hbm>>
      tpu.wait_dma2 semaphore(%run_scoped3A : memref<!tpu.dma_semaphore, #tpu.memory_space<semaphore_mem>>) src(%arg12 : memref<196x32xf32, #tpu.memory_space<vmem>>) dst(%dma_wait3A_152 : memref<196x32xf32, #tpu.memory_space<hbm>>)
      tpu.yield
    }) : () -> ()
    %add3A_86 = arith.constant 392 : i32
    %add3A_87 = arith.addi %mul3A_0, %add3A_86 : i32
    "tpu.region"() ({
      %run_scoped3A = tpu.sem_alloc : memref<!tpu.dma_semaphore, #tpu.memory_space<semaphore_mem>>
      %dma_start3A_142 = arith.constant 0 : i32
      %dma_start3A_143 = tpu.memref_slice %arg13[%add3A_87, %dma_start3A_142] : memref<50176x32xf32, #tpu.memory_space<vmem_shared>> -> memref<196x32xf32, #tpu.memory_space<vmem_shared>>
      %dma_start3A_144 = arith.constant 0 : i32
      %dma_start3A_145 = tpu.memref_slice %arg13[%add3A_87, %dma_start3A_144] : memref<50176x32xf32, #tpu.memory_space<vmem_shared>> -> memref<196x32xf32, #tpu.memory_space<vmem_shared>>
      tpu.enqueue_dma source(%dma_start3A_145 : memref<196x32xf32, #tpu.memory_space<vmem_shared>>) target(%arg12 : memref<196x32xf32, #tpu.memory_space<vmem>>) target_semaphore(%run_scoped3A : memref<!tpu.dma_semaphore, #tpu.memory_space<semaphore_mem>>)
      %dma_wait3A = arith.constant 0 : i32
      %dma_wait3A_146 = tpu.memref_slice %arg13[%add3A_87, %dma_wait3A] : memref<50176x32xf32, #tpu.memory_space<vmem_shared>> -> memref<196x32xf32, #tpu.memory_space<vmem_shared>>
      %dma_wait3A_147 = arith.constant 0 : i32
      %dma_wait3A_148 = tpu.memref_slice %arg13[%add3A_87, %dma_wait3A_147] : memref<50176x32xf32, #tpu.memory_space<vmem_shared>> -> memref<196x32xf32, #tpu.memory_space<vmem_shared>>
      tpu.wait_dma2 semaphore(%run_scoped3A : memref<!tpu.dma_semaphore, #tpu.memory_space<semaphore_mem>>) src(%dma_wait3A_148 : memref<196x32xf32, #tpu.memory_space<vmem_shared>>) dst(%arg12 : memref<196x32xf32, #tpu.memory_space<vmem>>)
      tpu.yield
    }) : () -> ()
    %add3A_88 = arith.constant 392 : i32
    %add3A_89 = arith.addi %mul3A_0, %add3A_88 : i32
    "tpu.region"() ({
      %run_scoped3A = tpu.sem_alloc : memref<!tpu.dma_semaphore, #tpu.memory_space<semaphore_mem>>
      %dma_start3A_142 = arith.constant 0 : i32
      %dma_start3A_143 = tpu.memref_slice %arg5[%arg0, %add3A_89, %dma_start3A_142] : memref<2x50176x32xf32, #tpu.memory_space<hbm>> -> memref<1x196x32xf32, #tpu.memory_space<hbm>>
      %dma_start3A_144 = tpu.memref_squeeze %dma_start3A_143 : memref<1x196x32xf32, #tpu.memory_space<hbm>> -> memref<196x32xf32, #tpu.memory_space<hbm>>
      %dma_start3A_145 = arith.constant 0 : i32
      %dma_start3A_146 = tpu.memref_slice %arg5[%arg0, %add3A_89, %dma_start3A_145] : memref<2x50176x32xf32, #tpu.memory_space<hbm>> -> memref<1x196x32xf32, #tpu.memory_space<hbm>>
      %dma_start3A_147 = tpu.memref_squeeze %dma_start3A_146 : memref<1x196x32xf32, #tpu.memory_space<hbm>> -> memref<196x32xf32, #tpu.memory_space<hbm>>
      tpu.enqueue_dma source(%arg12 : memref<196x32xf32, #tpu.memory_space<vmem>>) target(%dma_start3A_147 : memref<196x32xf32, #tpu.memory_space<hbm>>) target_semaphore(%run_scoped3A : memref<!tpu.dma_semaphore, #tpu.memory_space<semaphore_mem>>)
      %dma_wait3A = arith.constant 0 : i32
      %dma_wait3A_148 = tpu.memref_slice %arg5[%arg0, %add3A_89, %dma_wait3A] : memref<2x50176x32xf32, #tpu.memory_space<hbm>> -> memref<1x196x32xf32, #tpu.memory_space<hbm>>
      %dma_wait3A_149 = tpu.memref_squeeze %dma_wait3A_148 : memref<1x196x32xf32, #tpu.memory_space<hbm>> -> memref<196x32xf32, #tpu.memory_space<hbm>>
      %dma_wait3A_150 = arith.constant 0 : i32
      %dma_wait3A_151 = tpu.memref_slice %arg5[%arg0, %add3A_89, %dma_wait3A_150] : memref<2x50176x32xf32, #tpu.memory_space<hbm>> -> memref<1x196x32xf32, #tpu.memory_space<hbm>>
      %dma_wait3A_152 = tpu.memref_squeeze %dma_wait3A_151 : memref<1x196x32xf32, #tpu.memory_space<hbm>> -> memref<196x32xf32, #tpu.memory_space<hbm>>
      tpu.wait_dma2 semaphore(%run_scoped3A : memref<!tpu.dma_semaphore, #tpu.memory_space<semaphore_mem>>) src(%arg12 : memref<196x32xf32, #tpu.memory_space<vmem>>) dst(%dma_wait3A_152 : memref<196x32xf32, #tpu.memory_space<hbm>>)
      tpu.yield
    }) : () -> ()
    %add3A_90 = arith.constant 588 : i32
    %add3A_91 = arith.addi %mul3A_0, %add3A_90 : i32
    "tpu.region"() ({
      %run_scoped3A = tpu.sem_alloc : memref<!tpu.dma_semaphore, #tpu.memory_space<semaphore_mem>>
      %dma_start3A_142 = arith.constant 0 : i32
      %dma_start3A_143 = tpu.memref_slice %arg13[%add3A_91, %dma_start3A_142] : memref<50176x32xf32, #tpu.memory_space<vmem_shared>> -> memref<196x32xf32, #tpu.memory_space<vmem_shared>>
      %dma_start3A_144 = arith.constant 0 : i32
      %dma_start3A_145 = tpu.memref_slice %arg13[%add3A_91, %dma_start3A_144] : memref<50176x32xf32, #tpu.memory_space<vmem_shared>> -> memref<196x32xf32, #tpu.memory_space<vmem_shared>>
      tpu.enqueue_dma source(%dma_start3A_145 : memref<196x32xf32, #tpu.memory_space<vmem_shared>>) target(%arg12 : memref<196x32xf32, #tpu.memory_space<vmem>>) target_semaphore(%run_scoped3A : memref<!tpu.dma_semaphore, #tpu.memory_space<semaphore_mem>>)
      %dma_wait3A = arith.constant 0 : i32
      %dma_wait3A_146 = tpu.memref_slice %arg13[%add3A_91, %dma_wait3A] : memref<50176x32xf32, #tpu.memory_space<vmem_shared>> -> memref<196x32xf32, #tpu.memory_space<vmem_shared>>
      %dma_wait3A_147 = arith.constant 0 : i32
      %dma_wait3A_148 = tpu.memref_slice %arg13[%add3A_91, %dma_wait3A_147] : memref<50176x32xf32, #tpu.memory_space<vmem_shared>> -> memref<196x32xf32, #tpu.memory_space<vmem_shared>>
      tpu.wait_dma2 semaphore(%run_scoped3A : memref<!tpu.dma_semaphore, #tpu.memory_space<semaphore_mem>>) src(%dma_wait3A_148 : memref<196x32xf32, #tpu.memory_space<vmem_shared>>) dst(%arg12 : memref<196x32xf32, #tpu.memory_space<vmem>>)
      tpu.yield
    }) : () -> ()
    %add3A_92 = arith.constant 588 : i32
    %add3A_93 = arith.addi %mul3A_0, %add3A_92 : i32
    "tpu.region"() ({
      %run_scoped3A = tpu.sem_alloc : memref<!tpu.dma_semaphore, #tpu.memory_space<semaphore_mem>>
      %dma_start3A_142 = arith.constant 0 : i32
      %dma_start3A_143 = tpu.memref_slice %arg5[%arg0, %add3A_93, %dma_start3A_142] : memref<2x50176x32xf32, #tpu.memory_space<hbm>> -> memref<1x196x32xf32, #tpu.memory_space<hbm>>
      %dma_start3A_144 = tpu.memref_squeeze %dma_start3A_143 : memref<1x196x32xf32, #tpu.memory_space<hbm>> -> memref<196x32xf32, #tpu.memory_space<hbm>>
      %dma_start3A_145 = arith.constant 0 : i32
      %dma_start3A_146 = tpu.memref_slice %arg5[%arg0, %add3A_93, %dma_start3A_145] : memref<2x50176x32xf32, #tpu.memory_space<hbm>> -> memref<1x196x32xf32, #tpu.memory_space<hbm>>
      %dma_start3A_147 = tpu.memref_squeeze %dma_start3A_146 : memref<1x196x32xf32, #tpu.memory_space<hbm>> -> memref<196x32xf32, #tpu.memory_space<hbm>>
      tpu.enqueue_dma source(%arg12 : memref<196x32xf32, #tpu.memory_space<vmem>>) target(%dma_start3A_147 : memref<196x32xf32, #tpu.memory_space<hbm>>) target_semaphore(%run_scoped3A : memref<!tpu.dma_semaphore, #tpu.memory_space<semaphore_mem>>)
      %dma_wait3A = arith.constant 0 : i32
      %dma_wait3A_148 = tpu.memref_slice %arg5[%arg0, %add3A_93, %dma_wait3A] : memref<2x50176x32xf32, #tpu.memory_space<hbm>> -> memref<1x196x32xf32, #tpu.memory_space<hbm>>
      %dma_wait3A_149 = tpu.memref_squeeze %dma_wait3A_148 : memref<1x196x32xf32, #tpu.memory_space<hbm>> -> memref<196x32xf32, #tpu.memory_space<hbm>>
      %dma_wait3A_150 = arith.constant 0 : i32
      %dma_wait3A_151 = tpu.memref_slice %arg5[%arg0, %add3A_93, %dma_wait3A_150] : memref<2x50176x32xf32, #tpu.memory_space<hbm>> -> memref<1x196x32xf32, #tpu.memory_space<hbm>>
      %dma_wait3A_152 = tpu.memref_squeeze %dma_wait3A_151 : memref<1x196x32xf32, #tpu.memory_space<hbm>> -> memref<196x32xf32, #tpu.memory_space<hbm>>
      tpu.wait_dma2 semaphore(%run_scoped3A : memref<!tpu.dma_semaphore, #tpu.memory_space<semaphore_mem>>) src(%arg12 : memref<196x32xf32, #tpu.memory_space<vmem>>) dst(%dma_wait3A_152 : memref<196x32xf32, #tpu.memory_space<hbm>>)
      tpu.yield
    }) : () -> ()
    %add3A_94 = arith.constant 784 : i32
    %add3A_95 = arith.addi %mul3A_0, %add3A_94 : i32
    "tpu.region"() ({
      %run_scoped3A = tpu.sem_alloc : memref<!tpu.dma_semaphore, #tpu.memory_space<semaphore_mem>>
      %dma_start3A_142 = arith.constant 0 : i32
      %dma_start3A_143 = tpu.memref_slice %arg13[%add3A_95, %dma_start3A_142] : memref<50176x32xf32, #tpu.memory_space<vmem_shared>> -> memref<196x32xf32, #tpu.memory_space<vmem_shared>>
      %dma_start3A_144 = arith.constant 0 : i32
      %dma_start3A_145 = tpu.memref_slice %arg13[%add3A_95, %dma_start3A_144] : memref<50176x32xf32, #tpu.memory_space<vmem_shared>> -> memref<196x32xf32, #tpu.memory_space<vmem_shared>>
      tpu.enqueue_dma source(%dma_start3A_145 : memref<196x32xf32, #tpu.memory_space<vmem_shared>>) target(%arg12 : memref<196x32xf32, #tpu.memory_space<vmem>>) target_semaphore(%run_scoped3A : memref<!tpu.dma_semaphore, #tpu.memory_space<semaphore_mem>>)
      %dma_wait3A = arith.constant 0 : i32
      %dma_wait3A_146 = tpu.memref_slice %arg13[%add3A_95, %dma_wait3A] : memref<50176x32xf32, #tpu.memory_space<vmem_shared>> -> memref<196x32xf32, #tpu.memory_space<vmem_shared>>
      %dma_wait3A_147 = arith.constant 0 : i32
      %dma_wait3A_148 = tpu.memref_slice %arg13[%add3A_95, %dma_wait3A_147] : memref<50176x32xf32, #tpu.memory_space<vmem_shared>> -> memref<196x32xf32, #tpu.memory_space<vmem_shared>>
      tpu.wait_dma2 semaphore(%run_scoped3A : memref<!tpu.dma_semaphore, #tpu.memory_space<semaphore_mem>>) src(%dma_wait3A_148 : memref<196x32xf32, #tpu.memory_space<vmem_shared>>) dst(%arg12 : memref<196x32xf32, #tpu.memory_space<vmem>>)
      tpu.yield
    }) : () -> ()
    %add3A_96 = arith.constant 784 : i32
    %add3A_97 = arith.addi %mul3A_0, %add3A_96 : i32
    "tpu.region"() ({
      %run_scoped3A = tpu.sem_alloc : memref<!tpu.dma_semaphore, #tpu.memory_space<semaphore_mem>>
      %dma_start3A_142 = arith.constant 0 : i32
      %dma_start3A_143 = tpu.memref_slice %arg5[%arg0, %add3A_97, %dma_start3A_142] : memref<2x50176x32xf32, #tpu.memory_space<hbm>> -> memref<1x196x32xf32, #tpu.memory_space<hbm>>
      %dma_start3A_144 = tpu.memref_squeeze %dma_start3A_143 : memref<1x196x32xf32, #tpu.memory_space<hbm>> -> memref<196x32xf32, #tpu.memory_space<hbm>>
      %dma_start3A_145 = arith.constant 0 : i32
      %dma_start3A_146 = tpu.memref_slice %arg5[%arg0, %add3A_97, %dma_start3A_145] : memref<2x50176x32xf32, #tpu.memory_space<hbm>> -> memref<1x196x32xf32, #tpu.memory_space<hbm>>
      %dma_start3A_147 = tpu.memref_squeeze %dma_start3A_146 : memref<1x196x32xf32, #tpu.memory_space<hbm>> -> memref<196x32xf32, #tpu.memory_space<hbm>>
      tpu.enqueue_dma source(%arg12 : memref<196x32xf32, #tpu.memory_space<vmem>>) target(%dma_start3A_147 : memref<196x32xf32, #tpu.memory_space<hbm>>) target_semaphore(%run_scoped3A : memref<!tpu.dma_semaphore, #tpu.memory_space<semaphore_mem>>)
      %dma_wait3A = arith.constant 0 : i32
      %dma_wait3A_148 = tpu.memref_slice %arg5[%arg0, %add3A_97, %dma_wait3A] : memref<2x50176x32xf32, #tpu.memory_space<hbm>> -> memref<1x196x32xf32, #tpu.memory_space<hbm>>
      %dma_wait3A_149 = tpu.memref_squeeze %dma_wait3A_148 : memref<1x196x32xf32, #tpu.memory_space<hbm>> -> memref<196x32xf32, #tpu.memory_space<hbm>>
      %dma_wait3A_150 = arith.constant 0 : i32
      %dma_wait3A_151 = tpu.memref_slice %arg5[%arg0, %add3A_97, %dma_wait3A_150] : memref<2x50176x32xf32, #tpu.memory_space<hbm>> -> memref<1x196x32xf32, #tpu.memory_space<hbm>>
      %dma_wait3A_152 = tpu.memref_squeeze %dma_wait3A_151 : memref<1x196x32xf32, #tpu.memory_space<hbm>> -> memref<196x32xf32, #tpu.memory_space<hbm>>
      tpu.wait_dma2 semaphore(%run_scoped3A : memref<!tpu.dma_semaphore, #tpu.memory_space<semaphore_mem>>) src(%arg12 : memref<196x32xf32, #tpu.memory_space<vmem>>) dst(%dma_wait3A_152 : memref<196x32xf32, #tpu.memory_space<hbm>>)
      tpu.yield
    }) : () -> ()
    %add3A_98 = arith.constant 980 : i32
    %add3A_99 = arith.addi %mul3A_0, %add3A_98 : i32
    "tpu.region"() ({
      %run_scoped3A = tpu.sem_alloc : memref<!tpu.dma_semaphore, #tpu.memory_space<semaphore_mem>>
      %dma_start3A_142 = arith.constant 0 : i32
      %dma_start3A_143 = tpu.memref_slice %arg13[%add3A_99, %dma_start3A_142] : memref<50176x32xf32, #tpu.memory_space<vmem_shared>> -> memref<196x32xf32, #tpu.memory_space<vmem_shared>>
      %dma_start3A_144 = arith.constant 0 : i32
      %dma_start3A_145 = tpu.memref_slice %arg13[%add3A_99, %dma_start3A_144] : memref<50176x32xf32, #tpu.memory_space<vmem_shared>> -> memref<196x32xf32, #tpu.memory_space<vmem_shared>>
      tpu.enqueue_dma source(%dma_start3A_145 : memref<196x32xf32, #tpu.memory_space<vmem_shared>>) target(%arg12 : memref<196x32xf32, #tpu.memory_space<vmem>>) target_semaphore(%run_scoped3A : memref<!tpu.dma_semaphore, #tpu.memory_space<semaphore_mem>>)
      %dma_wait3A = arith.constant 0 : i32
      %dma_wait3A_146 = tpu.memref_slice %arg13[%add3A_99, %dma_wait3A] : memref<50176x32xf32, #tpu.memory_space<vmem_shared>> -> memref<196x32xf32, #tpu.memory_space<vmem_shared>>
      %dma_wait3A_147 = arith.constant 0 : i32
      %dma_wait3A_148 = tpu.memref_slice %arg13[%add3A_99, %dma_wait3A_147] : memref<50176x32xf32, #tpu.memory_space<vmem_shared>> -> memref<196x32xf32, #tpu.memory_space<vmem_shared>>
      tpu.wait_dma2 semaphore(%run_scoped3A : memref<!tpu.dma_semaphore, #tpu.memory_space<semaphore_mem>>) src(%dma_wait3A_148 : memref<196x32xf32, #tpu.memory_space<vmem_shared>>) dst(%arg12 : memref<196x32xf32, #tpu.memory_space<vmem>>)
      tpu.yield
    }) : () -> ()
    %add3A_100 = arith.constant 980 : i32
    %add3A_101 = arith.addi %mul3A_0, %add3A_100 : i32
    "tpu.region"() ({
      %run_scoped3A = tpu.sem_alloc : memref<!tpu.dma_semaphore, #tpu.memory_space<semaphore_mem>>
      %dma_start3A_142 = arith.constant 0 : i32
      %dma_start3A_143 = tpu.memref_slice %arg5[%arg0, %add3A_101, %dma_start3A_142] : memref<2x50176x32xf32, #tpu.memory_space<hbm>> -> memref<1x196x32xf32, #tpu.memory_space<hbm>>
      %dma_start3A_144 = tpu.memref_squeeze %dma_start3A_143 : memref<1x196x32xf32, #tpu.memory_space<hbm>> -> memref<196x32xf32, #tpu.memory_space<hbm>>
      %dma_start3A_145 = arith.constant 0 : i32
      %dma_start3A_146 = tpu.memref_slice %arg5[%arg0, %add3A_101, %dma_start3A_145] : memref<2x50176x32xf32, #tpu.memory_space<hbm>> -> memref<1x196x32xf32, #tpu.memory_space<hbm>>
      %dma_start3A_147 = tpu.memref_squeeze %dma_start3A_146 : memref<1x196x32xf32, #tpu.memory_space<hbm>> -> memref<196x32xf32, #tpu.memory_space<hbm>>
      tpu.enqueue_dma source(%arg12 : memref<196x32xf32, #tpu.memory_space<vmem>>) target(%dma_start3A_147 : memref<196x32xf32, #tpu.memory_space<hbm>>) target_semaphore(%run_scoped3A : memref<!tpu.dma_semaphore, #tpu.memory_space<semaphore_mem>>)
      %dma_wait3A = arith.constant 0 : i32
      %dma_wait3A_148 = tpu.memref_slice %arg5[%arg0, %add3A_101, %dma_wait3A] : memref<2x50176x32xf32, #tpu.memory_space<hbm>> -> memref<1x196x32xf32, #tpu.memory_space<hbm>>
      %dma_wait3A_149 = tpu.memref_squeeze %dma_wait3A_148 : memref<1x196x32xf32, #tpu.memory_space<hbm>> -> memref<196x32xf32, #tpu.memory_space<hbm>>
      %dma_wait3A_150 = arith.constant 0 : i32
      %dma_wait3A_151 = tpu.memref_slice %arg5[%arg0, %add3A_101, %dma_wait3A_150] : memref<2x50176x32xf32, #tpu.memory_space<hbm>> -> memref<1x196x32xf32, #tpu.memory_space<hbm>>
      %dma_wait3A_152 = tpu.memref_squeeze %dma_wait3A_151 : memref<1x196x32xf32, #tpu.memory_space<hbm>> -> memref<196x32xf32, #tpu.memory_space<hbm>>
      tpu.wait_dma2 semaphore(%run_scoped3A : memref<!tpu.dma_semaphore, #tpu.memory_space<semaphore_mem>>) src(%arg12 : memref<196x32xf32, #tpu.memory_space<vmem>>) dst(%dma_wait3A_152 : memref<196x32xf32, #tpu.memory_space<hbm>>)
      tpu.yield
    }) : () -> ()
    %add3A_102 = arith.constant 1176 : i32
    %add3A_103 = arith.addi %mul3A_0, %add3A_102 : i32
    "tpu.region"() ({
      %run_scoped3A = tpu.sem_alloc : memref<!tpu.dma_semaphore, #tpu.memory_space<semaphore_mem>>
      %dma_start3A_142 = arith.constant 0 : i32
      %dma_start3A_143 = tpu.memref_slice %arg13[%add3A_103, %dma_start3A_142] : memref<50176x32xf32, #tpu.memory_space<vmem_shared>> -> memref<196x32xf32, #tpu.memory_space<vmem_shared>>
      %dma_start3A_144 = arith.constant 0 : i32
      %dma_start3A_145 = tpu.memref_slice %arg13[%add3A_103, %dma_start3A_144] : memref<50176x32xf32, #tpu.memory_space<vmem_shared>> -> memref<196x32xf32, #tpu.memory_space<vmem_shared>>
      tpu.enqueue_dma source(%dma_start3A_145 : memref<196x32xf32, #tpu.memory_space<vmem_shared>>) target(%arg12 : memref<196x32xf32, #tpu.memory_space<vmem>>) target_semaphore(%run_scoped3A : memref<!tpu.dma_semaphore, #tpu.memory_space<semaphore_mem>>)
      %dma_wait3A = arith.constant 0 : i32
      %dma_wait3A_146 = tpu.memref_slice %arg13[%add3A_103, %dma_wait3A] : memref<50176x32xf32, #tpu.memory_space<vmem_shared>> -> memref<196x32xf32, #tpu.memory_space<vmem_shared>>
      %dma_wait3A_147 = arith.constant 0 : i32
      %dma_wait3A_148 = tpu.memref_slice %arg13[%add3A_103, %dma_wait3A_147] : memref<50176x32xf32, #tpu.memory_space<vmem_shared>> -> memref<196x32xf32, #tpu.memory_space<vmem_shared>>
      tpu.wait_dma2 semaphore(%run_scoped3A : memref<!tpu.dma_semaphore, #tpu.memory_space<semaphore_mem>>) src(%dma_wait3A_148 : memref<196x32xf32, #tpu.memory_space<vmem_shared>>) dst(%arg12 : memref<196x32xf32, #tpu.memory_space<vmem>>)
      tpu.yield
    }) : () -> ()
    %add3A_104 = arith.constant 1176 : i32
    %add3A_105 = arith.addi %mul3A_0, %add3A_104 : i32
    "tpu.region"() ({
      %run_scoped3A = tpu.sem_alloc : memref<!tpu.dma_semaphore, #tpu.memory_space<semaphore_mem>>
      %dma_start3A_142 = arith.constant 0 : i32
      %dma_start3A_143 = tpu.memref_slice %arg5[%arg0, %add3A_105, %dma_start3A_142] : memref<2x50176x32xf32, #tpu.memory_space<hbm>> -> memref<1x196x32xf32, #tpu.memory_space<hbm>>
      %dma_start3A_144 = tpu.memref_squeeze %dma_start3A_143 : memref<1x196x32xf32, #tpu.memory_space<hbm>> -> memref<196x32xf32, #tpu.memory_space<hbm>>
      %dma_start3A_145 = arith.constant 0 : i32
      %dma_start3A_146 = tpu.memref_slice %arg5[%arg0, %add3A_105, %dma_start3A_145] : memref<2x50176x32xf32, #tpu.memory_space<hbm>> -> memref<1x196x32xf32, #tpu.memory_space<hbm>>
      %dma_start3A_147 = tpu.memref_squeeze %dma_start3A_146 : memref<1x196x32xf32, #tpu.memory_space<hbm>> -> memref<196x32xf32, #tpu.memory_space<hbm>>
      tpu.enqueue_dma source(%arg12 : memref<196x32xf32, #tpu.memory_space<vmem>>) target(%dma_start3A_147 : memref<196x32xf32, #tpu.memory_space<hbm>>) target_semaphore(%run_scoped3A : memref<!tpu.dma_semaphore, #tpu.memory_space<semaphore_mem>>)
      %dma_wait3A = arith.constant 0 : i32
      %dma_wait3A_148 = tpu.memref_slice %arg5[%arg0, %add3A_105, %dma_wait3A] : memref<2x50176x32xf32, #tpu.memory_space<hbm>> -> memref<1x196x32xf32, #tpu.memory_space<hbm>>
      %dma_wait3A_149 = tpu.memref_squeeze %dma_wait3A_148 : memref<1x196x32xf32, #tpu.memory_space<hbm>> -> memref<196x32xf32, #tpu.memory_space<hbm>>
      %dma_wait3A_150 = arith.constant 0 : i32
      %dma_wait3A_151 = tpu.memref_slice %arg5[%arg0, %add3A_105, %dma_wait3A_150] : memref<2x50176x32xf32, #tpu.memory_space<hbm>> -> memref<1x196x32xf32, #tpu.memory_space<hbm>>
      %dma_wait3A_152 = tpu.memref_squeeze %dma_wait3A_151 : memref<1x196x32xf32, #tpu.memory_space<hbm>> -> memref<196x32xf32, #tpu.memory_space<hbm>>
      tpu.wait_dma2 semaphore(%run_scoped3A : memref<!tpu.dma_semaphore, #tpu.memory_space<semaphore_mem>>) src(%arg12 : memref<196x32xf32, #tpu.memory_space<vmem>>) dst(%dma_wait3A_152 : memref<196x32xf32, #tpu.memory_space<hbm>>)
      tpu.yield
    }) : () -> ()
    %add3A_106 = arith.constant 1372 : i32
    %add3A_107 = arith.addi %mul3A_0, %add3A_106 : i32
    "tpu.region"() ({
      %run_scoped3A = tpu.sem_alloc : memref<!tpu.dma_semaphore, #tpu.memory_space<semaphore_mem>>
      %dma_start3A_142 = arith.constant 0 : i32
      %dma_start3A_143 = tpu.memref_slice %arg13[%add3A_107, %dma_start3A_142] : memref<50176x32xf32, #tpu.memory_space<vmem_shared>> -> memref<196x32xf32, #tpu.memory_space<vmem_shared>>
      %dma_start3A_144 = arith.constant 0 : i32
      %dma_start3A_145 = tpu.memref_slice %arg13[%add3A_107, %dma_start3A_144] : memref<50176x32xf32, #tpu.memory_space<vmem_shared>> -> memref<196x32xf32, #tpu.memory_space<vmem_shared>>
      tpu.enqueue_dma source(%dma_start3A_145 : memref<196x32xf32, #tpu.memory_space<vmem_shared>>) target(%arg12 : memref<196x32xf32, #tpu.memory_space<vmem>>) target_semaphore(%run_scoped3A : memref<!tpu.dma_semaphore, #tpu.memory_space<semaphore_mem>>)
      %dma_wait3A = arith.constant 0 : i32
      %dma_wait3A_146 = tpu.memref_slice %arg13[%add3A_107, %dma_wait3A] : memref<50176x32xf32, #tpu.memory_space<vmem_shared>> -> memref<196x32xf32, #tpu.memory_space<vmem_shared>>
      %dma_wait3A_147 = arith.constant 0 : i32
      %dma_wait3A_148 = tpu.memref_slice %arg13[%add3A_107, %dma_wait3A_147] : memref<50176x32xf32, #tpu.memory_space<vmem_shared>> -> memref<196x32xf32, #tpu.memory_space<vmem_shared>>
      tpu.wait_dma2 semaphore(%run_scoped3A : memref<!tpu.dma_semaphore, #tpu.memory_space<semaphore_mem>>) src(%dma_wait3A_148 : memref<196x32xf32, #tpu.memory_space<vmem_shared>>) dst(%arg12 : memref<196x32xf32, #tpu.memory_space<vmem>>)
      tpu.yield
    }) : () -> ()
    %add3A_108 = arith.constant 1372 : i32
    %add3A_109 = arith.addi %mul3A_0, %add3A_108 : i32
    "tpu.region"() ({
      %run_scoped3A = tpu.sem_alloc : memref<!tpu.dma_semaphore, #tpu.memory_space<semaphore_mem>>
      %dma_start3A_142 = arith.constant 0 : i32
      %dma_start3A_143 = tpu.memref_slice %arg5[%arg0, %add3A_109, %dma_start3A_142] : memref<2x50176x32xf32, #tpu.memory_space<hbm>> -> memref<1x196x32xf32, #tpu.memory_space<hbm>>
      %dma_start3A_144 = tpu.memref_squeeze %dma_start3A_143 : memref<1x196x32xf32, #tpu.memory_space<hbm>> -> memref<196x32xf32, #tpu.memory_space<hbm>>
      %dma_start3A_145 = arith.constant 0 : i32
      %dma_start3A_146 = tpu.memref_slice %arg5[%arg0, %add3A_109, %dma_start3A_145] : memref<2x50176x32xf32, #tpu.memory_space<hbm>> -> memref<1x196x32xf32, #tpu.memory_space<hbm>>
      %dma_start3A_147 = tpu.memref_squeeze %dma_start3A_146 : memref<1x196x32xf32, #tpu.memory_space<hbm>> -> memref<196x32xf32, #tpu.memory_space<hbm>>
      tpu.enqueue_dma source(%arg12 : memref<196x32xf32, #tpu.memory_space<vmem>>) target(%dma_start3A_147 : memref<196x32xf32, #tpu.memory_space<hbm>>) target_semaphore(%run_scoped3A : memref<!tpu.dma_semaphore, #tpu.memory_space<semaphore_mem>>)
      %dma_wait3A = arith.constant 0 : i32
      %dma_wait3A_148 = tpu.memref_slice %arg5[%arg0, %add3A_109, %dma_wait3A] : memref<2x50176x32xf32, #tpu.memory_space<hbm>> -> memref<1x196x32xf32, #tpu.memory_space<hbm>>
      %dma_wait3A_149 = tpu.memref_squeeze %dma_wait3A_148 : memref<1x196x32xf32, #tpu.memory_space<hbm>> -> memref<196x32xf32, #tpu.memory_space<hbm>>
      %dma_wait3A_150 = arith.constant 0 : i32
      %dma_wait3A_151 = tpu.memref_slice %arg5[%arg0, %add3A_109, %dma_wait3A_150] : memref<2x50176x32xf32, #tpu.memory_space<hbm>> -> memref<1x196x32xf32, #tpu.memory_space<hbm>>
      %dma_wait3A_152 = tpu.memref_squeeze %dma_wait3A_151 : memref<1x196x32xf32, #tpu.memory_space<hbm>> -> memref<196x32xf32, #tpu.memory_space<hbm>>
      tpu.wait_dma2 semaphore(%run_scoped3A : memref<!tpu.dma_semaphore, #tpu.memory_space<semaphore_mem>>) src(%arg12 : memref<196x32xf32, #tpu.memory_space<vmem>>) dst(%dma_wait3A_152 : memref<196x32xf32, #tpu.memory_space<hbm>>)
      tpu.yield
    }) : () -> ()
    %add3A_110 = arith.constant 1568 : i32
    %add3A_111 = arith.addi %mul3A_0, %add3A_110 : i32
    "tpu.region"() ({
      %run_scoped3A = tpu.sem_alloc : memref<!tpu.dma_semaphore, #tpu.memory_space<semaphore_mem>>
      %dma_start3A_142 = arith.constant 0 : i32
      %dma_start3A_143 = tpu.memref_slice %arg13[%add3A_111, %dma_start3A_142] : memref<50176x32xf32, #tpu.memory_space<vmem_shared>> -> memref<196x32xf32, #tpu.memory_space<vmem_shared>>
      %dma_start3A_144 = arith.constant 0 : i32
      %dma_start3A_145 = tpu.memref_slice %arg13[%add3A_111, %dma_start3A_144] : memref<50176x32xf32, #tpu.memory_space<vmem_shared>> -> memref<196x32xf32, #tpu.memory_space<vmem_shared>>
      tpu.enqueue_dma source(%dma_start3A_145 : memref<196x32xf32, #tpu.memory_space<vmem_shared>>) target(%arg12 : memref<196x32xf32, #tpu.memory_space<vmem>>) target_semaphore(%run_scoped3A : memref<!tpu.dma_semaphore, #tpu.memory_space<semaphore_mem>>)
      %dma_wait3A = arith.constant 0 : i32
      %dma_wait3A_146 = tpu.memref_slice %arg13[%add3A_111, %dma_wait3A] : memref<50176x32xf32, #tpu.memory_space<vmem_shared>> -> memref<196x32xf32, #tpu.memory_space<vmem_shared>>
      %dma_wait3A_147 = arith.constant 0 : i32
      %dma_wait3A_148 = tpu.memref_slice %arg13[%add3A_111, %dma_wait3A_147] : memref<50176x32xf32, #tpu.memory_space<vmem_shared>> -> memref<196x32xf32, #tpu.memory_space<vmem_shared>>
      tpu.wait_dma2 semaphore(%run_scoped3A : memref<!tpu.dma_semaphore, #tpu.memory_space<semaphore_mem>>) src(%dma_wait3A_148 : memref<196x32xf32, #tpu.memory_space<vmem_shared>>) dst(%arg12 : memref<196x32xf32, #tpu.memory_space<vmem>>)
      tpu.yield
    }) : () -> ()
    %add3A_112 = arith.constant 1568 : i32
    %add3A_113 = arith.addi %mul3A_0, %add3A_112 : i32
    "tpu.region"() ({
      %run_scoped3A = tpu.sem_alloc : memref<!tpu.dma_semaphore, #tpu.memory_space<semaphore_mem>>
      %dma_start3A_142 = arith.constant 0 : i32
      %dma_start3A_143 = tpu.memref_slice %arg5[%arg0, %add3A_113, %dma_start3A_142] : memref<2x50176x32xf32, #tpu.memory_space<hbm>> -> memref<1x196x32xf32, #tpu.memory_space<hbm>>
      %dma_start3A_144 = tpu.memref_squeeze %dma_start3A_143 : memref<1x196x32xf32, #tpu.memory_space<hbm>> -> memref<196x32xf32, #tpu.memory_space<hbm>>
      %dma_start3A_145 = arith.constant 0 : i32
      %dma_start3A_146 = tpu.memref_slice %arg5[%arg0, %add3A_113, %dma_start3A_145] : memref<2x50176x32xf32, #tpu.memory_space<hbm>> -> memref<1x196x32xf32, #tpu.memory_space<hbm>>
      %dma_start3A_147 = tpu.memref_squeeze %dma_start3A_146 : memref<1x196x32xf32, #tpu.memory_space<hbm>> -> memref<196x32xf32, #tpu.memory_space<hbm>>
      tpu.enqueue_dma source(%arg12 : memref<196x32xf32, #tpu.memory_space<vmem>>) target(%dma_start3A_147 : memref<196x32xf32, #tpu.memory_space<hbm>>) target_semaphore(%run_scoped3A : memref<!tpu.dma_semaphore, #tpu.memory_space<semaphore_mem>>)
      %dma_wait3A = arith.constant 0 : i32
      %dma_wait3A_148 = tpu.memref_slice %arg5[%arg0, %add3A_113, %dma_wait3A] : memref<2x50176x32xf32, #tpu.memory_space<hbm>> -> memref<1x196x32xf32, #tpu.memory_space<hbm>>
      %dma_wait3A_149 = tpu.memref_squeeze %dma_wait3A_148 : memref<1x196x32xf32, #tpu.memory_space<hbm>> -> memref<196x32xf32, #tpu.memory_space<hbm>>
      %dma_wait3A_150 = arith.constant 0 : i32
      %dma_wait3A_151 = tpu.memref_slice %arg5[%arg0, %add3A_113, %dma_wait3A_150] : memref<2x50176x32xf32, #tpu.memory_space<hbm>> -> memref<1x196x32xf32, #tpu.memory_space<hbm>>
      %dma_wait3A_152 = tpu.memref_squeeze %dma_wait3A_151 : memref<1x196x32xf32, #tpu.memory_space<hbm>> -> memref<196x32xf32, #tpu.memory_space<hbm>>
      tpu.wait_dma2 semaphore(%run_scoped3A : memref<!tpu.dma_semaphore, #tpu.memory_space<semaphore_mem>>) src(%arg12 : memref<196x32xf32, #tpu.memory_space<vmem>>) dst(%dma_wait3A_152 : memref<196x32xf32, #tpu.memory_space<hbm>>)
      tpu.yield
    }) : () -> ()
    %add3A_114 = arith.constant 1764 : i32
    %add3A_115 = arith.addi %mul3A_0, %add3A_114 : i32
    "tpu.region"() ({
      %run_scoped3A = tpu.sem_alloc : memref<!tpu.dma_semaphore, #tpu.memory_space<semaphore_mem>>
      %dma_start3A_142 = arith.constant 0 : i32
      %dma_start3A_143 = tpu.memref_slice %arg13[%add3A_115, %dma_start3A_142] : memref<50176x32xf32, #tpu.memory_space<vmem_shared>> -> memref<196x32xf32, #tpu.memory_space<vmem_shared>>
      %dma_start3A_144 = arith.constant 0 : i32
      %dma_start3A_145 = tpu.memref_slice %arg13[%add3A_115, %dma_start3A_144] : memref<50176x32xf32, #tpu.memory_space<vmem_shared>> -> memref<196x32xf32, #tpu.memory_space<vmem_shared>>
      tpu.enqueue_dma source(%dma_start3A_145 : memref<196x32xf32, #tpu.memory_space<vmem_shared>>) target(%arg12 : memref<196x32xf32, #tpu.memory_space<vmem>>) target_semaphore(%run_scoped3A : memref<!tpu.dma_semaphore, #tpu.memory_space<semaphore_mem>>)
      %dma_wait3A = arith.constant 0 : i32
      %dma_wait3A_146 = tpu.memref_slice %arg13[%add3A_115, %dma_wait3A] : memref<50176x32xf32, #tpu.memory_space<vmem_shared>> -> memref<196x32xf32, #tpu.memory_space<vmem_shared>>
      %dma_wait3A_147 = arith.constant 0 : i32
      %dma_wait3A_148 = tpu.memref_slice %arg13[%add3A_115, %dma_wait3A_147] : memref<50176x32xf32, #tpu.memory_space<vmem_shared>> -> memref<196x32xf32, #tpu.memory_space<vmem_shared>>
      tpu.wait_dma2 semaphore(%run_scoped3A : memref<!tpu.dma_semaphore, #tpu.memory_space<semaphore_mem>>) src(%dma_wait3A_148 : memref<196x32xf32, #tpu.memory_space<vmem_shared>>) dst(%arg12 : memref<196x32xf32, #tpu.memory_space<vmem>>)
      tpu.yield
    }) : () -> ()
    %add3A_116 = arith.constant 1764 : i32
    %add3A_117 = arith.addi %mul3A_0, %add3A_116 : i32
    "tpu.region"() ({
      %run_scoped3A = tpu.sem_alloc : memref<!tpu.dma_semaphore, #tpu.memory_space<semaphore_mem>>
      %dma_start3A_142 = arith.constant 0 : i32
      %dma_start3A_143 = tpu.memref_slice %arg5[%arg0, %add3A_117, %dma_start3A_142] : memref<2x50176x32xf32, #tpu.memory_space<hbm>> -> memref<1x196x32xf32, #tpu.memory_space<hbm>>
      %dma_start3A_144 = tpu.memref_squeeze %dma_start3A_143 : memref<1x196x32xf32, #tpu.memory_space<hbm>> -> memref<196x32xf32, #tpu.memory_space<hbm>>
      %dma_start3A_145 = arith.constant 0 : i32
      %dma_start3A_146 = tpu.memref_slice %arg5[%arg0, %add3A_117, %dma_start3A_145] : memref<2x50176x32xf32, #tpu.memory_space<hbm>> -> memref<1x196x32xf32, #tpu.memory_space<hbm>>
      %dma_start3A_147 = tpu.memref_squeeze %dma_start3A_146 : memref<1x196x32xf32, #tpu.memory_space<hbm>> -> memref<196x32xf32, #tpu.memory_space<hbm>>
      tpu.enqueue_dma source(%arg12 : memref<196x32xf32, #tpu.memory_space<vmem>>) target(%dma_start3A_147 : memref<196x32xf32, #tpu.memory_space<hbm>>) target_semaphore(%run_scoped3A : memref<!tpu.dma_semaphore, #tpu.memory_space<semaphore_mem>>)
      %dma_wait3A = arith.constant 0 : i32
      %dma_wait3A_148 = tpu.memref_slice %arg5[%arg0, %add3A_117, %dma_wait3A] : memref<2x50176x32xf32, #tpu.memory_space<hbm>> -> memref<1x196x32xf32, #tpu.memory_space<hbm>>
      %dma_wait3A_149 = tpu.memref_squeeze %dma_wait3A_148 : memref<1x196x32xf32, #tpu.memory_space<hbm>> -> memref<196x32xf32, #tpu.memory_space<hbm>>
      %dma_wait3A_150 = arith.constant 0 : i32
      %dma_wait3A_151 = tpu.memref_slice %arg5[%arg0, %add3A_117, %dma_wait3A_150] : memref<2x50176x32xf32, #tpu.memory_space<hbm>> -> memref<1x196x32xf32, #tpu.memory_space<hbm>>
      %dma_wait3A_152 = tpu.memref_squeeze %dma_wait3A_151 : memref<1x196x32xf32, #tpu.memory_space<hbm>> -> memref<196x32xf32, #tpu.memory_space<hbm>>
      tpu.wait_dma2 semaphore(%run_scoped3A : memref<!tpu.dma_semaphore, #tpu.memory_space<semaphore_mem>>) src(%arg12 : memref<196x32xf32, #tpu.memory_space<vmem>>) dst(%dma_wait3A_152 : memref<196x32xf32, #tpu.memory_space<hbm>>)
      tpu.yield
    }) : () -> ()
    %add3A_118 = arith.constant 1960 : i32
    %add3A_119 = arith.addi %mul3A_0, %add3A_118 : i32
    "tpu.region"() ({
      %run_scoped3A = tpu.sem_alloc : memref<!tpu.dma_semaphore, #tpu.memory_space<semaphore_mem>>
      %dma_start3A_142 = arith.constant 0 : i32
      %dma_start3A_143 = tpu.memref_slice %arg13[%add3A_119, %dma_start3A_142] : memref<50176x32xf32, #tpu.memory_space<vmem_shared>> -> memref<196x32xf32, #tpu.memory_space<vmem_shared>>
      %dma_start3A_144 = arith.constant 0 : i32
      %dma_start3A_145 = tpu.memref_slice %arg13[%add3A_119, %dma_start3A_144] : memref<50176x32xf32, #tpu.memory_space<vmem_shared>> -> memref<196x32xf32, #tpu.memory_space<vmem_shared>>
      tpu.enqueue_dma source(%dma_start3A_145 : memref<196x32xf32, #tpu.memory_space<vmem_shared>>) target(%arg12 : memref<196x32xf32, #tpu.memory_space<vmem>>) target_semaphore(%run_scoped3A : memref<!tpu.dma_semaphore, #tpu.memory_space<semaphore_mem>>)
      %dma_wait3A = arith.constant 0 : i32
      %dma_wait3A_146 = tpu.memref_slice %arg13[%add3A_119, %dma_wait3A] : memref<50176x32xf32, #tpu.memory_space<vmem_shared>> -> memref<196x32xf32, #tpu.memory_space<vmem_shared>>
      %dma_wait3A_147 = arith.constant 0 : i32
      %dma_wait3A_148 = tpu.memref_slice %arg13[%add3A_119, %dma_wait3A_147] : memref<50176x32xf32, #tpu.memory_space<vmem_shared>> -> memref<196x32xf32, #tpu.memory_space<vmem_shared>>
      tpu.wait_dma2 semaphore(%run_scoped3A : memref<!tpu.dma_semaphore, #tpu.memory_space<semaphore_mem>>) src(%dma_wait3A_148 : memref<196x32xf32, #tpu.memory_space<vmem_shared>>) dst(%arg12 : memref<196x32xf32, #tpu.memory_space<vmem>>)
      tpu.yield
    }) : () -> ()
    %add3A_120 = arith.constant 1960 : i32
    %add3A_121 = arith.addi %mul3A_0, %add3A_120 : i32
    "tpu.region"() ({
      %run_scoped3A = tpu.sem_alloc : memref<!tpu.dma_semaphore, #tpu.memory_space<semaphore_mem>>
      %dma_start3A_142 = arith.constant 0 : i32
      %dma_start3A_143 = tpu.memref_slice %arg5[%arg0, %add3A_121, %dma_start3A_142] : memref<2x50176x32xf32, #tpu.memory_space<hbm>> -> memref<1x196x32xf32, #tpu.memory_space<hbm>>
      %dma_start3A_144 = tpu.memref_squeeze %dma_start3A_143 : memref<1x196x32xf32, #tpu.memory_space<hbm>> -> memref<196x32xf32, #tpu.memory_space<hbm>>
      %dma_start3A_145 = arith.constant 0 : i32
      %dma_start3A_146 = tpu.memref_slice %arg5[%arg0, %add3A_121, %dma_start3A_145] : memref<2x50176x32xf32, #tpu.memory_space<hbm>> -> memref<1x196x32xf32, #tpu.memory_space<hbm>>
      %dma_start3A_147 = tpu.memref_squeeze %dma_start3A_146 : memref<1x196x32xf32, #tpu.memory_space<hbm>> -> memref<196x32xf32, #tpu.memory_space<hbm>>
      tpu.enqueue_dma source(%arg12 : memref<196x32xf32, #tpu.memory_space<vmem>>) target(%dma_start3A_147 : memref<196x32xf32, #tpu.memory_space<hbm>>) target_semaphore(%run_scoped3A : memref<!tpu.dma_semaphore, #tpu.memory_space<semaphore_mem>>)
      %dma_wait3A = arith.constant 0 : i32
      %dma_wait3A_148 = tpu.memref_slice %arg5[%arg0, %add3A_121, %dma_wait3A] : memref<2x50176x32xf32, #tpu.memory_space<hbm>> -> memref<1x196x32xf32, #tpu.memory_space<hbm>>
      %dma_wait3A_149 = tpu.memref_squeeze %dma_wait3A_148 : memref<1x196x32xf32, #tpu.memory_space<hbm>> -> memref<196x32xf32, #tpu.memory_space<hbm>>
      %dma_wait3A_150 = arith.constant 0 : i32
      %dma_wait3A_151 = tpu.memref_slice %arg5[%arg0, %add3A_121, %dma_wait3A_150] : memref<2x50176x32xf32, #tpu.memory_space<hbm>> -> memref<1x196x32xf32, #tpu.memory_space<hbm>>
      %dma_wait3A_152 = tpu.memref_squeeze %dma_wait3A_151 : memref<1x196x32xf32, #tpu.memory_space<hbm>> -> memref<196x32xf32, #tpu.memory_space<hbm>>
      tpu.wait_dma2 semaphore(%run_scoped3A : memref<!tpu.dma_semaphore, #tpu.memory_space<semaphore_mem>>) src(%arg12 : memref<196x32xf32, #tpu.memory_space<vmem>>) dst(%dma_wait3A_152 : memref<196x32xf32, #tpu.memory_space<hbm>>)
      tpu.yield
    }) : () -> ()
    %add3A_122 = arith.constant 2156 : i32
    %add3A_123 = arith.addi %mul3A_0, %add3A_122 : i32
    "tpu.region"() ({
      %run_scoped3A = tpu.sem_alloc : memref<!tpu.dma_semaphore, #tpu.memory_space<semaphore_mem>>
      %dma_start3A_142 = arith.constant 0 : i32
      %dma_start3A_143 = tpu.memref_slice %arg13[%add3A_123, %dma_start3A_142] : memref<50176x32xf32, #tpu.memory_space<vmem_shared>> -> memref<196x32xf32, #tpu.memory_space<vmem_shared>>
      %dma_start3A_144 = arith.constant 0 : i32
      %dma_start3A_145 = tpu.memref_slice %arg13[%add3A_123, %dma_start3A_144] : memref<50176x32xf32, #tpu.memory_space<vmem_shared>> -> memref<196x32xf32, #tpu.memory_space<vmem_shared>>
      tpu.enqueue_dma source(%dma_start3A_145 : memref<196x32xf32, #tpu.memory_space<vmem_shared>>) target(%arg12 : memref<196x32xf32, #tpu.memory_space<vmem>>) target_semaphore(%run_scoped3A : memref<!tpu.dma_semaphore, #tpu.memory_space<semaphore_mem>>)
      %dma_wait3A = arith.constant 0 : i32
      %dma_wait3A_146 = tpu.memref_slice %arg13[%add3A_123, %dma_wait3A] : memref<50176x32xf32, #tpu.memory_space<vmem_shared>> -> memref<196x32xf32, #tpu.memory_space<vmem_shared>>
      %dma_wait3A_147 = arith.constant 0 : i32
      %dma_wait3A_148 = tpu.memref_slice %arg13[%add3A_123, %dma_wait3A_147] : memref<50176x32xf32, #tpu.memory_space<vmem_shared>> -> memref<196x32xf32, #tpu.memory_space<vmem_shared>>
      tpu.wait_dma2 semaphore(%run_scoped3A : memref<!tpu.dma_semaphore, #tpu.memory_space<semaphore_mem>>) src(%dma_wait3A_148 : memref<196x32xf32, #tpu.memory_space<vmem_shared>>) dst(%arg12 : memref<196x32xf32, #tpu.memory_space<vmem>>)
      tpu.yield
    }) : () -> ()
    %add3A_124 = arith.constant 2156 : i32
    %add3A_125 = arith.addi %mul3A_0, %add3A_124 : i32
    "tpu.region"() ({
      %run_scoped3A = tpu.sem_alloc : memref<!tpu.dma_semaphore, #tpu.memory_space<semaphore_mem>>
      %dma_start3A_142 = arith.constant 0 : i32
      %dma_start3A_143 = tpu.memref_slice %arg5[%arg0, %add3A_125, %dma_start3A_142] : memref<2x50176x32xf32, #tpu.memory_space<hbm>> -> memref<1x196x32xf32, #tpu.memory_space<hbm>>
      %dma_start3A_144 = tpu.memref_squeeze %dma_start3A_143 : memref<1x196x32xf32, #tpu.memory_space<hbm>> -> memref<196x32xf32, #tpu.memory_space<hbm>>
      %dma_start3A_145 = arith.constant 0 : i32
      %dma_start3A_146 = tpu.memref_slice %arg5[%arg0, %add3A_125, %dma_start3A_145] : memref<2x50176x32xf32, #tpu.memory_space<hbm>> -> memref<1x196x32xf32, #tpu.memory_space<hbm>>
      %dma_start3A_147 = tpu.memref_squeeze %dma_start3A_146 : memref<1x196x32xf32, #tpu.memory_space<hbm>> -> memref<196x32xf32, #tpu.memory_space<hbm>>
      tpu.enqueue_dma source(%arg12 : memref<196x32xf32, #tpu.memory_space<vmem>>) target(%dma_start3A_147 : memref<196x32xf32, #tpu.memory_space<hbm>>) target_semaphore(%run_scoped3A : memref<!tpu.dma_semaphore, #tpu.memory_space<semaphore_mem>>)
      %dma_wait3A = arith.constant 0 : i32
      %dma_wait3A_148 = tpu.memref_slice %arg5[%arg0, %add3A_125, %dma_wait3A] : memref<2x50176x32xf32, #tpu.memory_space<hbm>> -> memref<1x196x32xf32, #tpu.memory_space<hbm>>
      %dma_wait3A_149 = tpu.memref_squeeze %dma_wait3A_148 : memref<1x196x32xf32, #tpu.memory_space<hbm>> -> memref<196x32xf32, #tpu.memory_space<hbm>>
      %dma_wait3A_150 = arith.constant 0 : i32
      %dma_wait3A_151 = tpu.memref_slice %arg5[%arg0, %add3A_125, %dma_wait3A_150] : memref<2x50176x32xf32, #tpu.memory_space<hbm>> -> memref<1x196x32xf32, #tpu.memory_space<hbm>>
      %dma_wait3A_152 = tpu.memref_squeeze %dma_wait3A_151 : memref<1x196x32xf32, #tpu.memory_space<hbm>> -> memref<196x32xf32, #tpu.memory_space<hbm>>
      tpu.wait_dma2 semaphore(%run_scoped3A : memref<!tpu.dma_semaphore, #tpu.memory_space<semaphore_mem>>) src(%arg12 : memref<196x32xf32, #tpu.memory_space<vmem>>) dst(%dma_wait3A_152 : memref<196x32xf32, #tpu.memory_space<hbm>>)
      tpu.yield
    }) : () -> ()
    %add3A_126 = arith.constant 2352 : i32
    %add3A_127 = arith.addi %mul3A_0, %add3A_126 : i32
    "tpu.region"() ({
      %run_scoped3A = tpu.sem_alloc : memref<!tpu.dma_semaphore, #tpu.memory_space<semaphore_mem>>
      %dma_start3A_142 = arith.constant 0 : i32
      %dma_start3A_143 = tpu.memref_slice %arg13[%add3A_127, %dma_start3A_142] : memref<50176x32xf32, #tpu.memory_space<vmem_shared>> -> memref<196x32xf32, #tpu.memory_space<vmem_shared>>
      %dma_start3A_144 = arith.constant 0 : i32
      %dma_start3A_145 = tpu.memref_slice %arg13[%add3A_127, %dma_start3A_144] : memref<50176x32xf32, #tpu.memory_space<vmem_shared>> -> memref<196x32xf32, #tpu.memory_space<vmem_shared>>
      tpu.enqueue_dma source(%dma_start3A_145 : memref<196x32xf32, #tpu.memory_space<vmem_shared>>) target(%arg12 : memref<196x32xf32, #tpu.memory_space<vmem>>) target_semaphore(%run_scoped3A : memref<!tpu.dma_semaphore, #tpu.memory_space<semaphore_mem>>)
      %dma_wait3A = arith.constant 0 : i32
      %dma_wait3A_146 = tpu.memref_slice %arg13[%add3A_127, %dma_wait3A] : memref<50176x32xf32, #tpu.memory_space<vmem_shared>> -> memref<196x32xf32, #tpu.memory_space<vmem_shared>>
      %dma_wait3A_147 = arith.constant 0 : i32
      %dma_wait3A_148 = tpu.memref_slice %arg13[%add3A_127, %dma_wait3A_147] : memref<50176x32xf32, #tpu.memory_space<vmem_shared>> -> memref<196x32xf32, #tpu.memory_space<vmem_shared>>
      tpu.wait_dma2 semaphore(%run_scoped3A : memref<!tpu.dma_semaphore, #tpu.memory_space<semaphore_mem>>) src(%dma_wait3A_148 : memref<196x32xf32, #tpu.memory_space<vmem_shared>>) dst(%arg12 : memref<196x32xf32, #tpu.memory_space<vmem>>)
      tpu.yield
    }) : () -> ()
    %add3A_128 = arith.constant 2352 : i32
    %add3A_129 = arith.addi %mul3A_0, %add3A_128 : i32
    "tpu.region"() ({
      %run_scoped3A = tpu.sem_alloc : memref<!tpu.dma_semaphore, #tpu.memory_space<semaphore_mem>>
      %dma_start3A_142 = arith.constant 0 : i32
      %dma_start3A_143 = tpu.memref_slice %arg5[%arg0, %add3A_129, %dma_start3A_142] : memref<2x50176x32xf32, #tpu.memory_space<hbm>> -> memref<1x196x32xf32, #tpu.memory_space<hbm>>
      %dma_start3A_144 = tpu.memref_squeeze %dma_start3A_143 : memref<1x196x32xf32, #tpu.memory_space<hbm>> -> memref<196x32xf32, #tpu.memory_space<hbm>>
      %dma_start3A_145 = arith.constant 0 : i32
      %dma_start3A_146 = tpu.memref_slice %arg5[%arg0, %add3A_129, %dma_start3A_145] : memref<2x50176x32xf32, #tpu.memory_space<hbm>> -> memref<1x196x32xf32, #tpu.memory_space<hbm>>
      %dma_start3A_147 = tpu.memref_squeeze %dma_start3A_146 : memref<1x196x32xf32, #tpu.memory_space<hbm>> -> memref<196x32xf32, #tpu.memory_space<hbm>>
      tpu.enqueue_dma source(%arg12 : memref<196x32xf32, #tpu.memory_space<vmem>>) target(%dma_start3A_147 : memref<196x32xf32, #tpu.memory_space<hbm>>) target_semaphore(%run_scoped3A : memref<!tpu.dma_semaphore, #tpu.memory_space<semaphore_mem>>)
      %dma_wait3A = arith.constant 0 : i32
      %dma_wait3A_148 = tpu.memref_slice %arg5[%arg0, %add3A_129, %dma_wait3A] : memref<2x50176x32xf32, #tpu.memory_space<hbm>> -> memref<1x196x32xf32, #tpu.memory_space<hbm>>
      %dma_wait3A_149 = tpu.memref_squeeze %dma_wait3A_148 : memref<1x196x32xf32, #tpu.memory_space<hbm>> -> memref<196x32xf32, #tpu.memory_space<hbm>>
      %dma_wait3A_150 = arith.constant 0 : i32
      %dma_wait3A_151 = tpu.memref_slice %arg5[%arg0, %add3A_129, %dma_wait3A_150] : memref<2x50176x32xf32, #tpu.memory_space<hbm>> -> memref<1x196x32xf32, #tpu.memory_space<hbm>>
      %dma_wait3A_152 = tpu.memref_squeeze %dma_wait3A_151 : memref<1x196x32xf32, #tpu.memory_space<hbm>> -> memref<196x32xf32, #tpu.memory_space<hbm>>
      tpu.wait_dma2 semaphore(%run_scoped3A : memref<!tpu.dma_semaphore, #tpu.memory_space<semaphore_mem>>) src(%arg12 : memref<196x32xf32, #tpu.memory_space<vmem>>) dst(%dma_wait3A_152 : memref<196x32xf32, #tpu.memory_space<hbm>>)
      tpu.yield
    }) : () -> ()
    %add3A_130 = arith.constant 2548 : i32
    %add3A_131 = arith.addi %mul3A_0, %add3A_130 : i32
    "tpu.region"() ({
      %run_scoped3A = tpu.sem_alloc : memref<!tpu.dma_semaphore, #tpu.memory_space<semaphore_mem>>
      %dma_start3A_142 = arith.constant 0 : i32
      %dma_start3A_143 = tpu.memref_slice %arg13[%add3A_131, %dma_start3A_142] : memref<50176x32xf32, #tpu.memory_space<vmem_shared>> -> memref<196x32xf32, #tpu.memory_space<vmem_shared>>
      %dma_start3A_144 = arith.constant 0 : i32
      %dma_start3A_145 = tpu.memref_slice %arg13[%add3A_131, %dma_start3A_144] : memref<50176x32xf32, #tpu.memory_space<vmem_shared>> -> memref<196x32xf32, #tpu.memory_space<vmem_shared>>
      tpu.enqueue_dma source(%dma_start3A_145 : memref<196x32xf32, #tpu.memory_space<vmem_shared>>) target(%arg12 : memref<196x32xf32, #tpu.memory_space<vmem>>) target_semaphore(%run_scoped3A : memref<!tpu.dma_semaphore, #tpu.memory_space<semaphore_mem>>)
      %dma_wait3A = arith.constant 0 : i32
      %dma_wait3A_146 = tpu.memref_slice %arg13[%add3A_131, %dma_wait3A] : memref<50176x32xf32, #tpu.memory_space<vmem_shared>> -> memref<196x32xf32, #tpu.memory_space<vmem_shared>>
      %dma_wait3A_147 = arith.constant 0 : i32
      %dma_wait3A_148 = tpu.memref_slice %arg13[%add3A_131, %dma_wait3A_147] : memref<50176x32xf32, #tpu.memory_space<vmem_shared>> -> memref<196x32xf32, #tpu.memory_space<vmem_shared>>
      tpu.wait_dma2 semaphore(%run_scoped3A : memref<!tpu.dma_semaphore, #tpu.memory_space<semaphore_mem>>) src(%dma_wait3A_148 : memref<196x32xf32, #tpu.memory_space<vmem_shared>>) dst(%arg12 : memref<196x32xf32, #tpu.memory_space<vmem>>)
      tpu.yield
    }) : () -> ()
    %add3A_132 = arith.constant 2548 : i32
    %add3A_133 = arith.addi %mul3A_0, %add3A_132 : i32
    "tpu.region"() ({
      %run_scoped3A = tpu.sem_alloc : memref<!tpu.dma_semaphore, #tpu.memory_space<semaphore_mem>>
      %dma_start3A_142 = arith.constant 0 : i32
      %dma_start3A_143 = tpu.memref_slice %arg5[%arg0, %add3A_133, %dma_start3A_142] : memref<2x50176x32xf32, #tpu.memory_space<hbm>> -> memref<1x196x32xf32, #tpu.memory_space<hbm>>
      %dma_start3A_144 = tpu.memref_squeeze %dma_start3A_143 : memref<1x196x32xf32, #tpu.memory_space<hbm>> -> memref<196x32xf32, #tpu.memory_space<hbm>>
      %dma_start3A_145 = arith.constant 0 : i32
      %dma_start3A_146 = tpu.memref_slice %arg5[%arg0, %add3A_133, %dma_start3A_145] : memref<2x50176x32xf32, #tpu.memory_space<hbm>> -> memref<1x196x32xf32, #tpu.memory_space<hbm>>
      %dma_start3A_147 = tpu.memref_squeeze %dma_start3A_146 : memref<1x196x32xf32, #tpu.memory_space<hbm>> -> memref<196x32xf32, #tpu.memory_space<hbm>>
      tpu.enqueue_dma source(%arg12 : memref<196x32xf32, #tpu.memory_space<vmem>>) target(%dma_start3A_147 : memref<196x32xf32, #tpu.memory_space<hbm>>) target_semaphore(%run_scoped3A : memref<!tpu.dma_semaphore, #tpu.memory_space<semaphore_mem>>)
      %dma_wait3A = arith.constant 0 : i32
      %dma_wait3A_148 = tpu.memref_slice %arg5[%arg0, %add3A_133, %dma_wait3A] : memref<2x50176x32xf32, #tpu.memory_space<hbm>> -> memref<1x196x32xf32, #tpu.memory_space<hbm>>
      %dma_wait3A_149 = tpu.memref_squeeze %dma_wait3A_148 : memref<1x196x32xf32, #tpu.memory_space<hbm>> -> memref<196x32xf32, #tpu.memory_space<hbm>>
      %dma_wait3A_150 = arith.constant 0 : i32
      %dma_wait3A_151 = tpu.memref_slice %arg5[%arg0, %add3A_133, %dma_wait3A_150] : memref<2x50176x32xf32, #tpu.memory_space<hbm>> -> memref<1x196x32xf32, #tpu.memory_space<hbm>>
      %dma_wait3A_152 = tpu.memref_squeeze %dma_wait3A_151 : memref<1x196x32xf32, #tpu.memory_space<hbm>> -> memref<196x32xf32, #tpu.memory_space<hbm>>
      tpu.wait_dma2 semaphore(%run_scoped3A : memref<!tpu.dma_semaphore, #tpu.memory_space<semaphore_mem>>) src(%arg12 : memref<196x32xf32, #tpu.memory_space<vmem>>) dst(%dma_wait3A_152 : memref<196x32xf32, #tpu.memory_space<hbm>>)
      tpu.yield
    }) : () -> ()
    %add3A_134 = arith.constant 2744 : i32
    %add3A_135 = arith.addi %mul3A_0, %add3A_134 : i32
    "tpu.region"() ({
      %run_scoped3A = tpu.sem_alloc : memref<!tpu.dma_semaphore, #tpu.memory_space<semaphore_mem>>
      %dma_start3A_142 = arith.constant 0 : i32
      %dma_start3A_143 = tpu.memref_slice %arg13[%add3A_135, %dma_start3A_142] : memref<50176x32xf32, #tpu.memory_space<vmem_shared>> -> memref<196x32xf32, #tpu.memory_space<vmem_shared>>
      %dma_start3A_144 = arith.constant 0 : i32
      %dma_start3A_145 = tpu.memref_slice %arg13[%add3A_135, %dma_start3A_144] : memref<50176x32xf32, #tpu.memory_space<vmem_shared>> -> memref<196x32xf32, #tpu.memory_space<vmem_shared>>
      tpu.enqueue_dma source(%dma_start3A_145 : memref<196x32xf32, #tpu.memory_space<vmem_shared>>) target(%arg12 : memref<196x32xf32, #tpu.memory_space<vmem>>) target_semaphore(%run_scoped3A : memref<!tpu.dma_semaphore, #tpu.memory_space<semaphore_mem>>)
      %dma_wait3A = arith.constant 0 : i32
      %dma_wait3A_146 = tpu.memref_slice %arg13[%add3A_135, %dma_wait3A] : memref<50176x32xf32, #tpu.memory_space<vmem_shared>> -> memref<196x32xf32, #tpu.memory_space<vmem_shared>>
      %dma_wait3A_147 = arith.constant 0 : i32
      %dma_wait3A_148 = tpu.memref_slice %arg13[%add3A_135, %dma_wait3A_147] : memref<50176x32xf32, #tpu.memory_space<vmem_shared>> -> memref<196x32xf32, #tpu.memory_space<vmem_shared>>
      tpu.wait_dma2 semaphore(%run_scoped3A : memref<!tpu.dma_semaphore, #tpu.memory_space<semaphore_mem>>) src(%dma_wait3A_148 : memref<196x32xf32, #tpu.memory_space<vmem_shared>>) dst(%arg12 : memref<196x32xf32, #tpu.memory_space<vmem>>)
      tpu.yield
    }) : () -> ()
    %add3A_136 = arith.constant 2744 : i32
    %add3A_137 = arith.addi %mul3A_0, %add3A_136 : i32
    "tpu.region"() ({
      %run_scoped3A = tpu.sem_alloc : memref<!tpu.dma_semaphore, #tpu.memory_space<semaphore_mem>>
      %dma_start3A_142 = arith.constant 0 : i32
      %dma_start3A_143 = tpu.memref_slice %arg5[%arg0, %add3A_137, %dma_start3A_142] : memref<2x50176x32xf32, #tpu.memory_space<hbm>> -> memref<1x196x32xf32, #tpu.memory_space<hbm>>
      %dma_start3A_144 = tpu.memref_squeeze %dma_start3A_143 : memref<1x196x32xf32, #tpu.memory_space<hbm>> -> memref<196x32xf32, #tpu.memory_space<hbm>>
      %dma_start3A_145 = arith.constant 0 : i32
      %dma_start3A_146 = tpu.memref_slice %arg5[%arg0, %add3A_137, %dma_start3A_145] : memref<2x50176x32xf32, #tpu.memory_space<hbm>> -> memref<1x196x32xf32, #tpu.memory_space<hbm>>
      %dma_start3A_147 = tpu.memref_squeeze %dma_start3A_146 : memref<1x196x32xf32, #tpu.memory_space<hbm>> -> memref<196x32xf32, #tpu.memory_space<hbm>>
      tpu.enqueue_dma source(%arg12 : memref<196x32xf32, #tpu.memory_space<vmem>>) target(%dma_start3A_147 : memref<196x32xf32, #tpu.memory_space<hbm>>) target_semaphore(%run_scoped3A : memref<!tpu.dma_semaphore, #tpu.memory_space<semaphore_mem>>)
      %dma_wait3A = arith.constant 0 : i32
      %dma_wait3A_148 = tpu.memref_slice %arg5[%arg0, %add3A_137, %dma_wait3A] : memref<2x50176x32xf32, #tpu.memory_space<hbm>> -> memref<1x196x32xf32, #tpu.memory_space<hbm>>
      %dma_wait3A_149 = tpu.memref_squeeze %dma_wait3A_148 : memref<1x196x32xf32, #tpu.memory_space<hbm>> -> memref<196x32xf32, #tpu.memory_space<hbm>>
      %dma_wait3A_150 = arith.constant 0 : i32
      %dma_wait3A_151 = tpu.memref_slice %arg5[%arg0, %add3A_137, %dma_wait3A_150] : memref<2x50176x32xf32, #tpu.memory_space<hbm>> -> memref<1x196x32xf32, #tpu.memory_space<hbm>>
      %dma_wait3A_152 = tpu.memref_squeeze %dma_wait3A_151 : memref<1x196x32xf32, #tpu.memory_space<hbm>> -> memref<196x32xf32, #tpu.memory_space<hbm>>
      tpu.wait_dma2 semaphore(%run_scoped3A : memref<!tpu.dma_semaphore, #tpu.memory_space<semaphore_mem>>) src(%arg12 : memref<196x32xf32, #tpu.memory_space<vmem>>) dst(%dma_wait3A_152 : memref<196x32xf32, #tpu.memory_space<hbm>>)
      tpu.yield
    }) : () -> ()
    %add3A_138 = arith.constant 2940 : i32
    %add3A_139 = arith.addi %mul3A_0, %add3A_138 : i32
    "tpu.region"() ({
      %run_scoped3A = tpu.sem_alloc : memref<!tpu.dma_semaphore, #tpu.memory_space<semaphore_mem>>
      %dma_start3A_142 = arith.constant 0 : i32
      %dma_start3A_143 = tpu.memref_slice %arg13[%add3A_139, %dma_start3A_142] : memref<50176x32xf32, #tpu.memory_space<vmem_shared>> -> memref<196x32xf32, #tpu.memory_space<vmem_shared>>
      %dma_start3A_144 = arith.constant 0 : i32
      %dma_start3A_145 = tpu.memref_slice %arg13[%add3A_139, %dma_start3A_144] : memref<50176x32xf32, #tpu.memory_space<vmem_shared>> -> memref<196x32xf32, #tpu.memory_space<vmem_shared>>
      tpu.enqueue_dma source(%dma_start3A_145 : memref<196x32xf32, #tpu.memory_space<vmem_shared>>) target(%arg12 : memref<196x32xf32, #tpu.memory_space<vmem>>) target_semaphore(%run_scoped3A : memref<!tpu.dma_semaphore, #tpu.memory_space<semaphore_mem>>)
      %dma_wait3A = arith.constant 0 : i32
      %dma_wait3A_146 = tpu.memref_slice %arg13[%add3A_139, %dma_wait3A] : memref<50176x32xf32, #tpu.memory_space<vmem_shared>> -> memref<196x32xf32, #tpu.memory_space<vmem_shared>>
      %dma_wait3A_147 = arith.constant 0 : i32
      %dma_wait3A_148 = tpu.memref_slice %arg13[%add3A_139, %dma_wait3A_147] : memref<50176x32xf32, #tpu.memory_space<vmem_shared>> -> memref<196x32xf32, #tpu.memory_space<vmem_shared>>
      tpu.wait_dma2 semaphore(%run_scoped3A : memref<!tpu.dma_semaphore, #tpu.memory_space<semaphore_mem>>) src(%dma_wait3A_148 : memref<196x32xf32, #tpu.memory_space<vmem_shared>>) dst(%arg12 : memref<196x32xf32, #tpu.memory_space<vmem>>)
      tpu.yield
    }) : () -> ()
    %add3A_140 = arith.constant 2940 : i32
    %add3A_141 = arith.addi %mul3A_0, %add3A_140 : i32
    "tpu.region"() ({
      %run_scoped3A = tpu.sem_alloc : memref<!tpu.dma_semaphore, #tpu.memory_space<semaphore_mem>>
      %dma_start3A_142 = arith.constant 0 : i32
      %dma_start3A_143 = tpu.memref_slice %arg5[%arg0, %add3A_141, %dma_start3A_142] : memref<2x50176x32xf32, #tpu.memory_space<hbm>> -> memref<1x196x32xf32, #tpu.memory_space<hbm>>
      %dma_start3A_144 = tpu.memref_squeeze %dma_start3A_143 : memref<1x196x32xf32, #tpu.memory_space<hbm>> -> memref<196x32xf32, #tpu.memory_space<hbm>>
      %dma_start3A_145 = arith.constant 0 : i32
      %dma_start3A_146 = tpu.memref_slice %arg5[%arg0, %add3A_141, %dma_start3A_145] : memref<2x50176x32xf32, #tpu.memory_space<hbm>> -> memref<1x196x32xf32, #tpu.memory_space<hbm>>
      %dma_start3A_147 = tpu.memref_squeeze %dma_start3A_146 : memref<1x196x32xf32, #tpu.memory_space<hbm>> -> memref<196x32xf32, #tpu.memory_space<hbm>>
      tpu.enqueue_dma source(%arg12 : memref<196x32xf32, #tpu.memory_space<vmem>>) target(%dma_start3A_147 : memref<196x32xf32, #tpu.memory_space<hbm>>) target_semaphore(%run_scoped3A : memref<!tpu.dma_semaphore, #tpu.memory_space<semaphore_mem>>)
      %dma_wait3A = arith.constant 0 : i32
      %dma_wait3A_148 = tpu.memref_slice %arg5[%arg0, %add3A_141, %dma_wait3A] : memref<2x50176x32xf32, #tpu.memory_space<hbm>> -> memref<1x196x32xf32, #tpu.memory_space<hbm>>
      %dma_wait3A_149 = tpu.memref_squeeze %dma_wait3A_148 : memref<1x196x32xf32, #tpu.memory_space<hbm>> -> memref<196x32xf32, #tpu.memory_space<hbm>>
      %dma_wait3A_150 = arith.constant 0 : i32
      %dma_wait3A_151 = tpu.memref_slice %arg5[%arg0, %add3A_141, %dma_wait3A_150] : memref<2x50176x32xf32, #tpu.memory_space<hbm>> -> memref<1x196x32xf32, #tpu.memory_space<hbm>>
      %dma_wait3A_152 = tpu.memref_squeeze %dma_wait3A_151 : memref<1x196x32xf32, #tpu.memory_space<hbm>> -> memref<196x32xf32, #tpu.memory_space<hbm>>
      tpu.wait_dma2 semaphore(%run_scoped3A : memref<!tpu.dma_semaphore, #tpu.memory_space<semaphore_mem>>) src(%arg12 : memref<196x32xf32, #tpu.memory_space<vmem>>) dst(%dma_wait3A_152 : memref<196x32xf32, #tpu.memory_space<hbm>>)
      tpu.yield
    }) : () -> ()
    return
  }
}

#map = affine_map<(d0, d1) -> (0, 0, 0)>
#map1 = affine_map<(d0, d1) -> (0, 0)>
module attributes {stable_mosaic.version = 14 : i64} {
  func.func @_sc_degree(%arg0: i32, %arg1: i32, %arg2: memref<2x6272x128xi32, #tpu.memory_space<hbm>>, %arg3: memref<32x50176xf32, #tpu.memory_space<hbm>>, %arg4: memref<196x128xi32, #tpu.memory_space<vmem>>, %arg5: memref<50176xf32, #tpu.memory_space<vmem>>) attributes {dimension_semantics = [#tpu.dimension_semantics<core_parallel>, #tpu.dimension_semantics<subcore_parallel>], iteration_bounds = array<i64: 2, 16>, scalar_prefetch = 0 : i64, scratch_operands = 2 : i64, tpu.core_type = #tpu.core_type<sc_vector_subcore>, window_params = [{transform_indices = #map}, {transform_indices = #map1}]} {
    %mul3A = arith.constant 16 : i32
    %mul3A_0 = arith.muli %arg0, %mul3A : i32
    %add3A = arith.addi %mul3A_0, %arg1 : i32
    %mul3A_1 = arith.constant 3136 : i32
    %mul3A_2 = arith.muli %arg0, %mul3A_1 : i32
    %mul3A_3 = arith.constant 196 : i32
    %mul3A_4 = arith.muli %arg1, %mul3A_3 : i32
    %add3A_5 = arith.addi %mul3A_2, %mul3A_4 : i32
    %run_scoped3A = arith.constant 1 : i32
    "tpu.region"() ({
      %run_scoped3A_20 = tpu.sem_alloc : memref<!tpu.dma_semaphore, #tpu.memory_space<semaphore_mem>>
      %dma_start3A = arith.constant 0 : i32
      %dma_start3A_21 = tpu.memref_slice %arg2[%run_scoped3A, %add3A_5, %dma_start3A] : memref<2x6272x128xi32, #tpu.memory_space<hbm>> -> memref<1x196x128xi32, #tpu.memory_space<hbm>>
      %dma_start3A_22 = tpu.memref_squeeze %dma_start3A_21 : memref<1x196x128xi32, #tpu.memory_space<hbm>> -> memref<196x128xi32, #tpu.memory_space<hbm>>
      %dma_start3A_23 = arith.constant 0 : i32
      %dma_start3A_24 = tpu.memref_slice %arg2[%run_scoped3A, %add3A_5, %dma_start3A_23] : memref<2x6272x128xi32, #tpu.memory_space<hbm>> -> memref<1x196x128xi32, #tpu.memory_space<hbm>>
      %dma_start3A_25 = tpu.memref_squeeze %dma_start3A_24 : memref<1x196x128xi32, #tpu.memory_space<hbm>> -> memref<196x128xi32, #tpu.memory_space<hbm>>
      tpu.enqueue_dma source(%dma_start3A_25 : memref<196x128xi32, #tpu.memory_space<hbm>>) target(%arg4 : memref<196x128xi32, #tpu.memory_space<vmem>>) target_semaphore(%run_scoped3A_20 : memref<!tpu.dma_semaphore, #tpu.memory_space<semaphore_mem>>)
      %dma_wait3A = arith.constant 0 : i32
      %dma_wait3A_26 = tpu.memref_slice %arg2[%run_scoped3A, %add3A_5, %dma_wait3A] : memref<2x6272x128xi32, #tpu.memory_space<hbm>> -> memref<1x196x128xi32, #tpu.memory_space<hbm>>
      %dma_wait3A_27 = tpu.memref_squeeze %dma_wait3A_26 : memref<1x196x128xi32, #tpu.memory_space<hbm>> -> memref<196x128xi32, #tpu.memory_space<hbm>>
      %dma_wait3A_28 = arith.constant 0 : i32
      %dma_wait3A_29 = tpu.memref_slice %arg2[%run_scoped3A, %add3A_5, %dma_wait3A_28] : memref<2x6272x128xi32, #tpu.memory_space<hbm>> -> memref<1x196x128xi32, #tpu.memory_space<hbm>>
      %dma_wait3A_30 = tpu.memref_squeeze %dma_wait3A_29 : memref<1x196x128xi32, #tpu.memory_space<hbm>> -> memref<196x128xi32, #tpu.memory_space<hbm>>
      tpu.wait_dma2 semaphore(%run_scoped3A_20 : memref<!tpu.dma_semaphore, #tpu.memory_space<semaphore_mem>>) src(%dma_wait3A_30 : memref<196x128xi32, #tpu.memory_space<hbm>>) dst(%arg4 : memref<196x128xi32, #tpu.memory_space<vmem>>)
      tpu.yield
    }) : () -> ()
    %broadcast_in_dim3A = arith.constant 0.000000e+00 : f32
    %broadcast_in_dim3A_6 = vector.broadcast %broadcast_in_dim3A : f32 to vector<16xf32>
    %scan3A = arith.constant 0 : i32
    %scan3A_7 = arith.constant 0 : i32
    %scan3A_8 = arith.constant 3136 : i32
    %scan3A_9 = arith.addi %scan3A_7, %scan3A_8 : i32
    %scan3A_10 = arith.constant 1 : i32
    scf.for %scan3A_20 = %scan3A_7 to %scan3A_9 step %scan3A_10  : i32 {
      %mul3A_21 = arith.constant 16 : i32
      %mul3A_22 = arith.muli %scan3A_20, %mul3A_21 : i32
      %swap3A = arith.index_cast %mul3A_22 : i32 to index
      %swap3A_23 = tpu.vector_load %arg5[%swap3A] {strides = array<i32>} : memref<50176xf32, #tpu.memory_space<vmem>>, vector<16xf32>,
      tpu.vector_store %arg5[%swap3A], %broadcast_in_dim3A_6 {strides = array<i32>} : memref<50176xf32, #tpu.memory_space<vmem>>, vector<16xf32>,
    }
    %scan3A_11 = arith.constant 3136 : i32
    %broadcast_in_dim3A_12 = arith.constant 1.000000e+00 : f32
    %broadcast_in_dim3A_13 = vector.broadcast %broadcast_in_dim3A_12 : f32 to vector<16xf32>
    %scan3A_14 = arith.constant 0 : i32
    %scan3A_15 = arith.constant 0 : i32
    %scan3A_16 = arith.constant 196 : i32
    %scan3A_17 = arith.addi %scan3A_15, %scan3A_16 : i32
    %scan3A_18 = arith.constant 1 : i32
    scf.for %scan3A_20 = %scan3A_15 to %scan3A_17 step %scan3A_18  : i32 {
      %get3A = arith.index_cast %scan3A_20 : i32 to index
      %get3A_21 = arith.constant 0 : index
      %get3A_22 = tpu.vector_load %arg4[%get3A, %get3A_21] {strides = array<i32>} : memref<196x128xi32, #tpu.memory_space<vmem>>, vector<16xi32>,
      tpu.vector_store_idx %arg5[%get3A_22], %broadcast_in_dim3A_13 {add = true} : memref<50176xf32, #tpu.memory_space<vmem>>[vector<16xi32>], vector<16xf32>,
      %get3A_23 = arith.index_cast %scan3A_20 : i32 to index
      %get3A_24 = arith.constant 16 : index
      %get3A_25 = tpu.vector_load %arg4[%get3A_23, %get3A_24] {strides = array<i32>} : memref<196x128xi32, #tpu.memory_space<vmem>>, vector<16xi32>,
      tpu.vector_store_idx %arg5[%get3A_25], %broadcast_in_dim3A_13 {add = true} : memref<50176xf32, #tpu.memory_space<vmem>>[vector<16xi32>], vector<16xf32>,
      %get3A_26 = arith.index_cast %scan3A_20 : i32 to index
      %get3A_27 = arith.constant 32 : index
      %get3A_28 = tpu.vector_load %arg4[%get3A_26, %get3A_27] {strides = array<i32>} : memref<196x128xi32, #tpu.memory_space<vmem>>, vector<16xi32>,
      tpu.vector_store_idx %arg5[%get3A_28], %broadcast_in_dim3A_13 {add = true} : memref<50176xf32, #tpu.memory_space<vmem>>[vector<16xi32>], vector<16xf32>,
      %get3A_29 = arith.index_cast %scan3A_20 : i32 to index
      %get3A_30 = arith.constant 48 : index
      %get3A_31 = tpu.vector_load %arg4[%get3A_29, %get3A_30] {strides = array<i32>} : memref<196x128xi32, #tpu.memory_space<vmem>>, vector<16xi32>,
      tpu.vector_store_idx %arg5[%get3A_31], %broadcast_in_dim3A_13 {add = true} : memref<50176xf32, #tpu.memory_space<vmem>>[vector<16xi32>], vector<16xf32>,
      %get3A_32 = arith.index_cast %scan3A_20 : i32 to index
      %get3A_33 = arith.constant 64 : index
      %get3A_34 = tpu.vector_load %arg4[%get3A_32, %get3A_33] {strides = array<i32>} : memref<196x128xi32, #tpu.memory_space<vmem>>, vector<16xi32>,
      tpu.vector_store_idx %arg5[%get3A_34], %broadcast_in_dim3A_13 {add = true} : memref<50176xf32, #tpu.memory_space<vmem>>[vector<16xi32>], vector<16xf32>,
      %get3A_35 = arith.index_cast %scan3A_20 : i32 to index
      %get3A_36 = arith.constant 80 : index
      %get3A_37 = tpu.vector_load %arg4[%get3A_35, %get3A_36] {strides = array<i32>} : memref<196x128xi32, #tpu.memory_space<vmem>>, vector<16xi32>,
      tpu.vector_store_idx %arg5[%get3A_37], %broadcast_in_dim3A_13 {add = true} : memref<50176xf32, #tpu.memory_space<vmem>>[vector<16xi32>], vector<16xf32>,
      %get3A_38 = arith.index_cast %scan3A_20 : i32 to index
      %get3A_39 = arith.constant 96 : index
      %get3A_40 = tpu.vector_load %arg4[%get3A_38, %get3A_39] {strides = array<i32>} : memref<196x128xi32, #tpu.memory_space<vmem>>, vector<16xi32>,
      tpu.vector_store_idx %arg5[%get3A_40], %broadcast_in_dim3A_13 {add = true} : memref<50176xf32, #tpu.memory_space<vmem>>[vector<16xi32>], vector<16xf32>,
      %get3A_41 = arith.index_cast %scan3A_20 : i32 to index
      %get3A_42 = arith.constant 112 : index
      %get3A_43 = tpu.vector_load %arg4[%get3A_41, %get3A_42] {strides = array<i32>} : memref<196x128xi32, #tpu.memory_space<vmem>>, vector<16xi32>,
      tpu.vector_store_idx %arg5[%get3A_43], %broadcast_in_dim3A_13 {add = true} : memref<50176xf32, #tpu.memory_space<vmem>>[vector<16xi32>], vector<16xf32>,
    }
    %scan3A_19 = arith.constant 196 : i32
    "tpu.region"() ({
      %run_scoped3A_20 = tpu.sem_alloc : memref<!tpu.dma_semaphore, #tpu.memory_space<semaphore_mem>>
      %dma_start3A = arith.constant 0 : i32
      %dma_start3A_21 = tpu.memref_slice %arg3[%add3A, %dma_start3A] : memref<32x50176xf32, #tpu.memory_space<hbm>> -> memref<1x50176xf32, #tpu.memory_space<hbm>>
      %dma_start3A_22 = tpu.memref_squeeze %dma_start3A_21 : memref<1x50176xf32, #tpu.memory_space<hbm>> -> memref<50176xf32, #tpu.memory_space<hbm>>
      %dma_start3A_23 = arith.constant 0 : i32
      %dma_start3A_24 = tpu.memref_slice %arg3[%add3A, %dma_start3A_23] : memref<32x50176xf32, #tpu.memory_space<hbm>> -> memref<1x50176xf32, #tpu.memory_space<hbm>>
      %dma_start3A_25 = tpu.memref_squeeze %dma_start3A_24 : memref<1x50176xf32, #tpu.memory_space<hbm>> -> memref<50176xf32, #tpu.memory_space<hbm>>
      tpu.enqueue_dma source(%arg5 : memref<50176xf32, #tpu.memory_space<vmem>>) target(%dma_start3A_25 : memref<50176xf32, #tpu.memory_space<hbm>>) target_semaphore(%run_scoped3A_20 : memref<!tpu.dma_semaphore, #tpu.memory_space<semaphore_mem>>)
      %dma_wait3A = arith.constant 0 : i32
      %dma_wait3A_26 = tpu.memref_slice %arg3[%add3A, %dma_wait3A] : memref<32x50176xf32, #tpu.memory_space<hbm>> -> memref<1x50176xf32, #tpu.memory_space<hbm>>
      %dma_wait3A_27 = tpu.memref_squeeze %dma_wait3A_26 : memref<1x50176xf32, #tpu.memory_space<hbm>> -> memref<50176xf32, #tpu.memory_space<hbm>>
      %dma_wait3A_28 = arith.constant 0 : i32
      %dma_wait3A_29 = tpu.memref_slice %arg3[%add3A, %dma_wait3A_28] : memref<32x50176xf32, #tpu.memory_space<hbm>> -> memref<1x50176xf32, #tpu.memory_space<hbm>>
      %dma_wait3A_30 = tpu.memref_squeeze %dma_wait3A_29 : memref<1x50176xf32, #tpu.memory_space<hbm>> -> memref<50176xf32, #tpu.memory_space<hbm>>
      tpu.wait_dma2 semaphore(%run_scoped3A_20 : memref<!tpu.dma_semaphore, #tpu.memory_space<semaphore_mem>>) src(%arg5 : memref<50176xf32, #tpu.memory_space<vmem>>) dst(%dma_wait3A_30 : memref<50176xf32, #tpu.memory_space<hbm>>)
      tpu.yield
    }) : () -> ()
    return
  }
}

#map = affine_map<(d0, d1) -> (0, 0, 0)>
#map1 = affine_map<(d0, d1) -> (0, 0)>
module attributes {stable_mosaic.version = 14 : i64} {
  func.func @_sc_prop(%arg0: i32, %arg1: i32, %arg2: memref<2x6272x128xi32, #tpu.memory_space<hbm>>, %arg3: memref<50176x32xf32, #tpu.memory_space<hbm>>, %arg4: memref<196x32xf32, #tpu.memory_space<hbm>>, %arg5: memref<2x50176x32xf32, #tpu.memory_space<hbm>>, %arg6: memref<2x14x128xi32, #tpu.memory_space<vmem>>, %arg7: memref<2x14x128xi32, #tpu.memory_space<vmem>>, %arg8: memref<128x32xf32, #tpu.memory_space<vmem>>, %arg9: memref<128x32xf32, #tpu.memory_space<vmem>>, %arg10: memref<128x32xf32, #tpu.memory_space<vmem>>, %arg11: memref<128x32xf32, #tpu.memory_space<vmem>>, %arg12: memref<196x32xf32, #tpu.memory_space<vmem>>, %arg13: memref<50176x32xf32, #tpu.memory_space<vmem_shared>>, %arg14: memref<!tpu.dma_semaphore, #tpu.memory_space<semaphore_mem>>, %arg15: memref<!tpu.dma_semaphore, #tpu.memory_space<semaphore_mem>>, %arg16: memref<!tpu.dma_semaphore, #tpu.memory_space<semaphore_mem>>, %arg17: memref<!tpu.dma_semaphore, #tpu.memory_space<semaphore_mem>>, %arg18: memref<!tpu.dma_semaphore, #tpu.memory_space<semaphore_mem>>, %arg19: memref<!tpu.dma_semaphore, #tpu.memory_space<semaphore_mem>>, %arg20: memref<!tpu.dma_semaphore, #tpu.memory_space<semaphore_mem>>, %arg21: memref<!tpu.dma_semaphore, #tpu.memory_space<semaphore_mem>>, %arg22: memref<!tpu.dma_semaphore, #tpu.memory_space<semaphore_mem>>) attributes {dimension_semantics = [#tpu.dimension_semantics<core_parallel>, #tpu.dimension_semantics<subcore_parallel>], iteration_bounds = array<i64: 2, 16>, scalar_prefetch = 0 : i64, scratch_operands = 17 : i64, tpu.core_type = #tpu.core_type<sc_vector_subcore>, window_params = [{transform_indices = #map}, {transform_indices = #map1}, {transform_indices = #map1}, {transform_indices = #map}]} {
    %mul3A = arith.constant 3136 : i32
    %mul3A_0 = arith.muli %arg1, %mul3A : i32
    %mul3A_1 = arith.constant 3136 : i32
    %mul3A_2 = arith.muli %arg0, %mul3A_1 : i32
    %mul3A_3 = arith.constant 196 : i32
    %mul3A_4 = arith.muli %arg1, %mul3A_3 : i32
    %add3A = arith.addi %mul3A_2, %mul3A_4 : i32
    %add3A_5 = arith.constant 0 : i32
    %add3A_6 = arith.addi %add3A, %add3A_5 : i32
    %dma_start3A = arith.constant 0 : i32
    %dma_start3A_7 = arith.constant 0 : i32
    %dma_start3A_8 = arith.constant 0 : i32
    %dma_start3A_9 = arith.constant 0 : i32
    %dma_start3A_10 = tpu.memref_slice %arg6[%dma_start3A_7, %dma_start3A_8, %dma_start3A_9] : memref<2x14x128xi32, #tpu.memory_space<vmem>> -> memref<1x14x128xi32, #tpu.memory_space<vmem>>
    %dma_start3A_11 = tpu.memref_squeeze %dma_start3A_10 : memref<1x14x128xi32, #tpu.memory_space<vmem>> -> memref<14x128xi32, #tpu.memory_space<vmem>>
    %dma_start3A_12 = arith.constant 0 : i32
    %dma_start3A_13 = tpu.memref_slice %arg2[%dma_start3A, %add3A_6, %dma_start3A_12] : memref<2x6272x128xi32, #tpu.memory_space<hbm>> -> memref<1x14x128xi32, #tpu.memory_space<hbm>>
    %dma_start3A_14 = tpu.memref_squeeze %dma_start3A_13 : memref<1x14x128xi32, #tpu.memory_space<hbm>> -> memref<14x128xi32, #tpu.memory_space<hbm>>
    %dma_start3A_15 = arith.constant 0 : i32
    %dma_start3A_16 = arith.constant 0 : i32
    %dma_start3A_17 = tpu.memref_slice %arg6[%dma_start3A_7, %dma_start3A_15, %dma_start3A_16] : memref<2x14x128xi32, #tpu.memory_space<vmem>> -> memref<1x14x128xi32, #tpu.memory_space<vmem>>
    %dma_start3A_18 = tpu.memref_squeeze %dma_start3A_17 : memref<1x14x128xi32, #tpu.memory_space<vmem>> -> memref<14x128xi32, #tpu.memory_space<vmem>>
    %dma_start3A_19 = arith.constant 0 : i32
    %dma_start3A_20 = tpu.memref_slice %arg2[%dma_start3A, %add3A_6, %dma_start3A_19] : memref<2x6272x128xi32, #tpu.memory_space<hbm>> -> memref<1x14x128xi32, #tpu.memory_space<hbm>>
    %dma_start3A_21 = tpu.memref_squeeze %dma_start3A_20 : memref<1x14x128xi32, #tpu.memory_space<hbm>> -> memref<14x128xi32, #tpu.memory_space<hbm>>
    tpu.enqueue_dma source(%dma_start3A_21 : memref<14x128xi32, #tpu.memory_space<hbm>>) target(%dma_start3A_18 : memref<14x128xi32, #tpu.memory_space<vmem>>) target_semaphore(%arg14 : memref<!tpu.dma_semaphore, #tpu.memory_space<semaphore_mem>>)
    %add3A_22 = arith.constant 0 : i32
    %add3A_23 = arith.addi %add3A, %add3A_22 : i32
    %dma_start3A_24 = arith.constant 1 : i32
    %dma_start3A_25 = arith.constant 0 : i32
    %dma_start3A_26 = arith.constant 0 : i32
    %dma_start3A_27 = arith.constant 0 : i32
    %dma_start3A_28 = tpu.memref_slice %arg7[%dma_start3A_25, %dma_start3A_26, %dma_start3A_27] : memref<2x14x128xi32, #tpu.memory_space<vmem>> -> memref<1x14x128xi32, #tpu.memory_space<vmem>>
    %dma_start3A_29 = tpu.memref_squeeze %dma_start3A_28 : memref<1x14x128xi32, #tpu.memory_space<vmem>> -> memref<14x128xi32, #tpu.memory_space<vmem>>
    %dma_start3A_30 = arith.constant 0 : i32
    %dma_start3A_31 = tpu.memref_slice %arg2[%dma_start3A_24, %add3A_23, %dma_start3A_30] : memref<2x6272x128xi32, #tpu.memory_space<hbm>> -> memref<1x14x128xi32, #tpu.memory_space<hbm>>
    %dma_start3A_32 = tpu.memref_squeeze %dma_start3A_31 : memref<1x14x128xi32, #tpu.memory_space<hbm>> -> memref<14x128xi32, #tpu.memory_space<hbm>>
    %dma_start3A_33 = arith.constant 0 : i32
    %dma_start3A_34 = arith.constant 0 : i32
    %dma_start3A_35 = tpu.memref_slice %arg7[%dma_start3A_25, %dma_start3A_33, %dma_start3A_34] : memref<2x14x128xi32, #tpu.memory_space<vmem>> -> memref<1x14x128xi32, #tpu.memory_space<vmem>>
    %dma_start3A_36 = tpu.memref_squeeze %dma_start3A_35 : memref<1x14x128xi32, #tpu.memory_space<vmem>> -> memref<14x128xi32, #tpu.memory_space<vmem>>
    %dma_start3A_37 = arith.constant 0 : i32
    %dma_start3A_38 = tpu.memref_slice %arg2[%dma_start3A_24, %add3A_23, %dma_start3A_37] : memref<2x6272x128xi32, #tpu.memory_space<hbm>> -> memref<1x14x128xi32, #tpu.memory_space<hbm>>
    %dma_start3A_39 = tpu.memref_squeeze %dma_start3A_38 : memref<1x14x128xi32, #tpu.memory_space<hbm>> -> memref<14x128xi32, #tpu.memory_space<hbm>>
    tpu.enqueue_dma source(%dma_start3A_39 : memref<14x128xi32, #tpu.memory_space<hbm>>) target(%dma_start3A_36 : memref<14x128xi32, #tpu.memory_space<vmem>>) target_semaphore(%arg14 : memref<!tpu.dma_semaphore, #tpu.memory_space<semaphore_mem>>)
    "tpu.region"() ({
      %run_scoped3A = tpu.sem_alloc : memref<!tpu.dma_semaphore, #tpu.memory_space<semaphore_mem>>
      tpu.enqueue_dma source(%arg4 : memref<196x32xf32, #tpu.memory_space<hbm>>) target(%arg12 : memref<196x32xf32, #tpu.memory_space<vmem>>) target_semaphore(%run_scoped3A : memref<!tpu.dma_semaphore, #tpu.memory_space<semaphore_mem>>)
      tpu.wait_dma2 semaphore(%run_scoped3A : memref<!tpu.dma_semaphore, #tpu.memory_space<semaphore_mem>>) src(%arg4 : memref<196x32xf32, #tpu.memory_space<hbm>>) dst(%arg12 : memref<196x32xf32, #tpu.memory_space<vmem>>)
      tpu.yield
    }) : () -> ()
    %add3A_40 = arith.constant 0 : i32
    %add3A_41 = arith.addi %mul3A_0, %add3A_40 : i32
    "tpu.region"() ({
      %run_scoped3A = tpu.sem_alloc : memref<!tpu.dma_semaphore, #tpu.memory_space<semaphore_mem>>
      %dma_start3A_142 = arith.constant 0 : i32
      %dma_start3A_143 = tpu.memref_slice %arg13[%add3A_41, %dma_start3A_142] : memref<50176x32xf32, #tpu.memory_space<vmem_shared>> -> memref<196x32xf32, #tpu.memory_space<vmem_shared>>
      %dma_start3A_144 = arith.constant 0 : i32
      %dma_start3A_145 = tpu.memref_slice %arg13[%add3A_41, %dma_start3A_144] : memref<50176x32xf32, #tpu.memory_space<vmem_shared>> -> memref<196x32xf32, #tpu.memory_space<vmem_shared>>
      tpu.enqueue_dma source(%arg12 : memref<196x32xf32, #tpu.memory_space<vmem>>) target(%dma_start3A_145 : memref<196x32xf32, #tpu.memory_space<vmem_shared>>) target_semaphore(%run_scoped3A : memref<!tpu.dma_semaphore, #tpu.memory_space<semaphore_mem>>)
      %dma_wait3A = arith.constant 0 : i32
      %dma_wait3A_146 = tpu.memref_slice %arg13[%add3A_41, %dma_wait3A] : memref<50176x32xf32, #tpu.memory_space<vmem_shared>> -> memref<196x32xf32, #tpu.memory_space<vmem_shared>>
      %dma_wait3A_147 = arith.constant 0 : i32
      %dma_wait3A_148 = tpu.memref_slice %arg13[%add3A_41, %dma_wait3A_147] : memref<50176x32xf32, #tpu.memory_space<vmem_shared>> -> memref<196x32xf32, #tpu.memory_space<vmem_shared>>
      tpu.wait_dma2 semaphore(%run_scoped3A : memref<!tpu.dma_semaphore, #tpu.memory_space<semaphore_mem>>) src(%arg12 : memref<196x32xf32, #tpu.memory_space<vmem>>) dst(%dma_wait3A_148 : memref<196x32xf32, #tpu.memory_space<vmem_shared>>)
      tpu.yield
    }) : () -> ()
    %add3A_42 = arith.constant 196 : i32
    %add3A_43 = arith.addi %mul3A_0, %add3A_42 : i32
    "tpu.region"() ({
      %run_scoped3A = tpu.sem_alloc : memref<!tpu.dma_semaphore, #tpu.memory_space<semaphore_mem>>
      %dma_start3A_142 = arith.constant 0 : i32
      %dma_start3A_143 = tpu.memref_slice %arg13[%add3A_43, %dma_start3A_142] : memref<50176x32xf32, #tpu.memory_space<vmem_shared>> -> memref<196x32xf32, #tpu.memory_space<vmem_shared>>
      %dma_start3A_144 = arith.constant 0 : i32
      %dma_start3A_145 = tpu.memref_slice %arg13[%add3A_43, %dma_start3A_144] : memref<50176x32xf32, #tpu.memory_space<vmem_shared>> -> memref<196x32xf32, #tpu.memory_space<vmem_shared>>
      tpu.enqueue_dma source(%arg12 : memref<196x32xf32, #tpu.memory_space<vmem>>) target(%dma_start3A_145 : memref<196x32xf32, #tpu.memory_space<vmem_shared>>) target_semaphore(%run_scoped3A : memref<!tpu.dma_semaphore, #tpu.memory_space<semaphore_mem>>)
      %dma_wait3A = arith.constant 0 : i32
      %dma_wait3A_146 = tpu.memref_slice %arg13[%add3A_43, %dma_wait3A] : memref<50176x32xf32, #tpu.memory_space<vmem_shared>> -> memref<196x32xf32, #tpu.memory_space<vmem_shared>>
      %dma_wait3A_147 = arith.constant 0 : i32
      %dma_wait3A_148 = tpu.memref_slice %arg13[%add3A_43, %dma_wait3A_147] : memref<50176x32xf32, #tpu.memory_space<vmem_shared>> -> memref<196x32xf32, #tpu.memory_space<vmem_shared>>
      tpu.wait_dma2 semaphore(%run_scoped3A : memref<!tpu.dma_semaphore, #tpu.memory_space<semaphore_mem>>) src(%arg12 : memref<196x32xf32, #tpu.memory_space<vmem>>) dst(%dma_wait3A_148 : memref<196x32xf32, #tpu.memory_space<vmem_shared>>)
      tpu.yield
    }) : () -> ()
    %add3A_44 = arith.constant 392 : i32
    %add3A_45 = arith.addi %mul3A_0, %add3A_44 : i32
    "tpu.region"() ({
      %run_scoped3A = tpu.sem_alloc : memref<!tpu.dma_semaphore, #tpu.memory_space<semaphore_mem>>
      %dma_start3A_142 = arith.constant 0 : i32
      %dma_start3A_143 = tpu.memref_slice %arg13[%add3A_45, %dma_start3A_142] : memref<50176x32xf32, #tpu.memory_space<vmem_shared>> -> memref<196x32xf32, #tpu.memory_space<vmem_shared>>
      %dma_start3A_144 = arith.constant 0 : i32
      %dma_start3A_145 = tpu.memref_slice %arg13[%add3A_45, %dma_start3A_144] : memref<50176x32xf32, #tpu.memory_space<vmem_shared>> -> memref<196x32xf32, #tpu.memory_space<vmem_shared>>
      tpu.enqueue_dma source(%arg12 : memref<196x32xf32, #tpu.memory_space<vmem>>) target(%dma_start3A_145 : memref<196x32xf32, #tpu.memory_space<vmem_shared>>) target_semaphore(%run_scoped3A : memref<!tpu.dma_semaphore, #tpu.memory_space<semaphore_mem>>)
      %dma_wait3A = arith.constant 0 : i32
      %dma_wait3A_146 = tpu.memref_slice %arg13[%add3A_45, %dma_wait3A] : memref<50176x32xf32, #tpu.memory_space<vmem_shared>> -> memref<196x32xf32, #tpu.memory_space<vmem_shared>>
      %dma_wait3A_147 = arith.constant 0 : i32
      %dma_wait3A_148 = tpu.memref_slice %arg13[%add3A_45, %dma_wait3A_147] : memref<50176x32xf32, #tpu.memory_space<vmem_shared>> -> memref<196x32xf32, #tpu.memory_space<vmem_shared>>
      tpu.wait_dma2 semaphore(%run_scoped3A : memref<!tpu.dma_semaphore, #tpu.memory_space<semaphore_mem>>) src(%arg12 : memref<196x32xf32, #tpu.memory_space<vmem>>) dst(%dma_wait3A_148 : memref<196x32xf32, #tpu.memory_space<vmem_shared>>)
      tpu.yield
    }) : () -> ()
    %add3A_46 = arith.constant 588 : i32
    %add3A_47 = arith.addi %mul3A_0, %add3A_46 : i32
    "tpu.region"() ({
      %run_scoped3A = tpu.sem_alloc : memref<!tpu.dma_semaphore, #tpu.memory_space<semaphore_mem>>
      %dma_start3A_142 = arith.constant 0 : i32
      %dma_start3A_143 = tpu.memref_slice %arg13[%add3A_47, %dma_start3A_142] : memref<50176x32xf32, #tpu.memory_space<vmem_shared>> -> memref<196x32xf32, #tpu.memory_space<vmem_shared>>
      %dma_start3A_144 = arith.constant 0 : i32
      %dma_start3A_145 = tpu.memref_slice %arg13[%add3A_47, %dma_start3A_144] : memref<50176x32xf32, #tpu.memory_space<vmem_shared>> -> memref<196x32xf32, #tpu.memory_space<vmem_shared>>
      tpu.enqueue_dma source(%arg12 : memref<196x32xf32, #tpu.memory_space<vmem>>) target(%dma_start3A_145 : memref<196x32xf32, #tpu.memory_space<vmem_shared>>) target_semaphore(%run_scoped3A : memref<!tpu.dma_semaphore, #tpu.memory_space<semaphore_mem>>)
      %dma_wait3A = arith.constant 0 : i32
      %dma_wait3A_146 = tpu.memref_slice %arg13[%add3A_47, %dma_wait3A] : memref<50176x32xf32, #tpu.memory_space<vmem_shared>> -> memref<196x32xf32, #tpu.memory_space<vmem_shared>>
      %dma_wait3A_147 = arith.constant 0 : i32
      %dma_wait3A_148 = tpu.memref_slice %arg13[%add3A_47, %dma_wait3A_147] : memref<50176x32xf32, #tpu.memory_space<vmem_shared>> -> memref<196x32xf32, #tpu.memory_space<vmem_shared>>
      tpu.wait_dma2 semaphore(%run_scoped3A : memref<!tpu.dma_semaphore, #tpu.memory_space<semaphore_mem>>) src(%arg12 : memref<196x32xf32, #tpu.memory_space<vmem>>) dst(%dma_wait3A_148 : memref<196x32xf32, #tpu.memory_space<vmem_shared>>)
      tpu.yield
    }) : () -> ()
    %add3A_48 = arith.constant 784 : i32
    %add3A_49 = arith.addi %mul3A_0, %add3A_48 : i32
    "tpu.region"() ({
      %run_scoped3A = tpu.sem_alloc : memref<!tpu.dma_semaphore, #tpu.memory_space<semaphore_mem>>
      %dma_start3A_142 = arith.constant 0 : i32
      %dma_start3A_143 = tpu.memref_slice %arg13[%add3A_49, %dma_start3A_142] : memref<50176x32xf32, #tpu.memory_space<vmem_shared>> -> memref<196x32xf32, #tpu.memory_space<vmem_shared>>
      %dma_start3A_144 = arith.constant 0 : i32
      %dma_start3A_145 = tpu.memref_slice %arg13[%add3A_49, %dma_start3A_144] : memref<50176x32xf32, #tpu.memory_space<vmem_shared>> -> memref<196x32xf32, #tpu.memory_space<vmem_shared>>
      tpu.enqueue_dma source(%arg12 : memref<196x32xf32, #tpu.memory_space<vmem>>) target(%dma_start3A_145 : memref<196x32xf32, #tpu.memory_space<vmem_shared>>) target_semaphore(%run_scoped3A : memref<!tpu.dma_semaphore, #tpu.memory_space<semaphore_mem>>)
      %dma_wait3A = arith.constant 0 : i32
      %dma_wait3A_146 = tpu.memref_slice %arg13[%add3A_49, %dma_wait3A] : memref<50176x32xf32, #tpu.memory_space<vmem_shared>> -> memref<196x32xf32, #tpu.memory_space<vmem_shared>>
      %dma_wait3A_147 = arith.constant 0 : i32
      %dma_wait3A_148 = tpu.memref_slice %arg13[%add3A_49, %dma_wait3A_147] : memref<50176x32xf32, #tpu.memory_space<vmem_shared>> -> memref<196x32xf32, #tpu.memory_space<vmem_shared>>
      tpu.wait_dma2 semaphore(%run_scoped3A : memref<!tpu.dma_semaphore, #tpu.memory_space<semaphore_mem>>) src(%arg12 : memref<196x32xf32, #tpu.memory_space<vmem>>) dst(%dma_wait3A_148 : memref<196x32xf32, #tpu.memory_space<vmem_shared>>)
      tpu.yield
    }) : () -> ()
    %add3A_50 = arith.constant 980 : i32
    %add3A_51 = arith.addi %mul3A_0, %add3A_50 : i32
    "tpu.region"() ({
      %run_scoped3A = tpu.sem_alloc : memref<!tpu.dma_semaphore, #tpu.memory_space<semaphore_mem>>
      %dma_start3A_142 = arith.constant 0 : i32
      %dma_start3A_143 = tpu.memref_slice %arg13[%add3A_51, %dma_start3A_142] : memref<50176x32xf32, #tpu.memory_space<vmem_shared>> -> memref<196x32xf32, #tpu.memory_space<vmem_shared>>
      %dma_start3A_144 = arith.constant 0 : i32
      %dma_start3A_145 = tpu.memref_slice %arg13[%add3A_51, %dma_start3A_144] : memref<50176x32xf32, #tpu.memory_space<vmem_shared>> -> memref<196x32xf32, #tpu.memory_space<vmem_shared>>
      tpu.enqueue_dma source(%arg12 : memref<196x32xf32, #tpu.memory_space<vmem>>) target(%dma_start3A_145 : memref<196x32xf32, #tpu.memory_space<vmem_shared>>) target_semaphore(%run_scoped3A : memref<!tpu.dma_semaphore, #tpu.memory_space<semaphore_mem>>)
      %dma_wait3A = arith.constant 0 : i32
      %dma_wait3A_146 = tpu.memref_slice %arg13[%add3A_51, %dma_wait3A] : memref<50176x32xf32, #tpu.memory_space<vmem_shared>> -> memref<196x32xf32, #tpu.memory_space<vmem_shared>>
      %dma_wait3A_147 = arith.constant 0 : i32
      %dma_wait3A_148 = tpu.memref_slice %arg13[%add3A_51, %dma_wait3A_147] : memref<50176x32xf32, #tpu.memory_space<vmem_shared>> -> memref<196x32xf32, #tpu.memory_space<vmem_shared>>
      tpu.wait_dma2 semaphore(%run_scoped3A : memref<!tpu.dma_semaphore, #tpu.memory_space<semaphore_mem>>) src(%arg12 : memref<196x32xf32, #tpu.memory_space<vmem>>) dst(%dma_wait3A_148 : memref<196x32xf32, #tpu.memory_space<vmem_shared>>)
      tpu.yield
    }) : () -> ()
    %add3A_52 = arith.constant 1176 : i32
    %add3A_53 = arith.addi %mul3A_0, %add3A_52 : i32
    "tpu.region"() ({
      %run_scoped3A = tpu.sem_alloc : memref<!tpu.dma_semaphore, #tpu.memory_space<semaphore_mem>>
      %dma_start3A_142 = arith.constant 0 : i32
      %dma_start3A_143 = tpu.memref_slice %arg13[%add3A_53, %dma_start3A_142] : memref<50176x32xf32, #tpu.memory_space<vmem_shared>> -> memref<196x32xf32, #tpu.memory_space<vmem_shared>>
      %dma_start3A_144 = arith.constant 0 : i32
      %dma_start3A_145 = tpu.memref_slice %arg13[%add3A_53, %dma_start3A_144] : memref<50176x32xf32, #tpu.memory_space<vmem_shared>> -> memref<196x32xf32, #tpu.memory_space<vmem_shared>>
      tpu.enqueue_dma source(%arg12 : memref<196x32xf32, #tpu.memory_space<vmem>>) target(%dma_start3A_145 : memref<196x32xf32, #tpu.memory_space<vmem_shared>>) target_semaphore(%run_scoped3A : memref<!tpu.dma_semaphore, #tpu.memory_space<semaphore_mem>>)
      %dma_wait3A = arith.constant 0 : i32
      %dma_wait3A_146 = tpu.memref_slice %arg13[%add3A_53, %dma_wait3A] : memref<50176x32xf32, #tpu.memory_space<vmem_shared>> -> memref<196x32xf32, #tpu.memory_space<vmem_shared>>
      %dma_wait3A_147 = arith.constant 0 : i32
      %dma_wait3A_148 = tpu.memref_slice %arg13[%add3A_53, %dma_wait3A_147] : memref<50176x32xf32, #tpu.memory_space<vmem_shared>> -> memref<196x32xf32, #tpu.memory_space<vmem_shared>>
      tpu.wait_dma2 semaphore(%run_scoped3A : memref<!tpu.dma_semaphore, #tpu.memory_space<semaphore_mem>>) src(%arg12 : memref<196x32xf32, #tpu.memory_space<vmem>>) dst(%dma_wait3A_148 : memref<196x32xf32, #tpu.memory_space<vmem_shared>>)
      tpu.yield
    }) : () -> ()
    %add3A_54 = arith.constant 1372 : i32
    %add3A_55 = arith.addi %mul3A_0, %add3A_54 : i32
    "tpu.region"() ({
      %run_scoped3A = tpu.sem_alloc : memref<!tpu.dma_semaphore, #tpu.memory_space<semaphore_mem>>
      %dma_start3A_142 = arith.constant 0 : i32
      %dma_start3A_143 = tpu.memref_slice %arg13[%add3A_55, %dma_start3A_142] : memref<50176x32xf32, #tpu.memory_space<vmem_shared>> -> memref<196x32xf32, #tpu.memory_space<vmem_shared>>
      %dma_start3A_144 = arith.constant 0 : i32
      %dma_start3A_145 = tpu.memref_slice %arg13[%add3A_55, %dma_start3A_144] : memref<50176x32xf32, #tpu.memory_space<vmem_shared>> -> memref<196x32xf32, #tpu.memory_space<vmem_shared>>
      tpu.enqueue_dma source(%arg12 : memref<196x32xf32, #tpu.memory_space<vmem>>) target(%dma_start3A_145 : memref<196x32xf32, #tpu.memory_space<vmem_shared>>) target_semaphore(%run_scoped3A : memref<!tpu.dma_semaphore, #tpu.memory_space<semaphore_mem>>)
      %dma_wait3A = arith.constant 0 : i32
      %dma_wait3A_146 = tpu.memref_slice %arg13[%add3A_55, %dma_wait3A] : memref<50176x32xf32, #tpu.memory_space<vmem_shared>> -> memref<196x32xf32, #tpu.memory_space<vmem_shared>>
      %dma_wait3A_147 = arith.constant 0 : i32
      %dma_wait3A_148 = tpu.memref_slice %arg13[%add3A_55, %dma_wait3A_147] : memref<50176x32xf32, #tpu.memory_space<vmem_shared>> -> memref<196x32xf32, #tpu.memory_space<vmem_shared>>
      tpu.wait_dma2 semaphore(%run_scoped3A : memref<!tpu.dma_semaphore, #tpu.memory_space<semaphore_mem>>) src(%arg12 : memref<196x32xf32, #tpu.memory_space<vmem>>) dst(%dma_wait3A_148 : memref<196x32xf32, #tpu.memory_space<vmem_shared>>)
      tpu.yield
    }) : () -> ()
    %add3A_56 = arith.constant 1568 : i32
    %add3A_57 = arith.addi %mul3A_0, %add3A_56 : i32
    "tpu.region"() ({
      %run_scoped3A = tpu.sem_alloc : memref<!tpu.dma_semaphore, #tpu.memory_space<semaphore_mem>>
      %dma_start3A_142 = arith.constant 0 : i32
      %dma_start3A_143 = tpu.memref_slice %arg13[%add3A_57, %dma_start3A_142] : memref<50176x32xf32, #tpu.memory_space<vmem_shared>> -> memref<196x32xf32, #tpu.memory_space<vmem_shared>>
      %dma_start3A_144 = arith.constant 0 : i32
      %dma_start3A_145 = tpu.memref_slice %arg13[%add3A_57, %dma_start3A_144] : memref<50176x32xf32, #tpu.memory_space<vmem_shared>> -> memref<196x32xf32, #tpu.memory_space<vmem_shared>>
      tpu.enqueue_dma source(%arg12 : memref<196x32xf32, #tpu.memory_space<vmem>>) target(%dma_start3A_145 : memref<196x32xf32, #tpu.memory_space<vmem_shared>>) target_semaphore(%run_scoped3A : memref<!tpu.dma_semaphore, #tpu.memory_space<semaphore_mem>>)
      %dma_wait3A = arith.constant 0 : i32
      %dma_wait3A_146 = tpu.memref_slice %arg13[%add3A_57, %dma_wait3A] : memref<50176x32xf32, #tpu.memory_space<vmem_shared>> -> memref<196x32xf32, #tpu.memory_space<vmem_shared>>
      %dma_wait3A_147 = arith.constant 0 : i32
      %dma_wait3A_148 = tpu.memref_slice %arg13[%add3A_57, %dma_wait3A_147] : memref<50176x32xf32, #tpu.memory_space<vmem_shared>> -> memref<196x32xf32, #tpu.memory_space<vmem_shared>>
      tpu.wait_dma2 semaphore(%run_scoped3A : memref<!tpu.dma_semaphore, #tpu.memory_space<semaphore_mem>>) src(%arg12 : memref<196x32xf32, #tpu.memory_space<vmem>>) dst(%dma_wait3A_148 : memref<196x32xf32, #tpu.memory_space<vmem_shared>>)
      tpu.yield
    }) : () -> ()
    %add3A_58 = arith.constant 1764 : i32
    %add3A_59 = arith.addi %mul3A_0, %add3A_58 : i32
    "tpu.region"() ({
      %run_scoped3A = tpu.sem_alloc : memref<!tpu.dma_semaphore, #tpu.memory_space<semaphore_mem>>
      %dma_start3A_142 = arith.constant 0 : i32
      %dma_start3A_143 = tpu.memref_slice %arg13[%add3A_59, %dma_start3A_142] : memref<50176x32xf32, #tpu.memory_space<vmem_shared>> -> memref<196x32xf32, #tpu.memory_space<vmem_shared>>
      %dma_start3A_144 = arith.constant 0 : i32
      %dma_start3A_145 = tpu.memref_slice %arg13[%add3A_59, %dma_start3A_144] : memref<50176x32xf32, #tpu.memory_space<vmem_shared>> -> memref<196x32xf32, #tpu.memory_space<vmem_shared>>
      tpu.enqueue_dma source(%arg12 : memref<196x32xf32, #tpu.memory_space<vmem>>) target(%dma_start3A_145 : memref<196x32xf32, #tpu.memory_space<vmem_shared>>) target_semaphore(%run_scoped3A : memref<!tpu.dma_semaphore, #tpu.memory_space<semaphore_mem>>)
      %dma_wait3A = arith.constant 0 : i32
      %dma_wait3A_146 = tpu.memref_slice %arg13[%add3A_59, %dma_wait3A] : memref<50176x32xf32, #tpu.memory_space<vmem_shared>> -> memref<196x32xf32, #tpu.memory_space<vmem_shared>>
      %dma_wait3A_147 = arith.constant 0 : i32
      %dma_wait3A_148 = tpu.memref_slice %arg13[%add3A_59, %dma_wait3A_147] : memref<50176x32xf32, #tpu.memory_space<vmem_shared>> -> memref<196x32xf32, #tpu.memory_space<vmem_shared>>
      tpu.wait_dma2 semaphore(%run_scoped3A : memref<!tpu.dma_semaphore, #tpu.memory_space<semaphore_mem>>) src(%arg12 : memref<196x32xf32, #tpu.memory_space<vmem>>) dst(%dma_wait3A_148 : memref<196x32xf32, #tpu.memory_space<vmem_shared>>)
      tpu.yield
    }) : () -> ()
    %add3A_60 = arith.constant 1960 : i32
    %add3A_61 = arith.addi %mul3A_0, %add3A_60 : i32
    "tpu.region"() ({
      %run_scoped3A = tpu.sem_alloc : memref<!tpu.dma_semaphore, #tpu.memory_space<semaphore_mem>>
      %dma_start3A_142 = arith.constant 0 : i32
      %dma_start3A_143 = tpu.memref_slice %arg13[%add3A_61, %dma_start3A_142] : memref<50176x32xf32, #tpu.memory_space<vmem_shared>> -> memref<196x32xf32, #tpu.memory_space<vmem_shared>>
      %dma_start3A_144 = arith.constant 0 : i32
      %dma_start3A_145 = tpu.memref_slice %arg13[%add3A_61, %dma_start3A_144] : memref<50176x32xf32, #tpu.memory_space<vmem_shared>> -> memref<196x32xf32, #tpu.memory_space<vmem_shared>>
      tpu.enqueue_dma source(%arg12 : memref<196x32xf32, #tpu.memory_space<vmem>>) target(%dma_start3A_145 : memref<196x32xf32, #tpu.memory_space<vmem_shared>>) target_semaphore(%run_scoped3A : memref<!tpu.dma_semaphore, #tpu.memory_space<semaphore_mem>>)
      %dma_wait3A = arith.constant 0 : i32
      %dma_wait3A_146 = tpu.memref_slice %arg13[%add3A_61, %dma_wait3A] : memref<50176x32xf32, #tpu.memory_space<vmem_shared>> -> memref<196x32xf32, #tpu.memory_space<vmem_shared>>
      %dma_wait3A_147 = arith.constant 0 : i32
      %dma_wait3A_148 = tpu.memref_slice %arg13[%add3A_61, %dma_wait3A_147] : memref<50176x32xf32, #tpu.memory_space<vmem_shared>> -> memref<196x32xf32, #tpu.memory_space<vmem_shared>>
      tpu.wait_dma2 semaphore(%run_scoped3A : memref<!tpu.dma_semaphore, #tpu.memory_space<semaphore_mem>>) src(%arg12 : memref<196x32xf32, #tpu.memory_space<vmem>>) dst(%dma_wait3A_148 : memref<196x32xf32, #tpu.memory_space<vmem_shared>>)
      tpu.yield
    }) : () -> ()
    %add3A_62 = arith.constant 2156 : i32
    %add3A_63 = arith.addi %mul3A_0, %add3A_62 : i32
    "tpu.region"() ({
      %run_scoped3A = tpu.sem_alloc : memref<!tpu.dma_semaphore, #tpu.memory_space<semaphore_mem>>
      %dma_start3A_142 = arith.constant 0 : i32
      %dma_start3A_143 = tpu.memref_slice %arg13[%add3A_63, %dma_start3A_142] : memref<50176x32xf32, #tpu.memory_space<vmem_shared>> -> memref<196x32xf32, #tpu.memory_space<vmem_shared>>
      %dma_start3A_144 = arith.constant 0 : i32
      %dma_start3A_145 = tpu.memref_slice %arg13[%add3A_63, %dma_start3A_144] : memref<50176x32xf32, #tpu.memory_space<vmem_shared>> -> memref<196x32xf32, #tpu.memory_space<vmem_shared>>
      tpu.enqueue_dma source(%arg12 : memref<196x32xf32, #tpu.memory_space<vmem>>) target(%dma_start3A_145 : memref<196x32xf32, #tpu.memory_space<vmem_shared>>) target_semaphore(%run_scoped3A : memref<!tpu.dma_semaphore, #tpu.memory_space<semaphore_mem>>)
      %dma_wait3A = arith.constant 0 : i32
      %dma_wait3A_146 = tpu.memref_slice %arg13[%add3A_63, %dma_wait3A] : memref<50176x32xf32, #tpu.memory_space<vmem_shared>> -> memref<196x32xf32, #tpu.memory_space<vmem_shared>>
      %dma_wait3A_147 = arith.constant 0 : i32
      %dma_wait3A_148 = tpu.memref_slice %arg13[%add3A_63, %dma_wait3A_147] : memref<50176x32xf32, #tpu.memory_space<vmem_shared>> -> memref<196x32xf32, #tpu.memory_space<vmem_shared>>
      tpu.wait_dma2 semaphore(%run_scoped3A : memref<!tpu.dma_semaphore, #tpu.memory_space<semaphore_mem>>) src(%arg12 : memref<196x32xf32, #tpu.memory_space<vmem>>) dst(%dma_wait3A_148 : memref<196x32xf32, #tpu.memory_space<vmem_shared>>)
      tpu.yield
    }) : () -> ()
    %add3A_64 = arith.constant 2352 : i32
    %add3A_65 = arith.addi %mul3A_0, %add3A_64 : i32
    "tpu.region"() ({
      %run_scoped3A = tpu.sem_alloc : memref<!tpu.dma_semaphore, #tpu.memory_space<semaphore_mem>>
      %dma_start3A_142 = arith.constant 0 : i32
      %dma_start3A_143 = tpu.memref_slice %arg13[%add3A_65, %dma_start3A_142] : memref<50176x32xf32, #tpu.memory_space<vmem_shared>> -> memref<196x32xf32, #tpu.memory_space<vmem_shared>>
      %dma_start3A_144 = arith.constant 0 : i32
      %dma_start3A_145 = tpu.memref_slice %arg13[%add3A_65, %dma_start3A_144] : memref<50176x32xf32, #tpu.memory_space<vmem_shared>> -> memref<196x32xf32, #tpu.memory_space<vmem_shared>>
      tpu.enqueue_dma source(%arg12 : memref<196x32xf32, #tpu.memory_space<vmem>>) target(%dma_start3A_145 : memref<196x32xf32, #tpu.memory_space<vmem_shared>>) target_semaphore(%run_scoped3A : memref<!tpu.dma_semaphore, #tpu.memory_space<semaphore_mem>>)
      %dma_wait3A = arith.constant 0 : i32
      %dma_wait3A_146 = tpu.memref_slice %arg13[%add3A_65, %dma_wait3A] : memref<50176x32xf32, #tpu.memory_space<vmem_shared>> -> memref<196x32xf32, #tpu.memory_space<vmem_shared>>
      %dma_wait3A_147 = arith.constant 0 : i32
      %dma_wait3A_148 = tpu.memref_slice %arg13[%add3A_65, %dma_wait3A_147] : memref<50176x32xf32, #tpu.memory_space<vmem_shared>> -> memref<196x32xf32, #tpu.memory_space<vmem_shared>>
      tpu.wait_dma2 semaphore(%run_scoped3A : memref<!tpu.dma_semaphore, #tpu.memory_space<semaphore_mem>>) src(%arg12 : memref<196x32xf32, #tpu.memory_space<vmem>>) dst(%dma_wait3A_148 : memref<196x32xf32, #tpu.memory_space<vmem_shared>>)
      tpu.yield
    }) : () -> ()
    %add3A_66 = arith.constant 2548 : i32
    %add3A_67 = arith.addi %mul3A_0, %add3A_66 : i32
    "tpu.region"() ({
      %run_scoped3A = tpu.sem_alloc : memref<!tpu.dma_semaphore, #tpu.memory_space<semaphore_mem>>
      %dma_start3A_142 = arith.constant 0 : i32
      %dma_start3A_143 = tpu.memref_slice %arg13[%add3A_67, %dma_start3A_142] : memref<50176x32xf32, #tpu.memory_space<vmem_shared>> -> memref<196x32xf32, #tpu.memory_space<vmem_shared>>
      %dma_start3A_144 = arith.constant 0 : i32
      %dma_start3A_145 = tpu.memref_slice %arg13[%add3A_67, %dma_start3A_144] : memref<50176x32xf32, #tpu.memory_space<vmem_shared>> -> memref<196x32xf32, #tpu.memory_space<vmem_shared>>
      tpu.enqueue_dma source(%arg12 : memref<196x32xf32, #tpu.memory_space<vmem>>) target(%dma_start3A_145 : memref<196x32xf32, #tpu.memory_space<vmem_shared>>) target_semaphore(%run_scoped3A : memref<!tpu.dma_semaphore, #tpu.memory_space<semaphore_mem>>)
      %dma_wait3A = arith.constant 0 : i32
      %dma_wait3A_146 = tpu.memref_slice %arg13[%add3A_67, %dma_wait3A] : memref<50176x32xf32, #tpu.memory_space<vmem_shared>> -> memref<196x32xf32, #tpu.memory_space<vmem_shared>>
      %dma_wait3A_147 = arith.constant 0 : i32
      %dma_wait3A_148 = tpu.memref_slice %arg13[%add3A_67, %dma_wait3A_147] : memref<50176x32xf32, #tpu.memory_space<vmem_shared>> -> memref<196x32xf32, #tpu.memory_space<vmem_shared>>
      tpu.wait_dma2 semaphore(%run_scoped3A : memref<!tpu.dma_semaphore, #tpu.memory_space<semaphore_mem>>) src(%arg12 : memref<196x32xf32, #tpu.memory_space<vmem>>) dst(%dma_wait3A_148 : memref<196x32xf32, #tpu.memory_space<vmem_shared>>)
      tpu.yield
    }) : () -> ()
    %add3A_68 = arith.constant 2744 : i32
    %add3A_69 = arith.addi %mul3A_0, %add3A_68 : i32
    "tpu.region"() ({
      %run_scoped3A = tpu.sem_alloc : memref<!tpu.dma_semaphore, #tpu.memory_space<semaphore_mem>>
      %dma_start3A_142 = arith.constant 0 : i32
      %dma_start3A_143 = tpu.memref_slice %arg13[%add3A_69, %dma_start3A_142] : memref<50176x32xf32, #tpu.memory_space<vmem_shared>> -> memref<196x32xf32, #tpu.memory_space<vmem_shared>>
      %dma_start3A_144 = arith.constant 0 : i32
      %dma_start3A_145 = tpu.memref_slice %arg13[%add3A_69, %dma_start3A_144] : memref<50176x32xf32, #tpu.memory_space<vmem_shared>> -> memref<196x32xf32, #tpu.memory_space<vmem_shared>>
      tpu.enqueue_dma source(%arg12 : memref<196x32xf32, #tpu.memory_space<vmem>>) target(%dma_start3A_145 : memref<196x32xf32, #tpu.memory_space<vmem_shared>>) target_semaphore(%run_scoped3A : memref<!tpu.dma_semaphore, #tpu.memory_space<semaphore_mem>>)
      %dma_wait3A = arith.constant 0 : i32
      %dma_wait3A_146 = tpu.memref_slice %arg13[%add3A_69, %dma_wait3A] : memref<50176x32xf32, #tpu.memory_space<vmem_shared>> -> memref<196x32xf32, #tpu.memory_space<vmem_shared>>
      %dma_wait3A_147 = arith.constant 0 : i32
      %dma_wait3A_148 = tpu.memref_slice %arg13[%add3A_69, %dma_wait3A_147] : memref<50176x32xf32, #tpu.memory_space<vmem_shared>> -> memref<196x32xf32, #tpu.memory_space<vmem_shared>>
      tpu.wait_dma2 semaphore(%run_scoped3A : memref<!tpu.dma_semaphore, #tpu.memory_space<semaphore_mem>>) src(%arg12 : memref<196x32xf32, #tpu.memory_space<vmem>>) dst(%dma_wait3A_148 : memref<196x32xf32, #tpu.memory_space<vmem_shared>>)
      tpu.yield
    }) : () -> ()
    %add3A_70 = arith.constant 2940 : i32
    %add3A_71 = arith.addi %mul3A_0, %add3A_70 : i32
    "tpu.region"() ({
      %run_scoped3A = tpu.sem_alloc : memref<!tpu.dma_semaphore, #tpu.memory_space<semaphore_mem>>
      %dma_start3A_142 = arith.constant 0 : i32
      %dma_start3A_143 = tpu.memref_slice %arg13[%add3A_71, %dma_start3A_142] : memref<50176x32xf32, #tpu.memory_space<vmem_shared>> -> memref<196x32xf32, #tpu.memory_space<vmem_shared>>
      %dma_start3A_144 = arith.constant 0 : i32
      %dma_start3A_145 = tpu.memref_slice %arg13[%add3A_71, %dma_start3A_144] : memref<50176x32xf32, #tpu.memory_space<vmem_shared>> -> memref<196x32xf32, #tpu.memory_space<vmem_shared>>
      tpu.enqueue_dma source(%arg12 : memref<196x32xf32, #tpu.memory_space<vmem>>) target(%dma_start3A_145 : memref<196x32xf32, #tpu.memory_space<vmem_shared>>) target_semaphore(%run_scoped3A : memref<!tpu.dma_semaphore, #tpu.memory_space<semaphore_mem>>)
      %dma_wait3A = arith.constant 0 : i32
      %dma_wait3A_146 = tpu.memref_slice %arg13[%add3A_71, %dma_wait3A] : memref<50176x32xf32, #tpu.memory_space<vmem_shared>> -> memref<196x32xf32, #tpu.memory_space<vmem_shared>>
      %dma_wait3A_147 = arith.constant 0 : i32
      %dma_wait3A_148 = tpu.memref_slice %arg13[%add3A_71, %dma_wait3A_147] : memref<50176x32xf32, #tpu.memory_space<vmem_shared>> -> memref<196x32xf32, #tpu.memory_space<vmem_shared>>
      tpu.wait_dma2 semaphore(%run_scoped3A : memref<!tpu.dma_semaphore, #tpu.memory_space<semaphore_mem>>) src(%arg12 : memref<196x32xf32, #tpu.memory_space<vmem>>) dst(%dma_wait3A_148 : memref<196x32xf32, #tpu.memory_space<vmem_shared>>)
      tpu.yield
    }) : () -> ()
    %barrier3A = arith.constant 0 : index
    tpu.barrier barrier_id(%barrier3A)
    %scan3A = arith.constant 0 : i32
    %scan3A_72 = arith.constant 0 : i32
    %scan3A_73 = arith.constant 14 : i32
    %scan3A_74 = arith.addi %scan3A_72, %scan3A_73 : i32
    %scan3A_75 = arith.constant 1 : i32
    scf.for %scan3A_142 = %scan3A_72 to %scan3A_74 step %scan3A_75  : i32 {
      %rem3A = arith.constant 2 : i32
      %rem3A_143 = arith.remsi %scan3A_142, %rem3A : i32
      %mul3A_144 = arith.constant 14 : i32
      %mul3A_145 = arith.muli %scan3A_142, %mul3A_144 : i32
      %add3A_146 = arith.addi %add3A, %mul3A_145 : i32
      %dma_wait3A = arith.constant 0 : i32
      %dma_wait3A_147 = arith.constant 0 : i32
      %dma_wait3A_148 = arith.constant 0 : i32
      %dma_wait3A_149 = tpu.memref_slice %arg6[%rem3A_143, %dma_wait3A_147, %dma_wait3A_148] : memref<2x14x128xi32, #tpu.memory_space<vmem>> -> memref<1x14x128xi32, #tpu.memory_space<vmem>>
      %dma_wait3A_150 = tpu.memref_squeeze %dma_wait3A_149 : memref<1x14x128xi32, #tpu.memory_space<vmem>> -> memref<14x128xi32, #tpu.memory_space<vmem>>
      %dma_wait3A_151 = arith.constant 0 : i32
      %dma_wait3A_152 = tpu.memref_slice %arg2[%dma_wait3A, %add3A_146, %dma_wait3A_151] : memref<2x6272x128xi32, #tpu.memory_space<hbm>> -> memref<1x14x128xi32, #tpu.memory_space<hbm>>
      %dma_wait3A_153 = tpu.memref_squeeze %dma_wait3A_152 : memref<1x14x128xi32, #tpu.memory_space<hbm>> -> memref<14x128xi32, #tpu.memory_space<hbm>>
      %dma_wait3A_154 = arith.constant 0 : i32
      %dma_wait3A_155 = arith.constant 0 : i32
      %dma_wait3A_156 = tpu.memref_slice %arg6[%rem3A_143, %dma_wait3A_154, %dma_wait3A_155] : memref<2x14x128xi32, #tpu.memory_space<vmem>> -> memref<1x14x128xi32, #tpu.memory_space<vmem>>
      %dma_wait3A_157 = tpu.memref_squeeze %dma_wait3A_156 : memref<1x14x128xi32, #tpu.memory_space<vmem>> -> memref<14x128xi32, #tpu.memory_space<vmem>>
      %dma_wait3A_158 = arith.constant 0 : i32
      %dma_wait3A_159 = tpu.memref_slice %arg2[%dma_wait3A, %add3A_146, %dma_wait3A_158] : memref<2x6272x128xi32, #tpu.memory_space<hbm>> -> memref<1x14x128xi32, #tpu.memory_space<hbm>>
      %dma_wait3A_160 = tpu.memref_squeeze %dma_wait3A_159 : memref<1x14x128xi32, #tpu.memory_space<hbm>> -> memref<14x128xi32, #tpu.memory_space<hbm>>
      tpu.wait_dma2 semaphore(%arg14 : memref<!tpu.dma_semaphore, #tpu.memory_space<semaphore_mem>>) src(%dma_wait3A_160 : memref<14x128xi32, #tpu.memory_space<hbm>>) dst(%dma_wait3A_157 : memref<14x128xi32, #tpu.memory_space<vmem>>)
      %mul3A_161 = arith.constant 14 : i32
      %mul3A_162 = arith.muli %scan3A_142, %mul3A_161 : i32
      %add3A_163 = arith.addi %add3A, %mul3A_162 : i32
      %dma_wait3A_164 = arith.constant 1 : i32
      %dma_wait3A_165 = arith.constant 0 : i32
      %dma_wait3A_166 = arith.constant 0 : i32
      %dma_wait3A_167 = tpu.memref_slice %arg7[%rem3A_143, %dma_wait3A_165, %dma_wait3A_166] : memref<2x14x128xi32, #tpu.memory_space<vmem>> -> memref<1x14x128xi32, #tpu.memory_space<vmem>>
      %dma_wait3A_168 = tpu.memref_squeeze %dma_wait3A_167 : memref<1x14x128xi32, #tpu.memory_space<vmem>> -> memref<14x128xi32, #tpu.memory_space<vmem>>
      %dma_wait3A_169 = arith.constant 0 : i32
      %dma_wait3A_170 = tpu.memref_slice %arg2[%dma_wait3A_164, %add3A_163, %dma_wait3A_169] : memref<2x6272x128xi32, #tpu.memory_space<hbm>> -> memref<1x14x128xi32, #tpu.memory_space<hbm>>
      %dma_wait3A_171 = tpu.memref_squeeze %dma_wait3A_170 : memref<1x14x128xi32, #tpu.memory_space<hbm>> -> memref<14x128xi32, #tpu.memory_space<hbm>>
      %dma_wait3A_172 = arith.constant 0 : i32
      %dma_wait3A_173 = arith.constant 0 : i32
      %dma_wait3A_174 = tpu.memref_slice %arg7[%rem3A_143, %dma_wait3A_172, %dma_wait3A_173] : memref<2x14x128xi32, #tpu.memory_space<vmem>> -> memref<1x14x128xi32, #tpu.memory_space<vmem>>
      %dma_wait3A_175 = tpu.memref_squeeze %dma_wait3A_174 : memref<1x14x128xi32, #tpu.memory_space<vmem>> -> memref<14x128xi32, #tpu.memory_space<vmem>>
      %dma_wait3A_176 = arith.constant 0 : i32
      %dma_wait3A_177 = tpu.memref_slice %arg2[%dma_wait3A_164, %add3A_163, %dma_wait3A_176] : memref<2x6272x128xi32, #tpu.memory_space<hbm>> -> memref<1x14x128xi32, #tpu.memory_space<hbm>>
      %dma_wait3A_178 = tpu.memref_squeeze %dma_wait3A_177 : memref<1x14x128xi32, #tpu.memory_space<hbm>> -> memref<14x128xi32, #tpu.memory_space<hbm>>
      tpu.wait_dma2 semaphore(%arg14 : memref<!tpu.dma_semaphore, #tpu.memory_space<semaphore_mem>>) src(%dma_wait3A_178 : memref<14x128xi32, #tpu.memory_space<hbm>>) dst(%dma_wait3A_175 : memref<14x128xi32, #tpu.memory_space<vmem>>)
      %add3A_179 = arith.constant 1 : i32
      %add3A_180 = arith.addi %scan3A_142, %add3A_179 : i32
      %lt3A = arith.constant 14 : i32
      %lt3A_181 = arith.cmpi slt, %add3A_180, %lt3A : i32
      %convert_element_type3A = arith.extui %lt3A_181 : i1 to i32
      %cond3A = arith.constant 0 : i32
      %cond3A_182 = arith.cmpi ne, %convert_element_type3A, %cond3A : i32
      scf.if %cond3A_182 {
        %add3A_575 = arith.constant 1 : i32
        %add3A_576 = arith.addi %scan3A_142, %add3A_575 : i32
        %sub3A = arith.constant 1 : i32
        %sub3A_577 = arith.subi %sub3A, %rem3A_143 : i32
        %mul3A_578 = arith.constant 14 : i32
        %mul3A_579 = arith.muli %add3A_576, %mul3A_578 : i32
        %add3A_580 = arith.addi %add3A, %mul3A_579 : i32
        %dma_start3A_581 = arith.constant 0 : i32
        %dma_start3A_582 = arith.constant 0 : i32
        %dma_start3A_583 = arith.constant 0 : i32
        %dma_start3A_584 = tpu.memref_slice %arg6[%sub3A_577, %dma_start3A_582, %dma_start3A_583] : memref<2x14x128xi32, #tpu.memory_space<vmem>> -> memref<1x14x128xi32, #tpu.memory_space<vmem>>
        %dma_start3A_585 = tpu.memref_squeeze %dma_start3A_584 : memref<1x14x128xi32, #tpu.memory_space<vmem>> -> memref<14x128xi32, #tpu.memory_space<vmem>>
        %dma_start3A_586 = arith.constant 0 : i32
        %dma_start3A_587 = tpu.memref_slice %arg2[%dma_start3A_581, %add3A_580, %dma_start3A_586] : memref<2x6272x128xi32, #tpu.memory_space<hbm>> -> memref<1x14x128xi32, #tpu.memory_space<hbm>>
        %dma_start3A_588 = tpu.memref_squeeze %dma_start3A_587 : memref<1x14x128xi32, #tpu.memory_space<hbm>> -> memref<14x128xi32, #tpu.memory_space<hbm>>
        %dma_start3A_589 = arith.constant 0 : i32
        %dma_start3A_590 = arith.constant 0 : i32
        %dma_start3A_591 = tpu.memref_slice %arg6[%sub3A_577, %dma_start3A_589, %dma_start3A_590] : memref<2x14x128xi32, #tpu.memory_space<vmem>> -> memref<1x14x128xi32, #tpu.memory_space<vmem>>
        %dma_start3A_592 = tpu.memref_squeeze %dma_start3A_591 : memref<1x14x128xi32, #tpu.memory_space<vmem>> -> memref<14x128xi32, #tpu.memory_space<vmem>>
        %dma_start3A_593 = arith.constant 0 : i32
        %dma_start3A_594 = tpu.memref_slice %arg2[%dma_start3A_581, %add3A_580, %dma_start3A_593] : memref<2x6272x128xi32, #tpu.memory_space<hbm>> -> memref<1x14x128xi32, #tpu.memory_space<hbm>>
        %dma_start3A_595 = tpu.memref_squeeze %dma_start3A_594 : memref<1x14x128xi32, #tpu.memory_space<hbm>> -> memref<14x128xi32, #tpu.memory_space<hbm>>
        tpu.enqueue_dma source(%dma_start3A_595 : memref<14x128xi32, #tpu.memory_space<hbm>>) target(%dma_start3A_592 : memref<14x128xi32, #tpu.memory_space<vmem>>) target_semaphore(%arg14 : memref<!tpu.dma_semaphore, #tpu.memory_space<semaphore_mem>>)
        %mul3A_596 = arith.constant 14 : i32
        %mul3A_597 = arith.muli %add3A_576, %mul3A_596 : i32
        %add3A_598 = arith.addi %add3A, %mul3A_597 : i32
        %dma_start3A_599 = arith.constant 1 : i32
        %dma_start3A_600 = arith.constant 0 : i32
        %dma_start3A_601 = arith.constant 0 : i32
        %dma_start3A_602 = tpu.memref_slice %arg7[%sub3A_577, %dma_start3A_600, %dma_start3A_601] : memref<2x14x128xi32, #tpu.memory_space<vmem>> -> memref<1x14x128xi32, #tpu.memory_space<vmem>>
        %dma_start3A_603 = tpu.memref_squeeze %dma_start3A_602 : memref<1x14x128xi32, #tpu.memory_space<vmem>> -> memref<14x128xi32, #tpu.memory_space<vmem>>
        %dma_start3A_604 = arith.constant 0 : i32
        %dma_start3A_605 = tpu.memref_slice %arg2[%dma_start3A_599, %add3A_598, %dma_start3A_604] : memref<2x6272x128xi32, #tpu.memory_space<hbm>> -> memref<1x14x128xi32, #tpu.memory_space<hbm>>
        %dma_start3A_606 = tpu.memref_squeeze %dma_start3A_605 : memref<1x14x128xi32, #tpu.memory_space<hbm>> -> memref<14x128xi32, #tpu.memory_space<hbm>>
        %dma_start3A_607 = arith.constant 0 : i32
        %dma_start3A_608 = arith.constant 0 : i32
        %dma_start3A_609 = tpu.memref_slice %arg7[%sub3A_577, %dma_start3A_607, %dma_start3A_608] : memref<2x14x128xi32, #tpu.memory_space<vmem>> -> memref<1x14x128xi32, #tpu.memory_space<vmem>>
        %dma_start3A_610 = tpu.memref_squeeze %dma_start3A_609 : memref<1x14x128xi32, #tpu.memory_space<vmem>> -> memref<14x128xi32, #tpu.memory_space<vmem>>
        %dma_start3A_611 = arith.constant 0 : i32
        %dma_start3A_612 = tpu.memref_slice %arg2[%dma_start3A_599, %add3A_598, %dma_start3A_611] : memref<2x6272x128xi32, #tpu.memory_space<hbm>> -> memref<1x14x128xi32, #tpu.memory_space<hbm>>
        %dma_start3A_613 = tpu.memref_squeeze %dma_start3A_612 : memref<1x14x128xi32, #tpu.memory_space<hbm>> -> memref<14x128xi32, #tpu.memory_space<hbm>>
        tpu.enqueue_dma source(%dma_start3A_613 : memref<14x128xi32, #tpu.memory_space<hbm>>) target(%dma_start3A_610 : memref<14x128xi32, #tpu.memory_space<vmem>>) target_semaphore(%arg14 : memref<!tpu.dma_semaphore, #tpu.memory_space<semaphore_mem>>)
      } else {
      }
      %dma_start3A_183 = arith.constant 0 : i32
      %dma_start3A_184 = arith.constant 0 : i32
      %dma_start3A_185 = tpu.memref_slice %arg6[%rem3A_143, %dma_start3A_183, %dma_start3A_184] : memref<2x14x128xi32, #tpu.memory_space<vmem>> -> memref<1x1x128xi32, #tpu.memory_space<vmem>>
      %dma_start3A_186 = tpu.memref_squeeze %dma_start3A_185 : memref<1x1x128xi32, #tpu.memory_space<vmem>> -> memref<128xi32, #tpu.memory_space<vmem>>
      %dma_start3A_187 = arith.constant 0 : i32
      %dma_start3A_188 = arith.constant 0 : i32
      %dma_start3A_189 = tpu.memref_slice %arg3[%dma_start3A_187, %dma_start3A_188] : memref<50176x32xf32, #tpu.memory_space<hbm>> -> memref<50176x32xf32, #tpu.memory_space<hbm>>
      tpu.enqueue_indirect_dma source(%dma_start3A_189 : memref<50176x32xf32, #tpu.memory_space<hbm>>) target(%arg8 : memref<128x32xf32, #tpu.memory_space<vmem>>) offsets(%dma_start3A_186 : memref<128xi32, #tpu.memory_space<vmem>>) semaphore(%arg15 : memref<!tpu.dma_semaphore, #tpu.memory_space<semaphore_mem>>)
      %dma_start3A_190 = arith.constant 1 : i32
      %dma_start3A_191 = arith.constant 0 : i32
      %dma_start3A_192 = tpu.memref_slice %arg6[%rem3A_143, %dma_start3A_190, %dma_start3A_191] : memref<2x14x128xi32, #tpu.memory_space<vmem>> -> memref<1x1x128xi32, #tpu.memory_space<vmem>>
      %dma_start3A_193 = tpu.memref_squeeze %dma_start3A_192 : memref<1x1x128xi32, #tpu.memory_space<vmem>> -> memref<128xi32, #tpu.memory_space<vmem>>
      %dma_start3A_194 = arith.constant 0 : i32
      %dma_start3A_195 = arith.constant 0 : i32
      %dma_start3A_196 = tpu.memref_slice %arg3[%dma_start3A_194, %dma_start3A_195] : memref<50176x32xf32, #tpu.memory_space<hbm>> -> memref<50176x32xf32, #tpu.memory_space<hbm>>
      tpu.enqueue_indirect_dma source(%dma_start3A_196 : memref<50176x32xf32, #tpu.memory_space<hbm>>) target(%arg9 : memref<128x32xf32, #tpu.memory_space<vmem>>) offsets(%dma_start3A_193 : memref<128xi32, #tpu.memory_space<vmem>>) semaphore(%arg16 : memref<!tpu.dma_semaphore, #tpu.memory_space<semaphore_mem>>)
      %dma_wait3A_197 = arith.constant 0 : i32
      %dma_wait3A_198 = arith.constant 0 : i32
      %dma_wait3A_199 = tpu.memref_slice %arg6[%rem3A_143, %dma_wait3A_197, %dma_wait3A_198] : memref<2x14x128xi32, #tpu.memory_space<vmem>> -> memref<1x1x128xi32, #tpu.memory_space<vmem>>
      %dma_wait3A_200 = tpu.memref_squeeze %dma_wait3A_199 : memref<1x1x128xi32, #tpu.memory_space<vmem>> -> memref<128xi32, #tpu.memory_space<vmem>>
      %dma_wait3A_201 = arith.constant 0 : i32
      %dma_wait3A_202 = arith.constant 0 : i32
      %dma_wait3A_203 = tpu.memref_slice %arg3[%dma_wait3A_201, %dma_wait3A_202] : memref<50176x32xf32, #tpu.memory_space<hbm>> -> memref<50176x32xf32, #tpu.memory_space<hbm>>
      tpu.wait_indirect_dma semaphore(%arg15 : memref<!tpu.dma_semaphore, #tpu.memory_space<semaphore_mem>>) src(%dma_wait3A_203 : memref<50176x32xf32, #tpu.memory_space<hbm>>) dst(%arg8 : memref<128x32xf32, #tpu.memory_space<vmem>>)
      %dma_start3A_204 = arith.constant 0 : i32
      %dma_start3A_205 = arith.constant 0 : i32
      %dma_start3A_206 = tpu.memref_slice %arg7[%rem3A_143, %dma_start3A_204, %dma_start3A_205] : memref<2x14x128xi32, #tpu.memory_space<vmem>> -> memref<1x1x128xi32, #tpu.memory_space<vmem>>
      %dma_start3A_207 = tpu.memref_squeeze %dma_start3A_206 : memref<1x1x128xi32, #tpu.memory_space<vmem>> -> memref<128xi32, #tpu.memory_space<vmem>>
      %dma_start3A_208 = arith.constant 0 : i32
      %dma_start3A_209 = arith.constant 0 : i32
      %dma_start3A_210 = tpu.memref_slice %arg13[%dma_start3A_208, %dma_start3A_209] : memref<50176x32xf32, #tpu.memory_space<vmem_shared>> -> memref<50176x32xf32, #tpu.memory_space<vmem_shared>>
      tpu.enqueue_indirect_dma source(%arg8 : memref<128x32xf32, #tpu.memory_space<vmem>>) target(%dma_start3A_210 : memref<50176x32xf32, #tpu.memory_space<vmem_shared>>) offsets(%dma_start3A_207 : memref<128xi32, #tpu.memory_space<vmem>>) semaphore(%arg19 : memref<!tpu.dma_semaphore, #tpu.memory_space<semaphore_mem>>) {add = true}
      %dma_start3A_211 = arith.constant 2 : i32
      %dma_start3A_212 = arith.constant 0 : i32
      %dma_start3A_213 = tpu.memref_slice %arg6[%rem3A_143, %dma_start3A_211, %dma_start3A_212] : memref<2x14x128xi32, #tpu.memory_space<vmem>> -> memref<1x1x128xi32, #tpu.memory_space<vmem>>
      %dma_start3A_214 = tpu.memref_squeeze %dma_start3A_213 : memref<1x1x128xi32, #tpu.memory_space<vmem>> -> memref<128xi32, #tpu.memory_space<vmem>>
      %dma_start3A_215 = arith.constant 0 : i32
      %dma_start3A_216 = arith.constant 0 : i32
      %dma_start3A_217 = tpu.memref_slice %arg3[%dma_start3A_215, %dma_start3A_216] : memref<50176x32xf32, #tpu.memory_space<hbm>> -> memref<50176x32xf32, #tpu.memory_space<hbm>>
      tpu.enqueue_indirect_dma source(%dma_start3A_217 : memref<50176x32xf32, #tpu.memory_space<hbm>>) target(%arg10 : memref<128x32xf32, #tpu.memory_space<vmem>>) offsets(%dma_start3A_214 : memref<128xi32, #tpu.memory_space<vmem>>) semaphore(%arg17 : memref<!tpu.dma_semaphore, #tpu.memory_space<semaphore_mem>>)
      %dma_wait3A_218 = arith.constant 1 : i32
      %dma_wait3A_219 = arith.constant 0 : i32
      %dma_wait3A_220 = tpu.memref_slice %arg6[%rem3A_143, %dma_wait3A_218, %dma_wait3A_219] : memref<2x14x128xi32, #tpu.memory_space<vmem>> -> memref<1x1x128xi32, #tpu.memory_space<vmem>>
      %dma_wait3A_221 = tpu.memref_squeeze %dma_wait3A_220 : memref<1x1x128xi32, #tpu.memory_space<vmem>> -> memref<128xi32, #tpu.memory_space<vmem>>
      %dma_wait3A_222 = arith.constant 0 : i32
      %dma_wait3A_223 = arith.constant 0 : i32
      %dma_wait3A_224 = tpu.memref_slice %arg3[%dma_wait3A_222, %dma_wait3A_223] : memref<50176x32xf32, #tpu.memory_space<hbm>> -> memref<50176x32xf32, #tpu.memory_space<hbm>>
      tpu.wait_indirect_dma semaphore(%arg16 : memref<!tpu.dma_semaphore, #tpu.memory_space<semaphore_mem>>) src(%dma_wait3A_224 : memref<50176x32xf32, #tpu.memory_space<hbm>>) dst(%arg9 : memref<128x32xf32, #tpu.memory_space<vmem>>)
      %dma_start3A_225 = arith.constant 1 : i32
      %dma_start3A_226 = arith.constant 0 : i32
      %dma_start3A_227 = tpu.memref_slice %arg7[%rem3A_143, %dma_start3A_225, %dma_start3A_226] : memref<2x14x128xi32, #tpu.memory_space<vmem>> -> memref<1x1x128xi32, #tpu.memory_space<vmem>>
      %dma_start3A_228 = tpu.memref_squeeze %dma_start3A_227 : memref<1x1x128xi32, #tpu.memory_space<vmem>> -> memref<128xi32, #tpu.memory_space<vmem>>
      %dma_start3A_229 = arith.constant 0 : i32
      %dma_start3A_230 = arith.constant 0 : i32
      %dma_start3A_231 = tpu.memref_slice %arg13[%dma_start3A_229, %dma_start3A_230] : memref<50176x32xf32, #tpu.memory_space<vmem_shared>> -> memref<50176x32xf32, #tpu.memory_space<vmem_shared>>
      tpu.enqueue_indirect_dma source(%arg9 : memref<128x32xf32, #tpu.memory_space<vmem>>) target(%dma_start3A_231 : memref<50176x32xf32, #tpu.memory_space<vmem_shared>>) offsets(%dma_start3A_228 : memref<128xi32, #tpu.memory_space<vmem>>) semaphore(%arg20 : memref<!tpu.dma_semaphore, #tpu.memory_space<semaphore_mem>>) {add = true}
      %dma_start3A_232 = arith.constant 3 : i32
      %dma_start3A_233 = arith.constant 0 : i32
      %dma_start3A_234 = tpu.memref_slice %arg6[%rem3A_143, %dma_start3A_232, %dma_start3A_233] : memref<2x14x128xi32, #tpu.memory_space<vmem>> -> memref<1x1x128xi32, #tpu.memory_space<vmem>>
      %dma_start3A_235 = tpu.memref_squeeze %dma_start3A_234 : memref<1x1x128xi32, #tpu.memory_space<vmem>> -> memref<128xi32, #tpu.memory_space<vmem>>
      %dma_start3A_236 = arith.constant 0 : i32
      %dma_start3A_237 = arith.constant 0 : i32
      %dma_start3A_238 = tpu.memref_slice %arg3[%dma_start3A_236, %dma_start3A_237] : memref<50176x32xf32, #tpu.memory_space<hbm>> -> memref<50176x32xf32, #tpu.memory_space<hbm>>
      tpu.enqueue_indirect_dma source(%dma_start3A_238 : memref<50176x32xf32, #tpu.memory_space<hbm>>) target(%arg11 : memref<128x32xf32, #tpu.memory_space<vmem>>) offsets(%dma_start3A_235 : memref<128xi32, #tpu.memory_space<vmem>>) semaphore(%arg18 : memref<!tpu.dma_semaphore, #tpu.memory_space<semaphore_mem>>)
      %dma_wait3A_239 = arith.constant 2 : i32
      %dma_wait3A_240 = arith.constant 0 : i32
      %dma_wait3A_241 = tpu.memref_slice %arg6[%rem3A_143, %dma_wait3A_239, %dma_wait3A_240] : memref<2x14x128xi32, #tpu.memory_space<vmem>> -> memref<1x1x128xi32, #tpu.memory_space<vmem>>
      %dma_wait3A_242 = tpu.memref_squeeze %dma_wait3A_241 : memref<1x1x128xi32, #tpu.memory_space<vmem>> -> memref<128xi32, #tpu.memory_space<vmem>>
      %dma_wait3A_243 = arith.constant 0 : i32
      %dma_wait3A_244 = arith.constant 0 : i32
      %dma_wait3A_245 = tpu.memref_slice %arg3[%dma_wait3A_243, %dma_wait3A_244] : memref<50176x32xf32, #tpu.memory_space<hbm>> -> memref<50176x32xf32, #tpu.memory_space<hbm>>
      tpu.wait_indirect_dma semaphore(%arg17 : memref<!tpu.dma_semaphore, #tpu.memory_space<semaphore_mem>>) src(%dma_wait3A_245 : memref<50176x32xf32, #tpu.memory_space<hbm>>) dst(%arg10 : memref<128x32xf32, #tpu.memory_space<vmem>>)
      %dma_start3A_246 = arith.constant 2 : i32
      %dma_start3A_247 = arith.constant 0 : i32
      %dma_start3A_248 = tpu.memref_slice %arg7[%rem3A_143, %dma_start3A_246, %dma_start3A_247] : memref<2x14x128xi32, #tpu.memory_space<vmem>> -> memref<1x1x128xi32, #tpu.memory_space<vmem>>
      %dma_start3A_249 = tpu.memref_squeeze %dma_start3A_248 : memref<1x1x128xi32, #tpu.memory_space<vmem>> -> memref<128xi32, #tpu.memory_space<vmem>>
      %dma_start3A_250 = arith.constant 0 : i32
      %dma_start3A_251 = arith.constant 0 : i32
      %dma_start3A_252 = tpu.memref_slice %arg13[%dma_start3A_250, %dma_start3A_251] : memref<50176x32xf32, #tpu.memory_space<vmem_shared>> -> memref<50176x32xf32, #tpu.memory_space<vmem_shared>>
      tpu.enqueue_indirect_dma source(%arg10 : memref<128x32xf32, #tpu.memory_space<vmem>>) target(%dma_start3A_252 : memref<50176x32xf32, #tpu.memory_space<vmem_shared>>) offsets(%dma_start3A_249 : memref<128xi32, #tpu.memory_space<vmem>>) semaphore(%arg21 : memref<!tpu.dma_semaphore, #tpu.memory_space<semaphore_mem>>) {add = true}
      %dma_wait3A_253 = arith.constant 0 : i32
      %dma_wait3A_254 = arith.constant 0 : i32
      %dma_wait3A_255 = tpu.memref_slice %arg7[%rem3A_143, %dma_wait3A_253, %dma_wait3A_254] : memref<2x14x128xi32, #tpu.memory_space<vmem>> -> memref<1x1x128xi32, #tpu.memory_space<vmem>>
      %dma_wait3A_256 = tpu.memref_squeeze %dma_wait3A_255 : memref<1x1x128xi32, #tpu.memory_space<vmem>> -> memref<128xi32, #tpu.memory_space<vmem>>
      %dma_wait3A_257 = arith.constant 0 : i32
      %dma_wait3A_258 = arith.constant 0 : i32
      %dma_wait3A_259 = tpu.memref_slice %arg13[%dma_wait3A_257, %dma_wait3A_258] : memref<50176x32xf32, #tpu.memory_space<vmem_shared>> -> memref<50176x32xf32, #tpu.memory_space<vmem_shared>>
      tpu.wait_indirect_dma semaphore(%arg19 : memref<!tpu.dma_semaphore, #tpu.memory_space<semaphore_mem>>) src(%arg8 : memref<128x32xf32, #tpu.memory_space<vmem>>) dst(%dma_wait3A_259 : memref<50176x32xf32, #tpu.memory_space<vmem_shared>>)
      %dma_start3A_260 = arith.constant 4 : i32
      %dma_start3A_261 = arith.constant 0 : i32
      %dma_start3A_262 = tpu.memref_slice %arg6[%rem3A_143, %dma_start3A_260, %dma_start3A_261] : memref<2x14x128xi32, #tpu.memory_space<vmem>> -> memref<1x1x128xi32, #tpu.memory_space<vmem>>
      %dma_start3A_263 = tpu.memref_squeeze %dma_start3A_262 : memref<1x1x128xi32, #tpu.memory_space<vmem>> -> memref<128xi32, #tpu.memory_space<vmem>>
      %dma_start3A_264 = arith.constant 0 : i32
      %dma_start3A_265 = arith.constant 0 : i32
      %dma_start3A_266 = tpu.memref_slice %arg3[%dma_start3A_264, %dma_start3A_265] : memref<50176x32xf32, #tpu.memory_space<hbm>> -> memref<50176x32xf32, #tpu.memory_space<hbm>>
      tpu.enqueue_indirect_dma source(%dma_start3A_266 : memref<50176x32xf32, #tpu.memory_space<hbm>>) target(%arg8 : memref<128x32xf32, #tpu.memory_space<vmem>>) offsets(%dma_start3A_263 : memref<128xi32, #tpu.memory_space<vmem>>) semaphore(%arg15 : memref<!tpu.dma_semaphore, #tpu.memory_space<semaphore_mem>>)
      %dma_wait3A_267 = arith.constant 3 : i32
      %dma_wait3A_268 = arith.constant 0 : i32
      %dma_wait3A_269 = tpu.memref_slice %arg6[%rem3A_143, %dma_wait3A_267, %dma_wait3A_268] : memref<2x14x128xi32, #tpu.memory_space<vmem>> -> memref<1x1x128xi32, #tpu.memory_space<vmem>>
      %dma_wait3A_270 = tpu.memref_squeeze %dma_wait3A_269 : memref<1x1x128xi32, #tpu.memory_space<vmem>> -> memref<128xi32, #tpu.memory_space<vmem>>
      %dma_wait3A_271 = arith.constant 0 : i32
      %dma_wait3A_272 = arith.constant 0 : i32
      %dma_wait3A_273 = tpu.memref_slice %arg3[%dma_wait3A_271, %dma_wait3A_272] : memref<50176x32xf32, #tpu.memory_space<hbm>> -> memref<50176x32xf32, #tpu.memory_space<hbm>>
      tpu.wait_indirect_dma semaphore(%arg18 : memref<!tpu.dma_semaphore, #tpu.memory_space<semaphore_mem>>) src(%dma_wait3A_273 : memref<50176x32xf32, #tpu.memory_space<hbm>>) dst(%arg11 : memref<128x32xf32, #tpu.memory_space<vmem>>)
      %dma_start3A_274 = arith.constant 3 : i32
      %dma_start3A_275 = arith.constant 0 : i32
      %dma_start3A_276 = tpu.memref_slice %arg7[%rem3A_143, %dma_start3A_274, %dma_start3A_275] : memref<2x14x128xi32, #tpu.memory_space<vmem>> -> memref<1x1x128xi32, #tpu.memory_space<vmem>>
      %dma_start3A_277 = tpu.memref_squeeze %dma_start3A_276 : memref<1x1x128xi32, #tpu.memory_space<vmem>> -> memref<128xi32, #tpu.memory_space<vmem>>
      %dma_start3A_278 = arith.constant 0 : i32
      %dma_start3A_279 = arith.constant 0 : i32
      %dma_start3A_280 = tpu.memref_slice %arg13[%dma_start3A_278, %dma_start3A_279] : memref<50176x32xf32, #tpu.memory_space<vmem_shared>> -> memref<50176x32xf32, #tpu.memory_space<vmem_shared>>
      tpu.enqueue_indirect_dma source(%arg11 : memref<128x32xf32, #tpu.memory_space<vmem>>) target(%dma_start3A_280 : memref<50176x32xf32, #tpu.memory_space<vmem_shared>>) offsets(%dma_start3A_277 : memref<128xi32, #tpu.memory_space<vmem>>) semaphore(%arg22 : memref<!tpu.dma_semaphore, #tpu.memory_space<semaphore_mem>>) {add = true}
      %dma_wait3A_281 = arith.constant 1 : i32
      %dma_wait3A_282 = arith.constant 0 : i32
      %dma_wait3A_283 = tpu.memref_slice %arg7[%rem3A_143, %dma_wait3A_281, %dma_wait3A_282] : memref<2x14x128xi32, #tpu.memory_space<vmem>> -> memref<1x1x128xi32, #tpu.memory_space<vmem>>
      %dma_wait3A_284 = tpu.memref_squeeze %dma_wait3A_283 : memref<1x1x128xi32, #tpu.memory_space<vmem>> -> memref<128xi32, #tpu.memory_space<vmem>>
      %dma_wait3A_285 = arith.constant 0 : i32
      %dma_wait3A_286 = arith.constant 0 : i32
      %dma_wait3A_287 = tpu.memref_slice %arg13[%dma_wait3A_285, %dma_wait3A_286] : memref<50176x32xf32, #tpu.memory_space<vmem_shared>> -> memref<50176x32xf32, #tpu.memory_space<vmem_shared>>
      tpu.wait_indirect_dma semaphore(%arg20 : memref<!tpu.dma_semaphore, #tpu.memory_space<semaphore_mem>>) src(%arg9 : memref<128x32xf32, #tpu.memory_space<vmem>>) dst(%dma_wait3A_287 : memref<50176x32xf32, #tpu.memory_space<vmem_shared>>)
      %dma_start3A_288 = arith.constant 5 : i32
      %dma_start3A_289 = arith.constant 0 : i32
      %dma_start3A_290 = tpu.memref_slice %arg6[%rem3A_143, %dma_start3A_288, %dma_start3A_289] : memref<2x14x128xi32, #tpu.memory_space<vmem>> -> memref<1x1x128xi32, #tpu.memory_space<vmem>>
      %dma_start3A_291 = tpu.memref_squeeze %dma_start3A_290 : memref<1x1x128xi32, #tpu.memory_space<vmem>> -> memref<128xi32, #tpu.memory_space<vmem>>
      %dma_start3A_292 = arith.constant 0 : i32
      %dma_start3A_293 = arith.constant 0 : i32
      %dma_start3A_294 = tpu.memref_slice %arg3[%dma_start3A_292, %dma_start3A_293] : memref<50176x32xf32, #tpu.memory_space<hbm>> -> memref<50176x32xf32, #tpu.memory_space<hbm>>
      tpu.enqueue_indirect_dma source(%dma_start3A_294 : memref<50176x32xf32, #tpu.memory_space<hbm>>) target(%arg9 : memref<128x32xf32, #tpu.memory_space<vmem>>) offsets(%dma_start3A_291 : memref<128xi32, #tpu.memory_space<vmem>>) semaphore(%arg16 : memref<!tpu.dma_semaphore, #tpu.memory_space<semaphore_mem>>)
      %dma_wait3A_295 = arith.constant 4 : i32
      %dma_wait3A_296 = arith.constant 0 : i32
      %dma_wait3A_297 = tpu.memref_slice %arg6[%rem3A_143, %dma_wait3A_295, %dma_wait3A_296] : memref<2x14x128xi32, #tpu.memory_space<vmem>> -> memref<1x1x128xi32, #tpu.memory_space<vmem>>
      %dma_wait3A_298 = tpu.memref_squeeze %dma_wait3A_297 : memref<1x1x128xi32, #tpu.memory_space<vmem>> -> memref<128xi32, #tpu.memory_space<vmem>>
      %dma_wait3A_299 = arith.constant 0 : i32
      %dma_wait3A_300 = arith.constant 0 : i32
      %dma_wait3A_301 = tpu.memref_slice %arg3[%dma_wait3A_299, %dma_wait3A_300] : memref<50176x32xf32, #tpu.memory_space<hbm>> -> memref<50176x32xf32, #tpu.memory_space<hbm>>
      tpu.wait_indirect_dma semaphore(%arg15 : memref<!tpu.dma_semaphore, #tpu.memory_space<semaphore_mem>>) src(%dma_wait3A_301 : memref<50176x32xf32, #tpu.memory_space<hbm>>) dst(%arg8 : memref<128x32xf32, #tpu.memory_space<vmem>>)
      %dma_start3A_302 = arith.constant 4 : i32
      %dma_start3A_303 = arith.constant 0 : i32
      %dma_start3A_304 = tpu.memref_slice %arg7[%rem3A_143, %dma_start3A_302, %dma_start3A_303] : memref<2x14x128xi32, #tpu.memory_space<vmem>> -> memref<1x1x128xi32, #tpu.memory_space<vmem>>
      %dma_start3A_305 = tpu.memref_squeeze %dma_start3A_304 : memref<1x1x128xi32, #tpu.memory_space<vmem>> -> memref<128xi32, #tpu.memory_space<vmem>>
      %dma_start3A_306 = arith.constant 0 : i32
      %dma_start3A_307 = arith.constant 0 : i32
      %dma_start3A_308 = tpu.memref_slice %arg13[%dma_start3A_306, %dma_start3A_307] : memref<50176x32xf32, #tpu.memory_space<vmem_shared>> -> memref<50176x32xf32, #tpu.memory_space<vmem_shared>>
      tpu.enqueue_indirect_dma source(%arg8 : memref<128x32xf32, #tpu.memory_space<vmem>>) target(%dma_start3A_308 : memref<50176x32xf32, #tpu.memory_space<vmem_shared>>) offsets(%dma_start3A_305 : memref<128xi32, #tpu.memory_space<vmem>>) semaphore(%arg19 : memref<!tpu.dma_semaphore, #tpu.memory_space<semaphore_mem>>) {add = true}
      %dma_wait3A_309 = arith.constant 2 : i32
      %dma_wait3A_310 = arith.constant 0 : i32
      %dma_wait3A_311 = tpu.memref_slice %arg7[%rem3A_143, %dma_wait3A_309, %dma_wait3A_310] : memref<2x14x128xi32, #tpu.memory_space<vmem>> -> memref<1x1x128xi32, #tpu.memory_space<vmem>>
      %dma_wait3A_312 = tpu.memref_squeeze %dma_wait3A_311 : memref<1x1x128xi32, #tpu.memory_space<vmem>> -> memref<128xi32, #tpu.memory_space<vmem>>
      %dma_wait3A_313 = arith.constant 0 : i32
      %dma_wait3A_314 = arith.constant 0 : i32
      %dma_wait3A_315 = tpu.memref_slice %arg13[%dma_wait3A_313, %dma_wait3A_314] : memref<50176x32xf32, #tpu.memory_space<vmem_shared>> -> memref<50176x32xf32, #tpu.memory_space<vmem_shared>>
      tpu.wait_indirect_dma semaphore(%arg21 : memref<!tpu.dma_semaphore, #tpu.memory_space<semaphore_mem>>) src(%arg10 : memref<128x32xf32, #tpu.memory_space<vmem>>) dst(%dma_wait3A_315 : memref<50176x32xf32, #tpu.memory_space<vmem_shared>>)
      %dma_start3A_316 = arith.constant 6 : i32
      %dma_start3A_317 = arith.constant 0 : i32
      %dma_start3A_318 = tpu.memref_slice %arg6[%rem3A_143, %dma_start3A_316, %dma_start3A_317] : memref<2x14x128xi32, #tpu.memory_space<vmem>> -> memref<1x1x128xi32, #tpu.memory_space<vmem>>
      %dma_start3A_319 = tpu.memref_squeeze %dma_start3A_318 : memref<1x1x128xi32, #tpu.memory_space<vmem>> -> memref<128xi32, #tpu.memory_space<vmem>>
      %dma_start3A_320 = arith.constant 0 : i32
      %dma_start3A_321 = arith.constant 0 : i32
      %dma_start3A_322 = tpu.memref_slice %arg3[%dma_start3A_320, %dma_start3A_321] : memref<50176x32xf32, #tpu.memory_space<hbm>> -> memref<50176x32xf32, #tpu.memory_space<hbm>>
      tpu.enqueue_indirect_dma source(%dma_start3A_322 : memref<50176x32xf32, #tpu.memory_space<hbm>>) target(%arg10 : memref<128x32xf32, #tpu.memory_space<vmem>>) offsets(%dma_start3A_319 : memref<128xi32, #tpu.memory_space<vmem>>) semaphore(%arg17 : memref<!tpu.dma_semaphore, #tpu.memory_space<semaphore_mem>>)
      %dma_wait3A_323 = arith.constant 5 : i32
      %dma_wait3A_324 = arith.constant 0 : i32
      %dma_wait3A_325 = tpu.memref_slice %arg6[%rem3A_143, %dma_wait3A_323, %dma_wait3A_324] : memref<2x14x128xi32, #tpu.memory_space<vmem>> -> memref<1x1x128xi32, #tpu.memory_space<vmem>>
      %dma_wait3A_326 = tpu.memref_squeeze %dma_wait3A_325 : memref<1x1x128xi32, #tpu.memory_space<vmem>> -> memref<128xi32, #tpu.memory_space<vmem>>
      %dma_wait3A_327 = arith.constant 0 : i32
      %dma_wait3A_328 = arith.constant 0 : i32
      %dma_wait3A_329 = tpu.memref_slice %arg3[%dma_wait3A_327, %dma_wait3A_328] : memref<50176x32xf32, #tpu.memory_space<hbm>> -> memref<50176x32xf32, #tpu.memory_space<hbm>>
      tpu.wait_indirect_dma semaphore(%arg16 : memref<!tpu.dma_semaphore, #tpu.memory_space<semaphore_mem>>) src(%dma_wait3A_329 : memref<50176x32xf32, #tpu.memory_space<hbm>>) dst(%arg9 : memref<128x32xf32, #tpu.memory_space<vmem>>)
      %dma_start3A_330 = arith.constant 5 : i32
      %dma_start3A_331 = arith.constant 0 : i32
      %dma_start3A_332 = tpu.memref_slice %arg7[%rem3A_143, %dma_start3A_330, %dma_start3A_331] : memref<2x14x128xi32, #tpu.memory_space<vmem>> -> memref<1x1x128xi32, #tpu.memory_space<vmem>>
      %dma_start3A_333 = tpu.memref_squeeze %dma_start3A_332 : memref<1x1x128xi32, #tpu.memory_space<vmem>> -> memref<128xi32, #tpu.memory_space<vmem>>
      %dma_start3A_334 = arith.constant 0 : i32
      %dma_start3A_335 = arith.constant 0 : i32
      %dma_start3A_336 = tpu.memref_slice %arg13[%dma_start3A_334, %dma_start3A_335] : memref<50176x32xf32, #tpu.memory_space<vmem_shared>> -> memref<50176x32xf32, #tpu.memory_space<vmem_shared>>
      tpu.enqueue_indirect_dma source(%arg9 : memref<128x32xf32, #tpu.memory_space<vmem>>) target(%dma_start3A_336 : memref<50176x32xf32, #tpu.memory_space<vmem_shared>>) offsets(%dma_start3A_333 : memref<128xi32, #tpu.memory_space<vmem>>) semaphore(%arg20 : memref<!tpu.dma_semaphore, #tpu.memory_space<semaphore_mem>>) {add = true}
      %dma_wait3A_337 = arith.constant 3 : i32
      %dma_wait3A_338 = arith.constant 0 : i32
      %dma_wait3A_339 = tpu.memref_slice %arg7[%rem3A_143, %dma_wait3A_337, %dma_wait3A_338] : memref<2x14x128xi32, #tpu.memory_space<vmem>> -> memref<1x1x128xi32, #tpu.memory_space<vmem>>
      %dma_wait3A_340 = tpu.memref_squeeze %dma_wait3A_339 : memref<1x1x128xi32, #tpu.memory_space<vmem>> -> memref<128xi32, #tpu.memory_space<vmem>>
      %dma_wait3A_341 = arith.constant 0 : i32
      %dma_wait3A_342 = arith.constant 0 : i32
      %dma_wait3A_343 = tpu.memref_slice %arg13[%dma_wait3A_341, %dma_wait3A_342] : memref<50176x32xf32, #tpu.memory_space<vmem_shared>> -> memref<50176x32xf32, #tpu.memory_space<vmem_shared>>
      tpu.wait_indirect_dma semaphore(%arg22 : memref<!tpu.dma_semaphore, #tpu.memory_space<semaphore_mem>>) src(%arg11 : memref<128x32xf32, #tpu.memory_space<vmem>>) dst(%dma_wait3A_343 : memref<50176x32xf32, #tpu.memory_space<vmem_shared>>)
      %dma_start3A_344 = arith.constant 7 : i32
      %dma_start3A_345 = arith.constant 0 : i32
      %dma_start3A_346 = tpu.memref_slice %arg6[%rem3A_143, %dma_start3A_344, %dma_start3A_345] : memref<2x14x128xi32, #tpu.memory_space<vmem>> -> memref<1x1x128xi32, #tpu.memory_space<vmem>>
      %dma_start3A_347 = tpu.memref_squeeze %dma_start3A_346 : memref<1x1x128xi32, #tpu.memory_space<vmem>> -> memref<128xi32, #tpu.memory_space<vmem>>
      %dma_start3A_348 = arith.constant 0 : i32
      %dma_start3A_349 = arith.constant 0 : i32
      %dma_start3A_350 = tpu.memref_slice %arg3[%dma_start3A_348, %dma_start3A_349] : memref<50176x32xf32, #tpu.memory_space<hbm>> -> memref<50176x32xf32, #tpu.memory_space<hbm>>
      tpu.enqueue_indirect_dma source(%dma_start3A_350 : memref<50176x32xf32, #tpu.memory_space<hbm>>) target(%arg11 : memref<128x32xf32, #tpu.memory_space<vmem>>) offsets(%dma_start3A_347 : memref<128xi32, #tpu.memory_space<vmem>>) semaphore(%arg18 : memref<!tpu.dma_semaphore, #tpu.memory_space<semaphore_mem>>)
      %dma_wait3A_351 = arith.constant 6 : i32
      %dma_wait3A_352 = arith.constant 0 : i32
      %dma_wait3A_353 = tpu.memref_slice %arg6[%rem3A_143, %dma_wait3A_351, %dma_wait3A_352] : memref<2x14x128xi32, #tpu.memory_space<vmem>> -> memref<1x1x128xi32, #tpu.memory_space<vmem>>
      %dma_wait3A_354 = tpu.memref_squeeze %dma_wait3A_353 : memref<1x1x128xi32, #tpu.memory_space<vmem>> -> memref<128xi32, #tpu.memory_space<vmem>>
      %dma_wait3A_355 = arith.constant 0 : i32
      %dma_wait3A_356 = arith.constant 0 : i32
      %dma_wait3A_357 = tpu.memref_slice %arg3[%dma_wait3A_355, %dma_wait3A_356] : memref<50176x32xf32, #tpu.memory_space<hbm>> -> memref<50176x32xf32, #tpu.memory_space<hbm>>
      tpu.wait_indirect_dma semaphore(%arg17 : memref<!tpu.dma_semaphore, #tpu.memory_space<semaphore_mem>>) src(%dma_wait3A_357 : memref<50176x32xf32, #tpu.memory_space<hbm>>) dst(%arg10 : memref<128x32xf32, #tpu.memory_space<vmem>>)
      %dma_start3A_358 = arith.constant 6 : i32
      %dma_start3A_359 = arith.constant 0 : i32
      %dma_start3A_360 = tpu.memref_slice %arg7[%rem3A_143, %dma_start3A_358, %dma_start3A_359] : memref<2x14x128xi32, #tpu.memory_space<vmem>> -> memref<1x1x128xi32, #tpu.memory_space<vmem>>
      %dma_start3A_361 = tpu.memref_squeeze %dma_start3A_360 : memref<1x1x128xi32, #tpu.memory_space<vmem>> -> memref<128xi32, #tpu.memory_space<vmem>>
      %dma_start3A_362 = arith.constant 0 : i32
      %dma_start3A_363 = arith.constant 0 : i32
      %dma_start3A_364 = tpu.memref_slice %arg13[%dma_start3A_362, %dma_start3A_363] : memref<50176x32xf32, #tpu.memory_space<vmem_shared>> -> memref<50176x32xf32, #tpu.memory_space<vmem_shared>>
      tpu.enqueue_indirect_dma source(%arg10 : memref<128x32xf32, #tpu.memory_space<vmem>>) target(%dma_start3A_364 : memref<50176x32xf32, #tpu.memory_space<vmem_shared>>) offsets(%dma_start3A_361 : memref<128xi32, #tpu.memory_space<vmem>>) semaphore(%arg21 : memref<!tpu.dma_semaphore, #tpu.memory_space<semaphore_mem>>) {add = true}
      %dma_wait3A_365 = arith.constant 4 : i32
      %dma_wait3A_366 = arith.constant 0 : i32
      %dma_wait3A_367 = tpu.memref_slice %arg7[%rem3A_143, %dma_wait3A_365, %dma_wait3A_366] : memref<2x14x128xi32, #tpu.memory_space<vmem>> -> memref<1x1x128xi32, #tpu.memory_space<vmem>>
      %dma_wait3A_368 = tpu.memref_squeeze %dma_wait3A_367 : memref<1x1x128xi32, #tpu.memory_space<vmem>> -> memref<128xi32, #tpu.memory_space<vmem>>
      %dma_wait3A_369 = arith.constant 0 : i32
      %dma_wait3A_370 = arith.constant 0 : i32
      %dma_wait3A_371 = tpu.memref_slice %arg13[%dma_wait3A_369, %dma_wait3A_370] : memref<50176x32xf32, #tpu.memory_space<vmem_shared>> -> memref<50176x32xf32, #tpu.memory_space<vmem_shared>>
      tpu.wait_indirect_dma semaphore(%arg19 : memref<!tpu.dma_semaphore, #tpu.memory_space<semaphore_mem>>) src(%arg8 : memref<128x32xf32, #tpu.memory_space<vmem>>) dst(%dma_wait3A_371 : memref<50176x32xf32, #tpu.memory_space<vmem_shared>>)
      %dma_start3A_372 = arith.constant 8 : i32
      %dma_start3A_373 = arith.constant 0 : i32
      %dma_start3A_374 = tpu.memref_slice %arg6[%rem3A_143, %dma_start3A_372, %dma_start3A_373] : memref<2x14x128xi32, #tpu.memory_space<vmem>> -> memref<1x1x128xi32, #tpu.memory_space<vmem>>
      %dma_start3A_375 = tpu.memref_squeeze %dma_start3A_374 : memref<1x1x128xi32, #tpu.memory_space<vmem>> -> memref<128xi32, #tpu.memory_space<vmem>>
      %dma_start3A_376 = arith.constant 0 : i32
      %dma_start3A_377 = arith.constant 0 : i32
      %dma_start3A_378 = tpu.memref_slice %arg3[%dma_start3A_376, %dma_start3A_377] : memref<50176x32xf32, #tpu.memory_space<hbm>> -> memref<50176x32xf32, #tpu.memory_space<hbm>>
      tpu.enqueue_indirect_dma source(%dma_start3A_378 : memref<50176x32xf32, #tpu.memory_space<hbm>>) target(%arg8 : memref<128x32xf32, #tpu.memory_space<vmem>>) offsets(%dma_start3A_375 : memref<128xi32, #tpu.memory_space<vmem>>) semaphore(%arg15 : memref<!tpu.dma_semaphore, #tpu.memory_space<semaphore_mem>>)
      %dma_wait3A_379 = arith.constant 7 : i32
      %dma_wait3A_380 = arith.constant 0 : i32
      %dma_wait3A_381 = tpu.memref_slice %arg6[%rem3A_143, %dma_wait3A_379, %dma_wait3A_380] : memref<2x14x128xi32, #tpu.memory_space<vmem>> -> memref<1x1x128xi32, #tpu.memory_space<vmem>>
      %dma_wait3A_382 = tpu.memref_squeeze %dma_wait3A_381 : memref<1x1x128xi32, #tpu.memory_space<vmem>> -> memref<128xi32, #tpu.memory_space<vmem>>
      %dma_wait3A_383 = arith.constant 0 : i32
      %dma_wait3A_384 = arith.constant 0 : i32
      %dma_wait3A_385 = tpu.memref_slice %arg3[%dma_wait3A_383, %dma_wait3A_384] : memref<50176x32xf32, #tpu.memory_space<hbm>> -> memref<50176x32xf32, #tpu.memory_space<hbm>>
      tpu.wait_indirect_dma semaphore(%arg18 : memref<!tpu.dma_semaphore, #tpu.memory_space<semaphore_mem>>) src(%dma_wait3A_385 : memref<50176x32xf32, #tpu.memory_space<hbm>>) dst(%arg11 : memref<128x32xf32, #tpu.memory_space<vmem>>)
      %dma_start3A_386 = arith.constant 7 : i32
      %dma_start3A_387 = arith.constant 0 : i32
      %dma_start3A_388 = tpu.memref_slice %arg7[%rem3A_143, %dma_start3A_386, %dma_start3A_387] : memref<2x14x128xi32, #tpu.memory_space<vmem>> -> memref<1x1x128xi32, #tpu.memory_space<vmem>>
      %dma_start3A_389 = tpu.memref_squeeze %dma_start3A_388 : memref<1x1x128xi32, #tpu.memory_space<vmem>> -> memref<128xi32, #tpu.memory_space<vmem>>
      %dma_start3A_390 = arith.constant 0 : i32
      %dma_start3A_391 = arith.constant 0 : i32
      %dma_start3A_392 = tpu.memref_slice %arg13[%dma_start3A_390, %dma_start3A_391] : memref<50176x32xf32, #tpu.memory_space<vmem_shared>> -> memref<50176x32xf32, #tpu.memory_space<vmem_shared>>
      tpu.enqueue_indirect_dma source(%arg11 : memref<128x32xf32, #tpu.memory_space<vmem>>) target(%dma_start3A_392 : memref<50176x32xf32, #tpu.memory_space<vmem_shared>>) offsets(%dma_start3A_389 : memref<128xi32, #tpu.memory_space<vmem>>) semaphore(%arg22 : memref<!tpu.dma_semaphore, #tpu.memory_space<semaphore_mem>>) {add = true}
      %dma_wait3A_393 = arith.constant 5 : i32
      %dma_wait3A_394 = arith.constant 0 : i32
      %dma_wait3A_395 = tpu.memref_slice %arg7[%rem3A_143, %dma_wait3A_393, %dma_wait3A_394] : memref<2x14x128xi32, #tpu.memory_space<vmem>> -> memref<1x1x128xi32, #tpu.memory_space<vmem>>
      %dma_wait3A_396 = tpu.memref_squeeze %dma_wait3A_395 : memref<1x1x128xi32, #tpu.memory_space<vmem>> -> memref<128xi32, #tpu.memory_space<vmem>>
      %dma_wait3A_397 = arith.constant 0 : i32
      %dma_wait3A_398 = arith.constant 0 : i32
      %dma_wait3A_399 = tpu.memref_slice %arg13[%dma_wait3A_397, %dma_wait3A_398] : memref<50176x32xf32, #tpu.memory_space<vmem_shared>> -> memref<50176x32xf32, #tpu.memory_space<vmem_shared>>
      tpu.wait_indirect_dma semaphore(%arg20 : memref<!tpu.dma_semaphore, #tpu.memory_space<semaphore_mem>>) src(%arg9 : memref<128x32xf32, #tpu.memory_space<vmem>>) dst(%dma_wait3A_399 : memref<50176x32xf32, #tpu.memory_space<vmem_shared>>)
      %dma_start3A_400 = arith.constant 9 : i32
      %dma_start3A_401 = arith.constant 0 : i32
      %dma_start3A_402 = tpu.memref_slice %arg6[%rem3A_143, %dma_start3A_400, %dma_start3A_401] : memref<2x14x128xi32, #tpu.memory_space<vmem>> -> memref<1x1x128xi32, #tpu.memory_space<vmem>>
      %dma_start3A_403 = tpu.memref_squeeze %dma_start3A_402 : memref<1x1x128xi32, #tpu.memory_space<vmem>> -> memref<128xi32, #tpu.memory_space<vmem>>
      %dma_start3A_404 = arith.constant 0 : i32
      %dma_start3A_405 = arith.constant 0 : i32
      %dma_start3A_406 = tpu.memref_slice %arg3[%dma_start3A_404, %dma_start3A_405] : memref<50176x32xf32, #tpu.memory_space<hbm>> -> memref<50176x32xf32, #tpu.memory_space<hbm>>
      tpu.enqueue_indirect_dma source(%dma_start3A_406 : memref<50176x32xf32, #tpu.memory_space<hbm>>) target(%arg9 : memref<128x32xf32, #tpu.memory_space<vmem>>) offsets(%dma_start3A_403 : memref<128xi32, #tpu.memory_space<vmem>>) semaphore(%arg16 : memref<!tpu.dma_semaphore, #tpu.memory_space<semaphore_mem>>)
      %dma_wait3A_407 = arith.constant 8 : i32
      %dma_wait3A_408 = arith.constant 0 : i32
      %dma_wait3A_409 = tpu.memref_slice %arg6[%rem3A_143, %dma_wait3A_407, %dma_wait3A_408] : memref<2x14x128xi32, #tpu.memory_space<vmem>> -> memref<1x1x128xi32, #tpu.memory_space<vmem>>
      %dma_wait3A_410 = tpu.memref_squeeze %dma_wait3A_409 : memref<1x1x128xi32, #tpu.memory_space<vmem>> -> memref<128xi32, #tpu.memory_space<vmem>>
      %dma_wait3A_411 = arith.constant 0 : i32
      %dma_wait3A_412 = arith.constant 0 : i32
      %dma_wait3A_413 = tpu.memref_slice %arg3[%dma_wait3A_411, %dma_wait3A_412] : memref<50176x32xf32, #tpu.memory_space<hbm>> -> memref<50176x32xf32, #tpu.memory_space<hbm>>
      tpu.wait_indirect_dma semaphore(%arg15 : memref<!tpu.dma_semaphore, #tpu.memory_space<semaphore_mem>>) src(%dma_wait3A_413 : memref<50176x32xf32, #tpu.memory_space<hbm>>) dst(%arg8 : memref<128x32xf32, #tpu.memory_space<vmem>>)
      %dma_start3A_414 = arith.constant 8 : i32
      %dma_start3A_415 = arith.constant 0 : i32
      %dma_start3A_416 = tpu.memref_slice %arg7[%rem3A_143, %dma_start3A_414, %dma_start3A_415] : memref<2x14x128xi32, #tpu.memory_space<vmem>> -> memref<1x1x128xi32, #tpu.memory_space<vmem>>
      %dma_start3A_417 = tpu.memref_squeeze %dma_start3A_416 : memref<1x1x128xi32, #tpu.memory_space<vmem>> -> memref<128xi32, #tpu.memory_space<vmem>>
      %dma_start3A_418 = arith.constant 0 : i32
      %dma_start3A_419 = arith.constant 0 : i32
      %dma_start3A_420 = tpu.memref_slice %arg13[%dma_start3A_418, %dma_start3A_419] : memref<50176x32xf32, #tpu.memory_space<vmem_shared>> -> memref<50176x32xf32, #tpu.memory_space<vmem_shared>>
      tpu.enqueue_indirect_dma source(%arg8 : memref<128x32xf32, #tpu.memory_space<vmem>>) target(%dma_start3A_420 : memref<50176x32xf32, #tpu.memory_space<vmem_shared>>) offsets(%dma_start3A_417 : memref<128xi32, #tpu.memory_space<vmem>>) semaphore(%arg19 : memref<!tpu.dma_semaphore, #tpu.memory_space<semaphore_mem>>) {add = true}
      %dma_wait3A_421 = arith.constant 6 : i32
      %dma_wait3A_422 = arith.constant 0 : i32
      %dma_wait3A_423 = tpu.memref_slice %arg7[%rem3A_143, %dma_wait3A_421, %dma_wait3A_422] : memref<2x14x128xi32, #tpu.memory_space<vmem>> -> memref<1x1x128xi32, #tpu.memory_space<vmem>>
      %dma_wait3A_424 = tpu.memref_squeeze %dma_wait3A_423 : memref<1x1x128xi32, #tpu.memory_space<vmem>> -> memref<128xi32, #tpu.memory_space<vmem>>
      %dma_wait3A_425 = arith.constant 0 : i32
      %dma_wait3A_426 = arith.constant 0 : i32
      %dma_wait3A_427 = tpu.memref_slice %arg13[%dma_wait3A_425, %dma_wait3A_426] : memref<50176x32xf32, #tpu.memory_space<vmem_shared>> -> memref<50176x32xf32, #tpu.memory_space<vmem_shared>>
      tpu.wait_indirect_dma semaphore(%arg21 : memref<!tpu.dma_semaphore, #tpu.memory_space<semaphore_mem>>) src(%arg10 : memref<128x32xf32, #tpu.memory_space<vmem>>) dst(%dma_wait3A_427 : memref<50176x32xf32, #tpu.memory_space<vmem_shared>>)
      %dma_start3A_428 = arith.constant 10 : i32
      %dma_start3A_429 = arith.constant 0 : i32
      %dma_start3A_430 = tpu.memref_slice %arg6[%rem3A_143, %dma_start3A_428, %dma_start3A_429] : memref<2x14x128xi32, #tpu.memory_space<vmem>> -> memref<1x1x128xi32, #tpu.memory_space<vmem>>
      %dma_start3A_431 = tpu.memref_squeeze %dma_start3A_430 : memref<1x1x128xi32, #tpu.memory_space<vmem>> -> memref<128xi32, #tpu.memory_space<vmem>>
      %dma_start3A_432 = arith.constant 0 : i32
      %dma_start3A_433 = arith.constant 0 : i32
      %dma_start3A_434 = tpu.memref_slice %arg3[%dma_start3A_432, %dma_start3A_433] : memref<50176x32xf32, #tpu.memory_space<hbm>> -> memref<50176x32xf32, #tpu.memory_space<hbm>>
      tpu.enqueue_indirect_dma source(%dma_start3A_434 : memref<50176x32xf32, #tpu.memory_space<hbm>>) target(%arg10 : memref<128x32xf32, #tpu.memory_space<vmem>>) offsets(%dma_start3A_431 : memref<128xi32, #tpu.memory_space<vmem>>) semaphore(%arg17 : memref<!tpu.dma_semaphore, #tpu.memory_space<semaphore_mem>>)
      %dma_wait3A_435 = arith.constant 9 : i32
      %dma_wait3A_436 = arith.constant 0 : i32
      %dma_wait3A_437 = tpu.memref_slice %arg6[%rem3A_143, %dma_wait3A_435, %dma_wait3A_436] : memref<2x14x128xi32, #tpu.memory_space<vmem>> -> memref<1x1x128xi32, #tpu.memory_space<vmem>>
      %dma_wait3A_438 = tpu.memref_squeeze %dma_wait3A_437 : memref<1x1x128xi32, #tpu.memory_space<vmem>> -> memref<128xi32, #tpu.memory_space<vmem>>
      %dma_wait3A_439 = arith.constant 0 : i32
      %dma_wait3A_440 = arith.constant 0 : i32
      %dma_wait3A_441 = tpu.memref_slice %arg3[%dma_wait3A_439, %dma_wait3A_440] : memref<50176x32xf32, #tpu.memory_space<hbm>> -> memref<50176x32xf32, #tpu.memory_space<hbm>>
      tpu.wait_indirect_dma semaphore(%arg16 : memref<!tpu.dma_semaphore, #tpu.memory_space<semaphore_mem>>) src(%dma_wait3A_441 : memref<50176x32xf32, #tpu.memory_space<hbm>>) dst(%arg9 : memref<128x32xf32, #tpu.memory_space<vmem>>)
      %dma_start3A_442 = arith.constant 9 : i32
      %dma_start3A_443 = arith.constant 0 : i32
      %dma_start3A_444 = tpu.memref_slice %arg7[%rem3A_143, %dma_start3A_442, %dma_start3A_443] : memref<2x14x128xi32, #tpu.memory_space<vmem>> -> memref<1x1x128xi32, #tpu.memory_space<vmem>>
      %dma_start3A_445 = tpu.memref_squeeze %dma_start3A_444 : memref<1x1x128xi32, #tpu.memory_space<vmem>> -> memref<128xi32, #tpu.memory_space<vmem>>
      %dma_start3A_446 = arith.constant 0 : i32
      %dma_start3A_447 = arith.constant 0 : i32
      %dma_start3A_448 = tpu.memref_slice %arg13[%dma_start3A_446, %dma_start3A_447] : memref<50176x32xf32, #tpu.memory_space<vmem_shared>> -> memref<50176x32xf32, #tpu.memory_space<vmem_shared>>
      tpu.enqueue_indirect_dma source(%arg9 : memref<128x32xf32, #tpu.memory_space<vmem>>) target(%dma_start3A_448 : memref<50176x32xf32, #tpu.memory_space<vmem_shared>>) offsets(%dma_start3A_445 : memref<128xi32, #tpu.memory_space<vmem>>) semaphore(%arg20 : memref<!tpu.dma_semaphore, #tpu.memory_space<semaphore_mem>>) {add = true}
      %dma_wait3A_449 = arith.constant 7 : i32
      %dma_wait3A_450 = arith.constant 0 : i32
      %dma_wait3A_451 = tpu.memref_slice %arg7[%rem3A_143, %dma_wait3A_449, %dma_wait3A_450] : memref<2x14x128xi32, #tpu.memory_space<vmem>> -> memref<1x1x128xi32, #tpu.memory_space<vmem>>
      %dma_wait3A_452 = tpu.memref_squeeze %dma_wait3A_451 : memref<1x1x128xi32, #tpu.memory_space<vmem>> -> memref<128xi32, #tpu.memory_space<vmem>>
      %dma_wait3A_453 = arith.constant 0 : i32
      %dma_wait3A_454 = arith.constant 0 : i32
      %dma_wait3A_455 = tpu.memref_slice %arg13[%dma_wait3A_453, %dma_wait3A_454] : memref<50176x32xf32, #tpu.memory_space<vmem_shared>> -> memref<50176x32xf32, #tpu.memory_space<vmem_shared>>
      tpu.wait_indirect_dma semaphore(%arg22 : memref<!tpu.dma_semaphore, #tpu.memory_space<semaphore_mem>>) src(%arg11 : memref<128x32xf32, #tpu.memory_space<vmem>>) dst(%dma_wait3A_455 : memref<50176x32xf32, #tpu.memory_space<vmem_shared>>)
      %dma_start3A_456 = arith.constant 11 : i32
      %dma_start3A_457 = arith.constant 0 : i32
      %dma_start3A_458 = tpu.memref_slice %arg6[%rem3A_143, %dma_start3A_456, %dma_start3A_457] : memref<2x14x128xi32, #tpu.memory_space<vmem>> -> memref<1x1x128xi32, #tpu.memory_space<vmem>>
      %dma_start3A_459 = tpu.memref_squeeze %dma_start3A_458 : memref<1x1x128xi32, #tpu.memory_space<vmem>> -> memref<128xi32, #tpu.memory_space<vmem>>
      %dma_start3A_460 = arith.constant 0 : i32
      %dma_start3A_461 = arith.constant 0 : i32
      %dma_start3A_462 = tpu.memref_slice %arg3[%dma_start3A_460, %dma_start3A_461] : memref<50176x32xf32, #tpu.memory_space<hbm>> -> memref<50176x32xf32, #tpu.memory_space<hbm>>
      tpu.enqueue_indirect_dma source(%dma_start3A_462 : memref<50176x32xf32, #tpu.memory_space<hbm>>) target(%arg11 : memref<128x32xf32, #tpu.memory_space<vmem>>) offsets(%dma_start3A_459 : memref<128xi32, #tpu.memory_space<vmem>>) semaphore(%arg18 : memref<!tpu.dma_semaphore, #tpu.memory_space<semaphore_mem>>)
      %dma_wait3A_463 = arith.constant 10 : i32
      %dma_wait3A_464 = arith.constant 0 : i32
      %dma_wait3A_465 = tpu.memref_slice %arg6[%rem3A_143, %dma_wait3A_463, %dma_wait3A_464] : memref<2x14x128xi32, #tpu.memory_space<vmem>> -> memref<1x1x128xi32, #tpu.memory_space<vmem>>
      %dma_wait3A_466 = tpu.memref_squeeze %dma_wait3A_465 : memref<1x1x128xi32, #tpu.memory_space<vmem>> -> memref<128xi32, #tpu.memory_space<vmem>>
      %dma_wait3A_467 = arith.constant 0 : i32
      %dma_wait3A_468 = arith.constant 0 : i32
      %dma_wait3A_469 = tpu.memref_slice %arg3[%dma_wait3A_467, %dma_wait3A_468] : memref<50176x32xf32, #tpu.memory_space<hbm>> -> memref<50176x32xf32, #tpu.memory_space<hbm>>
      tpu.wait_indirect_dma semaphore(%arg17 : memref<!tpu.dma_semaphore, #tpu.memory_space<semaphore_mem>>) src(%dma_wait3A_469 : memref<50176x32xf32, #tpu.memory_space<hbm>>) dst(%arg10 : memref<128x32xf32, #tpu.memory_space<vmem>>)
      %dma_start3A_470 = arith.constant 10 : i32
      %dma_start3A_471 = arith.constant 0 : i32
      %dma_start3A_472 = tpu.memref_slice %arg7[%rem3A_143, %dma_start3A_470, %dma_start3A_471] : memref<2x14x128xi32, #tpu.memory_space<vmem>> -> memref<1x1x128xi32, #tpu.memory_space<vmem>>
      %dma_start3A_473 = tpu.memref_squeeze %dma_start3A_472 : memref<1x1x128xi32, #tpu.memory_space<vmem>> -> memref<128xi32, #tpu.memory_space<vmem>>
      %dma_start3A_474 = arith.constant 0 : i32
      %dma_start3A_475 = arith.constant 0 : i32
      %dma_start3A_476 = tpu.memref_slice %arg13[%dma_start3A_474, %dma_start3A_475] : memref<50176x32xf32, #tpu.memory_space<vmem_shared>> -> memref<50176x32xf32, #tpu.memory_space<vmem_shared>>
      tpu.enqueue_indirect_dma source(%arg10 : memref<128x32xf32, #tpu.memory_space<vmem>>) target(%dma_start3A_476 : memref<50176x32xf32, #tpu.memory_space<vmem_shared>>) offsets(%dma_start3A_473 : memref<128xi32, #tpu.memory_space<vmem>>) semaphore(%arg21 : memref<!tpu.dma_semaphore, #tpu.memory_space<semaphore_mem>>) {add = true}
      %dma_wait3A_477 = arith.constant 8 : i32
      %dma_wait3A_478 = arith.constant 0 : i32
      %dma_wait3A_479 = tpu.memref_slice %arg7[%rem3A_143, %dma_wait3A_477, %dma_wait3A_478] : memref<2x14x128xi32, #tpu.memory_space<vmem>> -> memref<1x1x128xi32, #tpu.memory_space<vmem>>
      %dma_wait3A_480 = tpu.memref_squeeze %dma_wait3A_479 : memref<1x1x128xi32, #tpu.memory_space<vmem>> -> memref<128xi32, #tpu.memory_space<vmem>>
      %dma_wait3A_481 = arith.constant 0 : i32
      %dma_wait3A_482 = arith.constant 0 : i32
      %dma_wait3A_483 = tpu.memref_slice %arg13[%dma_wait3A_481, %dma_wait3A_482] : memref<50176x32xf32, #tpu.memory_space<vmem_shared>> -> memref<50176x32xf32, #tpu.memory_space<vmem_shared>>
      tpu.wait_indirect_dma semaphore(%arg19 : memref<!tpu.dma_semaphore, #tpu.memory_space<semaphore_mem>>) src(%arg8 : memref<128x32xf32, #tpu.memory_space<vmem>>) dst(%dma_wait3A_483 : memref<50176x32xf32, #tpu.memory_space<vmem_shared>>)
      %dma_start3A_484 = arith.constant 12 : i32
      %dma_start3A_485 = arith.constant 0 : i32
      %dma_start3A_486 = tpu.memref_slice %arg6[%rem3A_143, %dma_start3A_484, %dma_start3A_485] : memref<2x14x128xi32, #tpu.memory_space<vmem>> -> memref<1x1x128xi32, #tpu.memory_space<vmem>>
      %dma_start3A_487 = tpu.memref_squeeze %dma_start3A_486 : memref<1x1x128xi32, #tpu.memory_space<vmem>> -> memref<128xi32, #tpu.memory_space<vmem>>
      %dma_start3A_488 = arith.constant 0 : i32
      %dma_start3A_489 = arith.constant 0 : i32
      %dma_start3A_490 = tpu.memref_slice %arg3[%dma_start3A_488, %dma_start3A_489] : memref<50176x32xf32, #tpu.memory_space<hbm>> -> memref<50176x32xf32, #tpu.memory_space<hbm>>
      tpu.enqueue_indirect_dma source(%dma_start3A_490 : memref<50176x32xf32, #tpu.memory_space<hbm>>) target(%arg8 : memref<128x32xf32, #tpu.memory_space<vmem>>) offsets(%dma_start3A_487 : memref<128xi32, #tpu.memory_space<vmem>>) semaphore(%arg15 : memref<!tpu.dma_semaphore, #tpu.memory_space<semaphore_mem>>)
      %dma_wait3A_491 = arith.constant 11 : i32
      %dma_wait3A_492 = arith.constant 0 : i32
      %dma_wait3A_493 = tpu.memref_slice %arg6[%rem3A_143, %dma_wait3A_491, %dma_wait3A_492] : memref<2x14x128xi32, #tpu.memory_space<vmem>> -> memref<1x1x128xi32, #tpu.memory_space<vmem>>
      %dma_wait3A_494 = tpu.memref_squeeze %dma_wait3A_493 : memref<1x1x128xi32, #tpu.memory_space<vmem>> -> memref<128xi32, #tpu.memory_space<vmem>>
      %dma_wait3A_495 = arith.constant 0 : i32
      %dma_wait3A_496 = arith.constant 0 : i32
      %dma_wait3A_497 = tpu.memref_slice %arg3[%dma_wait3A_495, %dma_wait3A_496] : memref<50176x32xf32, #tpu.memory_space<hbm>> -> memref<50176x32xf32, #tpu.memory_space<hbm>>
      tpu.wait_indirect_dma semaphore(%arg18 : memref<!tpu.dma_semaphore, #tpu.memory_space<semaphore_mem>>) src(%dma_wait3A_497 : memref<50176x32xf32, #tpu.memory_space<hbm>>) dst(%arg11 : memref<128x32xf32, #tpu.memory_space<vmem>>)
      %dma_start3A_498 = arith.constant 11 : i32
      %dma_start3A_499 = arith.constant 0 : i32
      %dma_start3A_500 = tpu.memref_slice %arg7[%rem3A_143, %dma_start3A_498, %dma_start3A_499] : memref<2x14x128xi32, #tpu.memory_space<vmem>> -> memref<1x1x128xi32, #tpu.memory_space<vmem>>
      %dma_start3A_501 = tpu.memref_squeeze %dma_start3A_500 : memref<1x1x128xi32, #tpu.memory_space<vmem>> -> memref<128xi32, #tpu.memory_space<vmem>>
      %dma_start3A_502 = arith.constant 0 : i32
      %dma_start3A_503 = arith.constant 0 : i32
      %dma_start3A_504 = tpu.memref_slice %arg13[%dma_start3A_502, %dma_start3A_503] : memref<50176x32xf32, #tpu.memory_space<vmem_shared>> -> memref<50176x32xf32, #tpu.memory_space<vmem_shared>>
      tpu.enqueue_indirect_dma source(%arg11 : memref<128x32xf32, #tpu.memory_space<vmem>>) target(%dma_start3A_504 : memref<50176x32xf32, #tpu.memory_space<vmem_shared>>) offsets(%dma_start3A_501 : memref<128xi32, #tpu.memory_space<vmem>>) semaphore(%arg22 : memref<!tpu.dma_semaphore, #tpu.memory_space<semaphore_mem>>) {add = true}
      %dma_wait3A_505 = arith.constant 9 : i32
      %dma_wait3A_506 = arith.constant 0 : i32
      %dma_wait3A_507 = tpu.memref_slice %arg7[%rem3A_143, %dma_wait3A_505, %dma_wait3A_506] : memref<2x14x128xi32, #tpu.memory_space<vmem>> -> memref<1x1x128xi32, #tpu.memory_space<vmem>>
      %dma_wait3A_508 = tpu.memref_squeeze %dma_wait3A_507 : memref<1x1x128xi32, #tpu.memory_space<vmem>> -> memref<128xi32, #tpu.memory_space<vmem>>
      %dma_wait3A_509 = arith.constant 0 : i32
      %dma_wait3A_510 = arith.constant 0 : i32
      %dma_wait3A_511 = tpu.memref_slice %arg13[%dma_wait3A_509, %dma_wait3A_510] : memref<50176x32xf32, #tpu.memory_space<vmem_shared>> -> memref<50176x32xf32, #tpu.memory_space<vmem_shared>>
      tpu.wait_indirect_dma semaphore(%arg20 : memref<!tpu.dma_semaphore, #tpu.memory_space<semaphore_mem>>) src(%arg9 : memref<128x32xf32, #tpu.memory_space<vmem>>) dst(%dma_wait3A_511 : memref<50176x32xf32, #tpu.memory_space<vmem_shared>>)
      %dma_start3A_512 = arith.constant 13 : i32
      %dma_start3A_513 = arith.constant 0 : i32
      %dma_start3A_514 = tpu.memref_slice %arg6[%rem3A_143, %dma_start3A_512, %dma_start3A_513] : memref<2x14x128xi32, #tpu.memory_space<vmem>> -> memref<1x1x128xi32, #tpu.memory_space<vmem>>
      %dma_start3A_515 = tpu.memref_squeeze %dma_start3A_514 : memref<1x1x128xi32, #tpu.memory_space<vmem>> -> memref<128xi32, #tpu.memory_space<vmem>>
      %dma_start3A_516 = arith.constant 0 : i32
      %dma_start3A_517 = arith.constant 0 : i32
      %dma_start3A_518 = tpu.memref_slice %arg3[%dma_start3A_516, %dma_start3A_517] : memref<50176x32xf32, #tpu.memory_space<hbm>> -> memref<50176x32xf32, #tpu.memory_space<hbm>>
      tpu.enqueue_indirect_dma source(%dma_start3A_518 : memref<50176x32xf32, #tpu.memory_space<hbm>>) target(%arg9 : memref<128x32xf32, #tpu.memory_space<vmem>>) offsets(%dma_start3A_515 : memref<128xi32, #tpu.memory_space<vmem>>) semaphore(%arg16 : memref<!tpu.dma_semaphore, #tpu.memory_space<semaphore_mem>>)
      %dma_wait3A_519 = arith.constant 12 : i32
      %dma_wait3A_520 = arith.constant 0 : i32
      %dma_wait3A_521 = tpu.memref_slice %arg6[%rem3A_143, %dma_wait3A_519, %dma_wait3A_520] : memref<2x14x128xi32, #tpu.memory_space<vmem>> -> memref<1x1x128xi32, #tpu.memory_space<vmem>>
      %dma_wait3A_522 = tpu.memref_squeeze %dma_wait3A_521 : memref<1x1x128xi32, #tpu.memory_space<vmem>> -> memref<128xi32, #tpu.memory_space<vmem>>
      %dma_wait3A_523 = arith.constant 0 : i32
      %dma_wait3A_524 = arith.constant 0 : i32
      %dma_wait3A_525 = tpu.memref_slice %arg3[%dma_wait3A_523, %dma_wait3A_524] : memref<50176x32xf32, #tpu.memory_space<hbm>> -> memref<50176x32xf32, #tpu.memory_space<hbm>>
      tpu.wait_indirect_dma semaphore(%arg15 : memref<!tpu.dma_semaphore, #tpu.memory_space<semaphore_mem>>) src(%dma_wait3A_525 : memref<50176x32xf32, #tpu.memory_space<hbm>>) dst(%arg8 : memref<128x32xf32, #tpu.memory_space<vmem>>)
      %dma_start3A_526 = arith.constant 12 : i32
      %dma_start3A_527 = arith.constant 0 : i32
      %dma_start3A_528 = tpu.memref_slice %arg7[%rem3A_143, %dma_start3A_526, %dma_start3A_527] : memref<2x14x128xi32, #tpu.memory_space<vmem>> -> memref<1x1x128xi32, #tpu.memory_space<vmem>>
      %dma_start3A_529 = tpu.memref_squeeze %dma_start3A_528 : memref<1x1x128xi32, #tpu.memory_space<vmem>> -> memref<128xi32, #tpu.memory_space<vmem>>
      %dma_start3A_530 = arith.constant 0 : i32
      %dma_start3A_531 = arith.constant 0 : i32
      %dma_start3A_532 = tpu.memref_slice %arg13[%dma_start3A_530, %dma_start3A_531] : memref<50176x32xf32, #tpu.memory_space<vmem_shared>> -> memref<50176x32xf32, #tpu.memory_space<vmem_shared>>
      tpu.enqueue_indirect_dma source(%arg8 : memref<128x32xf32, #tpu.memory_space<vmem>>) target(%dma_start3A_532 : memref<50176x32xf32, #tpu.memory_space<vmem_shared>>) offsets(%dma_start3A_529 : memref<128xi32, #tpu.memory_space<vmem>>) semaphore(%arg19 : memref<!tpu.dma_semaphore, #tpu.memory_space<semaphore_mem>>) {add = true}
      %dma_wait3A_533 = arith.constant 13 : i32
      %dma_wait3A_534 = arith.constant 0 : i32
      %dma_wait3A_535 = tpu.memref_slice %arg6[%rem3A_143, %dma_wait3A_533, %dma_wait3A_534] : memref<2x14x128xi32, #tpu.memory_space<vmem>> -> memref<1x1x128xi32, #tpu.memory_space<vmem>>
      %dma_wait3A_536 = tpu.memref_squeeze %dma_wait3A_535 : memref<1x1x128xi32, #tpu.memory_space<vmem>> -> memref<128xi32, #tpu.memory_space<vmem>>
      %dma_wait3A_537 = arith.constant 0 : i32
      %dma_wait3A_538 = arith.constant 0 : i32
      %dma_wait3A_539 = tpu.memref_slice %arg3[%dma_wait3A_537, %dma_wait3A_538] : memref<50176x32xf32, #tpu.memory_space<hbm>> -> memref<50176x32xf32, #tpu.memory_space<hbm>>
      tpu.wait_indirect_dma semaphore(%arg16 : memref<!tpu.dma_semaphore, #tpu.memory_space<semaphore_mem>>) src(%dma_wait3A_539 : memref<50176x32xf32, #tpu.memory_space<hbm>>) dst(%arg9 : memref<128x32xf32, #tpu.memory_space<vmem>>)
      %dma_start3A_540 = arith.constant 13 : i32
      %dma_start3A_541 = arith.constant 0 : i32
      %dma_start3A_542 = tpu.memref_slice %arg7[%rem3A_143, %dma_start3A_540, %dma_start3A_541] : memref<2x14x128xi32, #tpu.memory_space<vmem>> -> memref<1x1x128xi32, #tpu.memory_space<vmem>>
      %dma_start3A_543 = tpu.memref_squeeze %dma_start3A_542 : memref<1x1x128xi32, #tpu.memory_space<vmem>> -> memref<128xi32, #tpu.memory_space<vmem>>
      %dma_start3A_544 = arith.constant 0 : i32
      %dma_start3A_545 = arith.constant 0 : i32
      %dma_start3A_546 = tpu.memref_slice %arg13[%dma_start3A_544, %dma_start3A_545] : memref<50176x32xf32, #tpu.memory_space<vmem_shared>> -> memref<50176x32xf32, #tpu.memory_space<vmem_shared>>
      tpu.enqueue_indirect_dma source(%arg9 : memref<128x32xf32, #tpu.memory_space<vmem>>) target(%dma_start3A_546 : memref<50176x32xf32, #tpu.memory_space<vmem_shared>>) offsets(%dma_start3A_543 : memref<128xi32, #tpu.memory_space<vmem>>) semaphore(%arg20 : memref<!tpu.dma_semaphore, #tpu.memory_space<semaphore_mem>>) {add = true}
      %dma_wait3A_547 = arith.constant 12 : i32
      %dma_wait3A_548 = arith.constant 0 : i32
      %dma_wait3A_549 = tpu.memref_slice %arg7[%rem3A_143, %dma_wait3A_547, %dma_wait3A_548] : memref<2x14x128xi32, #tpu.memory_space<vmem>> -> memref<1x1x128xi32, #tpu.memory_space<vmem>>
      %dma_wait3A_550 = tpu.memref_squeeze %dma_wait3A_549 : memref<1x1x128xi32, #tpu.memory_space<vmem>> -> memref<128xi32, #tpu.memory_space<vmem>>
      %dma_wait3A_551 = arith.constant 0 : i32
      %dma_wait3A_552 = arith.constant 0 : i32
      %dma_wait3A_553 = tpu.memref_slice %arg13[%dma_wait3A_551, %dma_wait3A_552] : memref<50176x32xf32, #tpu.memory_space<vmem_shared>> -> memref<50176x32xf32, #tpu.memory_space<vmem_shared>>
      tpu.wait_indirect_dma semaphore(%arg19 : memref<!tpu.dma_semaphore, #tpu.memory_space<semaphore_mem>>) src(%arg8 : memref<128x32xf32, #tpu.memory_space<vmem>>) dst(%dma_wait3A_553 : memref<50176x32xf32, #tpu.memory_space<vmem_shared>>)
      %dma_wait3A_554 = arith.constant 13 : i32
      %dma_wait3A_555 = arith.constant 0 : i32
      %dma_wait3A_556 = tpu.memref_slice %arg7[%rem3A_143, %dma_wait3A_554, %dma_wait3A_555] : memref<2x14x128xi32, #tpu.memory_space<vmem>> -> memref<1x1x128xi32, #tpu.memory_space<vmem>>
      %dma_wait3A_557 = tpu.memref_squeeze %dma_wait3A_556 : memref<1x1x128xi32, #tpu.memory_space<vmem>> -> memref<128xi32, #tpu.memory_space<vmem>>
      %dma_wait3A_558 = arith.constant 0 : i32
      %dma_wait3A_559 = arith.constant 0 : i32
      %dma_wait3A_560 = tpu.memref_slice %arg13[%dma_wait3A_558, %dma_wait3A_559] : memref<50176x32xf32, #tpu.memory_space<vmem_shared>> -> memref<50176x32xf32, #tpu.memory_space<vmem_shared>>
      tpu.wait_indirect_dma semaphore(%arg20 : memref<!tpu.dma_semaphore, #tpu.memory_space<semaphore_mem>>) src(%arg9 : memref<128x32xf32, #tpu.memory_space<vmem>>) dst(%dma_wait3A_560 : memref<50176x32xf32, #tpu.memory_space<vmem_shared>>)
      %dma_wait3A_561 = arith.constant 10 : i32
      %dma_wait3A_562 = arith.constant 0 : i32
      %dma_wait3A_563 = tpu.memref_slice %arg7[%rem3A_143, %dma_wait3A_561, %dma_wait3A_562] : memref<2x14x128xi32, #tpu.memory_space<vmem>> -> memref<1x1x128xi32, #tpu.memory_space<vmem>>
      %dma_wait3A_564 = tpu.memref_squeeze %dma_wait3A_563 : memref<1x1x128xi32, #tpu.memory_space<vmem>> -> memref<128xi32, #tpu.memory_space<vmem>>
      %dma_wait3A_565 = arith.constant 0 : i32
      %dma_wait3A_566 = arith.constant 0 : i32
      %dma_wait3A_567 = tpu.memref_slice %arg13[%dma_wait3A_565, %dma_wait3A_566] : memref<50176x32xf32, #tpu.memory_space<vmem_shared>> -> memref<50176x32xf32, #tpu.memory_space<vmem_shared>>
      tpu.wait_indirect_dma semaphore(%arg21 : memref<!tpu.dma_semaphore, #tpu.memory_space<semaphore_mem>>) src(%arg10 : memref<128x32xf32, #tpu.memory_space<vmem>>) dst(%dma_wait3A_567 : memref<50176x32xf32, #tpu.memory_space<vmem_shared>>)
      %dma_wait3A_568 = arith.constant 11 : i32
      %dma_wait3A_569 = arith.constant 0 : i32
      %dma_wait3A_570 = tpu.memref_slice %arg7[%rem3A_143, %dma_wait3A_568, %dma_wait3A_569] : memref<2x14x128xi32, #tpu.memory_space<vmem>> -> memref<1x1x128xi32, #tpu.memory_space<vmem>>
      %dma_wait3A_571 = tpu.memref_squeeze %dma_wait3A_570 : memref<1x1x128xi32, #tpu.memory_space<vmem>> -> memref<128xi32, #tpu.memory_space<vmem>>
      %dma_wait3A_572 = arith.constant 0 : i32
      %dma_wait3A_573 = arith.constant 0 : i32
      %dma_wait3A_574 = tpu.memref_slice %arg13[%dma_wait3A_572, %dma_wait3A_573] : memref<50176x32xf32, #tpu.memory_space<vmem_shared>> -> memref<50176x32xf32, #tpu.memory_space<vmem_shared>>
      tpu.wait_indirect_dma semaphore(%arg22 : memref<!tpu.dma_semaphore, #tpu.memory_space<semaphore_mem>>) src(%arg11 : memref<128x32xf32, #tpu.memory_space<vmem>>) dst(%dma_wait3A_574 : memref<50176x32xf32, #tpu.memory_space<vmem_shared>>)
    }
    %scan3A_76 = arith.constant 14 : i32
    %barrier3A_77 = arith.constant 0 : index
    tpu.barrier barrier_id(%barrier3A_77)
    %add3A_78 = arith.constant 0 : i32
    %add3A_79 = arith.addi %mul3A_0, %add3A_78 : i32
    "tpu.region"() ({
      %run_scoped3A = tpu.sem_alloc : memref<!tpu.dma_semaphore, #tpu.memory_space<semaphore_mem>>
      %dma_start3A_142 = arith.constant 0 : i32
      %dma_start3A_143 = tpu.memref_slice %arg13[%add3A_79, %dma_start3A_142] : memref<50176x32xf32, #tpu.memory_space<vmem_shared>> -> memref<196x32xf32, #tpu.memory_space<vmem_shared>>
      %dma_start3A_144 = arith.constant 0 : i32
      %dma_start3A_145 = tpu.memref_slice %arg13[%add3A_79, %dma_start3A_144] : memref<50176x32xf32, #tpu.memory_space<vmem_shared>> -> memref<196x32xf32, #tpu.memory_space<vmem_shared>>
      tpu.enqueue_dma source(%dma_start3A_145 : memref<196x32xf32, #tpu.memory_space<vmem_shared>>) target(%arg12 : memref<196x32xf32, #tpu.memory_space<vmem>>) target_semaphore(%run_scoped3A : memref<!tpu.dma_semaphore, #tpu.memory_space<semaphore_mem>>)
      %dma_wait3A = arith.constant 0 : i32
      %dma_wait3A_146 = tpu.memref_slice %arg13[%add3A_79, %dma_wait3A] : memref<50176x32xf32, #tpu.memory_space<vmem_shared>> -> memref<196x32xf32, #tpu.memory_space<vmem_shared>>
      %dma_wait3A_147 = arith.constant 0 : i32
      %dma_wait3A_148 = tpu.memref_slice %arg13[%add3A_79, %dma_wait3A_147] : memref<50176x32xf32, #tpu.memory_space<vmem_shared>> -> memref<196x32xf32, #tpu.memory_space<vmem_shared>>
      tpu.wait_dma2 semaphore(%run_scoped3A : memref<!tpu.dma_semaphore, #tpu.memory_space<semaphore_mem>>) src(%dma_wait3A_148 : memref<196x32xf32, #tpu.memory_space<vmem_shared>>) dst(%arg12 : memref<196x32xf32, #tpu.memory_space<vmem>>)
      tpu.yield
    }) : () -> ()
    %add3A_80 = arith.constant 0 : i32
    %add3A_81 = arith.addi %mul3A_0, %add3A_80 : i32
    "tpu.region"() ({
      %run_scoped3A = tpu.sem_alloc : memref<!tpu.dma_semaphore, #tpu.memory_space<semaphore_mem>>
      %dma_start3A_142 = arith.constant 0 : i32
      %dma_start3A_143 = tpu.memref_slice %arg5[%arg0, %add3A_81, %dma_start3A_142] : memref<2x50176x32xf32, #tpu.memory_space<hbm>> -> memref<1x196x32xf32, #tpu.memory_space<hbm>>
      %dma_start3A_144 = tpu.memref_squeeze %dma_start3A_143 : memref<1x196x32xf32, #tpu.memory_space<hbm>> -> memref<196x32xf32, #tpu.memory_space<hbm>>
      %dma_start3A_145 = arith.constant 0 : i32
      %dma_start3A_146 = tpu.memref_slice %arg5[%arg0, %add3A_81, %dma_start3A_145] : memref<2x50176x32xf32, #tpu.memory_space<hbm>> -> memref<1x196x32xf32, #tpu.memory_space<hbm>>
      %dma_start3A_147 = tpu.memref_squeeze %dma_start3A_146 : memref<1x196x32xf32, #tpu.memory_space<hbm>> -> memref<196x32xf32, #tpu.memory_space<hbm>>
      tpu.enqueue_dma source(%arg12 : memref<196x32xf32, #tpu.memory_space<vmem>>) target(%dma_start3A_147 : memref<196x32xf32, #tpu.memory_space<hbm>>) target_semaphore(%run_scoped3A : memref<!tpu.dma_semaphore, #tpu.memory_space<semaphore_mem>>)
      %dma_wait3A = arith.constant 0 : i32
      %dma_wait3A_148 = tpu.memref_slice %arg5[%arg0, %add3A_81, %dma_wait3A] : memref<2x50176x32xf32, #tpu.memory_space<hbm>> -> memref<1x196x32xf32, #tpu.memory_space<hbm>>
      %dma_wait3A_149 = tpu.memref_squeeze %dma_wait3A_148 : memref<1x196x32xf32, #tpu.memory_space<hbm>> -> memref<196x32xf32, #tpu.memory_space<hbm>>
      %dma_wait3A_150 = arith.constant 0 : i32
      %dma_wait3A_151 = tpu.memref_slice %arg5[%arg0, %add3A_81, %dma_wait3A_150] : memref<2x50176x32xf32, #tpu.memory_space<hbm>> -> memref<1x196x32xf32, #tpu.memory_space<hbm>>
      %dma_wait3A_152 = tpu.memref_squeeze %dma_wait3A_151 : memref<1x196x32xf32, #tpu.memory_space<hbm>> -> memref<196x32xf32, #tpu.memory_space<hbm>>
      tpu.wait_dma2 semaphore(%run_scoped3A : memref<!tpu.dma_semaphore, #tpu.memory_space<semaphore_mem>>) src(%arg12 : memref<196x32xf32, #tpu.memory_space<vmem>>) dst(%dma_wait3A_152 : memref<196x32xf32, #tpu.memory_space<hbm>>)
      tpu.yield
    }) : () -> ()
    %add3A_82 = arith.constant 196 : i32
    %add3A_83 = arith.addi %mul3A_0, %add3A_82 : i32
    "tpu.region"() ({
      %run_scoped3A = tpu.sem_alloc : memref<!tpu.dma_semaphore, #tpu.memory_space<semaphore_mem>>
      %dma_start3A_142 = arith.constant 0 : i32
      %dma_start3A_143 = tpu.memref_slice %arg13[%add3A_83, %dma_start3A_142] : memref<50176x32xf32, #tpu.memory_space<vmem_shared>> -> memref<196x32xf32, #tpu.memory_space<vmem_shared>>
      %dma_start3A_144 = arith.constant 0 : i32
      %dma_start3A_145 = tpu.memref_slice %arg13[%add3A_83, %dma_start3A_144] : memref<50176x32xf32, #tpu.memory_space<vmem_shared>> -> memref<196x32xf32, #tpu.memory_space<vmem_shared>>
      tpu.enqueue_dma source(%dma_start3A_145 : memref<196x32xf32, #tpu.memory_space<vmem_shared>>) target(%arg12 : memref<196x32xf32, #tpu.memory_space<vmem>>) target_semaphore(%run_scoped3A : memref<!tpu.dma_semaphore, #tpu.memory_space<semaphore_mem>>)
      %dma_wait3A = arith.constant 0 : i32
      %dma_wait3A_146 = tpu.memref_slice %arg13[%add3A_83, %dma_wait3A] : memref<50176x32xf32, #tpu.memory_space<vmem_shared>> -> memref<196x32xf32, #tpu.memory_space<vmem_shared>>
      %dma_wait3A_147 = arith.constant 0 : i32
      %dma_wait3A_148 = tpu.memref_slice %arg13[%add3A_83, %dma_wait3A_147] : memref<50176x32xf32, #tpu.memory_space<vmem_shared>> -> memref<196x32xf32, #tpu.memory_space<vmem_shared>>
      tpu.wait_dma2 semaphore(%run_scoped3A : memref<!tpu.dma_semaphore, #tpu.memory_space<semaphore_mem>>) src(%dma_wait3A_148 : memref<196x32xf32, #tpu.memory_space<vmem_shared>>) dst(%arg12 : memref<196x32xf32, #tpu.memory_space<vmem>>)
      tpu.yield
    }) : () -> ()
    %add3A_84 = arith.constant 196 : i32
    %add3A_85 = arith.addi %mul3A_0, %add3A_84 : i32
    "tpu.region"() ({
      %run_scoped3A = tpu.sem_alloc : memref<!tpu.dma_semaphore, #tpu.memory_space<semaphore_mem>>
      %dma_start3A_142 = arith.constant 0 : i32
      %dma_start3A_143 = tpu.memref_slice %arg5[%arg0, %add3A_85, %dma_start3A_142] : memref<2x50176x32xf32, #tpu.memory_space<hbm>> -> memref<1x196x32xf32, #tpu.memory_space<hbm>>
      %dma_start3A_144 = tpu.memref_squeeze %dma_start3A_143 : memref<1x196x32xf32, #tpu.memory_space<hbm>> -> memref<196x32xf32, #tpu.memory_space<hbm>>
      %dma_start3A_145 = arith.constant 0 : i32
      %dma_start3A_146 = tpu.memref_slice %arg5[%arg0, %add3A_85, %dma_start3A_145] : memref<2x50176x32xf32, #tpu.memory_space<hbm>> -> memref<1x196x32xf32, #tpu.memory_space<hbm>>
      %dma_start3A_147 = tpu.memref_squeeze %dma_start3A_146 : memref<1x196x32xf32, #tpu.memory_space<hbm>> -> memref<196x32xf32, #tpu.memory_space<hbm>>
      tpu.enqueue_dma source(%arg12 : memref<196x32xf32, #tpu.memory_space<vmem>>) target(%dma_start3A_147 : memref<196x32xf32, #tpu.memory_space<hbm>>) target_semaphore(%run_scoped3A : memref<!tpu.dma_semaphore, #tpu.memory_space<semaphore_mem>>)
      %dma_wait3A = arith.constant 0 : i32
      %dma_wait3A_148 = tpu.memref_slice %arg5[%arg0, %add3A_85, %dma_wait3A] : memref<2x50176x32xf32, #tpu.memory_space<hbm>> -> memref<1x196x32xf32, #tpu.memory_space<hbm>>
      %dma_wait3A_149 = tpu.memref_squeeze %dma_wait3A_148 : memref<1x196x32xf32, #tpu.memory_space<hbm>> -> memref<196x32xf32, #tpu.memory_space<hbm>>
      %dma_wait3A_150 = arith.constant 0 : i32
      %dma_wait3A_151 = tpu.memref_slice %arg5[%arg0, %add3A_85, %dma_wait3A_150] : memref<2x50176x32xf32, #tpu.memory_space<hbm>> -> memref<1x196x32xf32, #tpu.memory_space<hbm>>
      %dma_wait3A_152 = tpu.memref_squeeze %dma_wait3A_151 : memref<1x196x32xf32, #tpu.memory_space<hbm>> -> memref<196x32xf32, #tpu.memory_space<hbm>>
      tpu.wait_dma2 semaphore(%run_scoped3A : memref<!tpu.dma_semaphore, #tpu.memory_space<semaphore_mem>>) src(%arg12 : memref<196x32xf32, #tpu.memory_space<vmem>>) dst(%dma_wait3A_152 : memref<196x32xf32, #tpu.memory_space<hbm>>)
      tpu.yield
    }) : () -> ()
    %add3A_86 = arith.constant 392 : i32
    %add3A_87 = arith.addi %mul3A_0, %add3A_86 : i32
    "tpu.region"() ({
      %run_scoped3A = tpu.sem_alloc : memref<!tpu.dma_semaphore, #tpu.memory_space<semaphore_mem>>
      %dma_start3A_142 = arith.constant 0 : i32
      %dma_start3A_143 = tpu.memref_slice %arg13[%add3A_87, %dma_start3A_142] : memref<50176x32xf32, #tpu.memory_space<vmem_shared>> -> memref<196x32xf32, #tpu.memory_space<vmem_shared>>
      %dma_start3A_144 = arith.constant 0 : i32
      %dma_start3A_145 = tpu.memref_slice %arg13[%add3A_87, %dma_start3A_144] : memref<50176x32xf32, #tpu.memory_space<vmem_shared>> -> memref<196x32xf32, #tpu.memory_space<vmem_shared>>
      tpu.enqueue_dma source(%dma_start3A_145 : memref<196x32xf32, #tpu.memory_space<vmem_shared>>) target(%arg12 : memref<196x32xf32, #tpu.memory_space<vmem>>) target_semaphore(%run_scoped3A : memref<!tpu.dma_semaphore, #tpu.memory_space<semaphore_mem>>)
      %dma_wait3A = arith.constant 0 : i32
      %dma_wait3A_146 = tpu.memref_slice %arg13[%add3A_87, %dma_wait3A] : memref<50176x32xf32, #tpu.memory_space<vmem_shared>> -> memref<196x32xf32, #tpu.memory_space<vmem_shared>>
      %dma_wait3A_147 = arith.constant 0 : i32
      %dma_wait3A_148 = tpu.memref_slice %arg13[%add3A_87, %dma_wait3A_147] : memref<50176x32xf32, #tpu.memory_space<vmem_shared>> -> memref<196x32xf32, #tpu.memory_space<vmem_shared>>
      tpu.wait_dma2 semaphore(%run_scoped3A : memref<!tpu.dma_semaphore, #tpu.memory_space<semaphore_mem>>) src(%dma_wait3A_148 : memref<196x32xf32, #tpu.memory_space<vmem_shared>>) dst(%arg12 : memref<196x32xf32, #tpu.memory_space<vmem>>)
      tpu.yield
    }) : () -> ()
    %add3A_88 = arith.constant 392 : i32
    %add3A_89 = arith.addi %mul3A_0, %add3A_88 : i32
    "tpu.region"() ({
      %run_scoped3A = tpu.sem_alloc : memref<!tpu.dma_semaphore, #tpu.memory_space<semaphore_mem>>
      %dma_start3A_142 = arith.constant 0 : i32
      %dma_start3A_143 = tpu.memref_slice %arg5[%arg0, %add3A_89, %dma_start3A_142] : memref<2x50176x32xf32, #tpu.memory_space<hbm>> -> memref<1x196x32xf32, #tpu.memory_space<hbm>>
      %dma_start3A_144 = tpu.memref_squeeze %dma_start3A_143 : memref<1x196x32xf32, #tpu.memory_space<hbm>> -> memref<196x32xf32, #tpu.memory_space<hbm>>
      %dma_start3A_145 = arith.constant 0 : i32
      %dma_start3A_146 = tpu.memref_slice %arg5[%arg0, %add3A_89, %dma_start3A_145] : memref<2x50176x32xf32, #tpu.memory_space<hbm>> -> memref<1x196x32xf32, #tpu.memory_space<hbm>>
      %dma_start3A_147 = tpu.memref_squeeze %dma_start3A_146 : memref<1x196x32xf32, #tpu.memory_space<hbm>> -> memref<196x32xf32, #tpu.memory_space<hbm>>
      tpu.enqueue_dma source(%arg12 : memref<196x32xf32, #tpu.memory_space<vmem>>) target(%dma_start3A_147 : memref<196x32xf32, #tpu.memory_space<hbm>>) target_semaphore(%run_scoped3A : memref<!tpu.dma_semaphore, #tpu.memory_space<semaphore_mem>>)
      %dma_wait3A = arith.constant 0 : i32
      %dma_wait3A_148 = tpu.memref_slice %arg5[%arg0, %add3A_89, %dma_wait3A] : memref<2x50176x32xf32, #tpu.memory_space<hbm>> -> memref<1x196x32xf32, #tpu.memory_space<hbm>>
      %dma_wait3A_149 = tpu.memref_squeeze %dma_wait3A_148 : memref<1x196x32xf32, #tpu.memory_space<hbm>> -> memref<196x32xf32, #tpu.memory_space<hbm>>
      %dma_wait3A_150 = arith.constant 0 : i32
      %dma_wait3A_151 = tpu.memref_slice %arg5[%arg0, %add3A_89, %dma_wait3A_150] : memref<2x50176x32xf32, #tpu.memory_space<hbm>> -> memref<1x196x32xf32, #tpu.memory_space<hbm>>
      %dma_wait3A_152 = tpu.memref_squeeze %dma_wait3A_151 : memref<1x196x32xf32, #tpu.memory_space<hbm>> -> memref<196x32xf32, #tpu.memory_space<hbm>>
      tpu.wait_dma2 semaphore(%run_scoped3A : memref<!tpu.dma_semaphore, #tpu.memory_space<semaphore_mem>>) src(%arg12 : memref<196x32xf32, #tpu.memory_space<vmem>>) dst(%dma_wait3A_152 : memref<196x32xf32, #tpu.memory_space<hbm>>)
      tpu.yield
    }) : () -> ()
    %add3A_90 = arith.constant 588 : i32
    %add3A_91 = arith.addi %mul3A_0, %add3A_90 : i32
    "tpu.region"() ({
      %run_scoped3A = tpu.sem_alloc : memref<!tpu.dma_semaphore, #tpu.memory_space<semaphore_mem>>
      %dma_start3A_142 = arith.constant 0 : i32
      %dma_start3A_143 = tpu.memref_slice %arg13[%add3A_91, %dma_start3A_142] : memref<50176x32xf32, #tpu.memory_space<vmem_shared>> -> memref<196x32xf32, #tpu.memory_space<vmem_shared>>
      %dma_start3A_144 = arith.constant 0 : i32
      %dma_start3A_145 = tpu.memref_slice %arg13[%add3A_91, %dma_start3A_144] : memref<50176x32xf32, #tpu.memory_space<vmem_shared>> -> memref<196x32xf32, #tpu.memory_space<vmem_shared>>
      tpu.enqueue_dma source(%dma_start3A_145 : memref<196x32xf32, #tpu.memory_space<vmem_shared>>) target(%arg12 : memref<196x32xf32, #tpu.memory_space<vmem>>) target_semaphore(%run_scoped3A : memref<!tpu.dma_semaphore, #tpu.memory_space<semaphore_mem>>)
      %dma_wait3A = arith.constant 0 : i32
      %dma_wait3A_146 = tpu.memref_slice %arg13[%add3A_91, %dma_wait3A] : memref<50176x32xf32, #tpu.memory_space<vmem_shared>> -> memref<196x32xf32, #tpu.memory_space<vmem_shared>>
      %dma_wait3A_147 = arith.constant 0 : i32
      %dma_wait3A_148 = tpu.memref_slice %arg13[%add3A_91, %dma_wait3A_147] : memref<50176x32xf32, #tpu.memory_space<vmem_shared>> -> memref<196x32xf32, #tpu.memory_space<vmem_shared>>
      tpu.wait_dma2 semaphore(%run_scoped3A : memref<!tpu.dma_semaphore, #tpu.memory_space<semaphore_mem>>) src(%dma_wait3A_148 : memref<196x32xf32, #tpu.memory_space<vmem_shared>>) dst(%arg12 : memref<196x32xf32, #tpu.memory_space<vmem>>)
      tpu.yield
    }) : () -> ()
    %add3A_92 = arith.constant 588 : i32
    %add3A_93 = arith.addi %mul3A_0, %add3A_92 : i32
    "tpu.region"() ({
      %run_scoped3A = tpu.sem_alloc : memref<!tpu.dma_semaphore, #tpu.memory_space<semaphore_mem>>
      %dma_start3A_142 = arith.constant 0 : i32
      %dma_start3A_143 = tpu.memref_slice %arg5[%arg0, %add3A_93, %dma_start3A_142] : memref<2x50176x32xf32, #tpu.memory_space<hbm>> -> memref<1x196x32xf32, #tpu.memory_space<hbm>>
      %dma_start3A_144 = tpu.memref_squeeze %dma_start3A_143 : memref<1x196x32xf32, #tpu.memory_space<hbm>> -> memref<196x32xf32, #tpu.memory_space<hbm>>
      %dma_start3A_145 = arith.constant 0 : i32
      %dma_start3A_146 = tpu.memref_slice %arg5[%arg0, %add3A_93, %dma_start3A_145] : memref<2x50176x32xf32, #tpu.memory_space<hbm>> -> memref<1x196x32xf32, #tpu.memory_space<hbm>>
      %dma_start3A_147 = tpu.memref_squeeze %dma_start3A_146 : memref<1x196x32xf32, #tpu.memory_space<hbm>> -> memref<196x32xf32, #tpu.memory_space<hbm>>
      tpu.enqueue_dma source(%arg12 : memref<196x32xf32, #tpu.memory_space<vmem>>) target(%dma_start3A_147 : memref<196x32xf32, #tpu.memory_space<hbm>>) target_semaphore(%run_scoped3A : memref<!tpu.dma_semaphore, #tpu.memory_space<semaphore_mem>>)
      %dma_wait3A = arith.constant 0 : i32
      %dma_wait3A_148 = tpu.memref_slice %arg5[%arg0, %add3A_93, %dma_wait3A] : memref<2x50176x32xf32, #tpu.memory_space<hbm>> -> memref<1x196x32xf32, #tpu.memory_space<hbm>>
      %dma_wait3A_149 = tpu.memref_squeeze %dma_wait3A_148 : memref<1x196x32xf32, #tpu.memory_space<hbm>> -> memref<196x32xf32, #tpu.memory_space<hbm>>
      %dma_wait3A_150 = arith.constant 0 : i32
      %dma_wait3A_151 = tpu.memref_slice %arg5[%arg0, %add3A_93, %dma_wait3A_150] : memref<2x50176x32xf32, #tpu.memory_space<hbm>> -> memref<1x196x32xf32, #tpu.memory_space<hbm>>
      %dma_wait3A_152 = tpu.memref_squeeze %dma_wait3A_151 : memref<1x196x32xf32, #tpu.memory_space<hbm>> -> memref<196x32xf32, #tpu.memory_space<hbm>>
      tpu.wait_dma2 semaphore(%run_scoped3A : memref<!tpu.dma_semaphore, #tpu.memory_space<semaphore_mem>>) src(%arg12 : memref<196x32xf32, #tpu.memory_space<vmem>>) dst(%dma_wait3A_152 : memref<196x32xf32, #tpu.memory_space<hbm>>)
      tpu.yield
    }) : () -> ()
    %add3A_94 = arith.constant 784 : i32
    %add3A_95 = arith.addi %mul3A_0, %add3A_94 : i32
    "tpu.region"() ({
      %run_scoped3A = tpu.sem_alloc : memref<!tpu.dma_semaphore, #tpu.memory_space<semaphore_mem>>
      %dma_start3A_142 = arith.constant 0 : i32
      %dma_start3A_143 = tpu.memref_slice %arg13[%add3A_95, %dma_start3A_142] : memref<50176x32xf32, #tpu.memory_space<vmem_shared>> -> memref<196x32xf32, #tpu.memory_space<vmem_shared>>
      %dma_start3A_144 = arith.constant 0 : i32
      %dma_start3A_145 = tpu.memref_slice %arg13[%add3A_95, %dma_start3A_144] : memref<50176x32xf32, #tpu.memory_space<vmem_shared>> -> memref<196x32xf32, #tpu.memory_space<vmem_shared>>
      tpu.enqueue_dma source(%dma_start3A_145 : memref<196x32xf32, #tpu.memory_space<vmem_shared>>) target(%arg12 : memref<196x32xf32, #tpu.memory_space<vmem>>) target_semaphore(%run_scoped3A : memref<!tpu.dma_semaphore, #tpu.memory_space<semaphore_mem>>)
      %dma_wait3A = arith.constant 0 : i32
      %dma_wait3A_146 = tpu.memref_slice %arg13[%add3A_95, %dma_wait3A] : memref<50176x32xf32, #tpu.memory_space<vmem_shared>> -> memref<196x32xf32, #tpu.memory_space<vmem_shared>>
      %dma_wait3A_147 = arith.constant 0 : i32
      %dma_wait3A_148 = tpu.memref_slice %arg13[%add3A_95, %dma_wait3A_147] : memref<50176x32xf32, #tpu.memory_space<vmem_shared>> -> memref<196x32xf32, #tpu.memory_space<vmem_shared>>
      tpu.wait_dma2 semaphore(%run_scoped3A : memref<!tpu.dma_semaphore, #tpu.memory_space<semaphore_mem>>) src(%dma_wait3A_148 : memref<196x32xf32, #tpu.memory_space<vmem_shared>>) dst(%arg12 : memref<196x32xf32, #tpu.memory_space<vmem>>)
      tpu.yield
    }) : () -> ()
    %add3A_96 = arith.constant 784 : i32
    %add3A_97 = arith.addi %mul3A_0, %add3A_96 : i32
    "tpu.region"() ({
      %run_scoped3A = tpu.sem_alloc : memref<!tpu.dma_semaphore, #tpu.memory_space<semaphore_mem>>
      %dma_start3A_142 = arith.constant 0 : i32
      %dma_start3A_143 = tpu.memref_slice %arg5[%arg0, %add3A_97, %dma_start3A_142] : memref<2x50176x32xf32, #tpu.memory_space<hbm>> -> memref<1x196x32xf32, #tpu.memory_space<hbm>>
      %dma_start3A_144 = tpu.memref_squeeze %dma_start3A_143 : memref<1x196x32xf32, #tpu.memory_space<hbm>> -> memref<196x32xf32, #tpu.memory_space<hbm>>
      %dma_start3A_145 = arith.constant 0 : i32
      %dma_start3A_146 = tpu.memref_slice %arg5[%arg0, %add3A_97, %dma_start3A_145] : memref<2x50176x32xf32, #tpu.memory_space<hbm>> -> memref<1x196x32xf32, #tpu.memory_space<hbm>>
      %dma_start3A_147 = tpu.memref_squeeze %dma_start3A_146 : memref<1x196x32xf32, #tpu.memory_space<hbm>> -> memref<196x32xf32, #tpu.memory_space<hbm>>
      tpu.enqueue_dma source(%arg12 : memref<196x32xf32, #tpu.memory_space<vmem>>) target(%dma_start3A_147 : memref<196x32xf32, #tpu.memory_space<hbm>>) target_semaphore(%run_scoped3A : memref<!tpu.dma_semaphore, #tpu.memory_space<semaphore_mem>>)
      %dma_wait3A = arith.constant 0 : i32
      %dma_wait3A_148 = tpu.memref_slice %arg5[%arg0, %add3A_97, %dma_wait3A] : memref<2x50176x32xf32, #tpu.memory_space<hbm>> -> memref<1x196x32xf32, #tpu.memory_space<hbm>>
      %dma_wait3A_149 = tpu.memref_squeeze %dma_wait3A_148 : memref<1x196x32xf32, #tpu.memory_space<hbm>> -> memref<196x32xf32, #tpu.memory_space<hbm>>
      %dma_wait3A_150 = arith.constant 0 : i32
      %dma_wait3A_151 = tpu.memref_slice %arg5[%arg0, %add3A_97, %dma_wait3A_150] : memref<2x50176x32xf32, #tpu.memory_space<hbm>> -> memref<1x196x32xf32, #tpu.memory_space<hbm>>
      %dma_wait3A_152 = tpu.memref_squeeze %dma_wait3A_151 : memref<1x196x32xf32, #tpu.memory_space<hbm>> -> memref<196x32xf32, #tpu.memory_space<hbm>>
      tpu.wait_dma2 semaphore(%run_scoped3A : memref<!tpu.dma_semaphore, #tpu.memory_space<semaphore_mem>>) src(%arg12 : memref<196x32xf32, #tpu.memory_space<vmem>>) dst(%dma_wait3A_152 : memref<196x32xf32, #tpu.memory_space<hbm>>)
      tpu.yield
    }) : () -> ()
    %add3A_98 = arith.constant 980 : i32
    %add3A_99 = arith.addi %mul3A_0, %add3A_98 : i32
    "tpu.region"() ({
      %run_scoped3A = tpu.sem_alloc : memref<!tpu.dma_semaphore, #tpu.memory_space<semaphore_mem>>
      %dma_start3A_142 = arith.constant 0 : i32
      %dma_start3A_143 = tpu.memref_slice %arg13[%add3A_99, %dma_start3A_142] : memref<50176x32xf32, #tpu.memory_space<vmem_shared>> -> memref<196x32xf32, #tpu.memory_space<vmem_shared>>
      %dma_start3A_144 = arith.constant 0 : i32
      %dma_start3A_145 = tpu.memref_slice %arg13[%add3A_99, %dma_start3A_144] : memref<50176x32xf32, #tpu.memory_space<vmem_shared>> -> memref<196x32xf32, #tpu.memory_space<vmem_shared>>
      tpu.enqueue_dma source(%dma_start3A_145 : memref<196x32xf32, #tpu.memory_space<vmem_shared>>) target(%arg12 : memref<196x32xf32, #tpu.memory_space<vmem>>) target_semaphore(%run_scoped3A : memref<!tpu.dma_semaphore, #tpu.memory_space<semaphore_mem>>)
      %dma_wait3A = arith.constant 0 : i32
      %dma_wait3A_146 = tpu.memref_slice %arg13[%add3A_99, %dma_wait3A] : memref<50176x32xf32, #tpu.memory_space<vmem_shared>> -> memref<196x32xf32, #tpu.memory_space<vmem_shared>>
      %dma_wait3A_147 = arith.constant 0 : i32
      %dma_wait3A_148 = tpu.memref_slice %arg13[%add3A_99, %dma_wait3A_147] : memref<50176x32xf32, #tpu.memory_space<vmem_shared>> -> memref<196x32xf32, #tpu.memory_space<vmem_shared>>
      tpu.wait_dma2 semaphore(%run_scoped3A : memref<!tpu.dma_semaphore, #tpu.memory_space<semaphore_mem>>) src(%dma_wait3A_148 : memref<196x32xf32, #tpu.memory_space<vmem_shared>>) dst(%arg12 : memref<196x32xf32, #tpu.memory_space<vmem>>)
      tpu.yield
    }) : () -> ()
    %add3A_100 = arith.constant 980 : i32
    %add3A_101 = arith.addi %mul3A_0, %add3A_100 : i32
    "tpu.region"() ({
      %run_scoped3A = tpu.sem_alloc : memref<!tpu.dma_semaphore, #tpu.memory_space<semaphore_mem>>
      %dma_start3A_142 = arith.constant 0 : i32
      %dma_start3A_143 = tpu.memref_slice %arg5[%arg0, %add3A_101, %dma_start3A_142] : memref<2x50176x32xf32, #tpu.memory_space<hbm>> -> memref<1x196x32xf32, #tpu.memory_space<hbm>>
      %dma_start3A_144 = tpu.memref_squeeze %dma_start3A_143 : memref<1x196x32xf32, #tpu.memory_space<hbm>> -> memref<196x32xf32, #tpu.memory_space<hbm>>
      %dma_start3A_145 = arith.constant 0 : i32
      %dma_start3A_146 = tpu.memref_slice %arg5[%arg0, %add3A_101, %dma_start3A_145] : memref<2x50176x32xf32, #tpu.memory_space<hbm>> -> memref<1x196x32xf32, #tpu.memory_space<hbm>>
      %dma_start3A_147 = tpu.memref_squeeze %dma_start3A_146 : memref<1x196x32xf32, #tpu.memory_space<hbm>> -> memref<196x32xf32, #tpu.memory_space<hbm>>
      tpu.enqueue_dma source(%arg12 : memref<196x32xf32, #tpu.memory_space<vmem>>) target(%dma_start3A_147 : memref<196x32xf32, #tpu.memory_space<hbm>>) target_semaphore(%run_scoped3A : memref<!tpu.dma_semaphore, #tpu.memory_space<semaphore_mem>>)
      %dma_wait3A = arith.constant 0 : i32
      %dma_wait3A_148 = tpu.memref_slice %arg5[%arg0, %add3A_101, %dma_wait3A] : memref<2x50176x32xf32, #tpu.memory_space<hbm>> -> memref<1x196x32xf32, #tpu.memory_space<hbm>>
      %dma_wait3A_149 = tpu.memref_squeeze %dma_wait3A_148 : memref<1x196x32xf32, #tpu.memory_space<hbm>> -> memref<196x32xf32, #tpu.memory_space<hbm>>
      %dma_wait3A_150 = arith.constant 0 : i32
      %dma_wait3A_151 = tpu.memref_slice %arg5[%arg0, %add3A_101, %dma_wait3A_150] : memref<2x50176x32xf32, #tpu.memory_space<hbm>> -> memref<1x196x32xf32, #tpu.memory_space<hbm>>
      %dma_wait3A_152 = tpu.memref_squeeze %dma_wait3A_151 : memref<1x196x32xf32, #tpu.memory_space<hbm>> -> memref<196x32xf32, #tpu.memory_space<hbm>>
      tpu.wait_dma2 semaphore(%run_scoped3A : memref<!tpu.dma_semaphore, #tpu.memory_space<semaphore_mem>>) src(%arg12 : memref<196x32xf32, #tpu.memory_space<vmem>>) dst(%dma_wait3A_152 : memref<196x32xf32, #tpu.memory_space<hbm>>)
      tpu.yield
    }) : () -> ()
    %add3A_102 = arith.constant 1176 : i32
    %add3A_103 = arith.addi %mul3A_0, %add3A_102 : i32
    "tpu.region"() ({
      %run_scoped3A = tpu.sem_alloc : memref<!tpu.dma_semaphore, #tpu.memory_space<semaphore_mem>>
      %dma_start3A_142 = arith.constant 0 : i32
      %dma_start3A_143 = tpu.memref_slice %arg13[%add3A_103, %dma_start3A_142] : memref<50176x32xf32, #tpu.memory_space<vmem_shared>> -> memref<196x32xf32, #tpu.memory_space<vmem_shared>>
      %dma_start3A_144 = arith.constant 0 : i32
      %dma_start3A_145 = tpu.memref_slice %arg13[%add3A_103, %dma_start3A_144] : memref<50176x32xf32, #tpu.memory_space<vmem_shared>> -> memref<196x32xf32, #tpu.memory_space<vmem_shared>>
      tpu.enqueue_dma source(%dma_start3A_145 : memref<196x32xf32, #tpu.memory_space<vmem_shared>>) target(%arg12 : memref<196x32xf32, #tpu.memory_space<vmem>>) target_semaphore(%run_scoped3A : memref<!tpu.dma_semaphore, #tpu.memory_space<semaphore_mem>>)
      %dma_wait3A = arith.constant 0 : i32
      %dma_wait3A_146 = tpu.memref_slice %arg13[%add3A_103, %dma_wait3A] : memref<50176x32xf32, #tpu.memory_space<vmem_shared>> -> memref<196x32xf32, #tpu.memory_space<vmem_shared>>
      %dma_wait3A_147 = arith.constant 0 : i32
      %dma_wait3A_148 = tpu.memref_slice %arg13[%add3A_103, %dma_wait3A_147] : memref<50176x32xf32, #tpu.memory_space<vmem_shared>> -> memref<196x32xf32, #tpu.memory_space<vmem_shared>>
      tpu.wait_dma2 semaphore(%run_scoped3A : memref<!tpu.dma_semaphore, #tpu.memory_space<semaphore_mem>>) src(%dma_wait3A_148 : memref<196x32xf32, #tpu.memory_space<vmem_shared>>) dst(%arg12 : memref<196x32xf32, #tpu.memory_space<vmem>>)
      tpu.yield
    }) : () -> ()
    %add3A_104 = arith.constant 1176 : i32
    %add3A_105 = arith.addi %mul3A_0, %add3A_104 : i32
    "tpu.region"() ({
      %run_scoped3A = tpu.sem_alloc : memref<!tpu.dma_semaphore, #tpu.memory_space<semaphore_mem>>
      %dma_start3A_142 = arith.constant 0 : i32
      %dma_start3A_143 = tpu.memref_slice %arg5[%arg0, %add3A_105, %dma_start3A_142] : memref<2x50176x32xf32, #tpu.memory_space<hbm>> -> memref<1x196x32xf32, #tpu.memory_space<hbm>>
      %dma_start3A_144 = tpu.memref_squeeze %dma_start3A_143 : memref<1x196x32xf32, #tpu.memory_space<hbm>> -> memref<196x32xf32, #tpu.memory_space<hbm>>
      %dma_start3A_145 = arith.constant 0 : i32
      %dma_start3A_146 = tpu.memref_slice %arg5[%arg0, %add3A_105, %dma_start3A_145] : memref<2x50176x32xf32, #tpu.memory_space<hbm>> -> memref<1x196x32xf32, #tpu.memory_space<hbm>>
      %dma_start3A_147 = tpu.memref_squeeze %dma_start3A_146 : memref<1x196x32xf32, #tpu.memory_space<hbm>> -> memref<196x32xf32, #tpu.memory_space<hbm>>
      tpu.enqueue_dma source(%arg12 : memref<196x32xf32, #tpu.memory_space<vmem>>) target(%dma_start3A_147 : memref<196x32xf32, #tpu.memory_space<hbm>>) target_semaphore(%run_scoped3A : memref<!tpu.dma_semaphore, #tpu.memory_space<semaphore_mem>>)
      %dma_wait3A = arith.constant 0 : i32
      %dma_wait3A_148 = tpu.memref_slice %arg5[%arg0, %add3A_105, %dma_wait3A] : memref<2x50176x32xf32, #tpu.memory_space<hbm>> -> memref<1x196x32xf32, #tpu.memory_space<hbm>>
      %dma_wait3A_149 = tpu.memref_squeeze %dma_wait3A_148 : memref<1x196x32xf32, #tpu.memory_space<hbm>> -> memref<196x32xf32, #tpu.memory_space<hbm>>
      %dma_wait3A_150 = arith.constant 0 : i32
      %dma_wait3A_151 = tpu.memref_slice %arg5[%arg0, %add3A_105, %dma_wait3A_150] : memref<2x50176x32xf32, #tpu.memory_space<hbm>> -> memref<1x196x32xf32, #tpu.memory_space<hbm>>
      %dma_wait3A_152 = tpu.memref_squeeze %dma_wait3A_151 : memref<1x196x32xf32, #tpu.memory_space<hbm>> -> memref<196x32xf32, #tpu.memory_space<hbm>>
      tpu.wait_dma2 semaphore(%run_scoped3A : memref<!tpu.dma_semaphore, #tpu.memory_space<semaphore_mem>>) src(%arg12 : memref<196x32xf32, #tpu.memory_space<vmem>>) dst(%dma_wait3A_152 : memref<196x32xf32, #tpu.memory_space<hbm>>)
      tpu.yield
    }) : () -> ()
    %add3A_106 = arith.constant 1372 : i32
    %add3A_107 = arith.addi %mul3A_0, %add3A_106 : i32
    "tpu.region"() ({
      %run_scoped3A = tpu.sem_alloc : memref<!tpu.dma_semaphore, #tpu.memory_space<semaphore_mem>>
      %dma_start3A_142 = arith.constant 0 : i32
      %dma_start3A_143 = tpu.memref_slice %arg13[%add3A_107, %dma_start3A_142] : memref<50176x32xf32, #tpu.memory_space<vmem_shared>> -> memref<196x32xf32, #tpu.memory_space<vmem_shared>>
      %dma_start3A_144 = arith.constant 0 : i32
      %dma_start3A_145 = tpu.memref_slice %arg13[%add3A_107, %dma_start3A_144] : memref<50176x32xf32, #tpu.memory_space<vmem_shared>> -> memref<196x32xf32, #tpu.memory_space<vmem_shared>>
      tpu.enqueue_dma source(%dma_start3A_145 : memref<196x32xf32, #tpu.memory_space<vmem_shared>>) target(%arg12 : memref<196x32xf32, #tpu.memory_space<vmem>>) target_semaphore(%run_scoped3A : memref<!tpu.dma_semaphore, #tpu.memory_space<semaphore_mem>>)
      %dma_wait3A = arith.constant 0 : i32
      %dma_wait3A_146 = tpu.memref_slice %arg13[%add3A_107, %dma_wait3A] : memref<50176x32xf32, #tpu.memory_space<vmem_shared>> -> memref<196x32xf32, #tpu.memory_space<vmem_shared>>
      %dma_wait3A_147 = arith.constant 0 : i32
      %dma_wait3A_148 = tpu.memref_slice %arg13[%add3A_107, %dma_wait3A_147] : memref<50176x32xf32, #tpu.memory_space<vmem_shared>> -> memref<196x32xf32, #tpu.memory_space<vmem_shared>>
      tpu.wait_dma2 semaphore(%run_scoped3A : memref<!tpu.dma_semaphore, #tpu.memory_space<semaphore_mem>>) src(%dma_wait3A_148 : memref<196x32xf32, #tpu.memory_space<vmem_shared>>) dst(%arg12 : memref<196x32xf32, #tpu.memory_space<vmem>>)
      tpu.yield
    }) : () -> ()
    %add3A_108 = arith.constant 1372 : i32
    %add3A_109 = arith.addi %mul3A_0, %add3A_108 : i32
    "tpu.region"() ({
      %run_scoped3A = tpu.sem_alloc : memref<!tpu.dma_semaphore, #tpu.memory_space<semaphore_mem>>
      %dma_start3A_142 = arith.constant 0 : i32
      %dma_start3A_143 = tpu.memref_slice %arg5[%arg0, %add3A_109, %dma_start3A_142] : memref<2x50176x32xf32, #tpu.memory_space<hbm>> -> memref<1x196x32xf32, #tpu.memory_space<hbm>>
      %dma_start3A_144 = tpu.memref_squeeze %dma_start3A_143 : memref<1x196x32xf32, #tpu.memory_space<hbm>> -> memref<196x32xf32, #tpu.memory_space<hbm>>
      %dma_start3A_145 = arith.constant 0 : i32
      %dma_start3A_146 = tpu.memref_slice %arg5[%arg0, %add3A_109, %dma_start3A_145] : memref<2x50176x32xf32, #tpu.memory_space<hbm>> -> memref<1x196x32xf32, #tpu.memory_space<hbm>>
      %dma_start3A_147 = tpu.memref_squeeze %dma_start3A_146 : memref<1x196x32xf32, #tpu.memory_space<hbm>> -> memref<196x32xf32, #tpu.memory_space<hbm>>
      tpu.enqueue_dma source(%arg12 : memref<196x32xf32, #tpu.memory_space<vmem>>) target(%dma_start3A_147 : memref<196x32xf32, #tpu.memory_space<hbm>>) target_semaphore(%run_scoped3A : memref<!tpu.dma_semaphore, #tpu.memory_space<semaphore_mem>>)
      %dma_wait3A = arith.constant 0 : i32
      %dma_wait3A_148 = tpu.memref_slice %arg5[%arg0, %add3A_109, %dma_wait3A] : memref<2x50176x32xf32, #tpu.memory_space<hbm>> -> memref<1x196x32xf32, #tpu.memory_space<hbm>>
      %dma_wait3A_149 = tpu.memref_squeeze %dma_wait3A_148 : memref<1x196x32xf32, #tpu.memory_space<hbm>> -> memref<196x32xf32, #tpu.memory_space<hbm>>
      %dma_wait3A_150 = arith.constant 0 : i32
      %dma_wait3A_151 = tpu.memref_slice %arg5[%arg0, %add3A_109, %dma_wait3A_150] : memref<2x50176x32xf32, #tpu.memory_space<hbm>> -> memref<1x196x32xf32, #tpu.memory_space<hbm>>
      %dma_wait3A_152 = tpu.memref_squeeze %dma_wait3A_151 : memref<1x196x32xf32, #tpu.memory_space<hbm>> -> memref<196x32xf32, #tpu.memory_space<hbm>>
      tpu.wait_dma2 semaphore(%run_scoped3A : memref<!tpu.dma_semaphore, #tpu.memory_space<semaphore_mem>>) src(%arg12 : memref<196x32xf32, #tpu.memory_space<vmem>>) dst(%dma_wait3A_152 : memref<196x32xf32, #tpu.memory_space<hbm>>)
      tpu.yield
    }) : () -> ()
    %add3A_110 = arith.constant 1568 : i32
    %add3A_111 = arith.addi %mul3A_0, %add3A_110 : i32
    "tpu.region"() ({
      %run_scoped3A = tpu.sem_alloc : memref<!tpu.dma_semaphore, #tpu.memory_space<semaphore_mem>>
      %dma_start3A_142 = arith.constant 0 : i32
      %dma_start3A_143 = tpu.memref_slice %arg13[%add3A_111, %dma_start3A_142] : memref<50176x32xf32, #tpu.memory_space<vmem_shared>> -> memref<196x32xf32, #tpu.memory_space<vmem_shared>>
      %dma_start3A_144 = arith.constant 0 : i32
      %dma_start3A_145 = tpu.memref_slice %arg13[%add3A_111, %dma_start3A_144] : memref<50176x32xf32, #tpu.memory_space<vmem_shared>> -> memref<196x32xf32, #tpu.memory_space<vmem_shared>>
      tpu.enqueue_dma source(%dma_start3A_145 : memref<196x32xf32, #tpu.memory_space<vmem_shared>>) target(%arg12 : memref<196x32xf32, #tpu.memory_space<vmem>>) target_semaphore(%run_scoped3A : memref<!tpu.dma_semaphore, #tpu.memory_space<semaphore_mem>>)
      %dma_wait3A = arith.constant 0 : i32
      %dma_wait3A_146 = tpu.memref_slice %arg13[%add3A_111, %dma_wait3A] : memref<50176x32xf32, #tpu.memory_space<vmem_shared>> -> memref<196x32xf32, #tpu.memory_space<vmem_shared>>
      %dma_wait3A_147 = arith.constant 0 : i32
      %dma_wait3A_148 = tpu.memref_slice %arg13[%add3A_111, %dma_wait3A_147] : memref<50176x32xf32, #tpu.memory_space<vmem_shared>> -> memref<196x32xf32, #tpu.memory_space<vmem_shared>>
      tpu.wait_dma2 semaphore(%run_scoped3A : memref<!tpu.dma_semaphore, #tpu.memory_space<semaphore_mem>>) src(%dma_wait3A_148 : memref<196x32xf32, #tpu.memory_space<vmem_shared>>) dst(%arg12 : memref<196x32xf32, #tpu.memory_space<vmem>>)
      tpu.yield
    }) : () -> ()
    %add3A_112 = arith.constant 1568 : i32
    %add3A_113 = arith.addi %mul3A_0, %add3A_112 : i32
    "tpu.region"() ({
      %run_scoped3A = tpu.sem_alloc : memref<!tpu.dma_semaphore, #tpu.memory_space<semaphore_mem>>
      %dma_start3A_142 = arith.constant 0 : i32
      %dma_start3A_143 = tpu.memref_slice %arg5[%arg0, %add3A_113, %dma_start3A_142] : memref<2x50176x32xf32, #tpu.memory_space<hbm>> -> memref<1x196x32xf32, #tpu.memory_space<hbm>>
      %dma_start3A_144 = tpu.memref_squeeze %dma_start3A_143 : memref<1x196x32xf32, #tpu.memory_space<hbm>> -> memref<196x32xf32, #tpu.memory_space<hbm>>
      %dma_start3A_145 = arith.constant 0 : i32
      %dma_start3A_146 = tpu.memref_slice %arg5[%arg0, %add3A_113, %dma_start3A_145] : memref<2x50176x32xf32, #tpu.memory_space<hbm>> -> memref<1x196x32xf32, #tpu.memory_space<hbm>>
      %dma_start3A_147 = tpu.memref_squeeze %dma_start3A_146 : memref<1x196x32xf32, #tpu.memory_space<hbm>> -> memref<196x32xf32, #tpu.memory_space<hbm>>
      tpu.enqueue_dma source(%arg12 : memref<196x32xf32, #tpu.memory_space<vmem>>) target(%dma_start3A_147 : memref<196x32xf32, #tpu.memory_space<hbm>>) target_semaphore(%run_scoped3A : memref<!tpu.dma_semaphore, #tpu.memory_space<semaphore_mem>>)
      %dma_wait3A = arith.constant 0 : i32
      %dma_wait3A_148 = tpu.memref_slice %arg5[%arg0, %add3A_113, %dma_wait3A] : memref<2x50176x32xf32, #tpu.memory_space<hbm>> -> memref<1x196x32xf32, #tpu.memory_space<hbm>>
      %dma_wait3A_149 = tpu.memref_squeeze %dma_wait3A_148 : memref<1x196x32xf32, #tpu.memory_space<hbm>> -> memref<196x32xf32, #tpu.memory_space<hbm>>
      %dma_wait3A_150 = arith.constant 0 : i32
      %dma_wait3A_151 = tpu.memref_slice %arg5[%arg0, %add3A_113, %dma_wait3A_150] : memref<2x50176x32xf32, #tpu.memory_space<hbm>> -> memref<1x196x32xf32, #tpu.memory_space<hbm>>
      %dma_wait3A_152 = tpu.memref_squeeze %dma_wait3A_151 : memref<1x196x32xf32, #tpu.memory_space<hbm>> -> memref<196x32xf32, #tpu.memory_space<hbm>>
      tpu.wait_dma2 semaphore(%run_scoped3A : memref<!tpu.dma_semaphore, #tpu.memory_space<semaphore_mem>>) src(%arg12 : memref<196x32xf32, #tpu.memory_space<vmem>>) dst(%dma_wait3A_152 : memref<196x32xf32, #tpu.memory_space<hbm>>)
      tpu.yield
    }) : () -> ()
    %add3A_114 = arith.constant 1764 : i32
    %add3A_115 = arith.addi %mul3A_0, %add3A_114 : i32
    "tpu.region"() ({
      %run_scoped3A = tpu.sem_alloc : memref<!tpu.dma_semaphore, #tpu.memory_space<semaphore_mem>>
      %dma_start3A_142 = arith.constant 0 : i32
      %dma_start3A_143 = tpu.memref_slice %arg13[%add3A_115, %dma_start3A_142] : memref<50176x32xf32, #tpu.memory_space<vmem_shared>> -> memref<196x32xf32, #tpu.memory_space<vmem_shared>>
      %dma_start3A_144 = arith.constant 0 : i32
      %dma_start3A_145 = tpu.memref_slice %arg13[%add3A_115, %dma_start3A_144] : memref<50176x32xf32, #tpu.memory_space<vmem_shared>> -> memref<196x32xf32, #tpu.memory_space<vmem_shared>>
      tpu.enqueue_dma source(%dma_start3A_145 : memref<196x32xf32, #tpu.memory_space<vmem_shared>>) target(%arg12 : memref<196x32xf32, #tpu.memory_space<vmem>>) target_semaphore(%run_scoped3A : memref<!tpu.dma_semaphore, #tpu.memory_space<semaphore_mem>>)
      %dma_wait3A = arith.constant 0 : i32
      %dma_wait3A_146 = tpu.memref_slice %arg13[%add3A_115, %dma_wait3A] : memref<50176x32xf32, #tpu.memory_space<vmem_shared>> -> memref<196x32xf32, #tpu.memory_space<vmem_shared>>
      %dma_wait3A_147 = arith.constant 0 : i32
      %dma_wait3A_148 = tpu.memref_slice %arg13[%add3A_115, %dma_wait3A_147] : memref<50176x32xf32, #tpu.memory_space<vmem_shared>> -> memref<196x32xf32, #tpu.memory_space<vmem_shared>>
      tpu.wait_dma2 semaphore(%run_scoped3A : memref<!tpu.dma_semaphore, #tpu.memory_space<semaphore_mem>>) src(%dma_wait3A_148 : memref<196x32xf32, #tpu.memory_space<vmem_shared>>) dst(%arg12 : memref<196x32xf32, #tpu.memory_space<vmem>>)
      tpu.yield
    }) : () -> ()
    %add3A_116 = arith.constant 1764 : i32
    %add3A_117 = arith.addi %mul3A_0, %add3A_116 : i32
    "tpu.region"() ({
      %run_scoped3A = tpu.sem_alloc : memref<!tpu.dma_semaphore, #tpu.memory_space<semaphore_mem>>
      %dma_start3A_142 = arith.constant 0 : i32
      %dma_start3A_143 = tpu.memref_slice %arg5[%arg0, %add3A_117, %dma_start3A_142] : memref<2x50176x32xf32, #tpu.memory_space<hbm>> -> memref<1x196x32xf32, #tpu.memory_space<hbm>>
      %dma_start3A_144 = tpu.memref_squeeze %dma_start3A_143 : memref<1x196x32xf32, #tpu.memory_space<hbm>> -> memref<196x32xf32, #tpu.memory_space<hbm>>
      %dma_start3A_145 = arith.constant 0 : i32
      %dma_start3A_146 = tpu.memref_slice %arg5[%arg0, %add3A_117, %dma_start3A_145] : memref<2x50176x32xf32, #tpu.memory_space<hbm>> -> memref<1x196x32xf32, #tpu.memory_space<hbm>>
      %dma_start3A_147 = tpu.memref_squeeze %dma_start3A_146 : memref<1x196x32xf32, #tpu.memory_space<hbm>> -> memref<196x32xf32, #tpu.memory_space<hbm>>
      tpu.enqueue_dma source(%arg12 : memref<196x32xf32, #tpu.memory_space<vmem>>) target(%dma_start3A_147 : memref<196x32xf32, #tpu.memory_space<hbm>>) target_semaphore(%run_scoped3A : memref<!tpu.dma_semaphore, #tpu.memory_space<semaphore_mem>>)
      %dma_wait3A = arith.constant 0 : i32
      %dma_wait3A_148 = tpu.memref_slice %arg5[%arg0, %add3A_117, %dma_wait3A] : memref<2x50176x32xf32, #tpu.memory_space<hbm>> -> memref<1x196x32xf32, #tpu.memory_space<hbm>>
      %dma_wait3A_149 = tpu.memref_squeeze %dma_wait3A_148 : memref<1x196x32xf32, #tpu.memory_space<hbm>> -> memref<196x32xf32, #tpu.memory_space<hbm>>
      %dma_wait3A_150 = arith.constant 0 : i32
      %dma_wait3A_151 = tpu.memref_slice %arg5[%arg0, %add3A_117, %dma_wait3A_150] : memref<2x50176x32xf32, #tpu.memory_space<hbm>> -> memref<1x196x32xf32, #tpu.memory_space<hbm>>
      %dma_wait3A_152 = tpu.memref_squeeze %dma_wait3A_151 : memref<1x196x32xf32, #tpu.memory_space<hbm>> -> memref<196x32xf32, #tpu.memory_space<hbm>>
      tpu.wait_dma2 semaphore(%run_scoped3A : memref<!tpu.dma_semaphore, #tpu.memory_space<semaphore_mem>>) src(%arg12 : memref<196x32xf32, #tpu.memory_space<vmem>>) dst(%dma_wait3A_152 : memref<196x32xf32, #tpu.memory_space<hbm>>)
      tpu.yield
    }) : () -> ()
    %add3A_118 = arith.constant 1960 : i32
    %add3A_119 = arith.addi %mul3A_0, %add3A_118 : i32
    "tpu.region"() ({
      %run_scoped3A = tpu.sem_alloc : memref<!tpu.dma_semaphore, #tpu.memory_space<semaphore_mem>>
      %dma_start3A_142 = arith.constant 0 : i32
      %dma_start3A_143 = tpu.memref_slice %arg13[%add3A_119, %dma_start3A_142] : memref<50176x32xf32, #tpu.memory_space<vmem_shared>> -> memref<196x32xf32, #tpu.memory_space<vmem_shared>>
      %dma_start3A_144 = arith.constant 0 : i32
      %dma_start3A_145 = tpu.memref_slice %arg13[%add3A_119, %dma_start3A_144] : memref<50176x32xf32, #tpu.memory_space<vmem_shared>> -> memref<196x32xf32, #tpu.memory_space<vmem_shared>>
      tpu.enqueue_dma source(%dma_start3A_145 : memref<196x32xf32, #tpu.memory_space<vmem_shared>>) target(%arg12 : memref<196x32xf32, #tpu.memory_space<vmem>>) target_semaphore(%run_scoped3A : memref<!tpu.dma_semaphore, #tpu.memory_space<semaphore_mem>>)
      %dma_wait3A = arith.constant 0 : i32
      %dma_wait3A_146 = tpu.memref_slice %arg13[%add3A_119, %dma_wait3A] : memref<50176x32xf32, #tpu.memory_space<vmem_shared>> -> memref<196x32xf32, #tpu.memory_space<vmem_shared>>
      %dma_wait3A_147 = arith.constant 0 : i32
      %dma_wait3A_148 = tpu.memref_slice %arg13[%add3A_119, %dma_wait3A_147] : memref<50176x32xf32, #tpu.memory_space<vmem_shared>> -> memref<196x32xf32, #tpu.memory_space<vmem_shared>>
      tpu.wait_dma2 semaphore(%run_scoped3A : memref<!tpu.dma_semaphore, #tpu.memory_space<semaphore_mem>>) src(%dma_wait3A_148 : memref<196x32xf32, #tpu.memory_space<vmem_shared>>) dst(%arg12 : memref<196x32xf32, #tpu.memory_space<vmem>>)
      tpu.yield
    }) : () -> ()
    %add3A_120 = arith.constant 1960 : i32
    %add3A_121 = arith.addi %mul3A_0, %add3A_120 : i32
    "tpu.region"() ({
      %run_scoped3A = tpu.sem_alloc : memref<!tpu.dma_semaphore, #tpu.memory_space<semaphore_mem>>
      %dma_start3A_142 = arith.constant 0 : i32
      %dma_start3A_143 = tpu.memref_slice %arg5[%arg0, %add3A_121, %dma_start3A_142] : memref<2x50176x32xf32, #tpu.memory_space<hbm>> -> memref<1x196x32xf32, #tpu.memory_space<hbm>>
      %dma_start3A_144 = tpu.memref_squeeze %dma_start3A_143 : memref<1x196x32xf32, #tpu.memory_space<hbm>> -> memref<196x32xf32, #tpu.memory_space<hbm>>
      %dma_start3A_145 = arith.constant 0 : i32
      %dma_start3A_146 = tpu.memref_slice %arg5[%arg0, %add3A_121, %dma_start3A_145] : memref<2x50176x32xf32, #tpu.memory_space<hbm>> -> memref<1x196x32xf32, #tpu.memory_space<hbm>>
      %dma_start3A_147 = tpu.memref_squeeze %dma_start3A_146 : memref<1x196x32xf32, #tpu.memory_space<hbm>> -> memref<196x32xf32, #tpu.memory_space<hbm>>
      tpu.enqueue_dma source(%arg12 : memref<196x32xf32, #tpu.memory_space<vmem>>) target(%dma_start3A_147 : memref<196x32xf32, #tpu.memory_space<hbm>>) target_semaphore(%run_scoped3A : memref<!tpu.dma_semaphore, #tpu.memory_space<semaphore_mem>>)
      %dma_wait3A = arith.constant 0 : i32
      %dma_wait3A_148 = tpu.memref_slice %arg5[%arg0, %add3A_121, %dma_wait3A] : memref<2x50176x32xf32, #tpu.memory_space<hbm>> -> memref<1x196x32xf32, #tpu.memory_space<hbm>>
      %dma_wait3A_149 = tpu.memref_squeeze %dma_wait3A_148 : memref<1x196x32xf32, #tpu.memory_space<hbm>> -> memref<196x32xf32, #tpu.memory_space<hbm>>
      %dma_wait3A_150 = arith.constant 0 : i32
      %dma_wait3A_151 = tpu.memref_slice %arg5[%arg0, %add3A_121, %dma_wait3A_150] : memref<2x50176x32xf32, #tpu.memory_space<hbm>> -> memref<1x196x32xf32, #tpu.memory_space<hbm>>
      %dma_wait3A_152 = tpu.memref_squeeze %dma_wait3A_151 : memref<1x196x32xf32, #tpu.memory_space<hbm>> -> memref<196x32xf32, #tpu.memory_space<hbm>>
      tpu.wait_dma2 semaphore(%run_scoped3A : memref<!tpu.dma_semaphore, #tpu.memory_space<semaphore_mem>>) src(%arg12 : memref<196x32xf32, #tpu.memory_space<vmem>>) dst(%dma_wait3A_152 : memref<196x32xf32, #tpu.memory_space<hbm>>)
      tpu.yield
    }) : () -> ()
    %add3A_122 = arith.constant 2156 : i32
    %add3A_123 = arith.addi %mul3A_0, %add3A_122 : i32
    "tpu.region"() ({
      %run_scoped3A = tpu.sem_alloc : memref<!tpu.dma_semaphore, #tpu.memory_space<semaphore_mem>>
      %dma_start3A_142 = arith.constant 0 : i32
      %dma_start3A_143 = tpu.memref_slice %arg13[%add3A_123, %dma_start3A_142] : memref<50176x32xf32, #tpu.memory_space<vmem_shared>> -> memref<196x32xf32, #tpu.memory_space<vmem_shared>>
      %dma_start3A_144 = arith.constant 0 : i32
      %dma_start3A_145 = tpu.memref_slice %arg13[%add3A_123, %dma_start3A_144] : memref<50176x32xf32, #tpu.memory_space<vmem_shared>> -> memref<196x32xf32, #tpu.memory_space<vmem_shared>>
      tpu.enqueue_dma source(%dma_start3A_145 : memref<196x32xf32, #tpu.memory_space<vmem_shared>>) target(%arg12 : memref<196x32xf32, #tpu.memory_space<vmem>>) target_semaphore(%run_scoped3A : memref<!tpu.dma_semaphore, #tpu.memory_space<semaphore_mem>>)
      %dma_wait3A = arith.constant 0 : i32
      %dma_wait3A_146 = tpu.memref_slice %arg13[%add3A_123, %dma_wait3A] : memref<50176x32xf32, #tpu.memory_space<vmem_shared>> -> memref<196x32xf32, #tpu.memory_space<vmem_shared>>
      %dma_wait3A_147 = arith.constant 0 : i32
      %dma_wait3A_148 = tpu.memref_slice %arg13[%add3A_123, %dma_wait3A_147] : memref<50176x32xf32, #tpu.memory_space<vmem_shared>> -> memref<196x32xf32, #tpu.memory_space<vmem_shared>>
      tpu.wait_dma2 semaphore(%run_scoped3A : memref<!tpu.dma_semaphore, #tpu.memory_space<semaphore_mem>>) src(%dma_wait3A_148 : memref<196x32xf32, #tpu.memory_space<vmem_shared>>) dst(%arg12 : memref<196x32xf32, #tpu.memory_space<vmem>>)
      tpu.yield
    }) : () -> ()
    %add3A_124 = arith.constant 2156 : i32
    %add3A_125 = arith.addi %mul3A_0, %add3A_124 : i32
    "tpu.region"() ({
      %run_scoped3A = tpu.sem_alloc : memref<!tpu.dma_semaphore, #tpu.memory_space<semaphore_mem>>
      %dma_start3A_142 = arith.constant 0 : i32
      %dma_start3A_143 = tpu.memref_slice %arg5[%arg0, %add3A_125, %dma_start3A_142] : memref<2x50176x32xf32, #tpu.memory_space<hbm>> -> memref<1x196x32xf32, #tpu.memory_space<hbm>>
      %dma_start3A_144 = tpu.memref_squeeze %dma_start3A_143 : memref<1x196x32xf32, #tpu.memory_space<hbm>> -> memref<196x32xf32, #tpu.memory_space<hbm>>
      %dma_start3A_145 = arith.constant 0 : i32
      %dma_start3A_146 = tpu.memref_slice %arg5[%arg0, %add3A_125, %dma_start3A_145] : memref<2x50176x32xf32, #tpu.memory_space<hbm>> -> memref<1x196x32xf32, #tpu.memory_space<hbm>>
      %dma_start3A_147 = tpu.memref_squeeze %dma_start3A_146 : memref<1x196x32xf32, #tpu.memory_space<hbm>> -> memref<196x32xf32, #tpu.memory_space<hbm>>
      tpu.enqueue_dma source(%arg12 : memref<196x32xf32, #tpu.memory_space<vmem>>) target(%dma_start3A_147 : memref<196x32xf32, #tpu.memory_space<hbm>>) target_semaphore(%run_scoped3A : memref<!tpu.dma_semaphore, #tpu.memory_space<semaphore_mem>>)
      %dma_wait3A = arith.constant 0 : i32
      %dma_wait3A_148 = tpu.memref_slice %arg5[%arg0, %add3A_125, %dma_wait3A] : memref<2x50176x32xf32, #tpu.memory_space<hbm>> -> memref<1x196x32xf32, #tpu.memory_space<hbm>>
      %dma_wait3A_149 = tpu.memref_squeeze %dma_wait3A_148 : memref<1x196x32xf32, #tpu.memory_space<hbm>> -> memref<196x32xf32, #tpu.memory_space<hbm>>
      %dma_wait3A_150 = arith.constant 0 : i32
      %dma_wait3A_151 = tpu.memref_slice %arg5[%arg0, %add3A_125, %dma_wait3A_150] : memref<2x50176x32xf32, #tpu.memory_space<hbm>> -> memref<1x196x32xf32, #tpu.memory_space<hbm>>
      %dma_wait3A_152 = tpu.memref_squeeze %dma_wait3A_151 : memref<1x196x32xf32, #tpu.memory_space<hbm>> -> memref<196x32xf32, #tpu.memory_space<hbm>>
      tpu.wait_dma2 semaphore(%run_scoped3A : memref<!tpu.dma_semaphore, #tpu.memory_space<semaphore_mem>>) src(%arg12 : memref<196x32xf32, #tpu.memory_space<vmem>>) dst(%dma_wait3A_152 : memref<196x32xf32, #tpu.memory_space<hbm>>)
      tpu.yield
    }) : () -> ()
    %add3A_126 = arith.constant 2352 : i32
    %add3A_127 = arith.addi %mul3A_0, %add3A_126 : i32
    "tpu.region"() ({
      %run_scoped3A = tpu.sem_alloc : memref<!tpu.dma_semaphore, #tpu.memory_space<semaphore_mem>>
      %dma_start3A_142 = arith.constant 0 : i32
      %dma_start3A_143 = tpu.memref_slice %arg13[%add3A_127, %dma_start3A_142] : memref<50176x32xf32, #tpu.memory_space<vmem_shared>> -> memref<196x32xf32, #tpu.memory_space<vmem_shared>>
      %dma_start3A_144 = arith.constant 0 : i32
      %dma_start3A_145 = tpu.memref_slice %arg13[%add3A_127, %dma_start3A_144] : memref<50176x32xf32, #tpu.memory_space<vmem_shared>> -> memref<196x32xf32, #tpu.memory_space<vmem_shared>>
      tpu.enqueue_dma source(%dma_start3A_145 : memref<196x32xf32, #tpu.memory_space<vmem_shared>>) target(%arg12 : memref<196x32xf32, #tpu.memory_space<vmem>>) target_semaphore(%run_scoped3A : memref<!tpu.dma_semaphore, #tpu.memory_space<semaphore_mem>>)
      %dma_wait3A = arith.constant 0 : i32
      %dma_wait3A_146 = tpu.memref_slice %arg13[%add3A_127, %dma_wait3A] : memref<50176x32xf32, #tpu.memory_space<vmem_shared>> -> memref<196x32xf32, #tpu.memory_space<vmem_shared>>
      %dma_wait3A_147 = arith.constant 0 : i32
      %dma_wait3A_148 = tpu.memref_slice %arg13[%add3A_127, %dma_wait3A_147] : memref<50176x32xf32, #tpu.memory_space<vmem_shared>> -> memref<196x32xf32, #tpu.memory_space<vmem_shared>>
      tpu.wait_dma2 semaphore(%run_scoped3A : memref<!tpu.dma_semaphore, #tpu.memory_space<semaphore_mem>>) src(%dma_wait3A_148 : memref<196x32xf32, #tpu.memory_space<vmem_shared>>) dst(%arg12 : memref<196x32xf32, #tpu.memory_space<vmem>>)
      tpu.yield
    }) : () -> ()
    %add3A_128 = arith.constant 2352 : i32
    %add3A_129 = arith.addi %mul3A_0, %add3A_128 : i32
    "tpu.region"() ({
      %run_scoped3A = tpu.sem_alloc : memref<!tpu.dma_semaphore, #tpu.memory_space<semaphore_mem>>
      %dma_start3A_142 = arith.constant 0 : i32
      %dma_start3A_143 = tpu.memref_slice %arg5[%arg0, %add3A_129, %dma_start3A_142] : memref<2x50176x32xf32, #tpu.memory_space<hbm>> -> memref<1x196x32xf32, #tpu.memory_space<hbm>>
      %dma_start3A_144 = tpu.memref_squeeze %dma_start3A_143 : memref<1x196x32xf32, #tpu.memory_space<hbm>> -> memref<196x32xf32, #tpu.memory_space<hbm>>
      %dma_start3A_145 = arith.constant 0 : i32
      %dma_start3A_146 = tpu.memref_slice %arg5[%arg0, %add3A_129, %dma_start3A_145] : memref<2x50176x32xf32, #tpu.memory_space<hbm>> -> memref<1x196x32xf32, #tpu.memory_space<hbm>>
      %dma_start3A_147 = tpu.memref_squeeze %dma_start3A_146 : memref<1x196x32xf32, #tpu.memory_space<hbm>> -> memref<196x32xf32, #tpu.memory_space<hbm>>
      tpu.enqueue_dma source(%arg12 : memref<196x32xf32, #tpu.memory_space<vmem>>) target(%dma_start3A_147 : memref<196x32xf32, #tpu.memory_space<hbm>>) target_semaphore(%run_scoped3A : memref<!tpu.dma_semaphore, #tpu.memory_space<semaphore_mem>>)
      %dma_wait3A = arith.constant 0 : i32
      %dma_wait3A_148 = tpu.memref_slice %arg5[%arg0, %add3A_129, %dma_wait3A] : memref<2x50176x32xf32, #tpu.memory_space<hbm>> -> memref<1x196x32xf32, #tpu.memory_space<hbm>>
      %dma_wait3A_149 = tpu.memref_squeeze %dma_wait3A_148 : memref<1x196x32xf32, #tpu.memory_space<hbm>> -> memref<196x32xf32, #tpu.memory_space<hbm>>
      %dma_wait3A_150 = arith.constant 0 : i32
      %dma_wait3A_151 = tpu.memref_slice %arg5[%arg0, %add3A_129, %dma_wait3A_150] : memref<2x50176x32xf32, #tpu.memory_space<hbm>> -> memref<1x196x32xf32, #tpu.memory_space<hbm>>
      %dma_wait3A_152 = tpu.memref_squeeze %dma_wait3A_151 : memref<1x196x32xf32, #tpu.memory_space<hbm>> -> memref<196x32xf32, #tpu.memory_space<hbm>>
      tpu.wait_dma2 semaphore(%run_scoped3A : memref<!tpu.dma_semaphore, #tpu.memory_space<semaphore_mem>>) src(%arg12 : memref<196x32xf32, #tpu.memory_space<vmem>>) dst(%dma_wait3A_152 : memref<196x32xf32, #tpu.memory_space<hbm>>)
      tpu.yield
    }) : () -> ()
    %add3A_130 = arith.constant 2548 : i32
    %add3A_131 = arith.addi %mul3A_0, %add3A_130 : i32
    "tpu.region"() ({
      %run_scoped3A = tpu.sem_alloc : memref<!tpu.dma_semaphore, #tpu.memory_space<semaphore_mem>>
      %dma_start3A_142 = arith.constant 0 : i32
      %dma_start3A_143 = tpu.memref_slice %arg13[%add3A_131, %dma_start3A_142] : memref<50176x32xf32, #tpu.memory_space<vmem_shared>> -> memref<196x32xf32, #tpu.memory_space<vmem_shared>>
      %dma_start3A_144 = arith.constant 0 : i32
      %dma_start3A_145 = tpu.memref_slice %arg13[%add3A_131, %dma_start3A_144] : memref<50176x32xf32, #tpu.memory_space<vmem_shared>> -> memref<196x32xf32, #tpu.memory_space<vmem_shared>>
      tpu.enqueue_dma source(%dma_start3A_145 : memref<196x32xf32, #tpu.memory_space<vmem_shared>>) target(%arg12 : memref<196x32xf32, #tpu.memory_space<vmem>>) target_semaphore(%run_scoped3A : memref<!tpu.dma_semaphore, #tpu.memory_space<semaphore_mem>>)
      %dma_wait3A = arith.constant 0 : i32
      %dma_wait3A_146 = tpu.memref_slice %arg13[%add3A_131, %dma_wait3A] : memref<50176x32xf32, #tpu.memory_space<vmem_shared>> -> memref<196x32xf32, #tpu.memory_space<vmem_shared>>
      %dma_wait3A_147 = arith.constant 0 : i32
      %dma_wait3A_148 = tpu.memref_slice %arg13[%add3A_131, %dma_wait3A_147] : memref<50176x32xf32, #tpu.memory_space<vmem_shared>> -> memref<196x32xf32, #tpu.memory_space<vmem_shared>>
      tpu.wait_dma2 semaphore(%run_scoped3A : memref<!tpu.dma_semaphore, #tpu.memory_space<semaphore_mem>>) src(%dma_wait3A_148 : memref<196x32xf32, #tpu.memory_space<vmem_shared>>) dst(%arg12 : memref<196x32xf32, #tpu.memory_space<vmem>>)
      tpu.yield
    }) : () -> ()
    %add3A_132 = arith.constant 2548 : i32
    %add3A_133 = arith.addi %mul3A_0, %add3A_132 : i32
    "tpu.region"() ({
      %run_scoped3A = tpu.sem_alloc : memref<!tpu.dma_semaphore, #tpu.memory_space<semaphore_mem>>
      %dma_start3A_142 = arith.constant 0 : i32
      %dma_start3A_143 = tpu.memref_slice %arg5[%arg0, %add3A_133, %dma_start3A_142] : memref<2x50176x32xf32, #tpu.memory_space<hbm>> -> memref<1x196x32xf32, #tpu.memory_space<hbm>>
      %dma_start3A_144 = tpu.memref_squeeze %dma_start3A_143 : memref<1x196x32xf32, #tpu.memory_space<hbm>> -> memref<196x32xf32, #tpu.memory_space<hbm>>
      %dma_start3A_145 = arith.constant 0 : i32
      %dma_start3A_146 = tpu.memref_slice %arg5[%arg0, %add3A_133, %dma_start3A_145] : memref<2x50176x32xf32, #tpu.memory_space<hbm>> -> memref<1x196x32xf32, #tpu.memory_space<hbm>>
      %dma_start3A_147 = tpu.memref_squeeze %dma_start3A_146 : memref<1x196x32xf32, #tpu.memory_space<hbm>> -> memref<196x32xf32, #tpu.memory_space<hbm>>
      tpu.enqueue_dma source(%arg12 : memref<196x32xf32, #tpu.memory_space<vmem>>) target(%dma_start3A_147 : memref<196x32xf32, #tpu.memory_space<hbm>>) target_semaphore(%run_scoped3A : memref<!tpu.dma_semaphore, #tpu.memory_space<semaphore_mem>>)
      %dma_wait3A = arith.constant 0 : i32
      %dma_wait3A_148 = tpu.memref_slice %arg5[%arg0, %add3A_133, %dma_wait3A] : memref<2x50176x32xf32, #tpu.memory_space<hbm>> -> memref<1x196x32xf32, #tpu.memory_space<hbm>>
      %dma_wait3A_149 = tpu.memref_squeeze %dma_wait3A_148 : memref<1x196x32xf32, #tpu.memory_space<hbm>> -> memref<196x32xf32, #tpu.memory_space<hbm>>
      %dma_wait3A_150 = arith.constant 0 : i32
      %dma_wait3A_151 = tpu.memref_slice %arg5[%arg0, %add3A_133, %dma_wait3A_150] : memref<2x50176x32xf32, #tpu.memory_space<hbm>> -> memref<1x196x32xf32, #tpu.memory_space<hbm>>
      %dma_wait3A_152 = tpu.memref_squeeze %dma_wait3A_151 : memref<1x196x32xf32, #tpu.memory_space<hbm>> -> memref<196x32xf32, #tpu.memory_space<hbm>>
      tpu.wait_dma2 semaphore(%run_scoped3A : memref<!tpu.dma_semaphore, #tpu.memory_space<semaphore_mem>>) src(%arg12 : memref<196x32xf32, #tpu.memory_space<vmem>>) dst(%dma_wait3A_152 : memref<196x32xf32, #tpu.memory_space<hbm>>)
      tpu.yield
    }) : () -> ()
    %add3A_134 = arith.constant 2744 : i32
    %add3A_135 = arith.addi %mul3A_0, %add3A_134 : i32
    "tpu.region"() ({
      %run_scoped3A = tpu.sem_alloc : memref<!tpu.dma_semaphore, #tpu.memory_space<semaphore_mem>>
      %dma_start3A_142 = arith.constant 0 : i32
      %dma_start3A_143 = tpu.memref_slice %arg13[%add3A_135, %dma_start3A_142] : memref<50176x32xf32, #tpu.memory_space<vmem_shared>> -> memref<196x32xf32, #tpu.memory_space<vmem_shared>>
      %dma_start3A_144 = arith.constant 0 : i32
      %dma_start3A_145 = tpu.memref_slice %arg13[%add3A_135, %dma_start3A_144] : memref<50176x32xf32, #tpu.memory_space<vmem_shared>> -> memref<196x32xf32, #tpu.memory_space<vmem_shared>>
      tpu.enqueue_dma source(%dma_start3A_145 : memref<196x32xf32, #tpu.memory_space<vmem_shared>>) target(%arg12 : memref<196x32xf32, #tpu.memory_space<vmem>>) target_semaphore(%run_scoped3A : memref<!tpu.dma_semaphore, #tpu.memory_space<semaphore_mem>>)
      %dma_wait3A = arith.constant 0 : i32
      %dma_wait3A_146 = tpu.memref_slice %arg13[%add3A_135, %dma_wait3A] : memref<50176x32xf32, #tpu.memory_space<vmem_shared>> -> memref<196x32xf32, #tpu.memory_space<vmem_shared>>
      %dma_wait3A_147 = arith.constant 0 : i32
      %dma_wait3A_148 = tpu.memref_slice %arg13[%add3A_135, %dma_wait3A_147] : memref<50176x32xf32, #tpu.memory_space<vmem_shared>> -> memref<196x32xf32, #tpu.memory_space<vmem_shared>>
      tpu.wait_dma2 semaphore(%run_scoped3A : memref<!tpu.dma_semaphore, #tpu.memory_space<semaphore_mem>>) src(%dma_wait3A_148 : memref<196x32xf32, #tpu.memory_space<vmem_shared>>) dst(%arg12 : memref<196x32xf32, #tpu.memory_space<vmem>>)
      tpu.yield
    }) : () -> ()
    %add3A_136 = arith.constant 2744 : i32
    %add3A_137 = arith.addi %mul3A_0, %add3A_136 : i32
    "tpu.region"() ({
      %run_scoped3A = tpu.sem_alloc : memref<!tpu.dma_semaphore, #tpu.memory_space<semaphore_mem>>
      %dma_start3A_142 = arith.constant 0 : i32
      %dma_start3A_143 = tpu.memref_slice %arg5[%arg0, %add3A_137, %dma_start3A_142] : memref<2x50176x32xf32, #tpu.memory_space<hbm>> -> memref<1x196x32xf32, #tpu.memory_space<hbm>>
      %dma_start3A_144 = tpu.memref_squeeze %dma_start3A_143 : memref<1x196x32xf32, #tpu.memory_space<hbm>> -> memref<196x32xf32, #tpu.memory_space<hbm>>
      %dma_start3A_145 = arith.constant 0 : i32
      %dma_start3A_146 = tpu.memref_slice %arg5[%arg0, %add3A_137, %dma_start3A_145] : memref<2x50176x32xf32, #tpu.memory_space<hbm>> -> memref<1x196x32xf32, #tpu.memory_space<hbm>>
      %dma_start3A_147 = tpu.memref_squeeze %dma_start3A_146 : memref<1x196x32xf32, #tpu.memory_space<hbm>> -> memref<196x32xf32, #tpu.memory_space<hbm>>
      tpu.enqueue_dma source(%arg12 : memref<196x32xf32, #tpu.memory_space<vmem>>) target(%dma_start3A_147 : memref<196x32xf32, #tpu.memory_space<hbm>>) target_semaphore(%run_scoped3A : memref<!tpu.dma_semaphore, #tpu.memory_space<semaphore_mem>>)
      %dma_wait3A = arith.constant 0 : i32
      %dma_wait3A_148 = tpu.memref_slice %arg5[%arg0, %add3A_137, %dma_wait3A] : memref<2x50176x32xf32, #tpu.memory_space<hbm>> -> memref<1x196x32xf32, #tpu.memory_space<hbm>>
      %dma_wait3A_149 = tpu.memref_squeeze %dma_wait3A_148 : memref<1x196x32xf32, #tpu.memory_space<hbm>> -> memref<196x32xf32, #tpu.memory_space<hbm>>
      %dma_wait3A_150 = arith.constant 0 : i32
      %dma_wait3A_151 = tpu.memref_slice %arg5[%arg0, %add3A_137, %dma_wait3A_150] : memref<2x50176x32xf32, #tpu.memory_space<hbm>> -> memref<1x196x32xf32, #tpu.memory_space<hbm>>
      %dma_wait3A_152 = tpu.memref_squeeze %dma_wait3A_151 : memref<1x196x32xf32, #tpu.memory_space<hbm>> -> memref<196x32xf32, #tpu.memory_space<hbm>>
      tpu.wait_dma2 semaphore(%run_scoped3A : memref<!tpu.dma_semaphore, #tpu.memory_space<semaphore_mem>>) src(%arg12 : memref<196x32xf32, #tpu.memory_space<vmem>>) dst(%dma_wait3A_152 : memref<196x32xf32, #tpu.memory_space<hbm>>)
      tpu.yield
    }) : () -> ()
    %add3A_138 = arith.constant 2940 : i32
    %add3A_139 = arith.addi %mul3A_0, %add3A_138 : i32
    "tpu.region"() ({
      %run_scoped3A = tpu.sem_alloc : memref<!tpu.dma_semaphore, #tpu.memory_space<semaphore_mem>>
      %dma_start3A_142 = arith.constant 0 : i32
      %dma_start3A_143 = tpu.memref_slice %arg13[%add3A_139, %dma_start3A_142] : memref<50176x32xf32, #tpu.memory_space<vmem_shared>> -> memref<196x32xf32, #tpu.memory_space<vmem_shared>>
      %dma_start3A_144 = arith.constant 0 : i32
      %dma_start3A_145 = tpu.memref_slice %arg13[%add3A_139, %dma_start3A_144] : memref<50176x32xf32, #tpu.memory_space<vmem_shared>> -> memref<196x32xf32, #tpu.memory_space<vmem_shared>>
      tpu.enqueue_dma source(%dma_start3A_145 : memref<196x32xf32, #tpu.memory_space<vmem_shared>>) target(%arg12 : memref<196x32xf32, #tpu.memory_space<vmem>>) target_semaphore(%run_scoped3A : memref<!tpu.dma_semaphore, #tpu.memory_space<semaphore_mem>>)
      %dma_wait3A = arith.constant 0 : i32
      %dma_wait3A_146 = tpu.memref_slice %arg13[%add3A_139, %dma_wait3A] : memref<50176x32xf32, #tpu.memory_space<vmem_shared>> -> memref<196x32xf32, #tpu.memory_space<vmem_shared>>
      %dma_wait3A_147 = arith.constant 0 : i32
      %dma_wait3A_148 = tpu.memref_slice %arg13[%add3A_139, %dma_wait3A_147] : memref<50176x32xf32, #tpu.memory_space<vmem_shared>> -> memref<196x32xf32, #tpu.memory_space<vmem_shared>>
      tpu.wait_dma2 semaphore(%run_scoped3A : memref<!tpu.dma_semaphore, #tpu.memory_space<semaphore_mem>>) src(%dma_wait3A_148 : memref<196x32xf32, #tpu.memory_space<vmem_shared>>) dst(%arg12 : memref<196x32xf32, #tpu.memory_space<vmem>>)
      tpu.yield
    }) : () -> ()
    %add3A_140 = arith.constant 2940 : i32
    %add3A_141 = arith.addi %mul3A_0, %add3A_140 : i32
    "tpu.region"() ({
      %run_scoped3A = tpu.sem_alloc : memref<!tpu.dma_semaphore, #tpu.memory_space<semaphore_mem>>
      %dma_start3A_142 = arith.constant 0 : i32
      %dma_start3A_143 = tpu.memref_slice %arg5[%arg0, %add3A_141, %dma_start3A_142] : memref<2x50176x32xf32, #tpu.memory_space<hbm>> -> memref<1x196x32xf32, #tpu.memory_space<hbm>>
      %dma_start3A_144 = tpu.memref_squeeze %dma_start3A_143 : memref<1x196x32xf32, #tpu.memory_space<hbm>> -> memref<196x32xf32, #tpu.memory_space<hbm>>
      %dma_start3A_145 = arith.constant 0 : i32
      %dma_start3A_146 = tpu.memref_slice %arg5[%arg0, %add3A_141, %dma_start3A_145] : memref<2x50176x32xf32, #tpu.memory_space<hbm>> -> memref<1x196x32xf32, #tpu.memory_space<hbm>>
      %dma_start3A_147 = tpu.memref_squeeze %dma_start3A_146 : memref<1x196x32xf32, #tpu.memory_space<hbm>> -> memref<196x32xf32, #tpu.memory_space<hbm>>
      tpu.enqueue_dma source(%arg12 : memref<196x32xf32, #tpu.memory_space<vmem>>) target(%dma_start3A_147 : memref<196x32xf32, #tpu.memory_space<hbm>>) target_semaphore(%run_scoped3A : memref<!tpu.dma_semaphore, #tpu.memory_space<semaphore_mem>>)
      %dma_wait3A = arith.constant 0 : i32
      %dma_wait3A_148 = tpu.memref_slice %arg5[%arg0, %add3A_141, %dma_wait3A] : memref<2x50176x32xf32, #tpu.memory_space<hbm>> -> memref<1x196x32xf32, #tpu.memory_space<hbm>>
      %dma_wait3A_149 = tpu.memref_squeeze %dma_wait3A_148 : memref<1x196x32xf32, #tpu.memory_space<hbm>> -> memref<196x32xf32, #tpu.memory_space<hbm>>
      %dma_wait3A_150 = arith.constant 0 : i32
      %dma_wait3A_151 = tpu.memref_slice %arg5[%arg0, %add3A_141, %dma_wait3A_150] : memref<2x50176x32xf32, #tpu.memory_space<hbm>> -> memref<1x196x32xf32, #tpu.memory_space<hbm>>
      %dma_wait3A_152 = tpu.memref_squeeze %dma_wait3A_151 : memref<1x196x32xf32, #tpu.memory_space<hbm>> -> memref<196x32xf32, #tpu.memory_space<hbm>>
      tpu.wait_dma2 semaphore(%run_scoped3A : memref<!tpu.dma_semaphore, #tpu.memory_space<semaphore_mem>>) src(%arg12 : memref<196x32xf32, #tpu.memory_space<vmem>>) dst(%dma_wait3A_152 : memref<196x32xf32, #tpu.memory_space<hbm>>)
      tpu.yield
    }) : () -> ()
    return
  }
}

module attributes {stable_mosaic.version = 14 : i64} {
  func.func @_tca1_body(%arg0: i32, %arg1: memref<3584x1xi32, #tpu.memory_space<vmem>>, %arg2: memref<3584x8xf32, #tpu.memory_space<vmem>>, %arg3: memref<32x32xf32, #tpu.memory_space<vmem>>, %arg4: memref<8x32xf32, #tpu.memory_space<vmem>>, %arg5: memref<3584x32xf32, #tpu.memory_space<vmem>>) attributes {dimension_semantics = [#tpu.dimension_semantics<arbitrary>], iteration_bounds = array<i64: 14>, scalar_prefetch = 0 : i64, scratch_operands = 0 : i64, tpu.core_type = #tpu.core_type<tc>, window_params = [{transform_indices = @transform_0, window_bounds = array<i64: 3584, 1>}, {transform_indices = @transform_1, window_bounds = array<i64: 3584, 8>}, {pipeline_mode = #tpu.pipeline_mode<synchronous>, transform_indices = @transform_2, window_bounds = array<i64: 32, 32>}, {pipeline_mode = #tpu.pipeline_mode<synchronous>, transform_indices = @transform_3, window_bounds = array<i64: 8, 32>}, {transform_indices = @transform_4, window_bounds = array<i64: 3584, 32>}]} {
    %get3A = arith.constant 0 : index
    %get3A_0 = arith.constant 0 : index
    %get3A_1 = vector.load %arg1[%get3A, %get3A_0] : memref<3584x1xi32, #tpu.memory_space<vmem>>, vector<3584x1xi32>
    %iota3A = tpu.iota {dimensions = array<i32: 1>} : vector<3584x32xi32>
    %eq3A = vector.broadcast %get3A_1 : vector<3584x1xi32> to vector<3584x32xi32>
    %eq3A_2 = arith.cmpi eq, %eq3A, %iota3A : vector<3584x32xi32>
    %convert_element_type3A = arith.extui %eq3A_2 : vector<3584x32xi1> to vector<3584x32xi32>
    %convert_element_type3A_3 = arith.sitofp %convert_element_type3A : vector<3584x32xi32> to vector<3584x32xf32>
    %get3A_4 = arith.constant 0 : index
    %get3A_5 = arith.constant 0 : index
    %get3A_6 = vector.load %arg3[%get3A_4, %get3A_5] : memref<32x32xf32, #tpu.memory_space<vmem>>, vector<32x32xf32>
    %dot_general3A = arith.constant dense<0.000000e+00> : vector<3584x32xf32>
    %dot_general3A_7 = tpu.matmul %convert_element_type3A_3, %get3A_6, %dot_general3A {dimension_numbers = #tpu.dot_dimension_numbers<[1], [0], [0], [1], [0, 0, 1, 1], [], []>, transpose_lhs_hint = false} : vector<3584x32xf32>, vector<32x32xf32>, vector<3584x32xf32> -> vector<3584x32xf32>
    %get3A_8 = arith.constant 0 : index
    %get3A_9 = arith.constant 0 : index
    %get3A_10 = vector.load %arg2[%get3A_8, %get3A_9] : memref<3584x8xf32, #tpu.memory_space<vmem>>, vector<3584x8xf32>
    %get3A_11 = arith.constant 0 : index
    %get3A_12 = arith.constant 0 : index
    %get3A_13 = vector.load %arg4[%get3A_11, %get3A_12] : memref<8x32xf32, #tpu.memory_space<vmem>>, vector<8x32xf32>
    %dot_general3A_14 = arith.constant dense<0.000000e+00> : vector<3584x32xf32>
    %dot_general3A_15 = tpu.matmul %get3A_10, %get3A_13, %dot_general3A_14 {dimension_numbers = #tpu.dot_dimension_numbers<[1], [0], [0], [1], [0, 0, 1, 1], [], []>, transpose_lhs_hint = false} : vector<3584x8xf32>, vector<8x32xf32>, vector<3584x32xf32> -> vector<3584x32xf32>
    %add3A = arith.addf %dot_general3A_7, %dot_general3A_15 : vector<3584x32xf32>
    %swap3A = arith.constant 0 : index
    %swap3A_16 = arith.constant 0 : index
    %swap3A_17 = vector.load %arg5[%swap3A, %swap3A_16] : memref<3584x32xf32, #tpu.memory_space<vmem>>, vector<3584x32xf32>
    tpu.vector_store %arg5[%swap3A, %swap3A_16], %add3A {strides = array<i32>} : memref<3584x32xf32, #tpu.memory_space<vmem>>, vector<3584x32xf32>,
    return
  }
  func.func @transform_0(%arg0: i32) -> (i32, i32) {
    %c0_i32 = arith.constant 0 : i32
    %c0_i32_0 = arith.constant 0 : i32
    return %arg0, %c0_i32 : i32, i32
  }
  func.func @transform_1(%arg0: i32) -> (i32, i32) {
    %c0_i32 = arith.constant 0 : i32
    %c0_i32_0 = arith.constant 0 : i32
    return %arg0, %c0_i32 : i32, i32
  }
  func.func @transform_2(%arg0: i32) -> (i32, i32) {
    %c0_i32 = arith.constant 0 : i32
    %c0_i32_0 = arith.constant 0 : i32
    %c0_i32_1 = arith.constant 0 : i32
    return %c0_i32, %c0_i32_0 : i32, i32
  }
  func.func @transform_3(%arg0: i32) -> (i32, i32) {
    %c0_i32 = arith.constant 0 : i32
    %c0_i32_0 = arith.constant 0 : i32
    %c0_i32_1 = arith.constant 0 : i32
    return %c0_i32, %c0_i32_0 : i32, i32
  }
  func.func @transform_4(%arg0: i32) -> (i32, i32) {
    %c0_i32 = arith.constant 0 : i32
    %c0_i32_0 = arith.constant 0 : i32
    return %arg0, %c0_i32 : i32, i32
  }
}

module attributes {stable_mosaic.version = 14 : i64} {
  func.func @_tca2_body(%arg0: i32, %arg1: memref<3584x32xf32, #tpu.memory_space<vmem>>, %arg2: memref<32x3584xf32, #tpu.memory_space<vmem>>, %arg3: memref<3584x32xf32, #tpu.memory_space<vmem>>, %arg4: memref<3584x1xf32, #tpu.memory_space<vmem>>) attributes {dimension_semantics = [#tpu.dimension_semantics<arbitrary>], iteration_bounds = array<i64: 14>, scalar_prefetch = 0 : i64, scratch_operands = 0 : i64, tpu.core_type = #tpu.core_type<tc>, window_params = [{transform_indices = @transform_0, window_bounds = array<i64: 3584, 32>}, {transform_indices = @transform_1, window_bounds = array<i64: 32, 3584>}, {transform_indices = @transform_2, window_bounds = array<i64: 3584, 32>}, {transform_indices = @transform_3, window_bounds = array<i64: 3584, 1>}]} {
    %get3A = arith.constant 0 : index
    %get3A_0 = arith.constant 0 : index
    %get3A_1 = vector.load %arg2[%get3A, %get3A_0] : memref<32x3584xf32, #tpu.memory_space<vmem>>, vector<32x3584xf32>
    %broadcast_in_dim3A = arith.constant 1.000000e+00 : f32
    %broadcast_in_dim3A_2 = vector.broadcast %broadcast_in_dim3A : f32 to vector<32x1xf32>
    %dot_general3A = arith.constant dense<0.000000e+00> : vector<3584x1xf32>
    %dot_general3A_3 = tpu.matmul %get3A_1, %broadcast_in_dim3A_2, %dot_general3A {dimension_numbers = #tpu.dot_dimension_numbers<[0], [0], [1], [1], [0, 1, 1, 1], [], []>, transpose_lhs_hint = false} : vector<32x3584xf32>, vector<32x1xf32>, vector<3584x1xf32> -> vector<3584x1xf32>
    %add3A = arith.constant 1.000000e+00 : f32
    %add3A_4 = vector.broadcast %add3A : f32 to vector<3584x1xf32>
    %add3A_5 = arith.addf %dot_general3A_3, %add3A_4 : vector<3584x1xf32>
    %rsqrt3A = math.rsqrt %add3A_5 : vector<3584x1xf32>
    %swap3A = arith.constant 0 : index
    %swap3A_6 = arith.constant 0 : index
    %swap3A_7 = vector.load %arg4[%swap3A, %swap3A_6] : memref<3584x1xf32, #tpu.memory_space<vmem>>, vector<3584x1xf32>
    tpu.vector_store %arg4[%swap3A, %swap3A_6], %rsqrt3A {strides = array<i32>} : memref<3584x1xf32, #tpu.memory_space<vmem>>, vector<3584x1xf32>,
    %get3A_8 = arith.constant 0 : index
    %get3A_9 = arith.constant 0 : index
    %get3A_10 = vector.load %arg1[%get3A_8, %get3A_9] : memref<3584x32xf32, #tpu.memory_space<vmem>>, vector<3584x32xf32>
    %mul3A = vector.broadcast %rsqrt3A : vector<3584x1xf32> to vector<3584x32xf32>
    %mul3A_11 = arith.mulf %get3A_10, %mul3A : vector<3584x32xf32>
    %swap3A_12 = arith.constant 0 : index
    %swap3A_13 = arith.constant 0 : index
    %swap3A_14 = vector.load %arg3[%swap3A_12, %swap3A_13] : memref<3584x32xf32, #tpu.memory_space<vmem>>, vector<3584x32xf32>
    tpu.vector_store %arg3[%swap3A_12, %swap3A_13], %mul3A_11 {strides = array<i32>} : memref<3584x32xf32, #tpu.memory_space<vmem>>, vector<3584x32xf32>,
    return
  }
  func.func @transform_0(%arg0: i32) -> (i32, i32) {
    %c0_i32 = arith.constant 0 : i32
    %c0_i32_0 = arith.constant 0 : i32
    return %arg0, %c0_i32 : i32, i32
  }
  func.func @transform_1(%arg0: i32) -> (i32, i32) {
    %c0_i32 = arith.constant 0 : i32
    %c0_i32_0 = arith.constant 0 : i32
    return %c0_i32, %arg0 : i32, i32
  }
  func.func @transform_2(%arg0: i32) -> (i32, i32) {
    %c0_i32 = arith.constant 0 : i32
    %c0_i32_0 = arith.constant 0 : i32
    return %arg0, %c0_i32 : i32, i32
  }
  func.func @transform_3(%arg0: i32) -> (i32, i32) {
    %c0_i32 = arith.constant 0 : i32
    %c0_i32_0 = arith.constant 0 : i32
    return %arg0, %c0_i32 : i32, i32
  }
}

module attributes {stable_mosaic.version = 14 : i64} {
  func.func @_tcb_body(%arg0: i32, %arg1: memref<2x3584x32xf32, #tpu.memory_space<vmem>>, %arg2: memref<3584x32xf32, #tpu.memory_space<vmem>>, %arg3: memref<3584x1xf32, #tpu.memory_space<vmem>>, %arg4: memref<8x32xf32, #tpu.memory_space<vmem>>, %arg5: memref<3584x32xf32, #tpu.memory_space<vmem>>) attributes {dimension_semantics = [#tpu.dimension_semantics<arbitrary>], iteration_bounds = array<i64: 14>, scalar_prefetch = 0 : i64, scratch_operands = 0 : i64, tpu.core_type = #tpu.core_type<tc>, window_params = [{transform_indices = @transform_0, window_bounds = array<i64: 2, 3584, 32>}, {transform_indices = @transform_1, window_bounds = array<i64: 3584, 32>}, {transform_indices = @transform_2, window_bounds = array<i64: 3584, 1>}, {pipeline_mode = #tpu.pipeline_mode<synchronous>, transform_indices = @transform_3, window_bounds = array<i64: 8, 32>}, {transform_indices = @transform_4, window_bounds = array<i64: 3584, 32>}]} {
    %get3A = arith.constant 0 : index
    %get3A_0 = arith.constant 0 : index
    %get3A_1 = arith.constant 0 : index
    %get3A_2 = vector.load %arg1[%get3A, %get3A_0, %get3A_1] : memref<2x3584x32xf32, #tpu.memory_space<vmem>>, vector<1x3584x32xf32>
    %get3A_3 = vector.shape_cast %get3A_2 : vector<1x3584x32xf32> to vector<3584x32xf32>
    %get3A_4 = arith.constant 1 : index
    %get3A_5 = arith.constant 0 : index
    %get3A_6 = arith.constant 0 : index
    %get3A_7 = vector.load %arg1[%get3A_4, %get3A_5, %get3A_6] : memref<2x3584x32xf32, #tpu.memory_space<vmem>>, vector<1x3584x32xf32>
    %get3A_8 = vector.shape_cast %get3A_7 : vector<1x3584x32xf32> to vector<3584x32xf32>
    %add3A = arith.addf %get3A_3, %get3A_8 : vector<3584x32xf32>
    %get3A_9 = arith.constant 0 : index
    %get3A_10 = arith.constant 0 : index
    %get3A_11 = vector.load %arg2[%get3A_9, %get3A_10] : memref<3584x32xf32, #tpu.memory_space<vmem>>, vector<3584x32xf32>
    %add3A_12 = arith.addf %add3A, %get3A_11 : vector<3584x32xf32>
    %get3A_13 = arith.constant 0 : index
    %get3A_14 = arith.constant 0 : index
    %get3A_15 = vector.load %arg3[%get3A_13, %get3A_14] : memref<3584x1xf32, #tpu.memory_space<vmem>>, vector<3584x1xf32>
    %mul3A = vector.broadcast %get3A_15 : vector<3584x1xf32> to vector<3584x32xf32>
    %mul3A_16 = arith.mulf %add3A_12, %mul3A : vector<3584x32xf32>
    %get3A_17 = arith.constant 0 : index
    %get3A_18 = arith.constant 0 : index
    %get3A_19 = vector.load %arg4[%get3A_17, %get3A_18] : memref<8x32xf32, #tpu.memory_space<vmem>>, vector<1x32xf32>
    %add3A_20 = vector.broadcast %get3A_19 : vector<1x32xf32> to vector<3584x32xf32>
    %add3A_21 = arith.addf %mul3A_16, %add3A_20 : vector<3584x32xf32>
    %max3A = arith.constant 0.000000e+00 : f32
    %max3A_22 = vector.broadcast %max3A : f32 to vector<3584x32xf32>
    %max3A_23 = arith.maximumf %add3A_21, %max3A_22 : vector<3584x32xf32>
    %get3A_24 = arith.constant 0 : index
    %get3A_25 = arith.constant 0 : index
    %get3A_26 = vector.load %arg3[%get3A_24, %get3A_25] : memref<3584x1xf32, #tpu.memory_space<vmem>>, vector<3584x1xf32>
    %mul3A_27 = vector.broadcast %get3A_26 : vector<3584x1xf32> to vector<3584x32xf32>
    %mul3A_28 = arith.mulf %max3A_23, %mul3A_27 : vector<3584x32xf32>
    %swap3A = arith.constant 0 : index
    %swap3A_29 = arith.constant 0 : index
    %swap3A_30 = vector.load %arg5[%swap3A, %swap3A_29] : memref<3584x32xf32, #tpu.memory_space<vmem>>, vector<3584x32xf32>
    tpu.vector_store %arg5[%swap3A, %swap3A_29], %mul3A_28 {strides = array<i32>} : memref<3584x32xf32, #tpu.memory_space<vmem>>, vector<3584x32xf32>,
    return
  }
  func.func @transform_0(%arg0: i32) -> (i32, i32, i32) {
    %c0_i32 = arith.constant 0 : i32
    %c0_i32_0 = arith.constant 0 : i32
    %c0_i32_1 = arith.constant 0 : i32
    return %c0_i32, %arg0, %c0_i32_0 : i32, i32, i32
  }
  func.func @transform_1(%arg0: i32) -> (i32, i32) {
    %c0_i32 = arith.constant 0 : i32
    %c0_i32_0 = arith.constant 0 : i32
    return %arg0, %c0_i32 : i32, i32
  }
  func.func @transform_2(%arg0: i32) -> (i32, i32) {
    %c0_i32 = arith.constant 0 : i32
    %c0_i32_0 = arith.constant 0 : i32
    return %arg0, %c0_i32 : i32, i32
  }
  func.func @transform_3(%arg0: i32) -> (i32, i32) {
    %c0_i32 = arith.constant 0 : i32
    %c0_i32_0 = arith.constant 0 : i32
    %c0_i32_1 = arith.constant 0 : i32
    return %c0_i32, %c0_i32_0 : i32, i32
  }
  func.func @transform_4(%arg0: i32) -> (i32, i32) {
    %c0_i32 = arith.constant 0 : i32
    %c0_i32_0 = arith.constant 0 : i32
    return %arg0, %c0_i32 : i32, i32
  }
}

module attributes {stable_mosaic.version = 14 : i64} {
  func.func @_tcc_body(%arg0: i32, %arg1: memref<2x3584x32xf32, #tpu.memory_space<vmem>>, %arg2: memref<3584x32xf32, #tpu.memory_space<vmem>>, %arg3: memref<3584x1xf32, #tpu.memory_space<vmem>>, %arg4: memref<32x64xf32, #tpu.memory_space<vmem>>, %arg5: memref<8x64xf32, #tpu.memory_space<vmem>>, %arg6: memref<3584x64xf32, #tpu.memory_space<vmem>>) attributes {dimension_semantics = [#tpu.dimension_semantics<arbitrary>], iteration_bounds = array<i64: 14>, scalar_prefetch = 0 : i64, scratch_operands = 0 : i64, tpu.core_type = #tpu.core_type<tc>, window_params = [{transform_indices = @transform_0, window_bounds = array<i64: 2, 3584, 32>}, {transform_indices = @transform_1, window_bounds = array<i64: 3584, 32>}, {transform_indices = @transform_2, window_bounds = array<i64: 3584, 1>}, {pipeline_mode = #tpu.pipeline_mode<synchronous>, transform_indices = @transform_3, window_bounds = array<i64: 32, 64>}, {pipeline_mode = #tpu.pipeline_mode<synchronous>, transform_indices = @transform_4, window_bounds = array<i64: 8, 64>}, {transform_indices = @transform_5, window_bounds = array<i64: 3584, 64>}]} {
    %get3A = arith.constant 0 : index
    %get3A_0 = arith.constant 0 : index
    %get3A_1 = arith.constant 0 : index
    %get3A_2 = vector.load %arg1[%get3A, %get3A_0, %get3A_1] : memref<2x3584x32xf32, #tpu.memory_space<vmem>>, vector<1x3584x32xf32>
    %get3A_3 = vector.shape_cast %get3A_2 : vector<1x3584x32xf32> to vector<3584x32xf32>
    %get3A_4 = arith.constant 1 : index
    %get3A_5 = arith.constant 0 : index
    %get3A_6 = arith.constant 0 : index
    %get3A_7 = vector.load %arg1[%get3A_4, %get3A_5, %get3A_6] : memref<2x3584x32xf32, #tpu.memory_space<vmem>>, vector<1x3584x32xf32>
    %get3A_8 = vector.shape_cast %get3A_7 : vector<1x3584x32xf32> to vector<3584x32xf32>
    %add3A = arith.addf %get3A_3, %get3A_8 : vector<3584x32xf32>
    %get3A_9 = arith.constant 0 : index
    %get3A_10 = arith.constant 0 : index
    %get3A_11 = vector.load %arg2[%get3A_9, %get3A_10] : memref<3584x32xf32, #tpu.memory_space<vmem>>, vector<3584x32xf32>
    %add3A_12 = arith.addf %add3A, %get3A_11 : vector<3584x32xf32>
    %get3A_13 = arith.constant 0 : index
    %get3A_14 = arith.constant 0 : index
    %get3A_15 = vector.load %arg3[%get3A_13, %get3A_14] : memref<3584x1xf32, #tpu.memory_space<vmem>>, vector<3584x1xf32>
    %mul3A = vector.broadcast %get3A_15 : vector<3584x1xf32> to vector<3584x32xf32>
    %mul3A_16 = arith.mulf %add3A_12, %mul3A : vector<3584x32xf32>
    %get3A_17 = arith.constant 0 : index
    %get3A_18 = arith.constant 0 : index
    %get3A_19 = vector.load %arg4[%get3A_17, %get3A_18] : memref<32x64xf32, #tpu.memory_space<vmem>>, vector<32x64xf32>
    %dot_general3A = arith.constant dense<0.000000e+00> : vector<3584x64xf32>
    %dot_general3A_20 = tpu.matmul %mul3A_16, %get3A_19, %dot_general3A {dimension_numbers = #tpu.dot_dimension_numbers<[1], [0], [0], [1], [0, 0, 1, 1], [], []>, transpose_lhs_hint = false} : vector<3584x32xf32>, vector<32x64xf32>, vector<3584x64xf32> -> vector<3584x64xf32>
    %get3A_21 = arith.constant 0 : index
    %get3A_22 = arith.constant 0 : index
    %get3A_23 = vector.load %arg5[%get3A_21, %get3A_22] : memref<8x64xf32, #tpu.memory_space<vmem>>, vector<1x64xf32>
    %add3A_24 = vector.broadcast %get3A_23 : vector<1x64xf32> to vector<3584x64xf32>
    %add3A_25 = arith.addf %dot_general3A_20, %add3A_24 : vector<3584x64xf32>
    %swap3A = arith.constant 0 : index
    %swap3A_26 = arith.constant 0 : index
    %swap3A_27 = vector.load %arg6[%swap3A, %swap3A_26] : memref<3584x64xf32, #tpu.memory_space<vmem>>, vector<3584x64xf32>
    tpu.vector_store %arg6[%swap3A, %swap3A_26], %add3A_25 {strides = array<i32>} : memref<3584x64xf32, #tpu.memory_space<vmem>>, vector<3584x64xf32>,
    return
  }
  func.func @transform_0(%arg0: i32) -> (i32, i32, i32) {
    %c0_i32 = arith.constant 0 : i32
    %c0_i32_0 = arith.constant 0 : i32
    %c0_i32_1 = arith.constant 0 : i32
    return %c0_i32, %arg0, %c0_i32_0 : i32, i32, i32
  }
  func.func @transform_1(%arg0: i32) -> (i32, i32) {
    %c0_i32 = arith.constant 0 : i32
    %c0_i32_0 = arith.constant 0 : i32
    return %arg0, %c0_i32 : i32, i32
  }
  func.func @transform_2(%arg0: i32) -> (i32, i32) {
    %c0_i32 = arith.constant 0 : i32
    %c0_i32_0 = arith.constant 0 : i32
    return %arg0, %c0_i32 : i32, i32
  }
  func.func @transform_3(%arg0: i32) -> (i32, i32) {
    %c0_i32 = arith.constant 0 : i32
    %c0_i32_0 = arith.constant 0 : i32
    %c0_i32_1 = arith.constant 0 : i32
    return %c0_i32, %c0_i32_0 : i32, i32
  }
  func.func @transform_4(%arg0: i32) -> (i32, i32) {
    %c0_i32 = arith.constant 0 : i32
    %c0_i32_0 = arith.constant 0 : i32
    %c0_i32_1 = arith.constant 0 : i32
    return %c0_i32, %c0_i32_0 : i32, i32
  }
  func.func @transform_5(%arg0: i32) -> (i32, i32) {
    %c0_i32 = arith.constant 0 : i32
    %c0_i32_0 = arith.constant 0 : i32
    return %arg0, %c0_i32 : i32, i32
  }
}

</mosaic_0001>

<sc_bundles>
// kernel: kernel.12.cloned.1.call-start
scs
__scs_entry_jumppad:
0x0: {  	(pc) =	sbr.rel $0x88, $3  }
0x1: {  	(tag) =	ssettag $0x0;
	lr =	simm.s32 $0x1  }
0x2: {  	[smem:$0x3F95] =	sst lr;
	_ =	strace $0xD0000000  }
0x3: {  	_ = 	snop  }
0x4: {  	_ = 	snop  }
0x5: {  	_ = 	snop  }
0x6: {  	_ = 	snop  }
0x7: {  	_ = 	snop  }
__scs_overlays_trampoline_lowered:
0x8: {  	[smem:$0x3FA4] =	sst s0  }
0x9: {  	[smem:$0x3FA5] =	sst s1  }
0xa: {  	[smem:$0x3FA6] =	sst s2  }
0xb: {  	[smem:$0x3FA7] =	sst s3  }
0xc: {  	[smem:$0x3FA8] =	sst s4  }
0xd: {  	[smem:$0x3FA9] =	sst s5  }
0xe: {  	[smem:$0x3FAA] =	sst s6  }
0xf: {  	[smem:$0x3FAB] =	sst s7  }
0x10: {  	[smem:$0x3FAC] =	sst s8  }
0x11: {  	[smem:$0x3FAD] =	sst s9;
	s0 =	simm.s32 @!p0 $0x0  }
0x12: {  	s1 =	sld [smem:$0x3F93];
	s0 =	simm.s32 @p0 $0x1  }
0x13: {  	[smem:$0x3FAE] =	sst s0;
	s0 =	simm.s32 @!p1 $0x0  }
0x14: {  	s2 =	sld [smem:$0x3F92];
	s0 =	simm.s32 @p1 $0x1  }
0x15: {  	[smem:$0x3FAF] =	sst s0;
	s0 =	simm.s32 @!p2 $0x0  }
0x16: {  	s3 =	sld [smem:$0x3FDB];
	s0 =	simm.s32 @p2 $0x1  }
0x17: {  	s4 =	simm.s32 $0x1BF5;
	[smem:$0x3FB1] =	sst s0  }
0x18: {  	s0 =	sld [smem:$0x3F94];
	_ =	swait.ge [sflag:s4], $0x0  }
0x19: {  	s7 =	sld [smem:$0x3F95]  }
0x1a: {  	s8 =	sadd.s32 $0xFFFFE003, lr  }
0x1b: {  	s9 =	sadd.s32 $0xFFFFFEF7, lr;
	s5 =	simm.s32 $0xFFFFFFFF;
	p2 =	slt.u32 s8, $0xFFFFF086  }
0x1c: {  	p1 =	slt.u32 s9, $0xF7A;
	s5 =	simm.s32 @!p2 $0x0  }
0x1d: {  	s5 =	simm.s32 @p1 $0x1;
	p0 =	seq.s32 s7, s2  }
0x1e: {  	s7 =	smul.u32 @!p0 $0xF7A, s2;
	p2 =	seq.s32 @!p0 s5, $0x0  }
0x1f: {  	s9 =	smul.u32 $0xF7A, s1;
	s8 =	simm.s32 @!p0 $0x1BF5;
	p2 =	por !p2, p0  }
0x20: {  	[sflag:s8] =	ssyncset.s32 @!p0 $0xFFFFF086;
	s6 =	sadd.s32 @!p0 s3, s7;
	s7 =	simm.s32 @!p0 $0x108  }
0x21: {  	s3 =	sadd.s32 s3, s9;
	s6 =	sadd.s32 @!p0 $0x88, s6;
	s7 =	simm.s32 @p2 $0x1082  }
0x22: {  	[simem:s7], [sflag:s8] =	dma.local @!p0 [hbm:s6], $0xF7A  }
0x23: {  	s9 =	sor.u32 $0xD0000000, s2;
	s6 =	simm.s32 $0x108;
	_ =	swait.ge @!p0 [sflag:s8], $0x0  }
0x24: {  	s3 =	sadd.s32 $0x88, s3;
	s6 =	simm.s32 @!p1 $0x1082;
	[sflag:s4] =	ssyncset.s32 $0xFFFFF086  }
0x25: {  	[simem:s6], [sflag:s4] =	dma.local [hbm:s3], $0xF7A  }
0x26: {  	[smem:$0x3F95] =	sst s1;
	(tag) =	ssettag s2;
	_ =	strace s9  }
0x27: {  	s1 =	sld [smem:$0x3FA5]  }
0x28: {  	s2 =	sld [smem:$0x3FA6]  }
0x29: {  	s4 =	sld [smem:$0x3FA8]  }
0x2a: {  	p0 =	seq.s32 s5, $0x0;
	s5 =	sld [smem:$0x3FA9]  }
0x2b: {  	s6 =	sld [smem:$0x3FAA]  }
0x2c: {  	s7 =	sld [smem:$0x3FAB]  }
0x2d: {  	s3 =	simm.s32 $0x108;
	s8 =	sld [smem:$0x3FAC]  }
0x2e: {  	s3 =	simm.s32 @!p0 $0x1082;
	s9 =	sld [smem:$0x3FAD]  }
0x2f: {  	lr =	sadd.s32 s0, s3;
	s0 =	sld [smem:$0x3FA4]  }
0x30: {  	s3 =	sld [smem:$0x3FA7]  }
0x31: {  	[smem:$0x3FB0] =	sst s10  }
0x32: {  	s10 =	sld [smem:$0x3FAE];
	_ =	sdelay $0x3  }
0x33: {  	p0 =	seq.s32 s10, $0x1;
	s10 =	sld [smem:$0x3FB0];
	_ =	sdelay $0x3  }
0x34: {  	[smem:$0x3FB0] =	sst s10  }
0x35: {  	s10 =	sld [smem:$0x3FAF];
	_ =	sdelay $0x3  }
0x36: {  	p1 =	seq.s32 s10, $0x1;
	s10 =	sld [smem:$0x3FB0];
	_ =	sdelay $0x3  }
0x37: {  	[smem:$0x3FB0] =	sst s10  }
0x38: {  	s10 =	sld [smem:$0x3FB1]  }
0x39: {  	_ = 	snop;
	(pc) =	sbr.ind lr, $3  }
0x3a: {  	_ = 	snop  }
0x3b: {  	_ = 	snop  }
0x3c: {  	p2 =	seq.s32 s10, $0x1;
	s10 =	sld [smem:$0x3FB0]  }
0x3d: {  	_ =	shalt  }
0x3e: {  	_ =	shalt  }
0x3f: {  	_ =	shalt  }
0x40: {  	_ =	shalt  }
0x41: {  	_ =	shalt  }
0x42: {  	_ =	shalt  }
0x43: {  	_ =	shalt  }
0x44: {  	_ =	shalt  }
0x45: {  	_ =	shalt  }
0x46: {  	_ =	shalt  }
0x47: {  	_ =	shalt  }
0x48: {  	_ =	shalt  }
0x49: {  	_ =	shalt  }
0x4a: {  	_ =	shalt  }
0x4b: {  	_ =	shalt  }
0x4c: {  	_ =	shalt  }
0x4d: {  	_ =	shalt  }
0x4e: {  	_ =	shalt  }
0x4f: {  	_ =	shalt  }
0x50: {  	_ =	shalt  }
0x51: {  	_ =	shalt  }
0x52: {  	_ =	shalt  }
0x53: {  	_ =	shalt  }
0x54: {  	_ =	shalt  }
0x55: {  	_ =	shalt  }
0x56: {  	_ =	shalt  }
0x57: {  	_ =	shalt  }
0x58: {  	_ =	shalt  }
0x59: {  	_ =	shalt  }
0x5a: {  	_ =	shalt  }
0x5b: {  	_ =	shalt  }
0x5c: {  	_ =	shalt  }
0x5d: {  	_ =	shalt  }
0x5e: {  	_ =	shalt  }
0x5f: {  	_ =	shalt  }
0x60: {  	_ =	shalt  }
0x61: {  	_ =	shalt  }
0x62: {  	_ =	shalt  }
0x63: {  	_ =	shalt  }
0x64: {  	_ =	shalt  }
0x65: {  	_ =	shalt  }
0x66: {  	_ =	shalt  }
0x67: {  	_ =	shalt  }
0x68: {  	_ =	shalt  }
0x69: {  	_ =	shalt  }
0x6a: {  	_ =	shalt  }
0x6b: {  	_ =	shalt  }
0x6c: {  	_ =	shalt  }
0x6d: {  	_ =	shalt  }
0x6e: {  	_ =	shalt  }
0x6f: {  	_ =	shalt  }
0x70: {  	_ =	shalt  }
0x71: {  	_ =	shalt  }
0x72: {  	_ =	shalt  }
0x73: {  	_ =	shalt  }
0x74: {  	_ =	shalt  }
0x75: {  	_ =	shalt  }
0x76: {  	_ =	shalt  }
0x77: {  	_ =	shalt  }
0x78: {  	_ =	shalt  }
0x79: {  	_ =	shalt  }
0x7a: {  	_ =	shalt  }
0x7b: {  	_ =	shalt  }
0x7c: {  	_ =	shalt  }
0x7d: {  	_ =	shalt  }
0x7e: {  	_ =	shalt  }
0x7f: {  	_ =	shalt  }
0x80: {  	_ =	shalt  }
0x81: {  	_ =	shalt  }
0x82: {  	_ =	shalt  }
0x83: {  	_ =	shalt  }
0x84: {  	_ =	shalt  }
0x85: {  	_ =	shalt  }
0x86: {  	_ =	shalt  }
0x87: {  	_ =	shalt  }
.Lfunc_end0:
.L_simem_size_0:
called_computation.1_lowered:
.L_overlay_start_0:
0x88: {  	s2 =	sld [smem:$0x3FD9]  }
0x89: {  	s3 =	sld [smem:$0x3FFE];
	_ =	sdelay $0x1  }
0x8a: {  	s1 =	srdreg.scid  }
0x8b: {  	s0 =	sand.u32 $0x1, s1  }
0x8c: {  	s14 =	sshll.u32 s0, $0xA;
	s2 =	sadd.s32 s3, s2  }
0x8d: {  	s2 =	sadd.s32 s2, s14  }
0x8e: {  	[smem:$0x3FBC] =	sst s2  }
0x8f: {  	_ = 	snop  }
0x90: {  	s2 =	sld [smem:$0x3FD0];
	_ =	sdelay $0x2  }
0x91: {  	s15 =	simm.s32 $0xA;
	s4 =	simm.s32 $0x10  }
0x92: {  	[smem:s4], [sflag:s15] =	dma.local [hbm:s2], $0x1  }
0x93: {  	_ =	swait.eq [sflag:s15], $0x1  }
0x94: {  	[sflag:s15] =	ssyncset.done $0x0  }
0x95: {  	[sflag:s15] =	ssyncadd.s32 $0xFFFFFFFF  }
0x96: {  	s16 =	sld [smem:$0x11];
	(tm) =	ssettm $0x1  }
0x97: {  	s17 =	sld [smem:$0x3FFB];
	_ =	sdelay $0x3  }
0x98: {  	_ =	strace s17  }
0x99: {  	s3 =	sld [smem:$0x3FFC];
	_ =	sdelay $0x3  }
0x9a: {  	_ =	strace s3  }
0x9b: {  	s3 =	sld [smem:$0x3FFD];
	_ =	sdelay $0x3  }
0x9c: {  	_ =	strace s3  }
0x9d: {  	_ =	strace $0x8FFFFFFF  }
0x9e: {  	s18 =	sld [smem:$0x3FDB];
	_ =	sdelay $0x1  }
0x9f: {  	s19 =	simm.s32 $_scs_section_size  }
0xa0: {  	s5 =	simm.s32 $_size__tile_overlayer_lowered;
	s6 =	simm.s32 $_tile_overlayer_lowered  }
0xa1: {  	s22 =	simm.s32 $0x1BFF;
	s21 =	sshll.u32 s6, $0x1;
	s3 =	sadd.s32 s19, s18  }
0xa2: {  	s7 =	simm.s32 $0x0;
	s20 =	sshll.u32 s5, $0x1;
	s5 =	sadd.s32 s21, s3  }
0xa3: {  	[timem:s7], [sflag:s22] =	dma.local [hbm:s5], s20  }
0xa4: {  	_ =	swait.ge [sflag:s22], s20  }
0xa5: {  	s4 =	ssub.s32 $0x0, s20;
	[sflag:s22] =	ssyncset.done $0x0  }
0xa6: {  	[sflag:s22] =	ssyncadd.s32 s4;
	_ =	sdelay $0x1  }
0xa7: {  	s23 =	simm.s32 $0x1B8B  }
0xa8: {  	_ =	swait.ge [sflag:s23], $0x1  }
0xa9: {  	[sflag:s23] =	ssyncset.done $0x0  }
0xaa: {  	s25 =	simm.s32 $0x1B8E;
	s24 =	sld [smem:$0x3FFE];
	[sflag:s23] =	ssyncadd.s32 $0xFFFFFFFF  }
0xab: {  	s26 =	simm.s32 $execute0_lowered;
	[smem:$0x3FD2] =	sst s25  }
0xac: {  	s5 =	sshll.u32 s26, $0x1;
	_ =	strace $0x80000049;
	[dreg:$0x1] =	wrdreg $0xFFFFFFFF  }
0xad: {  	s28 =	simm.s32 $_size_execute0_lowered;
	s3 =	sadd.s32 s3, s5;
	[dreg:$0x0] =	wrdreg $0x0  }
0xae: {  	s5 =	sshll.u32 s28, $0x1;
	[dreg:$0x2] =	wrdreg s3  }
0xaf: {  	[dreg:$0x3] =	wrdreg s5  }
0xb0: {  	[dreg:$0x4] =	wrdreg $0xC0  }
0xb1: {  	_ =	task [dreg:s7], $0x5FFFF  }
0xb2: {  	[dreg:$0x1] =	wrdreg $0xFFFFFFFF  }
0xb3: {  	[dreg:$0x0] =	wrdreg $0x60  }
0xb4: {  	[dreg:$0x2] =	wrdreg s24  }
0xb5: {  	[dreg:$0x3] =	wrdreg s16  }
0xb6: {  	[dreg:$0x4] =	wrdreg $0x74800  }
0xb7: {  	[dreg:$0x5] =	wrdreg $0x9  }
0xb8: {  	_ =	task.clear_ibuf [dreg:s7], $0x6FFFF;
	_ =	strace $0x90000049  }
0xb9: {  	s29 =	simm.s32 $0x9;
	_ =	strace $0x8000004B  }
0xba: {  	_ =	swait.ge [sflag:s29], $0x1  }
0xbb: {  	[sflag:s29] =	ssyncadd.s32 $0xFFFFFFFF  }
0xbc: {  	_ =	strace $0x9000004B  }
0xbd: {  	_ =	sfence  }
0xbe: {  	s30 =	sld [smem:$0x0];
	_ =	sdelay $0x2  }
0xbf: {  	s31 =	sshll.u32 s1, $0xD;
	s1 =	sshrl.u32 s1, $0x2  }
0xc0: {  	s3 =	sand.u32 $0x4000, s31;
	s1 =	sadd.s32 s1, s30  }
0xc1: {  	s0 =	sor.u32 s3, s0;
	s1 =	sshll.u32 s1, $0x11  }
0xc2: {  	s0 =	sor.u32 s1, s0  }
0xc3: {  	s0 =	sadd.s32 $0x8F2B, s0  }
0xc4: {  	[sflag:s0] =	ssyncadd.remote.s32 $0x1  }
0xc5: {  	_ =	sfence.sel $0xFFFF  }
0xc6: {  	[dreg:$0x0] =	wrdreg $0xFFFFFFFF;
	(pc) =	sbr.abs _section_cstart, $3  }
0xc7: {  	[dreg:$0x1] =	wrdreg $0xFFFFFFFF  }
0xc8: {  	_ =	task.clear_ibuf [dreg:s7], $0x2FFFF;
	_ =	strace $0x9FFFFFFF  }
0xc9: {  	(tm) =	ssettm $0x7FFFFFFF  }
tec
execute0_lowered:
.L_overlay_start_1:
0x0: {  	(tag) =	ssettag $0x1  }
0x1: {  	s19 =	stileid.u32  }
0x2: {  	s1 =	srdreg.scid;
	s3 =	smul.u32 $0xC4, s19  }
0x3: {  	s0 =	rddreg [dreg:$0x0];
	s13 =	sand.u32 $0x1, s1;
	s21 =	smul.u32 $0xC40, s19  }
0x4: {  	s2 =	rddreg [dreg:$0x2];
	s6 =	simm.s32 $0x0;
	s1 =	smul.u32 $0xC40, s13  }
0x5: {  	[smem:$0x7FF] =	sst s6;
	s14 =	sadd.s32 $0x2800, s0;
	s15 =	smul.u32 $0x188000, s13  }
0x6: {  	_ =	strace $0x8000004A;
	s5 =	ssub.s32 $0x2, s13;
	s13 =	smul.u32 $0xC400, s13  }
0x7: {  	s7 =	sshrl.u32 s5, $0x1;
	s4 =	sadd.s32 s3, s1;
	s1 =	smul.u32 $0x18800, s19  }
0x8: {  	s3 =	sadd.s32 $0x1EC800, s0;
	s13 =	sadd.s32 s13, s14;
	s4 =	sshll.u32 s4, $0x4  }
0x9: {  	s10 =	ssub.s32 s5, s7;
	s13 =	sadd.s32 s21, s13;
	s25 =	sadd.s32 s14, s4  }
0xa: {  	s5 =	sadd.s32 $0x1880, s1;
	s4 =	sadd.s32 $0x3100, s1;
	s7 =	sadd.s32 $0x4980, s1  }
0xb: {  	s8 =	sadd.s32 $0x6200, s1;
	s9 =	sadd.s32 $0x7A80, s1;
	s11 =	sadd.s32 $0x9300, s1  }
0xc: {  	s12 =	sadd.s32 $0xAB80, s1;
	s16 =	sadd.s32 s1, s15;
	[dreg:$0x4] =	wrdreg s13  }
0xd: {  	s17 =	sadd.s32 s15, s5;
	s16 =	sshrl.u32 s16, $0x3;
	s18 =	sadd.s32 s15, s4  }
0xe: {  	s20 =	sadd.s32 s15, s8;
	s23 =	sadd.s32 s15, s9;
	s24 =	sadd.s32 s15, s11  }
0xf: {  	s13 =	sadd.s32 s8, s2;
	s31 =	sadd.s32 s9, s2;
	[dreg:$0x5] =	wrdreg s25  }
0x10: {  	s17 =	sshrl.u32 s17, $0x3;
	s16 =	sadd.s32 s3, s16;
	[dreg:$0x16] =	wrdreg s13  }
0x11: {  	s22 =	sshrl.u32 s20, $0x3;
	s14 =	sshrl.u32 s23, $0x3;
	[dreg:$0x17] =	wrdreg s31  }
0x12: {  	s13 =	simm.s32 $0xA;
	[dreg:$0x6] =	wrdreg s16;
	s26 =	sadd.s32 s3, s17  }
0x13: {  	s17 =	sshrl.u32 s18, $0x3;
	s14 =	sadd.s32 s3, s14;
	[dreg:$0x7] =	wrdreg s26  }
0x14: {  	s18 =	sadd.s32 s15, s7;
	s7 =	sadd.s32 s7, s2;
	[dreg:$0xb] =	wrdreg s14  }
0x15: {  	s16 =	sadd.s32 s3, s17;
	s26 =	sshrl.u32 s24, $0x3;
	[smem:$0x7F7] =	sst s7  }
0x16: {  	s14 =	sadd.s32 $0xC400, s1;
	s7 =	sadd.s32 s12, s2;
	[dreg:$0x8] =	wrdreg s16  }
0x17: {  	s16 =	sshrl.u32 s18, $0x3;
	s17 =	sadd.s32 s3, s26;
	s18 =	sadd.s32 s15, s12  }
0x18: {  	s19 =	sadd.s32 s15, s14;
	s8 =	sadd.s32 s14, s2;
	[dreg:$0x19] =	wrdreg s7  }
0x19: {  	s12 =	simm.s32 $0x5C00;
	s14 =	simm.s32 $0x1;
	[dreg:$0xc] =	wrdreg s17  }
0x1a: {  	s16 =	sadd.s32 s3, s16;
	s17 =	sshrl.u32 s18, $0x3;
	[dreg:$0x1b] =	wrdreg s8  }
0x1b: {  	s18 =	sshrl.u32 s19, $0x3;
	[dreg:$0x9] =	wrdreg s16;
	s16 =	sadd.s32 s3, s22  }
0x1c: {  	s19 =	sadd.s32 $0x12600, s1;
	s17 =	sadd.s32 s3, s17;
	[dreg:$0xa] =	wrdreg s16  }
0x1d: {  	s21 =	sadd.s32 s3, s18;
	s18 =	sadd.s32 $0x10D80, s1;
	[dreg:$0xd] =	wrdreg s17  }
0x1e: {  	s16 =	sadd.s32 $0xDC80, s1;
	[dreg:$0xe] =	wrdreg s21;
	s21 =	sadd.s32 s15, s18  }
0x1f: {  	s20 =	sadd.s32 s15, s16;
	s21 =	sshrl.u32 s21, $0x3;
	s9 =	sadd.s32 s16, s2  }
0x20: {  	s16 =	simm.s32 $0x1C00;
	s22 =	sshrl.u32 s20, $0x3;
	s23 =	sadd.s32 s3, s21  }
0x21: {  	s21 =	sadd.s32 $0x15700, s1;
	[dreg:$0x1c] =	wrdreg s9;
	s17 =	sadd.s32 s3, s22  }
0x22: {  	s22 =	sadd.s32 s15, s19;
	[dreg:$0x11] =	wrdreg s23;
	s23 =	sadd.s32 $0x16F80, s1  }
0x23: {  	s29 =	sadd.s32 s21, s2;
	[dreg:$0xf] =	wrdreg s17;
	s17 =	sadd.s32 $0xF500, s1  }
0x24: {  	s30 =	sadd.s32 s23, s2;
	[smem:$0x7FC] =	sst s29;
	s20 =	sadd.s32 s15, s17  }
0x25: {  	s28 =	sadd.s32 s17, s2;
	[smem:$0x7FD] =	sst s30;
	s20 =	sshrl.u32 s20, $0x3  }
0x26: {  	s24 =	sshrl.u32 s22, $0x3;
	[dreg:$0x1e] =	wrdreg s28;
	s20 =	sadd.s32 s3, s20  }
0x27: {  	s17 =	simm.s32 $0x2C00;
	[dreg:$0x10] =	wrdreg s20;
	s20 =	sadd.s32 s3, s24  }
0x28: {  	s24 =	sadd.s32 s15, s21;
	s21 =	simm.s32 $0x4C00;
	[dreg:$0x12] =	wrdreg s20  }
0x29: {  	s20 =	sadd.s32 $0x13E80, s1;
	s24 =	sshrl.u32 s24, $0x3;
	s1 =	sadd.s32 s1, s2  }
0x2a: {  	s26 =	sadd.s32 s15, s20;
	s15 =	sadd.s32 s15, s23;
	[dreg:$0x1d] =	wrdreg s1  }
0x2b: {  	s23 =	simm.s32 $0x5;
	s22 =	sshrl.u32 s26, $0x3;
	s26 =	sadd.s32 s3, s24  }
0x2c: {  	s1 =	simm.s32 $0x0;
	s24 =	smax.u32 s10, $0x1;
	[dreg:$0x14] =	wrdreg s26  }
0x2d: {  	s15 =	sshrl.u32 s15, $0x3;
	s22 =	sadd.s32 s3, s22;
	[smem:$0x7F8] =	sst s24  }
0x2e: {  	s10 =	simm.s32 $0x4;
	s3 =	sadd.s32 s3, s15;
	[dreg:$0x13] =	wrdreg s22  }
0x2f: {  	s15 =	sadd.s32 s11, s2;
	s26 =	sadd.s32 $0x18800, s25;
	[dreg:$0x15] =	wrdreg s3  }
0x30: {  	s11 =	simm.s32 $0x6;
	s24 =	simm.s32 $0x7;
	[dreg:$0x18] =	wrdreg s15  }
0x31: {  	s25 =	simm.s32 $0x8;
	s3 =	sadd.s32 s5, s2;
	[smem:$0x7F9] =	sst s26  }
0x32: {  	s22 =	sadd.s32 $0x1BB800, s0;
	s5 =	sadd.s32 s4, s2;
	[smem:$0x7F6] =	sst s3  }
0x33: {  	s4 =	sadd.s32 s18, s2;
	s15 =	simm.s32 $0x80;
	[dreg:$0x1a] =	wrdreg s5  }
0x34: {  	s18 =	simm.s32 $0x2;
	s3 =	sadd.s32 s19, s2;
	[dreg:$0x1f] =	wrdreg s4  }
0x35: {  	s26 =	simm.s32 $0x9;
	s5 =	sadd.s32 s20, s2;
	[smem:$0x7FA] =	sst s3  }
0x36: {  	s19 =	simm.s32 $0x3C00;
	s20 =	simm.s32 $0x3;
	[smem:$0x7FB] =	sst s5  }
.LBB2_1:
0x37: {  	s0 =	rddreg [dreg:$0x5]  }
0x38: {  	[tilespmem:s6], [sflag:$0x1] =	stream.linear.gather [hbm4b:s0+s6], $0x700, $0x38;
	[tilespmem:$0x1FC80] =	vst v63  }
0x39: {  	s0 =	sld [smem:$0x7F9];
	_ =	sdelay $0x1  }
0x3a: {  	[smem:$0x7F5] =	sst s1;
	s1 =	simm.s32 $0xE00  }
0x3b: {  	[tilespmem:s1], [sflag:$0x1] =	stream.linear.gather [hbm4b:s0+s6], $0x700, $0x38;
	[tilespmem:$0x1FC80] =	vst v63  }
0x3c: {  	s1 =	rddreg [dreg:$0x1]  }
0x3d: {  	[tilespmem:s12], [sflag:$0xA] =	stream.linear.gather [hbm4b:s1+s6], $0x1880, $0x38;
	[tilespmem:$0x1FC80] =	vst v63  }
0x3e: {  	_ =	swait.ge [sflag:s13], $0x1880  }
0x3f: {  	[sflag:s13] =	ssyncset.done $0x0  }
0x40: {  	s1 =	rddreg [dreg:$0x1d];
	[sflag:s13] =	ssyncadd.s32 $0xFFFFE780  }
0x41: {  	[spmem:s1] =	stream.linear.scatter [tilespmem:s12], [sflag:$0xA], $0x1880, $0x38;
	[tilespmem:$0x1FC80] =	vst v63  }
0x42: {  	_ =	swait.ge [sflag:s13], $0x1880  }
0x43: {  	s1 =	smov.u32 s8;
	s8 =	sld [smem:$0x7F6]  }
0x44: {  	[sflag:s13] =	ssyncset.done $0x0  }
0x45: {  	[sflag:s13] =	ssyncadd.s32 $0xFFFFE780  }
0x46: {  	[spmem:s8] =	stream.linear.scatter [tilespmem:s12], [sflag:$0xA], $0x1880, $0x38;
	[tilespmem:$0x1FC80] =	vst v63  }
0x47: {  	_ =	swait.ge [sflag:s13], $0x1880  }
0x48: {  	[sflag:s13] =	ssyncset.done $0x0  }
0x49: {  	s8 =	rddreg [dreg:$0x1a];
	[sflag:s13] =	ssyncadd.s32 $0xFFFFE780  }
0x4a: {  	[spmem:s8] =	stream.linear.scatter [tilespmem:s12], [sflag:$0xA], $0x1880, $0x38;
	[tilespmem:$0x1FC80] =	vst v63  }
0x4b: {  	_ =	swait.ge [sflag:s13], $0x1880  }
0x4c: {  	s8 =	sld [smem:$0x7F7]  }
0x4d: {  	[sflag:s13] =	ssyncset.done $0x0  }
0x4e: {  	[sflag:s13] =	ssyncadd.s32 $0xFFFFE780  }
0x4f: {  	[spmem:s8] =	stream.linear.scatter [tilespmem:s12], [sflag:$0xA], $0x1880, $0x38;
	[tilespmem:$0x1FC80] =	vst v63  }
0x50: {  	s0 =	rddreg [dreg:$0x18];
	_ =	swait.ge [sflag:s13], $0x1880  }
0x51: {  	[sflag:s13] =	ssyncset.done $0x0  }
0x52: {  	s8 =	rddreg [dreg:$0x16];
	[sflag:s13] =	ssyncadd.s32 $0xFFFFE780  }
0x53: {  	[spmem:s8] =	stream.linear.scatter [tilespmem:s12], [sflag:$0xA], $0x1880, $0x38;
	[tilespmem:$0x1FC80] =	vst v63  }
0x54: {  	_ =	swait.ge [sflag:s13], $0x1880  }
0x55: {  	[sflag:s13] =	ssyncset.done $0x0  }
0x56: {  	[sflag:s13] =	ssyncadd.s32 $0xFFFFE780  }
0x57: {  	[spmem:s31] =	stream.linear.scatter [tilespmem:s12], [sflag:$0xA], $0x1880, $0x38;
	[tilespmem:$0x1FC80] =	vst v63  }
0x58: {  	_ =	swait.ge [sflag:s13], $0x1880  }
0x59: {  	[sflag:s13] =	ssyncset.done $0x0  }
0x5a: {  	[sflag:s13] =	ssyncadd.s32 $0xFFFFE780  }
0x5b: {  	[spmem:s0] =	stream.linear.scatter [tilespmem:s12], [sflag:$0xA], $0x1880, $0x38;
	[tilespmem:$0x1FC80] =	vst v63  }
0x5c: {  	_ =	swait.ge [sflag:s13], $0x1880  }
0x5d: {  	[sflag:s13] =	ssyncset.done $0x0  }
0x5e: {  	[sflag:s13] =	ssyncadd.s32 $0xFFFFE780  }
0x5f: {  	[spmem:s7] =	stream.linear.scatter [tilespmem:s12], [sflag:$0xA], $0x1880, $0x38;
	[tilespmem:$0x1FC80] =	vst v63  }
0x60: {  	_ =	swait.ge [sflag:s13], $0x1880  }
0x61: {  	[sflag:s13] =	ssyncset.done $0x0  }
0x62: {  	[sflag:s13] =	ssyncadd.s32 $0xFFFFE780  }
0x63: {  	[spmem:s1] =	stream.linear.scatter [tilespmem:s12], [sflag:$0xA], $0x1880, $0x38;
	[tilespmem:$0x1FC80] =	vst v63  }
0x64: {  	_ =	swait.ge [sflag:s13], $0x1880  }
0x65: {  	[sflag:s13] =	ssyncset.done $0x0  }
0x66: {  	[sflag:s13] =	ssyncadd.s32 $0xFFFFE780  }
0x67: {  	[spmem:s9] =	stream.linear.scatter [tilespmem:s12], [sflag:$0xA], $0x1880, $0x38;
	[tilespmem:$0x1FC80] =	vst v63  }
0x68: {  	_ =	swait.ge [sflag:s13], $0x1880  }
0x69: {  	[sflag:s13] =	ssyncset.done $0x0  }
0x6a: {  	[sflag:s13] =	ssyncadd.s32 $0xFFFFE780  }
0x6b: {  	[spmem:s28] =	stream.linear.scatter [tilespmem:s12], [sflag:$0xA], $0x1880, $0x38;
	[tilespmem:$0x1FC80] =	vst v63  }
0x6c: {  	_ =	swait.ge [sflag:s13], $0x1880  }
0x6d: {  	[sflag:s13] =	ssyncset.done $0x0  }
0x6e: {  	[sflag:s13] =	ssyncadd.s32 $0xFFFFE780  }
0x6f: {  	[spmem:s4] =	stream.linear.scatter [tilespmem:s12], [sflag:$0xA], $0x1880, $0x38;
	[tilespmem:$0x1FC80] =	vst v63  }
0x70: {  	_ =	swait.ge [sflag:s13], $0x1880  }
0x71: {  	[sflag:s13] =	ssyncset.done $0x0  }
0x72: {  	[sflag:s13] =	ssyncadd.s32 $0xFFFFE780  }
0x73: {  	[spmem:s3] =	stream.linear.scatter [tilespmem:s12], [sflag:$0xA], $0x1880, $0x38;
	[tilespmem:$0x1FC80] =	vst v63  }
0x74: {  	_ =	swait.ge [sflag:s13], $0x1880  }
0x75: {  	[sflag:s13] =	ssyncset.done $0x0  }
0x76: {  	[sflag:s13] =	ssyncadd.s32 $0xFFFFE780  }
0x77: {  	[spmem:s5] =	stream.linear.scatter [tilespmem:s12], [sflag:$0xA], $0x1880, $0x38;
	[tilespmem:$0x1FC80] =	vst v63  }
0x78: {  	_ =	swait.ge [sflag:s13], $0x1880  }
0x79: {  	[sflag:s13] =	ssyncset.done $0x0  }
0x7a: {  	[sflag:s13] =	ssyncadd.s32 $0xFFFFE780  }
0x7b: {  	[spmem:s29] =	stream.linear.scatter [tilespmem:s12], [sflag:$0xA], $0x1880, $0x38;
	[tilespmem:$0x1FC80] =	vst v63  }
0x7c: {  	_ =	swait.ge [sflag:s13], $0x1880  }
0x7d: {  	[sflag:s13] =	ssyncset.done $0x0  }
0x7e: {  	[sflag:s13] =	ssyncadd.s32 $0xFFFFE780  }
0x7f: {  	[spmem:s30] =	stream.linear.scatter [tilespmem:s12], [sflag:$0xA], $0x1880, $0x38;
	[tilespmem:$0x1FC80] =	vst v63  }
0x80: {  	_ =	swait.ge [sflag:s13], $0x1880  }
0x81: {  	[sflag:s13] =	ssyncset.done $0x0  }
0x82: {  	[sflag:s13] =	ssyncadd.s32 $0xFFFFE780  }
0x83: {  	[bflag:$0x0] =	sbarrier.arrive $0xFFFF  }
0x84: {  	_ =	swait.ge [sflag:s14], $0x700  }
0x85: {  	[sflag:s14] =	ssyncset.done $0x0  }
0x86: {  	[sflag:s14] =	ssyncadd.s32 $0xFFFFF900  }
0x87: {  	p0 =	por $0x0, $0x0;
	s30 =	sand.u32 $0x1, s6;
	_ =	swait.ge [sflag:s14], $0x700  }
0x88: {  	s31 =	sxor.u32 @!p0 $0x1, s30;
	s29 =	rddreg [dreg:$0x4]  }
0x89: {  	s31 =	smul.u32 @!p0 $0x700, s31;
	[sflag:s14] =	ssyncset.done $0x0;
	s29 =	sadd.s32 @!p0 $0x0, s29  }
0x8a: {  	s3 =	simm.s32 @!p0 $0x0;
	[sflag:s14] =	ssyncadd.s32 $0xFFFFF900;
	s0 =	sadd.s32 @!p0 $0xE0, s29  }
0x8b: {  	[tilespmem:s31], [sflag:$0x1] =	stream.linear.gather @!p0 [hbm4b:s0+s3], $0x700, $0x38;
	[tilespmem:$0x1FC80] =	vst v63  }
0x8c: {  	s29 =	sadd.s32 @!p0 $0x188E0, s29;
	s0 =	sadd.s32 @!p0 $0xE00, s31  }
0x8d: {  	[tilespmem:s0], [sflag:$0x1] =	stream.linear.gather @!p0 [hbm4b:s29+s3], $0x700, $0x38;
	[tilespmem:$0x1FC80] =	vst v63  }
0x8e: {  	s29 =	smul.u32 $0x700, s30;
	_ =	sdelay $0x1  }
0x8f: {  	[tilespmem:s16], [sflag:$0x2] =	stream.indirect.gather [hbm4b:s22+s15], $0x20, s29, s15, $0xb8;
	[tilespmem:$0x1FC80] =	vst v63  }
0x90: {  	s5 =	sor.u32 $0x80, s29  }
0x91: {  	[tilespmem:s17], [sflag:$0x3] =	stream.indirect.gather [hbm4b:s22+s15], $0x20, s5, s15, $0xb8;
	[tilespmem:$0x1FC80] =	vst v63  }
0x92: {  	_ =	swait.ge [sflag:s18], $0x1000  }
0x93: {  	[sflag:s18] =	ssyncset.done $0x0  }
0x94: {  	s6 =	sadd.s32 $0xE00, s29;
	[sflag:s18] =	ssyncadd.s32 $0xFFFFF000  }
0x95: {  	[spmem:s2] =	stream.indirect.scatter.add.f32 [tilespmem:s16], [sflag:$0x6], $0x20, s6, s15, $0xb8;
	[tilespmem:$0x1FC80] =	vst v63  }
0x96: {  	s7 =	sadd.s32 $0x100, s29  }
0x97: {  	[tilespmem:s19], [sflag:$0x4] =	stream.indirect.gather [hbm4b:s22+s15], $0x20, s7, s15, $0xb8;
	[tilespmem:$0x1FC80] =	vst v63  }
0x98: {  	_ =	swait.ge [sflag:s20], $0x1000  }
0x99: {  	[sflag:s20] =	ssyncset.done $0x0  }
0x9a: {  	s8 =	sadd.s32 $0xE80, s29;
	[sflag:s20] =	ssyncadd.s32 $0xFFFFF000  }
0x9b: {  	[spmem:s2] =	stream.indirect.scatter.add.f32 [tilespmem:s17], [sflag:$0x7], $0x20, s8, s15, $0xb8;
	[tilespmem:$0x1FC80] =	vst v63  }
0x9c: {  	s9 =	sadd.s32 $0x180, s29  }
0x9d: {  	[tilespmem:s21], [sflag:$0x5] =	stream.indirect.gather [hbm4b:s22+s15], $0x20, s9, s15, $0xb8;
	[tilespmem:$0x1FC80] =	vst v63  }
0x9e: {  	_ =	swait.ge [sflag:s10], $0x1000  }
0x9f: {  	[sflag:s10] =	ssyncset.done $0x0  }
0xa0: {  	s28 =	sadd.s32 $0xF00, s29;
	[sflag:s10] =	ssyncadd.s32 $0xFFFFF000  }
0xa1: {  	[spmem:s2] =	stream.indirect.scatter.add.f32 [tilespmem:s19], [sflag:$0x8], $0x20, s28, s15, $0xb8;
	[tilespmem:$0x1FC80] =	vst v63  }
0xa2: {  	_ =	swait.ge [sflag:s11], $0x1000  }
0xa3: {  	[sflag:s11] =	ssyncset.done $0x0  }
0xa4: {  	s31 =	sadd.s32 $0x200, s29;
	[sflag:s11] =	ssyncadd.s32 $0xFFFFF000  }
0xa5: {  	[tilespmem:s16], [sflag:$0x2] =	stream.indirect.gather [hbm4b:s22+s15], $0x20, s31, s15, $0xb8;
	[tilespmem:$0x1FC80] =	vst v63  }
0xa6: {  	_ =	swait.ge [sflag:s23], $0x1000  }
0xa7: {  	[sflag:s23] =	ssyncset.done $0x0  }
0xa8: {  	s1 =	sadd.s32 $0xF80, s29;
	[sflag:s23] =	ssyncadd.s32 $0xFFFFF000  }
0xa9: {  	[spmem:s2] =	stream.indirect.scatter.add.f32 [tilespmem:s21], [sflag:$0x9], $0x20, s1, s15, $0xb8;
	[tilespmem:$0x1FC80] =	vst v63  }
0xaa: {  	_ =	swait.ge [sflag:s24], $0x1000  }
0xab: {  	[sflag:s24] =	ssyncset.done $0x0  }
0xac: {  	s3 =	sadd.s32 $0x280, s29;
	[sflag:s24] =	ssyncadd.s32 $0xFFFFF000  }
0xad: {  	[tilespmem:s17], [sflag:$0x3] =	stream.indirect.gather [hbm4b:s22+s15], $0x20, s3, s15, $0xb8;
	[tilespmem:$0x1FC80] =	vst v63  }
0xae: {  	_ =	swait.ge [sflag:s18], $0x1000  }
0xaf: {  	[sflag:s18] =	ssyncset.done $0x0  }
0xb0: {  	s4 =	sor.u32 $0x1000, s29;
	[sflag:s18] =	ssyncadd.s32 $0xFFFFF000  }
0xb1: {  	[spmem:s2] =	stream.indirect.scatter.add.f32 [tilespmem:s16], [sflag:$0x6], $0x20, s4, s15, $0xb8;
	[tilespmem:$0x1FC80] =	vst v63  }
0xb2: {  	_ =	swait.ge [sflag:s25], $0x1000  }
0xb3: {  	[sflag:s25] =	ssyncset.done $0x0  }
0xb4: {  	s5 =	sadd.s32 $0x300, s29;
	[sflag:s25] =	ssyncadd.s32 $0xFFFFF000  }
0xb5: {  	[tilespmem:s19], [sflag:$0x4] =	stream.indirect.gather [hbm4b:s22+s15], $0x20, s5, s15, $0xb8;
	[tilespmem:$0x1FC80] =	vst v63  }
0xb6: {  	_ =	swait.ge [sflag:s20], $0x1000  }
0xb7: {  	[sflag:s20] =	ssyncset.done $0x0  }
0xb8: {  	s6 =	sor.u32 $0x1080, s29;
	[sflag:s20] =	ssyncadd.s32 $0xFFFFF000  }
0xb9: {  	[spmem:s2] =	stream.indirect.scatter.add.f32 [tilespmem:s17], [sflag:$0x7], $0x20, s6, s15, $0xb8;
	[tilespmem:$0x1FC80] =	vst v63  }
0xba: {  	_ =	swait.ge [sflag:s26], $0x1000  }
0xbb: {  	[sflag:s26] =	ssyncset.done $0x0  }
0xbc: {  	s7 =	sadd.s32 $0x380, s29;
	[sflag:s26] =	ssyncadd.s32 $0xFFFFF000  }
0xbd: {  	[tilespmem:s21], [sflag:$0x5] =	stream.indirect.gather [hbm4b:s22+s15], $0x20, s7, s15, $0xb8;
	[tilespmem:$0x1FC80] =	vst v63  }
0xbe: {  	_ =	swait.ge [sflag:s10], $0x1000  }
0xbf: {  	[sflag:s10] =	ssyncset.done $0x0  }
0xc0: {  	s8 =	sadd.s32 $0x1100, s29;
	[sflag:s10] =	ssyncadd.s32 $0xFFFFF000  }
0xc1: {  	[spmem:s2] =	stream.indirect.scatter.add.f32 [tilespmem:s19], [sflag:$0x8], $0x20, s8, s15, $0xb8;
	[tilespmem:$0x1FC80] =	vst v63  }
0xc2: {  	_ =	swait.ge [sflag:s11], $0x1000  }
0xc3: {  	[sflag:s11] =	ssyncset.done $0x0  }
0xc4: {  	s9 =	sadd.s32 $0x400, s29;
	[sflag:s11] =	ssyncadd.s32 $0xFFFFF000  }
0xc5: {  	[tilespmem:s16], [sflag:$0x2] =	stream.indirect.gather [hbm4b:s22+s15], $0x20, s9, s15, $0xb8;
	[tilespmem:$0x1FC80] =	vst v63  }
0xc6: {  	_ =	swait.ge [sflag:s23], $0x1000  }
0xc7: {  	[sflag:s23] =	ssyncset.done $0x0  }
0xc8: {  	s28 =	sadd.s32 $0x1180, s29;
	[sflag:s23] =	ssyncadd.s32 $0xFFFFF000  }
0xc9: {  	[spmem:s2] =	stream.indirect.scatter.add.f32 [tilespmem:s21], [sflag:$0x9], $0x20, s28, s15, $0xb8;
	[tilespmem:$0x1FC80] =	vst v63  }
0xca: {  	_ =	swait.ge [sflag:s24], $0x1000  }
0xcb: {  	[sflag:s24] =	ssyncset.done $0x0  }
0xcc: {  	s31 =	sadd.s32 $0x480, s29;
	[sflag:s24] =	ssyncadd.s32 $0xFFFFF000  }
0xcd: {  	[tilespmem:s17], [sflag:$0x3] =	stream.indirect.gather [hbm4b:s22+s15], $0x20, s31, s15, $0xb8;
	[tilespmem:$0x1FC80] =	vst v63  }
0xce: {  	_ =	swait.ge [sflag:s18], $0x1000  }
0xcf: {  	[sflag:s18] =	ssyncset.done $0x0  }
0xd0: {  	s1 =	sadd.s32 $0x1200, s29;
	[sflag:s18] =	ssyncadd.s32 $0xFFFFF000  }
0xd1: {  	[spmem:s2] =	stream.indirect.scatter.add.f32 [tilespmem:s16], [sflag:$0x6], $0x20, s1, s15, $0xb8;
	[tilespmem:$0x1FC80] =	vst v63  }
0xd2: {  	_ =	swait.ge [sflag:s25], $0x1000  }
0xd3: {  	[sflag:s25] =	ssyncset.done $0x0  }
0xd4: {  	s3 =	sadd.s32 $0x500, s29;
	[sflag:s25] =	ssyncadd.s32 $0xFFFFF000  }
0xd5: {  	[tilespmem:s19], [sflag:$0x4] =	stream.indirect.gather [hbm4b:s22+s15], $0x20, s3, s15, $0xb8;
	[tilespmem:$0x1FC80] =	vst v63  }
0xd6: {  	_ =	swait.ge [sflag:s20], $0x1000  }
0xd7: {  	[sflag:s20] =	ssyncset.done $0x0  }
0xd8: {  	s4 =	sadd.s32 $0x1280, s29;
	[sflag:s20] =	ssyncadd.s32 $0xFFFFF000  }
0xd9: {  	[spmem:s2] =	stream.indirect.scatter.add.f32 [tilespmem:s17], [sflag:$0x7], $0x20, s4, s15, $0xb8;
	[tilespmem:$0x1FC80] =	vst v63  }
0xda: {  	_ =	swait.ge [sflag:s26], $0x1000  }
0xdb: {  	[sflag:s26] =	ssyncset.done $0x0  }
0xdc: {  	s5 =	sadd.s32 $0x580, s29;
	[sflag:s26] =	ssyncadd.s32 $0xFFFFF000  }
0xdd: {  	[tilespmem:s21], [sflag:$0x5] =	stream.indirect.gather [hbm4b:s22+s15], $0x20, s5, s15, $0xb8;
	[tilespmem:$0x1FC80] =	vst v63  }
0xde: {  	_ =	swait.ge [sflag:s10], $0x1000  }
0xdf: {  	[sflag:s10] =	ssyncset.done $0x0  }
0xe0: {  	s6 =	sadd.s32 $0x1300, s29;
	[sflag:s10] =	ssyncadd.s32 $0xFFFFF000  }
0xe1: {  	[spmem:s2] =	stream.indirect.scatter.add.f32 [tilespmem:s19], [sflag:$0x8], $0x20, s6, s15, $0xb8;
	[tilespmem:$0x1FC80] =	vst v63  }
0xe2: {  	_ =	swait.ge [sflag:s11], $0x1000  }
0xe3: {  	[sflag:s11] =	ssyncset.done $0x0  }
0xe4: {  	s7 =	sadd.s32 $0x600, s29;
	[sflag:s11] =	ssyncadd.s32 $0xFFFFF000  }
0xe5: {  	[tilespmem:s16], [sflag:$0x2] =	stream.indirect.gather [hbm4b:s22+s15], $0x20, s7, s15, $0xb8;
	[tilespmem:$0x1FC80] =	vst v63  }
0xe6: {  	_ =	swait.ge [sflag:s23], $0x1000  }
0xe7: {  	[sflag:s23] =	ssyncset.done $0x0  }
0xe8: {  	s8 =	sadd.s32 $0x1380, s29;
	[sflag:s23] =	ssyncadd.s32 $0xFFFFF000  }
0xe9: {  	[spmem:s2] =	stream.indirect.scatter.add.f32 [tilespmem:s21], [sflag:$0x9], $0x20, s8, s15, $0xb8;
	[tilespmem:$0x1FC80] =	vst v63  }
0xea: {  	_ =	swait.ge [sflag:s24], $0x1000  }
0xeb: {  	[sflag:s24] =	ssyncset.done $0x0  }
0xec: {  	s9 =	sadd.s32 $0x680, s29;
	[sflag:s24] =	ssyncadd.s32 $0xFFFFF000  }
0xed: {  	[tilespmem:s17], [sflag:$0x3] =	stream.indirect.gather [hbm4b:s22+s15], $0x20, s9, s15, $0xb8;
	[tilespmem:$0x1FC80] =	vst v63  }
0xee: {  	_ =	swait.ge [sflag:s18], $0x1000  }
0xef: {  	[sflag:s18] =	ssyncset.done $0x0  }
0xf0: {  	s28 =	sadd.s32 $0x1400, s29;
	[sflag:s18] =	ssyncadd.s32 $0xFFFFF000  }
0xf1: {  	[spmem:s2] =	stream.indirect.scatter.add.f32 [tilespmem:s16], [sflag:$0x6], $0x20, s28, s15, $0xb8;
	[tilespmem:$0x1FC80] =	vst v63  }
0xf2: {  	_ =	swait.ge [sflag:s20], $0x1000  }
0xf3: {  	[sflag:s20] =	ssyncset.done $0x0  }
0xf4: {  	s31 =	sadd.s32 $0x1480, s29;
	[sflag:s20] =	ssyncadd.s32 $0xFFFFF000  }
0xf5: {  	[spmem:s2] =	stream.indirect.scatter.add.f32 [tilespmem:s17], [sflag:$0x7], $0x20, s31, s15, $0xb8;
	[tilespmem:$0x1FC80] =	vst v63  }
0xf6: {  	_ =	swait.ge [sflag:s11], $0x1000  }
0xf7: {  	[sflag:s11] =	ssyncset.done $0x0  }
0xf8: {  	[sflag:s11] =	ssyncadd.s32 $0xFFFFF000  }
0xf9: {  	_ =	swait.ge [sflag:s24], $0x1000  }
0xfa: {  	[sflag:s24] =	ssyncset.done $0x0  }
0xfb: {  	[sflag:s24] =	ssyncadd.s32 $0xFFFFF000  }
0xfc: {  	_ =	swait.ge [sflag:s25], $0x1000  }
0xfd: {  	[sflag:s25] =	ssyncset.done $0x0  }
0xfe: {  	[sflag:s25] =	ssyncadd.s32 $0xFFFFF000  }
0xff: {  	s30 =	simm.s32 $0x0;
	_ =	swait.ge [sflag:s26], $0x1000  }
0x100: {  	s29 =	simm.s32 $0xE0;
	s4 =	simm.s32 $0x0;
	[sflag:s26] =	ssyncset.done $0x0  }
.LBB2_2:
0x101: {  	[sflag:s26] =	ssyncadd.s32 $0xFFFFF000  }
0x102: {  	_ =	swait.ge [sflag:s14], $0x700  }
0x103: {  	[sflag:s14] =	ssyncset.done $0x0  }
0x104: {  	s30 =	sadd.s32 $0x1, s30;
	s0 =	smov.u32 s29;
	[sflag:s14] =	ssyncadd.s32 $0xFFFFF900  }
0x105: {  	s31 =	sand.u32 $0x1, s30;
	p1 =	seq.s32 s0, $0xB60;
	_ =	swait.ge [sflag:s14], $0x700  }
0x106: {  	s1 =	sxor.u32 @!p1 $0x1, s31;
	s3 =	rddreg [dreg:$0x4]  }
0x107: {  	s1 =	smul.u32 @!p1 $0x700, s1;
	[sflag:s14] =	ssyncset.done $0x0;
	s0 =	sadd.s32 @!p1 s0, s3  }
0x108: {  	s6 =	simm.s32 @!p1 $0x0;
	[sflag:s14] =	ssyncadd.s32 $0xFFFFF900;
	s3 =	sadd.s32 @!p1 $0xE0, s0  }
0x109: {  	[tilespmem:s1], [sflag:$0x1] =	stream.linear.gather @!p1 [hbm4b:s3+s6], $0x700, $0x38;
	[tilespmem:$0x1FC80] =	vst v63  }
0x10a: {  	s31 =	smul.u32 $0x700, s31;
	s0 =	sadd.s32 @!p1 $0x188E0, s0;
	s1 =	sadd.s32 @!p1 $0xE00, s1  }
0x10b: {  	[tilespmem:s1], [sflag:$0x1] =	stream.linear.gather @!p1 [hbm4b:s0+s6], $0x700, $0x38;
	[tilespmem:$0x1FC80] =	vst v63  }
0x10c: {  	_ = 	snop  }
0x10d: {  	[tilespmem:s16], [sflag:$0x2] =	stream.indirect.gather [hbm4b:s22+s15], $0x20, s31, s15, $0xb8;
	[tilespmem:$0x1FC80] =	vst v63  }
0x10e: {  	s9 =	sor.u32 $0x80, s31  }
0x10f: {  	[tilespmem:s17], [sflag:$0x3] =	stream.indirect.gather [hbm4b:s22+s15], $0x20, s9, s15, $0xb8;
	[tilespmem:$0x1FC80] =	vst v63  }
0x110: {  	_ =	swait.ge [sflag:s18], $0x1000  }
0x111: {  	[sflag:s18] =	ssyncset.done $0x0  }
0x112: {  	s28 =	sadd.s32 $0xE00, s31;
	[sflag:s18] =	ssyncadd.s32 $0xFFFFF000  }
0x113: {  	[spmem:s2] =	stream.indirect.scatter.add.f32 [tilespmem:s16], [sflag:$0x6], $0x20, s28, s15, $0xb8;
	[tilespmem:$0x1FC80] =	vst v63  }
0x114: {  	s1 =	sadd.s32 $0x100, s31  }
0x115: {  	[tilespmem:s19], [sflag:$0x4] =	stream.indirect.gather [hbm4b:s22+s15], $0x20, s1, s15, $0xb8;
	[tilespmem:$0x1FC80] =	vst v63  }
0x116: {  	_ =	swait.ge [sflag:s20], $0x1000  }
0x117: {  	[sflag:s20] =	ssyncset.done $0x0  }
0x118: {  	s3 =	sadd.s32 $0xE80, s31;
	[sflag:s20] =	ssyncadd.s32 $0xFFFFF000  }
0x119: {  	[spmem:s2] =	stream.indirect.scatter.add.f32 [tilespmem:s17], [sflag:$0x7], $0x20, s3, s15, $0xb8;
	[tilespmem:$0x1FC80] =	vst v63  }
0x11a: {  	s5 =	sadd.s32 $0x180, s31  }
0x11b: {  	[tilespmem:s21], [sflag:$0x5] =	stream.indirect.gather [hbm4b:s22+s15], $0x20, s5, s15, $0xb8;
	[tilespmem:$0x1FC80] =	vst v63  }
0x11c: {  	_ =	swait.ge [sflag:s10], $0x1000  }
0x11d: {  	[sflag:s10] =	ssyncset.done $0x0  }
0x11e: {  	s6 =	sadd.s32 $0xF00, s31;
	[sflag:s10] =	ssyncadd.s32 $0xFFFFF000  }
0x11f: {  	[spmem:s2] =	stream.indirect.scatter.add.f32 [tilespmem:s19], [sflag:$0x8], $0x20, s6, s15, $0xb8;
	[tilespmem:$0x1FC80] =	vst v63  }
0x120: {  	_ =	swait.ge [sflag:s11], $0x1000  }
0x121: {  	[sflag:s11] =	ssyncset.done $0x0  }
0x122: {  	s7 =	sadd.s32 $0x200, s31;
	[sflag:s11] =	ssyncadd.s32 $0xFFFFF000  }
0x123: {  	[tilespmem:s16], [sflag:$0x2] =	stream.indirect.gather [hbm4b:s22+s15], $0x20, s7, s15, $0xb8;
	[tilespmem:$0x1FC80] =	vst v63  }
0x124: {  	_ =	swait.ge [sflag:s23], $0x1000  }
0x125: {  	[sflag:s23] =	ssyncset.done $0x0  }
0x126: {  	s8 =	sadd.s32 $0xF80, s31;
	[sflag:s23] =	ssyncadd.s32 $0xFFFFF000  }
0x127: {  	[spmem:s2] =	stream.indirect.scatter.add.f32 [tilespmem:s21], [sflag:$0x9], $0x20, s8, s15, $0xb8;
	[tilespmem:$0x1FC80] =	vst v63  }
0x128: {  	_ =	swait.ge [sflag:s24], $0x1000  }
0x129: {  	[sflag:s24] =	ssyncset.done $0x0  }
0x12a: {  	s9 =	sadd.s32 $0x280, s31;
	[sflag:s24] =	ssyncadd.s32 $0xFFFFF000  }
0x12b: {  	[tilespmem:s17], [sflag:$0x3] =	stream.indirect.gather [hbm4b:s22+s15], $0x20, s9, s15, $0xb8;
	[tilespmem:$0x1FC80] =	vst v63  }
0x12c: {  	_ =	swait.ge [sflag:s18], $0x1000  }
0x12d: {  	[sflag:s18] =	ssyncset.done $0x0  }
0x12e: {  	s28 =	sor.u32 $0x1000, s31;
	[sflag:s18] =	ssyncadd.s32 $0xFFFFF000  }
0x12f: {  	[spmem:s2] =	stream.indirect.scatter.add.f32 [tilespmem:s16], [sflag:$0x6], $0x20, s28, s15, $0xb8;
	[tilespmem:$0x1FC80] =	vst v63  }
0x130: {  	_ =	swait.ge [sflag:s25], $0x1000  }
0x131: {  	[sflag:s25] =	ssyncset.done $0x0  }
0x132: {  	s1 =	sadd.s32 $0x300, s31;
	[sflag:s25] =	ssyncadd.s32 $0xFFFFF000  }
0x133: {  	[tilespmem:s19], [sflag:$0x4] =	stream.indirect.gather [hbm4b:s22+s15], $0x20, s1, s15, $0xb8;
	[tilespmem:$0x1FC80] =	vst v63  }
0x134: {  	_ =	swait.ge [sflag:s20], $0x1000  }
0x135: {  	[sflag:s20] =	ssyncset.done $0x0  }
0x136: {  	s3 =	sor.u32 $0x1080, s31;
	[sflag:s20] =	ssyncadd.s32 $0xFFFFF000  }
0x137: {  	[spmem:s2] =	stream.indirect.scatter.add.f32 [tilespmem:s17], [sflag:$0x7], $0x20, s3, s15, $0xb8;
	[tilespmem:$0x1FC80] =	vst v63  }
0x138: {  	_ =	swait.ge [sflag:s26], $0x1000  }
0x139: {  	[sflag:s26] =	ssyncset.done $0x0  }
0x13a: {  	s5 =	sadd.s32 $0x380, s31;
	[sflag:s26] =	ssyncadd.s32 $0xFFFFF000  }
0x13b: {  	[tilespmem:s21], [sflag:$0x5] =	stream.indirect.gather [hbm4b:s22+s15], $0x20, s5, s15, $0xb8;
	[tilespmem:$0x1FC80] =	vst v63  }
0x13c: {  	_ =	swait.ge [sflag:s10], $0x1000  }
0x13d: {  	[sflag:s10] =	ssyncset.done $0x0  }
0x13e: {  	s6 =	sadd.s32 $0x1100, s31;
	[sflag:s10] =	ssyncadd.s32 $0xFFFFF000  }
0x13f: {  	[spmem:s2] =	stream.indirect.scatter.add.f32 [tilespmem:s19], [sflag:$0x8], $0x20, s6, s15, $0xb8;
	[tilespmem:$0x1FC80] =	vst v63  }
0x140: {  	_ =	swait.ge [sflag:s11], $0x1000  }
0x141: {  	[sflag:s11] =	ssyncset.done $0x0  }
0x142: {  	s7 =	sadd.s32 $0x400, s31;
	[sflag:s11] =	ssyncadd.s32 $0xFFFFF000  }
0x143: {  	[tilespmem:s16], [sflag:$0x2] =	stream.indirect.gather [hbm4b:s22+s15], $0x20, s7, s15, $0xb8;
	[tilespmem:$0x1FC80] =	vst v63  }
0x144: {  	_ =	swait.ge [sflag:s23], $0x1000  }
0x145: {  	[sflag:s23] =	ssyncset.done $0x0  }
0x146: {  	s8 =	sadd.s32 $0x1180, s31;
	[sflag:s23] =	ssyncadd.s32 $0xFFFFF000  }
0x147: {  	[spmem:s2] =	stream.indirect.scatter.add.f32 [tilespmem:s21], [sflag:$0x9], $0x20, s8, s15, $0xb8;
	[tilespmem:$0x1FC80] =	vst v63  }
0x148: {  	_ =	swait.ge [sflag:s24], $0x1000  }
0x149: {  	[sflag:s24] =	ssyncset.done $0x0  }
0x14a: {  	s9 =	sadd.s32 $0x480, s31;
	[sflag:s24] =	ssyncadd.s32 $0xFFFFF000  }
0x14b: {  	[tilespmem:s17], [sflag:$0x3] =	stream.indirect.gather [hbm4b:s22+s15], $0x20, s9, s15, $0xb8;
	[tilespmem:$0x1FC80] =	vst v63  }
0x14c: {  	_ =	swait.ge [sflag:s18], $0x1000  }
0x14d: {  	[sflag:s18] =	ssyncset.done $0x0  }
0x14e: {  	s28 =	sadd.s32 $0x1200, s31;
	[sflag:s18] =	ssyncadd.s32 $0xFFFFF000  }
0x14f: {  	[spmem:s2] =	stream.indirect.scatter.add.f32 [tilespmem:s16], [sflag:$0x6], $0x20, s28, s15, $0xb8;
	[tilespmem:$0x1FC80] =	vst v63  }
0x150: {  	_ =	swait.ge [sflag:s25], $0x1000  }
0x151: {  	[sflag:s25] =	ssyncset.done $0x0  }
0x152: {  	s1 =	sadd.s32 $0x500, s31;
	[sflag:s25] =	ssyncadd.s32 $0xFFFFF000  }
0x153: {  	[tilespmem:s19], [sflag:$0x4] =	stream.indirect.gather [hbm4b:s22+s15], $0x20, s1, s15, $0xb8;
	[tilespmem:$0x1FC80] =	vst v63  }
0x154: {  	_ =	swait.ge [sflag:s20], $0x1000  }
0x155: {  	[sflag:s20] =	ssyncset.done $0x0  }
0x156: {  	s3 =	sadd.s32 $0x1280, s31;
	[sflag:s20] =	ssyncadd.s32 $0xFFFFF000  }
0x157: {  	[spmem:s2] =	stream.indirect.scatter.add.f32 [tilespmem:s17], [sflag:$0x7], $0x20, s3, s15, $0xb8;
	[tilespmem:$0x1FC80] =	vst v63  }
0x158: {  	_ =	swait.ge [sflag:s26], $0x1000  }
0x159: {  	[sflag:s26] =	ssyncset.done $0x0  }
0x15a: {  	s5 =	sadd.s32 $0x580, s31;
	[sflag:s26] =	ssyncadd.s32 $0xFFFFF000  }
0x15b: {  	[tilespmem:s21], [sflag:$0x5] =	stream.indirect.gather [hbm4b:s22+s15], $0x20, s5, s15, $0xb8;
	[tilespmem:$0x1FC80] =	vst v63  }
0x15c: {  	_ =	swait.ge [sflag:s10], $0x1000  }
0x15d: {  	[sflag:s10] =	ssyncset.done $0x0  }
0x15e: {  	s6 =	sadd.s32 $0x1300, s31;
	[sflag:s10] =	ssyncadd.s32 $0xFFFFF000  }
0x15f: {  	[spmem:s2] =	stream.indirect.scatter.add.f32 [tilespmem:s19], [sflag:$0x8], $0x20, s6, s15, $0xb8;
	[tilespmem:$0x1FC80] =	vst v63  }
0x160: {  	_ =	swait.ge [sflag:s11], $0x1000  }
0x161: {  	[sflag:s11] =	ssyncset.done $0x0  }
0x162: {  	s7 =	sadd.s32 $0x600, s31;
	[sflag:s11] =	ssyncadd.s32 $0xFFFFF000  }
0x163: {  	[tilespmem:s16], [sflag:$0x2] =	stream.indirect.gather [hbm4b:s22+s15], $0x20, s7, s15, $0xb8;
	[tilespmem:$0x1FC80] =	vst v63  }
0x164: {  	_ =	swait.ge [sflag:s23], $0x1000  }
0x165: {  	[sflag:s23] =	ssyncset.done $0x0  }
0x166: {  	s8 =	sadd.s32 $0x1380, s31;
	[sflag:s23] =	ssyncadd.s32 $0xFFFFF000  }
0x167: {  	[spmem:s2] =	stream.indirect.scatter.add.f32 [tilespmem:s21], [sflag:$0x9], $0x20, s8, s15, $0xb8;
	[tilespmem:$0x1FC80] =	vst v63  }
0x168: {  	_ =	swait.ge [sflag:s24], $0x1000  }
0x169: {  	[sflag:s24] =	ssyncset.done $0x0  }
0x16a: {  	s9 =	sadd.s32 $0x680, s31;
	[sflag:s24] =	ssyncadd.s32 $0xFFFFF000  }
0x16b: {  	[tilespmem:s17], [sflag:$0x3] =	stream.indirect.gather [hbm4b:s22+s15], $0x20, s9, s15, $0xb8;
	[tilespmem:$0x1FC80] =	vst v63  }
0x16c: {  	_ =	swait.ge [sflag:s18], $0x1000  }
0x16d: {  	[sflag:s18] =	ssyncset.done $0x0  }
0x16e: {  	s28 =	sadd.s32 $0x1400, s31;
	[sflag:s18] =	ssyncadd.s32 $0xFFFFF000  }
0x16f: {  	[spmem:s2] =	stream.indirect.scatter.add.f32 [tilespmem:s16], [sflag:$0x6], $0x20, s28, s15, $0xb8;
	[tilespmem:$0x1FC80] =	vst v63  }
0x170: {  	_ =	swait.ge [sflag:s20], $0x1000  }
0x171: {  	[sflag:s20] =	ssyncset.done $0x0  }
0x172: {  	s31 =	sadd.s32 $0x1480, s31;
	[sflag:s20] =	ssyncadd.s32 $0xFFFFF000  }
0x173: {  	[spmem:s2] =	stream.indirect.scatter.add.f32 [tilespmem:s17], [sflag:$0x7], $0x20, s31, s15, $0xb8;
	[tilespmem:$0x1FC80] =	vst v63  }
0x174: {  	_ =	swait.ge [sflag:s11], $0x1000  }
0x175: {  	[sflag:s11] =	ssyncset.done $0x0  }
0x176: {  	[sflag:s11] =	ssyncadd.s32 $0xFFFFF000  }
0x177: {  	_ =	swait.ge [sflag:s24], $0x1000  }
0x178: {  	s29 =	sadd.s32 $0xE0, s29;
	[sflag:s24] =	ssyncset.done $0x0  }
0x179: {  	p0 =	sne.s32 s29, $0xC40;
	[sflag:s24] =	ssyncadd.s32 $0xFFFFF000  }
.Ltmp0:
0x17a: {  	_ =	swait.ge [sflag:s25], $0x1000;
	(pc) =	sbr.rel @p0 .LBB2_2-.Ltmp0, $4  }
0x17b: {  	[sflag:s25] =	ssyncset.done $0x0  }
0x17c: {  	[sflag:s25] =	ssyncadd.s32 $0xFFFFF000  }
0x17d: {  	_ =	swait.ge [sflag:s26], $0x1000  }
0x17e: {  	[sflag:s26] =	ssyncset.done $0x0  }
0x17f: {  	[sflag:s26] =	ssyncadd.s32 $0xFFFFF000  }
0x180: {  	[bflag:$0x0] =	sbarrier.arrive $0xFFFF  }
0x181: {  	s0 =	rddreg [dreg:$0x1d]  }
0x182: {  	[tilespmem:s12], [sflag:$0xA] =	stream.linear.gather [spmem:s0], $0x1880, $0x38;
	[tilespmem:$0x1FC80] =	vst v63  }
0x183: {  	_ =	swait.ge [sflag:s13], $0x1880  }
0x184: {  	[sflag:s13] =	ssyncset.done $0x0  }
0x185: {  	s7 =	rddreg [dreg:$0x6];
	[sflag:s13] =	ssyncadd.s32 $0xFFFFE780  }
0x186: {  	[hbm4b:s7+s4] =	stream.linear.scatter [tilespmem:s12], [sflag:$0xA], $0x1880, $0x38;
	[tilespmem:$0x1FC80] =	vst v63  }
0x187: {  	_ =	swait.ge [sflag:s13], $0x1880  }
0x188: {  	s8 =	sld [smem:$0x7F6]  }
0x189: {  	[sflag:s13] =	ssyncset.done $0x0  }
0x18a: {  	[sflag:s13] =	ssyncadd.s32 $0xFFFFE780  }
0x18b: {  	[tilespmem:s12], [sflag:$0xA] =	stream.linear.gather [spmem:s8], $0x1880, $0x38;
	[tilespmem:$0x1FC80] =	vst v63  }
0x18c: {  	_ =	swait.ge [sflag:s13], $0x1880  }
0x18d: {  	[sflag:s13] =	ssyncset.done $0x0  }
0x18e: {  	s8 =	rddreg [dreg:$0x7];
	[sflag:s13] =	ssyncadd.s32 $0xFFFFE780  }
0x18f: {  	[hbm4b:s8+s4] =	stream.linear.scatter [tilespmem:s12], [sflag:$0xA], $0x1880, $0x38;
	[tilespmem:$0x1FC80] =	vst v63  }
0x190: {  	_ =	swait.ge [sflag:s13], $0x1880  }
0x191: {  	[sflag:s13] =	ssyncset.done $0x0  }
0x192: {  	s9 =	rddreg [dreg:$0x1a];
	[sflag:s13] =	ssyncadd.s32 $0xFFFFE780  }
0x193: {  	[tilespmem:s12], [sflag:$0xA] =	stream.linear.gather [spmem:s9], $0x1880, $0x38;
	[tilespmem:$0x1FC80] =	vst v63  }
0x194: {  	_ =	swait.ge [sflag:s13], $0x1880  }
0x195: {  	[sflag:s13] =	ssyncset.done $0x0  }
0x196: {  	s1 =	rddreg [dreg:$0x8];
	[sflag:s13] =	ssyncadd.s32 $0xFFFFE780  }
0x197: {  	[hbm4b:s1+s4] =	stream.linear.scatter [tilespmem:s12], [sflag:$0xA], $0x1880, $0x38;
	[tilespmem:$0x1FC80] =	vst v63  }
0x198: {  	_ =	swait.ge [sflag:s13], $0x1880  }
0x199: {  	s3 =	sld [smem:$0x7F7]  }
0x19a: {  	[sflag:s13] =	ssyncset.done $0x0  }
0x19b: {  	[sflag:s13] =	ssyncadd.s32 $0xFFFFE780  }
0x19c: {  	[tilespmem:s12], [sflag:$0xA] =	stream.linear.gather [spmem:s3], $0x1880, $0x38;
	[tilespmem:$0x1FC80] =	vst v63  }
0x19d: {  	_ =	swait.ge [sflag:s13], $0x1880  }
0x19e: {  	[sflag:s13] =	ssyncset.done $0x0  }
0x19f: {  	s5 =	rddreg [dreg:$0x9];
	[sflag:s13] =	ssyncadd.s32 $0xFFFFE780  }
0x1a0: {  	[hbm4b:s5+s4] =	stream.linear.scatter [tilespmem:s12], [sflag:$0xA], $0x1880, $0x38;
	[tilespmem:$0x1FC80] =	vst v63  }
0x1a1: {  	_ =	swait.ge [sflag:s13], $0x1880  }
0x1a2: {  	[sflag:s13] =	ssyncset.done $0x0  }
0x1a3: {  	s6 =	rddreg [dreg:$0x16];
	[sflag:s13] =	ssyncadd.s32 $0xFFFFE780  }
0x1a4: {  	[tilespmem:s12], [sflag:$0xA] =	stream.linear.gather [spmem:s6], $0x1880, $0x38;
	[tilespmem:$0x1FC80] =	vst v63  }
0x1a5: {  	_ =	swait.ge [sflag:s13], $0x1880  }
0x1a6: {  	[sflag:s13] =	ssyncset.done $0x0  }
0x1a7: {  	s7 =	rddreg [dreg:$0xa];
	[sflag:s13] =	ssyncadd.s32 $0xFFFFE780  }
0x1a8: {  	[hbm4b:s7+s4] =	stream.linear.scatter [tilespmem:s12], [sflag:$0xA], $0x1880, $0x38;
	[tilespmem:$0x1FC80] =	vst v63  }
0x1a9: {  	_ =	swait.ge [sflag:s13], $0x1880  }
0x1aa: {  	[sflag:s13] =	ssyncset.done $0x0  }
0x1ab: {  	s31 =	rddreg [dreg:$0x17];
	[sflag:s13] =	ssyncadd.s32 $0xFFFFE780  }
0x1ac: {  	[tilespmem:s12], [sflag:$0xA] =	stream.linear.gather [spmem:s31], $0x1880, $0x38;
	[tilespmem:$0x1FC80] =	vst v63  }
0x1ad: {  	_ =	swait.ge [sflag:s13], $0x1880  }
0x1ae: {  	[sflag:s13] =	ssyncset.done $0x0  }
0x1af: {  	s8 =	rddreg [dreg:$0xb];
	[sflag:s13] =	ssyncadd.s32 $0xFFFFE780  }
0x1b0: {  	[hbm4b:s8+s4] =	stream.linear.scatter [tilespmem:s12], [sflag:$0xA], $0x1880, $0x38;
	[tilespmem:$0x1FC80] =	vst v63  }
0x1b1: {  	_ =	swait.ge [sflag:s13], $0x1880  }
0x1b2: {  	[sflag:s13] =	ssyncset.done $0x0  }
0x1b3: {  	s9 =	rddreg [dreg:$0x18];
	[sflag:s13] =	ssyncadd.s32 $0xFFFFE780  }
0x1b4: {  	[tilespmem:s12], [sflag:$0xA] =	stream.linear.gather [spmem:s9], $0x1880, $0x38;
	[tilespmem:$0x1FC80] =	vst v63  }
0x1b5: {  	_ =	swait.ge [sflag:s13], $0x1880  }
0x1b6: {  	[sflag:s13] =	ssyncset.done $0x0  }
0x1b7: {  	s1 =	rddreg [dreg:$0xc];
	[sflag:s13] =	ssyncadd.s32 $0xFFFFE780  }
0x1b8: {  	[hbm4b:s1+s4] =	stream.linear.scatter [tilespmem:s12], [sflag:$0xA], $0x1880, $0x38;
	[tilespmem:$0x1FC80] =	vst v63  }
0x1b9: {  	_ =	swait.ge [sflag:s13], $0x1880  }
0x1ba: {  	[sflag:s13] =	ssyncset.done $0x0  }
0x1bb: {  	s7 =	rddreg [dreg:$0x19];
	[sflag:s13] =	ssyncadd.s32 $0xFFFFE780  }
0x1bc: {  	[tilespmem:s12], [sflag:$0xA] =	stream.linear.gather [spmem:s7], $0x1880, $0x38;
	[tilespmem:$0x1FC80] =	vst v63  }
0x1bd: {  	_ =	swait.ge [sflag:s13], $0x1880  }
0x1be: {  	[sflag:s13] =	ssyncset.done $0x0  }
0x1bf: {  	s3 =	rddreg [dreg:$0xd];
	[sflag:s13] =	ssyncadd.s32 $0xFFFFE780  }
0x1c0: {  	[hbm4b:s3+s4] =	stream.linear.scatter [tilespmem:s12], [sflag:$0xA], $0x1880, $0x38;
	[tilespmem:$0x1FC80] =	vst v63  }
0x1c1: {  	_ =	swait.ge [sflag:s13], $0x1880  }
0x1c2: {  	[sflag:s13] =	ssyncset.done $0x0  }
0x1c3: {  	s8 =	rddreg [dreg:$0x1b];
	[sflag:s13] =	ssyncadd.s32 $0xFFFFE780  }
0x1c4: {  	[tilespmem:s12], [sflag:$0xA] =	stream.linear.gather [spmem:s8], $0x1880, $0x38;
	[tilespmem:$0x1FC80] =	vst v63  }
0x1c5: {  	_ =	swait.ge [sflag:s13], $0x1880  }
0x1c6: {  	[sflag:s13] =	ssyncset.done $0x0  }
0x1c7: {  	s5 =	rddreg [dreg:$0xe];
	[sflag:s13] =	ssyncadd.s32 $0xFFFFE780  }
0x1c8: {  	[hbm4b:s5+s4] =	stream.linear.scatter [tilespmem:s12], [sflag:$0xA], $0x1880, $0x38;
	[tilespmem:$0x1FC80] =	vst v63  }
0x1c9: {  	_ =	swait.ge [sflag:s13], $0x1880  }
0x1ca: {  	[sflag:s13] =	ssyncset.done $0x0  }
0x1cb: {  	s9 =	rddreg [dreg:$0x1c];
	[sflag:s13] =	ssyncadd.s32 $0xFFFFE780  }
0x1cc: {  	[tilespmem:s12], [sflag:$0xA] =	stream.linear.gather [spmem:s9], $0x1880, $0x38;
	[tilespmem:$0x1FC80] =	vst v63  }
0x1cd: {  	_ =	swait.ge [sflag:s13], $0x1880  }
0x1ce: {  	[sflag:s13] =	ssyncset.done $0x0  }
0x1cf: {  	s6 =	rddreg [dreg:$0xf];
	[sflag:s13] =	ssyncadd.s32 $0xFFFFE780  }
0x1d0: {  	[hbm4b:s6+s4] =	stream.linear.scatter [tilespmem:s12], [sflag:$0xA], $0x1880, $0x38;
	[tilespmem:$0x1FC80] =	vst v63  }
0x1d1: {  	_ =	swait.ge [sflag:s13], $0x1880  }
0x1d2: {  	[sflag:s13] =	ssyncset.done $0x0  }
0x1d3: {  	s28 =	rddreg [dreg:$0x1e];
	[sflag:s13] =	ssyncadd.s32 $0xFFFFE780  }
0x1d4: {  	[tilespmem:s12], [sflag:$0xA] =	stream.linear.gather [spmem:s28], $0x1880, $0x38;
	[tilespmem:$0x1FC80] =	vst v63  }
0x1d5: {  	_ =	swait.ge [sflag:s13], $0x1880  }
0x1d6: {  	[sflag:s13] =	ssyncset.done $0x0  }
0x1d7: {  	s1 =	rddreg [dreg:$0x10];
	[sflag:s13] =	ssyncadd.s32 $0xFFFFE780  }
0x1d8: {  	[hbm4b:s1+s4] =	stream.linear.scatter [tilespmem:s12], [sflag:$0xA], $0x1880, $0x38;
	[tilespmem:$0x1FC80] =	vst v63  }
0x1d9: {  	_ =	swait.ge [sflag:s13], $0x1880  }
0x1da: {  	[sflag:s13] =	ssyncset.done $0x0  }
0x1db: {  	s4 =	rddreg [dreg:$0x1f];
	[sflag:s13] =	ssyncadd.s32 $0xFFFFE780  }
0x1dc: {  	[tilespmem:s12], [sflag:$0xA] =	stream.linear.gather [spmem:s4], $0x1880, $0x38;
	[tilespmem:$0x1FC80] =	vst v63  }
0x1dd: {  	_ =	swait.ge [sflag:s13], $0x1880  }
0x1de: {  	[sflag:s13] =	ssyncset.done $0x0  }
0x1df: {  	s6 =	simm.s32 $0x0;
	s3 =	rddreg [dreg:$0x11];
	[sflag:s13] =	ssyncadd.s32 $0xFFFFE780  }
0x1e0: {  	[hbm4b:s3+s6] =	stream.linear.scatter [tilespmem:s12], [sflag:$0xA], $0x1880, $0x38;
	[tilespmem:$0x1FC80] =	vst v63  }
0x1e1: {  	_ =	swait.ge [sflag:s13], $0x1880  }
0x1e2: {  	s3 =	sld [smem:$0x7FA]  }
0x1e3: {  	[sflag:s13] =	ssyncset.done $0x0  }
0x1e4: {  	[sflag:s13] =	ssyncadd.s32 $0xFFFFE780  }
0x1e5: {  	[tilespmem:s12], [sflag:$0xA] =	stream.linear.gather [spmem:s3], $0x1880, $0x38;
	[tilespmem:$0x1FC80] =	vst v63  }
0x1e6: {  	_ =	swait.ge [sflag:s13], $0x1880  }
0x1e7: {  	[sflag:s13] =	ssyncset.done $0x0  }
0x1e8: {  	s5 =	rddreg [dreg:$0x12];
	[sflag:s13] =	ssyncadd.s32 $0xFFFFE780  }
0x1e9: {  	[hbm4b:s5+s6] =	stream.linear.scatter [tilespmem:s12], [sflag:$0xA], $0x1880, $0x38;
	[tilespmem:$0x1FC80] =	vst v63  }
0x1ea: {  	_ =	swait.ge [sflag:s13], $0x1880  }
0x1eb: {  	s5 =	sld [smem:$0x7FB]  }
0x1ec: {  	[sflag:s13] =	ssyncset.done $0x0  }
0x1ed: {  	[sflag:s13] =	ssyncadd.s32 $0xFFFFE780  }
0x1ee: {  	[tilespmem:s12], [sflag:$0xA] =	stream.linear.gather [spmem:s5], $0x1880, $0x38;
	[tilespmem:$0x1FC80] =	vst v63  }
0x1ef: {  	_ =	swait.ge [sflag:s13], $0x1880  }
0x1f0: {  	[sflag:s13] =	ssyncset.done $0x0  }
0x1f1: {  	s1 =	rddreg [dreg:$0x13];
	[sflag:s13] =	ssyncadd.s32 $0xFFFFE780  }
0x1f2: {  	[hbm4b:s1+s6] =	stream.linear.scatter [tilespmem:s12], [sflag:$0xA], $0x1880, $0x38;
	[tilespmem:$0x1FC80] =	vst v63  }
0x1f3: {  	_ =	swait.ge [sflag:s13], $0x1880  }
0x1f4: {  	s29 =	sld [smem:$0x7FC]  }
0x1f5: {  	[sflag:s13] =	ssyncset.done $0x0  }
0x1f6: {  	[sflag:s13] =	ssyncadd.s32 $0xFFFFE780  }
0x1f7: {  	[tilespmem:s12], [sflag:$0xA] =	stream.linear.gather [spmem:s29], $0x1880, $0x38;
	[tilespmem:$0x1FC80] =	vst v63  }
0x1f8: {  	_ =	swait.ge [sflag:s13], $0x1880  }
0x1f9: {  	[sflag:s13] =	ssyncset.done $0x0  }
0x1fa: {  	s1 =	rddreg [dreg:$0x14];
	[sflag:s13] =	ssyncadd.s32 $0xFFFFE780  }
0x1fb: {  	[hbm4b:s1+s6] =	stream.linear.scatter [tilespmem:s12], [sflag:$0xA], $0x1880, $0x38;
	[tilespmem:$0x1FC80] =	vst v63  }
0x1fc: {  	_ =	swait.ge [sflag:s13], $0x1880  }
0x1fd: {  	s30 =	sld [smem:$0x7FD]  }
0x1fe: {  	[sflag:s13] =	ssyncset.done $0x0  }
0x1ff: {  	[sflag:s13] =	ssyncadd.s32 $0xFFFFE780  }
0x200: {  	[tilespmem:s12], [sflag:$0xA] =	stream.linear.gather [spmem:s30], $0x1880, $0x38;
	[tilespmem:$0x1FC80] =	vst v63  }
0x201: {  	_ =	swait.ge [sflag:s13], $0x1880  }
0x202: {  	[sflag:s13] =	ssyncset.done $0x0  }
0x203: {  	s1 =	rddreg [dreg:$0x15];
	[sflag:s13] =	ssyncadd.s32 $0xFFFFE780  }
0x204: {  	[hbm4b:s1+s6] =	stream.linear.scatter [tilespmem:s12], [sflag:$0xA], $0x1880, $0x38;
	[tilespmem:$0x1FC80] =	vst v63  }
0x205: {  	_ =	swait.ge [sflag:s13], $0x1880  }
0x206: {  	s1 =	sld [smem:$0x7F5]  }
0x207: {  	s0 =	sld [smem:$0x7F8];
	_ =	sdelay $0x1  }
0x208: {  	s1 =	sadd.s32 $0x1, s1  }
0x209: {  	p0 =	sne.s32 s1, s0  }
.Ltmp1:
0x20a: {  	_ = 	snop;
	(pc) =	sbr.rel @p0 .LBB2_1-.Ltmp1, $3  }
0x20b: {  	_ =	sdelay $0x1  }
0x20c: {  	[sflag:s13] =	ssyncset.done $0x0  }
0x20d: {  	[sflag:s13] =	ssyncadd.s32 $0xFFFFE780  }
0x20e: {  	_ =	sfence.sel $0x180000  }
0x20f: {  	[bflag:$0x0] =	sbarrier.arrive $0xFFFF  }
0x210: {  	_ =	strace $0x9000004A  }
0x211: {  	s0 =	stileid.u32;
	[bflag:$0x2] =	sbarrier.arrive $0xFFFF  }
0x212: {  	p0 =	sne.s32 s0, $0x0;
	s0 =	rddreg [dreg:$0x3]  }
0x213: {  	s0 =	sadd.s32 @!p0 $0x100000, s0  }
0x214: {  	[sflag:s0] =	ssyncadd.tile.s32 @!p0 $0x1;
	_ =	shalt  }
.Lfunc_end2:
_tile_overlayer_lowered:
.L_overlay_start_2:
0x215: {  	(tag) =	ssettag $0x2  }
0x216: {  	s0 =	rddreg [dreg:$0x0];
	s2 =	stileid.u32  }
0x217: {  	s1 =	rddreg [dreg:$0x1];
	p0 =	sne.s32 s2, $0x0  }
0x218: {  	s3 =	rddreg [dreg:$0x2];
	[bflag:$0x3] =	sbarrier.arrive $0xFFFF;
	s2 =	simm.s32 @!p0 $0x1C0A  }
0x219: {  	[timem:s3], [sflag:s2] =	dma.local @!p0 [hbm:s0], s1  }
0x21a: {  	s0 =	simm.s32 @!p0 $0xA  }
0x21b: {  	_ =	swait.ge @!p0 [sflag:s0], s1  }
0x21c: {  	s1 =	ssub.s32 @!p0 $0x0, s1;
	[sflag:s0] =	ssyncset.done @!p0 $0x0  }
0x21d: {  	[sflag:s0] =	ssyncadd.s32 @!p0 s1  }
0x21e: {  	[bflag:$0x3] =	sbarrier.arrive $0xFFFF  }
0x21f: {  	_ =	shalt  }

// kernel: kernel.15.cloned.1.call-start
scs
__scs_entry_jumppad:
0x0: {  	(pc) =	sbr.rel $0x88, $3  }
0x1: {  	(tag) =	ssettag $0x0;
	lr =	simm.s32 $0x1  }
0x2: {  	[smem:$0x3F95] =	sst lr;
	_ =	strace $0xD0000000  }
0x3: {  	_ = 	snop  }
0x4: {  	_ = 	snop  }
0x5: {  	_ = 	snop  }
0x6: {  	_ = 	snop  }
0x7: {  	_ = 	snop  }
__scs_overlays_trampoline_lowered:
0x8: {  	[smem:$0x3FA4] =	sst s0  }
0x9: {  	[smem:$0x3FA5] =	sst s1  }
0xa: {  	[smem:$0x3FA6] =	sst s2  }
0xb: {  	[smem:$0x3FA7] =	sst s3  }
0xc: {  	[smem:$0x3FA8] =	sst s4  }
0xd: {  	[smem:$0x3FA9] =	sst s5  }
0xe: {  	[smem:$0x3FAA] =	sst s6  }
0xf: {  	[smem:$0x3FAB] =	sst s7  }
0x10: {  	[smem:$0x3FAC] =	sst s8  }
0x11: {  	[smem:$0x3FAD] =	sst s9;
	s0 =	simm.s32 @!p0 $0x0  }
0x12: {  	s1 =	sld [smem:$0x3F93];
	s0 =	simm.s32 @p0 $0x1  }
0x13: {  	[smem:$0x3FAE] =	sst s0;
	s0 =	simm.s32 @!p1 $0x0  }
0x14: {  	s2 =	sld [smem:$0x3F92];
	s0 =	simm.s32 @p1 $0x1  }
0x15: {  	[smem:$0x3FAF] =	sst s0;
	s0 =	simm.s32 @!p2 $0x0  }
0x16: {  	s3 =	sld [smem:$0x3FDB];
	s0 =	simm.s32 @p2 $0x1  }
0x17: {  	s4 =	simm.s32 $0x1BF5;
	[smem:$0x3FB1] =	sst s0  }
0x18: {  	s0 =	sld [smem:$0x3F94];
	_ =	swait.ge [sflag:s4], $0x0  }
0x19: {  	s7 =	sld [smem:$0x3F95]  }
0x1a: {  	s8 =	sadd.s32 $0xFFFFE003, lr  }
0x1b: {  	s9 =	sadd.s32 $0xFFFFFEF7, lr;
	s5 =	simm.s32 $0xFFFFFFFF;
	p2 =	slt.u32 s8, $0xFFFFF086  }
0x1c: {  	p1 =	slt.u32 s9, $0xF7A;
	s5 =	simm.s32 @!p2 $0x0  }
0x1d: {  	s5 =	simm.s32 @p1 $0x1;
	p0 =	seq.s32 s7, s2  }
0x1e: {  	s7 =	smul.u32 @!p0 $0xF7A, s2;
	p2 =	seq.s32 @!p0 s5, $0x0  }
0x1f: {  	s9 =	smul.u32 $0xF7A, s1;
	s8 =	simm.s32 @!p0 $0x1BF5;
	p2 =	por !p2, p0  }
0x20: {  	[sflag:s8] =	ssyncset.s32 @!p0 $0xFFFFF086;
	s6 =	sadd.s32 @!p0 s3, s7;
	s7 =	simm.s32 @!p0 $0x108  }
0x21: {  	s3 =	sadd.s32 s3, s9;
	s6 =	sadd.s32 @!p0 $0x88, s6;
	s7 =	simm.s32 @p2 $0x1082  }
0x22: {  	[simem:s7], [sflag:s8] =	dma.local @!p0 [hbm:s6], $0xF7A  }
0x23: {  	s9 =	sor.u32 $0xD0000000, s2;
	s6 =	simm.s32 $0x108;
	_ =	swait.ge @!p0 [sflag:s8], $0x0  }
0x24: {  	s3 =	sadd.s32 $0x88, s3;
	s6 =	simm.s32 @!p1 $0x1082;
	[sflag:s4] =	ssyncset.s32 $0xFFFFF086  }
0x25: {  	[simem:s6], [sflag:s4] =	dma.local [hbm:s3], $0xF7A  }
0x26: {  	[smem:$0x3F95] =	sst s1;
	(tag) =	ssettag s2;
	_ =	strace s9  }
0x27: {  	s1 =	sld [smem:$0x3FA5]  }
0x28: {  	s2 =	sld [smem:$0x3FA6]  }
0x29: {  	s4 =	sld [smem:$0x3FA8]  }
0x2a: {  	p0 =	seq.s32 s5, $0x0;
	s5 =	sld [smem:$0x3FA9]  }
0x2b: {  	s6 =	sld [smem:$0x3FAA]  }
0x2c: {  	s7 =	sld [smem:$0x3FAB]  }
0x2d: {  	s3 =	simm.s32 $0x108;
	s8 =	sld [smem:$0x3FAC]  }
0x2e: {  	s3 =	simm.s32 @!p0 $0x1082;
	s9 =	sld [smem:$0x3FAD]  }
0x2f: {  	lr =	sadd.s32 s0, s3;
	s0 =	sld [smem:$0x3FA4]  }
0x30: {  	s3 =	sld [smem:$0x3FA7]  }
0x31: {  	[smem:$0x3FB0] =	sst s10  }
0x32: {  	s10 =	sld [smem:$0x3FAE];
	_ =	sdelay $0x3  }
0x33: {  	p0 =	seq.s32 s10, $0x1;
	s10 =	sld [smem:$0x3FB0];
	_ =	sdelay $0x3  }
0x34: {  	[smem:$0x3FB0] =	sst s10  }
0x35: {  	s10 =	sld [smem:$0x3FAF];
	_ =	sdelay $0x3  }
0x36: {  	p1 =	seq.s32 s10, $0x1;
	s10 =	sld [smem:$0x3FB0];
	_ =	sdelay $0x3  }
0x37: {  	[smem:$0x3FB0] =	sst s10  }
0x38: {  	s10 =	sld [smem:$0x3FB1]  }
0x39: {  	_ = 	snop;
	(pc) =	sbr.ind lr, $3  }
0x3a: {  	_ = 	snop  }
0x3b: {  	_ = 	snop  }
0x3c: {  	p2 =	seq.s32 s10, $0x1;
	s10 =	sld [smem:$0x3FB0]  }
0x3d: {  	_ =	shalt  }
0x3e: {  	_ =	shalt  }
0x3f: {  	_ =	shalt  }
0x40: {  	_ =	shalt  }
0x41: {  	_ =	shalt  }
0x42: {  	_ =	shalt  }
0x43: {  	_ =	shalt  }
0x44: {  	_ =	shalt  }
0x45: {  	_ =	shalt  }
0x46: {  	_ =	shalt  }
0x47: {  	_ =	shalt  }
0x48: {  	_ =	shalt  }
0x49: {  	_ =	shalt  }
0x4a: {  	_ =	shalt  }
0x4b: {  	_ =	shalt  }
0x4c: {  	_ =	shalt  }
0x4d: {  	_ =	shalt  }
0x4e: {  	_ =	shalt  }
0x4f: {  	_ =	shalt  }
0x50: {  	_ =	shalt  }
0x51: {  	_ =	shalt  }
0x52: {  	_ =	shalt  }
0x53: {  	_ =	shalt  }
0x54: {  	_ =	shalt  }
0x55: {  	_ =	shalt  }
0x56: {  	_ =	shalt  }
0x57: {  	_ =	shalt  }
0x58: {  	_ =	shalt  }
0x59: {  	_ =	shalt  }
0x5a: {  	_ =	shalt  }
0x5b: {  	_ =	shalt  }
0x5c: {  	_ =	shalt  }
0x5d: {  	_ =	shalt  }
0x5e: {  	_ =	shalt  }
0x5f: {  	_ =	shalt  }
0x60: {  	_ =	shalt  }
0x61: {  	_ =	shalt  }
0x62: {  	_ =	shalt  }
0x63: {  	_ =	shalt  }
0x64: {  	_ =	shalt  }
0x65: {  	_ =	shalt  }
0x66: {  	_ =	shalt  }
0x67: {  	_ =	shalt  }
0x68: {  	_ =	shalt  }
0x69: {  	_ =	shalt  }
0x6a: {  	_ =	shalt  }
0x6b: {  	_ =	shalt  }
0x6c: {  	_ =	shalt  }
0x6d: {  	_ =	shalt  }
0x6e: {  	_ =	shalt  }
0x6f: {  	_ =	shalt  }
0x70: {  	_ =	shalt  }
0x71: {  	_ =	shalt  }
0x72: {  	_ =	shalt  }
0x73: {  	_ =	shalt  }
0x74: {  	_ =	shalt  }
0x75: {  	_ =	shalt  }
0x76: {  	_ =	shalt  }
0x77: {  	_ =	shalt  }
0x78: {  	_ =	shalt  }
0x79: {  	_ =	shalt  }
0x7a: {  	_ =	shalt  }
0x7b: {  	_ =	shalt  }
0x7c: {  	_ =	shalt  }
0x7d: {  	_ =	shalt  }
0x7e: {  	_ =	shalt  }
0x7f: {  	_ =	shalt  }
0x80: {  	_ =	shalt  }
0x81: {  	_ =	shalt  }
0x82: {  	_ =	shalt  }
0x83: {  	_ =	shalt  }
0x84: {  	_ =	shalt  }
0x85: {  	_ =	shalt  }
0x86: {  	_ =	shalt  }
0x87: {  	_ =	shalt  }
.Lfunc_end0:
.L_simem_size_0:
called_computation.2_lowered:
.L_overlay_start_0:
0x88: {  	s2 =	sld [smem:$0x3FD9]  }
0x89: {  	s3 =	sld [smem:$0x3FFE];
	_ =	sdelay $0x1  }
0x8a: {  	s1 =	srdreg.scid  }
0x8b: {  	s0 =	sand.u32 $0x1, s1  }
0x8c: {  	s14 =	sshll.u32 s0, $0xA;
	s2 =	sadd.s32 s3, s2  }
0x8d: {  	s2 =	sadd.s32 s2, s14  }
0x8e: {  	[smem:$0x3FBC] =	sst s2  }
0x8f: {  	_ = 	snop  }
0x90: {  	s2 =	sld [smem:$0x3FD0];
	_ =	sdelay $0x2  }
0x91: {  	s15 =	simm.s32 $0xA;
	s4 =	simm.s32 $0x10  }
0x92: {  	[smem:s4], [sflag:s15] =	dma.local [hbm:s2], $0x1  }
0x93: {  	_ =	swait.eq [sflag:s15], $0x1  }
0x94: {  	[sflag:s15] =	ssyncset.done $0x0  }
0x95: {  	[sflag:s15] =	ssyncadd.s32 $0xFFFFFFFF  }
0x96: {  	s16 =	sld [smem:$0x11];
	(tm) =	ssettm $0x1  }
0x97: {  	s17 =	sld [smem:$0x3FFB];
	_ =	sdelay $0x3  }
0x98: {  	_ =	strace s17  }
0x99: {  	s3 =	sld [smem:$0x3FFC];
	_ =	sdelay $0x3  }
0x9a: {  	_ =	strace s3  }
0x9b: {  	s3 =	sld [smem:$0x3FFD];
	_ =	sdelay $0x3  }
0x9c: {  	_ =	strace s3  }
0x9d: {  	_ =	strace $0x8FFFFFFF  }
0x9e: {  	s18 =	sld [smem:$0x3FDB];
	_ =	sdelay $0x1  }
0x9f: {  	s19 =	simm.s32 $_scs_section_size  }
0xa0: {  	s5 =	simm.s32 $_size__tile_overlayer_lowered;
	s6 =	simm.s32 $_tile_overlayer_lowered  }
0xa1: {  	s22 =	simm.s32 $0x1BFF;
	s21 =	sshll.u32 s6, $0x1;
	s3 =	sadd.s32 s19, s18  }
0xa2: {  	s7 =	simm.s32 $0x0;
	s20 =	sshll.u32 s5, $0x1;
	s5 =	sadd.s32 s21, s3  }
0xa3: {  	[timem:s7], [sflag:s22] =	dma.local [hbm:s5], s20  }
0xa4: {  	_ =	swait.ge [sflag:s22], s20  }
0xa5: {  	s4 =	ssub.s32 $0x0, s20;
	[sflag:s22] =	ssyncset.done $0x0  }
0xa6: {  	[sflag:s22] =	ssyncadd.s32 s4;
	_ =	sdelay $0x1  }
0xa7: {  	s23 =	simm.s32 $0x1B8B  }
0xa8: {  	_ =	swait.ge [sflag:s23], $0x1  }
0xa9: {  	[sflag:s23] =	ssyncset.done $0x0  }
0xaa: {  	s25 =	simm.s32 $0x1B8E;
	s24 =	sld [smem:$0x3FFE];
	[sflag:s23] =	ssyncadd.s32 $0xFFFFFFFF  }
0xab: {  	s26 =	simm.s32 $execute0_lowered;
	[smem:$0x3FD2] =	sst s25  }
0xac: {  	s5 =	sshll.u32 s26, $0x1;
	_ =	strace $0x8000004C;
	[dreg:$0x1] =	wrdreg $0xFFFFFFFF  }
0xad: {  	s28 =	simm.s32 $_size_execute0_lowered;
	s3 =	sadd.s32 s3, s5;
	[dreg:$0x0] =	wrdreg $0x0  }
0xae: {  	s5 =	sshll.u32 s28, $0x1;
	[dreg:$0x2] =	wrdreg s3  }
0xaf: {  	[dreg:$0x3] =	wrdreg s5  }
0xb0: {  	[dreg:$0x4] =	wrdreg $0xC0  }
0xb1: {  	_ =	task [dreg:s7], $0x5FFFF  }
0xb2: {  	[dreg:$0x1] =	wrdreg $0xFFFFFFFF  }
0xb3: {  	[dreg:$0x0] =	wrdreg $0x60  }
0xb4: {  	[dreg:$0x2] =	wrdreg s24  }
0xb5: {  	[dreg:$0x3] =	wrdreg s16  }
0xb6: {  	[dreg:$0x4] =	wrdreg $0x74800  }
0xb7: {  	[dreg:$0x5] =	wrdreg $0x9  }
0xb8: {  	_ =	task.clear_ibuf [dreg:s7], $0x6FFFF;
	_ =	strace $0x9000004C  }
0xb9: {  	s29 =	simm.s32 $0x9;
	_ =	strace $0x8000004E  }
0xba: {  	_ =	swait.ge [sflag:s29], $0x1  }
0xbb: {  	[sflag:s29] =	ssyncadd.s32 $0xFFFFFFFF  }
0xbc: {  	_ =	strace $0x9000004E  }
0xbd: {  	_ =	sfence  }
0xbe: {  	s30 =	sld [smem:$0x0];
	_ =	sdelay $0x2  }
0xbf: {  	s31 =	sshll.u32 s1, $0xD;
	s1 =	sshrl.u32 s1, $0x2  }
0xc0: {  	s3 =	sand.u32 $0x4000, s31;
	s1 =	sadd.s32 s1, s30  }
0xc1: {  	s0 =	sor.u32 s3, s0;
	s1 =	sshll.u32 s1, $0x11  }
0xc2: {  	s0 =	sor.u32 s1, s0  }
0xc3: {  	s0 =	sadd.s32 $0x8F2B, s0  }
0xc4: {  	[sflag:s0] =	ssyncadd.remote.s32 $0x1  }
0xc5: {  	_ =	sfence.sel $0xFFFF  }
0xc6: {  	[dreg:$0x0] =	wrdreg $0xFFFFFFFF;
	(pc) =	sbr.abs _section_cstart, $3  }
0xc7: {  	[dreg:$0x1] =	wrdreg $0xFFFFFFFF  }
0xc8: {  	_ =	task.clear_ibuf [dreg:s7], $0x2FFFF;
	_ =	strace $0x9FFFFFFF  }
0xc9: {  	(tm) =	ssettm $0x7FFFFFFF  }
tec
execute0_lowered:
.L_overlay_start_1:
0x0: {  	(tag) =	ssettag $0x1  }
0x1: {  	s19 =	stileid.u32  }
0x2: {  	s1 =	srdreg.scid;
	s3 =	smul.u32 $0xC4, s19  }
0x3: {  	s0 =	rddreg [dreg:$0x0];
	s13 =	sand.u32 $0x1, s1;
	s21 =	smul.u32 $0xC40, s19  }
0x4: {  	s2 =	rddreg [dreg:$0x2];
	s6 =	simm.s32 $0x0;
	s1 =	smul.u32 $0xC40, s13  }
0x5: {  	[smem:$0x7FF] =	sst s6;
	s14 =	sadd.s32 $0x2800, s0;
	s15 =	smul.u32 $0x188000, s13  }
0x6: {  	_ =	strace $0x8000004D;
	s5 =	ssub.s32 $0x2, s13;
	s13 =	smul.u32 $0xC400, s13  }
0x7: {  	s7 =	sshrl.u32 s5, $0x1;
	s4 =	sadd.s32 s3, s1;
	s1 =	smul.u32 $0x18800, s19  }
0x8: {  	s3 =	sadd.s32 $0x64800, s0;
	s13 =	sadd.s32 s13, s14;
	s4 =	sshll.u32 s4, $0x4  }
0x9: {  	s10 =	ssub.s32 s5, s7;
	s13 =	sadd.s32 s21, s13;
	s25 =	sadd.s32 s14, s4  }
0xa: {  	s5 =	sadd.s32 $0x1880, s1;
	s4 =	sadd.s32 $0x3100, s1;
	s7 =	sadd.s32 $0x4980, s1  }
0xb: {  	s8 =	sadd.s32 $0x6200, s1;
	s9 =	sadd.s32 $0x7A80, s1;
	s11 =	sadd.s32 $0x9300, s1  }
0xc: {  	s12 =	sadd.s32 $0xAB80, s1;
	s16 =	sadd.s32 s1, s15;
	[dreg:$0x4] =	wrdreg s13  }
0xd: {  	s17 =	sadd.s32 s15, s5;
	s16 =	sshrl.u32 s16, $0x3;
	s18 =	sadd.s32 s15, s4  }
0xe: {  	s20 =	sadd.s32 s15, s8;
	s23 =	sadd.s32 s15, s9;
	s24 =	sadd.s32 s15, s11  }
0xf: {  	s13 =	sadd.s32 s8, s2;
	s31 =	sadd.s32 s9, s2;
	[dreg:$0x5] =	wrdreg s25  }
0x10: {  	s17 =	sshrl.u32 s17, $0x3;
	s16 =	sadd.s32 s3, s16;
	[dreg:$0x16] =	wrdreg s13  }
0x11: {  	s22 =	sshrl.u32 s20, $0x3;
	s14 =	sshrl.u32 s23, $0x3;
	[dreg:$0x17] =	wrdreg s31  }
0x12: {  	s13 =	simm.s32 $0xA;
	[dreg:$0x6] =	wrdreg s16;
	s26 =	sadd.s32 s3, s17  }
0x13: {  	s17 =	sshrl.u32 s18, $0x3;
	s14 =	sadd.s32 s3, s14;
	[dreg:$0x7] =	wrdreg s26  }
0x14: {  	s18 =	sadd.s32 s15, s7;
	s7 =	sadd.s32 s7, s2;
	[dreg:$0xb] =	wrdreg s14  }
0x15: {  	s16 =	sadd.s32 s3, s17;
	s26 =	sshrl.u32 s24, $0x3;
	[smem:$0x7F7] =	sst s7  }
0x16: {  	s14 =	sadd.s32 $0xC400, s1;
	s7 =	sadd.s32 s12, s2;
	[dreg:$0x8] =	wrdreg s16  }
0x17: {  	s16 =	sshrl.u32 s18, $0x3;
	s17 =	sadd.s32 s3, s26;
	s18 =	sadd.s32 s15, s12  }
0x18: {  	s19 =	sadd.s32 s15, s14;
	s8 =	sadd.s32 s14, s2;
	[dreg:$0x19] =	wrdreg s7  }
0x19: {  	s12 =	simm.s32 $0x5C00;
	s14 =	simm.s32 $0x1;
	[dreg:$0xc] =	wrdreg s17  }
0x1a: {  	s16 =	sadd.s32 s3, s16;
	s17 =	sshrl.u32 s18, $0x3;
	[dreg:$0x1b] =	wrdreg s8  }
0x1b: {  	s18 =	sshrl.u32 s19, $0x3;
	[dreg:$0x9] =	wrdreg s16;
	s16 =	sadd.s32 s3, s22  }
0x1c: {  	s19 =	sadd.s32 $0x12600, s1;
	s17 =	sadd.s32 s3, s17;
	[dreg:$0xa] =	wrdreg s16  }
0x1d: {  	s21 =	sadd.s32 s3, s18;
	s18 =	sadd.s32 $0x10D80, s1;
	[dreg:$0xd] =	wrdreg s17  }
0x1e: {  	s16 =	sadd.s32 $0xDC80, s1;
	[dreg:$0xe] =	wrdreg s21;
	s21 =	sadd.s32 s15, s18  }
0x1f: {  	s20 =	sadd.s32 s15, s16;
	s21 =	sshrl.u32 s21, $0x3;
	s9 =	sadd.s32 s16, s2  }
0x20: {  	s16 =	simm.s32 $0x1C00;
	s22 =	sshrl.u32 s20, $0x3;
	s23 =	sadd.s32 s3, s21  }
0x21: {  	s21 =	sadd.s32 $0x15700, s1;
	[dreg:$0x1c] =	wrdreg s9;
	s17 =	sadd.s32 s3, s22  }
0x22: {  	s22 =	sadd.s32 s15, s19;
	[dreg:$0x11] =	wrdreg s23;
	s23 =	sadd.s32 $0x16F80, s1  }
0x23: {  	s29 =	sadd.s32 s21, s2;
	[dreg:$0xf] =	wrdreg s17;
	s17 =	sadd.s32 $0xF500, s1  }
0x24: {  	s30 =	sadd.s32 s23, s2;
	[smem:$0x7FC] =	sst s29;
	s20 =	sadd.s32 s15, s17  }
0x25: {  	s28 =	sadd.s32 s17, s2;
	[smem:$0x7FD] =	sst s30;
	s20 =	sshrl.u32 s20, $0x3  }
0x26: {  	s24 =	sshrl.u32 s22, $0x3;
	[dreg:$0x1e] =	wrdreg s28;
	s20 =	sadd.s32 s3, s20  }
0x27: {  	s17 =	simm.s32 $0x2C00;
	[dreg:$0x10] =	wrdreg s20;
	s20 =	sadd.s32 s3, s24  }
0x28: {  	s24 =	sadd.s32 s15, s21;
	s21 =	simm.s32 $0x4C00;
	[dreg:$0x12] =	wrdreg s20  }
0x29: {  	s20 =	sadd.s32 $0x13E80, s1;
	s24 =	sshrl.u32 s24, $0x3;
	s1 =	sadd.s32 s1, s2  }
0x2a: {  	s26 =	sadd.s32 s15, s20;
	s15 =	sadd.s32 s15, s23;
	[dreg:$0x1d] =	wrdreg s1  }
0x2b: {  	s23 =	simm.s32 $0x5;
	s22 =	sshrl.u32 s26, $0x3;
	s26 =	sadd.s32 s3, s24  }
0x2c: {  	s1 =	simm.s32 $0x0;
	s24 =	smax.u32 s10, $0x1;
	[dreg:$0x14] =	wrdreg s26  }
0x2d: {  	s15 =	sshrl.u32 s15, $0x3;
	s22 =	sadd.s32 s3, s22;
	[smem:$0x7F8] =	sst s24  }
0x2e: {  	s10 =	simm.s32 $0x4;
	s3 =	sadd.s32 s3, s15;
	[dreg:$0x13] =	wrdreg s22  }
0x2f: {  	s15 =	sadd.s32 s11, s2;
	s26 =	sadd.s32 $0x18800, s25;
	[dreg:$0x15] =	wrdreg s3  }
0x30: {  	s11 =	simm.s32 $0x6;
	s24 =	simm.s32 $0x7;
	[dreg:$0x18] =	wrdreg s15  }
0x31: {  	s25 =	simm.s32 $0x8;
	s3 =	sadd.s32 s5, s2;
	[smem:$0x7F9] =	sst s26  }
0x32: {  	s22 =	sadd.s32 $0x33800, s0;
	s5 =	sadd.s32 s4, s2;
	[smem:$0x7F6] =	sst s3  }
0x33: {  	s4 =	sadd.s32 s18, s2;
	s15 =	simm.s32 $0x80;
	[dreg:$0x1a] =	wrdreg s5  }
0x34: {  	s18 =	simm.s32 $0x2;
	s3 =	sadd.s32 s19, s2;
	[dreg:$0x1f] =	wrdreg s4  }
0x35: {  	s26 =	simm.s32 $0x9;
	s5 =	sadd.s32 s20, s2;
	[smem:$0x7FA] =	sst s3  }
0x36: {  	s19 =	simm.s32 $0x3C00;
	s20 =	simm.s32 $0x3;
	[smem:$0x7FB] =	sst s5  }
.LBB2_1:
0x37: {  	s0 =	rddreg [dreg:$0x5]  }
0x38: {  	[tilespmem:s6], [sflag:$0x1] =	stream.linear.gather [hbm4b:s0+s6], $0x700, $0x38;
	[tilespmem:$0x1FC80] =	vst v63  }
0x39: {  	s0 =	sld [smem:$0x7F9];
	_ =	sdelay $0x1  }
0x3a: {  	[smem:$0x7F5] =	sst s1;
	s1 =	simm.s32 $0xE00  }
0x3b: {  	[tilespmem:s1], [sflag:$0x1] =	stream.linear.gather [hbm4b:s0+s6], $0x700, $0x38;
	[tilespmem:$0x1FC80] =	vst v63  }
0x3c: {  	s1 =	rddreg [dreg:$0x1]  }
0x3d: {  	[tilespmem:s12], [sflag:$0xA] =	stream.linear.gather [hbm4b:s1+s6], $0x1880, $0x38;
	[tilespmem:$0x1FC80] =	vst v63  }
0x3e: {  	_ =	swait.ge [sflag:s13], $0x1880  }
0x3f: {  	[sflag:s13] =	ssyncset.done $0x0  }
0x40: {  	s1 =	rddreg [dreg:$0x1d];
	[sflag:s13] =	ssyncadd.s32 $0xFFFFE780  }
0x41: {  	[spmem:s1] =	stream.linear.scatter [tilespmem:s12], [sflag:$0xA], $0x1880, $0x38;
	[tilespmem:$0x1FC80] =	vst v63  }
0x42: {  	_ =	swait.ge [sflag:s13], $0x1880  }
0x43: {  	s1 =	smov.u32 s8;
	s8 =	sld [smem:$0x7F6]  }
0x44: {  	[sflag:s13] =	ssyncset.done $0x0  }
0x45: {  	[sflag:s13] =	ssyncadd.s32 $0xFFFFE780  }
0x46: {  	[spmem:s8] =	stream.linear.scatter [tilespmem:s12], [sflag:$0xA], $0x1880, $0x38;
	[tilespmem:$0x1FC80] =	vst v63  }
0x47: {  	_ =	swait.ge [sflag:s13], $0x1880  }
0x48: {  	[sflag:s13] =	ssyncset.done $0x0  }
0x49: {  	s8 =	rddreg [dreg:$0x1a];
	[sflag:s13] =	ssyncadd.s32 $0xFFFFE780  }
0x4a: {  	[spmem:s8] =	stream.linear.scatter [tilespmem:s12], [sflag:$0xA], $0x1880, $0x38;
	[tilespmem:$0x1FC80] =	vst v63  }
0x4b: {  	_ =	swait.ge [sflag:s13], $0x1880  }
0x4c: {  	s8 =	sld [smem:$0x7F7]  }
0x4d: {  	[sflag:s13] =	ssyncset.done $0x0  }
0x4e: {  	[sflag:s13] =	ssyncadd.s32 $0xFFFFE780  }
0x4f: {  	[spmem:s8] =	stream.linear.scatter [tilespmem:s12], [sflag:$0xA], $0x1880, $0x38;
	[tilespmem:$0x1FC80] =	vst v63  }
0x50: {  	s0 =	rddreg [dreg:$0x18];
	_ =	swait.ge [sflag:s13], $0x1880  }
0x51: {  	[sflag:s13] =	ssyncset.done $0x0  }
0x52: {  	s8 =	rddreg [dreg:$0x16];
	[sflag:s13] =	ssyncadd.s32 $0xFFFFE780  }
0x53: {  	[spmem:s8] =	stream.linear.scatter [tilespmem:s12], [sflag:$0xA], $0x1880, $0x38;
	[tilespmem:$0x1FC80] =	vst v63  }
0x54: {  	_ =	swait.ge [sflag:s13], $0x1880  }
0x55: {  	[sflag:s13] =	ssyncset.done $0x0  }
0x56: {  	[sflag:s13] =	ssyncadd.s32 $0xFFFFE780  }
0x57: {  	[spmem:s31] =	stream.linear.scatter [tilespmem:s12], [sflag:$0xA], $0x1880, $0x38;
	[tilespmem:$0x1FC80] =	vst v63  }
0x58: {  	_ =	swait.ge [sflag:s13], $0x1880  }
0x59: {  	[sflag:s13] =	ssyncset.done $0x0  }
0x5a: {  	[sflag:s13] =	ssyncadd.s32 $0xFFFFE780  }
0x5b: {  	[spmem:s0] =	stream.linear.scatter [tilespmem:s12], [sflag:$0xA], $0x1880, $0x38;
	[tilespmem:$0x1FC80] =	vst v63  }
0x5c: {  	_ =	swait.ge [sflag:s13], $0x1880  }
0x5d: {  	[sflag:s13] =	ssyncset.done $0x0  }
0x5e: {  	[sflag:s13] =	ssyncadd.s32 $0xFFFFE780  }
0x5f: {  	[spmem:s7] =	stream.linear.scatter [tilespmem:s12], [sflag:$0xA], $0x1880, $0x38;
	[tilespmem:$0x1FC80] =	vst v63  }
0x60: {  	_ =	swait.ge [sflag:s13], $0x1880  }
0x61: {  	[sflag:s13] =	ssyncset.done $0x0  }
0x62: {  	[sflag:s13] =	ssyncadd.s32 $0xFFFFE780  }
0x63: {  	[spmem:s1] =	stream.linear.scatter [tilespmem:s12], [sflag:$0xA], $0x1880, $0x38;
	[tilespmem:$0x1FC80] =	vst v63  }
0x64: {  	_ =	swait.ge [sflag:s13], $0x1880  }
0x65: {  	[sflag:s13] =	ssyncset.done $0x0  }
0x66: {  	[sflag:s13] =	ssyncadd.s32 $0xFFFFE780  }
0x67: {  	[spmem:s9] =	stream.linear.scatter [tilespmem:s12], [sflag:$0xA], $0x1880, $0x38;
	[tilespmem:$0x1FC80] =	vst v63  }
0x68: {  	_ =	swait.ge [sflag:s13], $0x1880  }
0x69: {  	[sflag:s13] =	ssyncset.done $0x0  }
0x6a: {  	[sflag:s13] =	ssyncadd.s32 $0xFFFFE780  }
0x6b: {  	[spmem:s28] =	stream.linear.scatter [tilespmem:s12], [sflag:$0xA], $0x1880, $0x38;
	[tilespmem:$0x1FC80] =	vst v63  }
0x6c: {  	_ =	swait.ge [sflag:s13], $0x1880  }
0x6d: {  	[sflag:s13] =	ssyncset.done $0x0  }
0x6e: {  	[sflag:s13] =	ssyncadd.s32 $0xFFFFE780  }
0x6f: {  	[spmem:s4] =	stream.linear.scatter [tilespmem:s12], [sflag:$0xA], $0x1880, $0x38;
	[tilespmem:$0x1FC80] =	vst v63  }
0x70: {  	_ =	swait.ge [sflag:s13], $0x1880  }
0x71: {  	[sflag:s13] =	ssyncset.done $0x0  }
0x72: {  	[sflag:s13] =	ssyncadd.s32 $0xFFFFE780  }
0x73: {  	[spmem:s3] =	stream.linear.scatter [tilespmem:s12], [sflag:$0xA], $0x1880, $0x38;
	[tilespmem:$0x1FC80] =	vst v63  }
0x74: {  	_ =	swait.ge [sflag:s13], $0x1880  }
0x75: {  	[sflag:s13] =	ssyncset.done $0x0  }
0x76: {  	[sflag:s13] =	ssyncadd.s32 $0xFFFFE780  }
0x77: {  	[spmem:s5] =	stream.linear.scatter [tilespmem:s12], [sflag:$0xA], $0x1880, $0x38;
	[tilespmem:$0x1FC80] =	vst v63  }
0x78: {  	_ =	swait.ge [sflag:s13], $0x1880  }
0x79: {  	[sflag:s13] =	ssyncset.done $0x0  }
0x7a: {  	[sflag:s13] =	ssyncadd.s32 $0xFFFFE780  }
0x7b: {  	[spmem:s29] =	stream.linear.scatter [tilespmem:s12], [sflag:$0xA], $0x1880, $0x38;
	[tilespmem:$0x1FC80] =	vst v63  }
0x7c: {  	_ =	swait.ge [sflag:s13], $0x1880  }
0x7d: {  	[sflag:s13] =	ssyncset.done $0x0  }
0x7e: {  	[sflag:s13] =	ssyncadd.s32 $0xFFFFE780  }
0x7f: {  	[spmem:s30] =	stream.linear.scatter [tilespmem:s12], [sflag:$0xA], $0x1880, $0x38;
	[tilespmem:$0x1FC80] =	vst v63  }
0x80: {  	_ =	swait.ge [sflag:s13], $0x1880  }
0x81: {  	[sflag:s13] =	ssyncset.done $0x0  }
0x82: {  	[sflag:s13] =	ssyncadd.s32 $0xFFFFE780  }
0x83: {  	[bflag:$0x0] =	sbarrier.arrive $0xFFFF  }
0x84: {  	_ =	swait.ge [sflag:s14], $0x700  }
0x85: {  	[sflag:s14] =	ssyncset.done $0x0  }
0x86: {  	[sflag:s14] =	ssyncadd.s32 $0xFFFFF900  }
0x87: {  	p0 =	por $0x0, $0x0;
	s30 =	sand.u32 $0x1, s6;
	_ =	swait.ge [sflag:s14], $0x700  }
0x88: {  	s31 =	sxor.u32 @!p0 $0x1, s30;
	s29 =	rddreg [dreg:$0x4]  }
0x89: {  	s31 =	smul.u32 @!p0 $0x700, s31;
	[sflag:s14] =	ssyncset.done $0x0;
	s29 =	sadd.s32 @!p0 $0x0, s29  }
0x8a: {  	s3 =	simm.s32 @!p0 $0x0;
	[sflag:s14] =	ssyncadd.s32 $0xFFFFF900;
	s0 =	sadd.s32 @!p0 $0xE0, s29  }
0x8b: {  	[tilespmem:s31], [sflag:$0x1] =	stream.linear.gather @!p0 [hbm4b:s0+s3], $0x700, $0x38;
	[tilespmem:$0x1FC80] =	vst v63  }
0x8c: {  	s29 =	sadd.s32 @!p0 $0x188E0, s29;
	s0 =	sadd.s32 @!p0 $0xE00, s31  }
0x8d: {  	[tilespmem:s0], [sflag:$0x1] =	stream.linear.gather @!p0 [hbm4b:s29+s3], $0x700, $0x38;
	[tilespmem:$0x1FC80] =	vst v63  }
0x8e: {  	s29 =	smul.u32 $0x700, s30;
	_ =	sdelay $0x1  }
0x8f: {  	[tilespmem:s16], [sflag:$0x2] =	stream.indirect.gather [hbm4b:s22+s15], $0x20, s29, s15, $0xb8;
	[tilespmem:$0x1FC80] =	vst v63  }
0x90: {  	s5 =	sor.u32 $0x80, s29  }
0x91: {  	[tilespmem:s17], [sflag:$0x3] =	stream.indirect.gather [hbm4b:s22+s15], $0x20, s5, s15, $0xb8;
	[tilespmem:$0x1FC80] =	vst v63  }
0x92: {  	_ =	swait.ge [sflag:s18], $0x1000  }
0x93: {  	[sflag:s18] =	ssyncset.done $0x0  }
0x94: {  	s6 =	sadd.s32 $0xE00, s29;
	[sflag:s18] =	ssyncadd.s32 $0xFFFFF000  }
0x95: {  	[spmem:s2] =	stream.indirect.scatter.add.f32 [tilespmem:s16], [sflag:$0x6], $0x20, s6, s15, $0xb8;
	[tilespmem:$0x1FC80] =	vst v63  }
0x96: {  	s7 =	sadd.s32 $0x100, s29  }
0x97: {  	[tilespmem:s19], [sflag:$0x4] =	stream.indirect.gather [hbm4b:s22+s15], $0x20, s7, s15, $0xb8;
	[tilespmem:$0x1FC80] =	vst v63  }
0x98: {  	_ =	swait.ge [sflag:s20], $0x1000  }
0x99: {  	[sflag:s20] =	ssyncset.done $0x0  }
0x9a: {  	s8 =	sadd.s32 $0xE80, s29;
	[sflag:s20] =	ssyncadd.s32 $0xFFFFF000  }
0x9b: {  	[spmem:s2] =	stream.indirect.scatter.add.f32 [tilespmem:s17], [sflag:$0x7], $0x20, s8, s15, $0xb8;
	[tilespmem:$0x1FC80] =	vst v63  }
0x9c: {  	s9 =	sadd.s32 $0x180, s29  }
0x9d: {  	[tilespmem:s21], [sflag:$0x5] =	stream.indirect.gather [hbm4b:s22+s15], $0x20, s9, s15, $0xb8;
	[tilespmem:$0x1FC80] =	vst v63  }
0x9e: {  	_ =	swait.ge [sflag:s10], $0x1000  }
0x9f: {  	[sflag:s10] =	ssyncset.done $0x0  }
0xa0: {  	s28 =	sadd.s32 $0xF00, s29;
	[sflag:s10] =	ssyncadd.s32 $0xFFFFF000  }
0xa1: {  	[spmem:s2] =	stream.indirect.scatter.add.f32 [tilespmem:s19], [sflag:$0x8], $0x20, s28, s15, $0xb8;
	[tilespmem:$0x1FC80] =	vst v63  }
0xa2: {  	_ =	swait.ge [sflag:s11], $0x1000  }
0xa3: {  	[sflag:s11] =	ssyncset.done $0x0  }
0xa4: {  	s31 =	sadd.s32 $0x200, s29;
	[sflag:s11] =	ssyncadd.s32 $0xFFFFF000  }
0xa5: {  	[tilespmem:s16], [sflag:$0x2] =	stream.indirect.gather [hbm4b:s22+s15], $0x20, s31, s15, $0xb8;
	[tilespmem:$0x1FC80] =	vst v63  }
0xa6: {  	_ =	swait.ge [sflag:s23], $0x1000  }
0xa7: {  	[sflag:s23] =	ssyncset.done $0x0  }
0xa8: {  	s1 =	sadd.s32 $0xF80, s29;
	[sflag:s23] =	ssyncadd.s32 $0xFFFFF000  }
0xa9: {  	[spmem:s2] =	stream.indirect.scatter.add.f32 [tilespmem:s21], [sflag:$0x9], $0x20, s1, s15, $0xb8;
	[tilespmem:$0x1FC80] =	vst v63  }
0xaa: {  	_ =	swait.ge [sflag:s24], $0x1000  }
0xab: {  	[sflag:s24] =	ssyncset.done $0x0  }
0xac: {  	s3 =	sadd.s32 $0x280, s29;
	[sflag:s24] =	ssyncadd.s32 $0xFFFFF000  }
0xad: {  	[tilespmem:s17], [sflag:$0x3] =	stream.indirect.gather [hbm4b:s22+s15], $0x20, s3, s15, $0xb8;
	[tilespmem:$0x1FC80] =	vst v63  }
0xae: {  	_ =	swait.ge [sflag:s18], $0x1000  }
0xaf: {  	[sflag:s18] =	ssyncset.done $0x0  }
0xb0: {  	s4 =	sor.u32 $0x1000, s29;
	[sflag:s18] =	ssyncadd.s32 $0xFFFFF000  }
0xb1: {  	[spmem:s2] =	stream.indirect.scatter.add.f32 [tilespmem:s16], [sflag:$0x6], $0x20, s4, s15, $0xb8;
	[tilespmem:$0x1FC80] =	vst v63  }
0xb2: {  	_ =	swait.ge [sflag:s25], $0x1000  }
0xb3: {  	[sflag:s25] =	ssyncset.done $0x0  }
0xb4: {  	s5 =	sadd.s32 $0x300, s29;
	[sflag:s25] =	ssyncadd.s32 $0xFFFFF000  }
0xb5: {  	[tilespmem:s19], [sflag:$0x4] =	stream.indirect.gather [hbm4b:s22+s15], $0x20, s5, s15, $0xb8;
	[tilespmem:$0x1FC80] =	vst v63  }
0xb6: {  	_ =	swait.ge [sflag:s20], $0x1000  }
0xb7: {  	[sflag:s20] =	ssyncset.done $0x0  }
0xb8: {  	s6 =	sor.u32 $0x1080, s29;
	[sflag:s20] =	ssyncadd.s32 $0xFFFFF000  }
0xb9: {  	[spmem:s2] =	stream.indirect.scatter.add.f32 [tilespmem:s17], [sflag:$0x7], $0x20, s6, s15, $0xb8;
	[tilespmem:$0x1FC80] =	vst v63  }
0xba: {  	_ =	swait.ge [sflag:s26], $0x1000  }
0xbb: {  	[sflag:s26] =	ssyncset.done $0x0  }
0xbc: {  	s7 =	sadd.s32 $0x380, s29;
	[sflag:s26] =	ssyncadd.s32 $0xFFFFF000  }
0xbd: {  	[tilespmem:s21], [sflag:$0x5] =	stream.indirect.gather [hbm4b:s22+s15], $0x20, s7, s15, $0xb8;
	[tilespmem:$0x1FC80] =	vst v63  }
0xbe: {  	_ =	swait.ge [sflag:s10], $0x1000  }
0xbf: {  	[sflag:s10] =	ssyncset.done $0x0  }
0xc0: {  	s8 =	sadd.s32 $0x1100, s29;
	[sflag:s10] =	ssyncadd.s32 $0xFFFFF000  }
0xc1: {  	[spmem:s2] =	stream.indirect.scatter.add.f32 [tilespmem:s19], [sflag:$0x8], $0x20, s8, s15, $0xb8;
	[tilespmem:$0x1FC80] =	vst v63  }
0xc2: {  	_ =	swait.ge [sflag:s11], $0x1000  }
0xc3: {  	[sflag:s11] =	ssyncset.done $0x0  }
0xc4: {  	s9 =	sadd.s32 $0x400, s29;
	[sflag:s11] =	ssyncadd.s32 $0xFFFFF000  }
0xc5: {  	[tilespmem:s16], [sflag:$0x2] =	stream.indirect.gather [hbm4b:s22+s15], $0x20, s9, s15, $0xb8;
	[tilespmem:$0x1FC80] =	vst v63  }
0xc6: {  	_ =	swait.ge [sflag:s23], $0x1000  }
0xc7: {  	[sflag:s23] =	ssyncset.done $0x0  }
0xc8: {  	s28 =	sadd.s32 $0x1180, s29;
	[sflag:s23] =	ssyncadd.s32 $0xFFFFF000  }
0xc9: {  	[spmem:s2] =	stream.indirect.scatter.add.f32 [tilespmem:s21], [sflag:$0x9], $0x20, s28, s15, $0xb8;
	[tilespmem:$0x1FC80] =	vst v63  }
0xca: {  	_ =	swait.ge [sflag:s24], $0x1000  }
0xcb: {  	[sflag:s24] =	ssyncset.done $0x0  }
0xcc: {  	s31 =	sadd.s32 $0x480, s29;
	[sflag:s24] =	ssyncadd.s32 $0xFFFFF000  }
0xcd: {  	[tilespmem:s17], [sflag:$0x3] =	stream.indirect.gather [hbm4b:s22+s15], $0x20, s31, s15, $0xb8;
	[tilespmem:$0x1FC80] =	vst v63  }
0xce: {  	_ =	swait.ge [sflag:s18], $0x1000  }
0xcf: {  	[sflag:s18] =	ssyncset.done $0x0  }
0xd0: {  	s1 =	sadd.s32 $0x1200, s29;
	[sflag:s18] =	ssyncadd.s32 $0xFFFFF000  }
0xd1: {  	[spmem:s2] =	stream.indirect.scatter.add.f32 [tilespmem:s16], [sflag:$0x6], $0x20, s1, s15, $0xb8;
	[tilespmem:$0x1FC80] =	vst v63  }
0xd2: {  	_ =	swait.ge [sflag:s25], $0x1000  }
0xd3: {  	[sflag:s25] =	ssyncset.done $0x0  }
0xd4: {  	s3 =	sadd.s32 $0x500, s29;
	[sflag:s25] =	ssyncadd.s32 $0xFFFFF000  }
0xd5: {  	[tilespmem:s19], [sflag:$0x4] =	stream.indirect.gather [hbm4b:s22+s15], $0x20, s3, s15, $0xb8;
	[tilespmem:$0x1FC80] =	vst v63  }
0xd6: {  	_ =	swait.ge [sflag:s20], $0x1000  }
0xd7: {  	[sflag:s20] =	ssyncset.done $0x0  }
0xd8: {  	s4 =	sadd.s32 $0x1280, s29;
	[sflag:s20] =	ssyncadd.s32 $0xFFFFF000  }
0xd9: {  	[spmem:s2] =	stream.indirect.scatter.add.f32 [tilespmem:s17], [sflag:$0x7], $0x20, s4, s15, $0xb8;
	[tilespmem:$0x1FC80] =	vst v63  }
0xda: {  	_ =	swait.ge [sflag:s26], $0x1000  }
0xdb: {  	[sflag:s26] =	ssyncset.done $0x0  }
0xdc: {  	s5 =	sadd.s32 $0x580, s29;
	[sflag:s26] =	ssyncadd.s32 $0xFFFFF000  }
0xdd: {  	[tilespmem:s21], [sflag:$0x5] =	stream.indirect.gather [hbm4b:s22+s15], $0x20, s5, s15, $0xb8;
	[tilespmem:$0x1FC80] =	vst v63  }
0xde: {  	_ =	swait.ge [sflag:s10], $0x1000  }
0xdf: {  	[sflag:s10] =	ssyncset.done $0x0  }
0xe0: {  	s6 =	sadd.s32 $0x1300, s29;
	[sflag:s10] =	ssyncadd.s32 $0xFFFFF000  }
0xe1: {  	[spmem:s2] =	stream.indirect.scatter.add.f32 [tilespmem:s19], [sflag:$0x8], $0x20, s6, s15, $0xb8;
	[tilespmem:$0x1FC80] =	vst v63  }
0xe2: {  	_ =	swait.ge [sflag:s11], $0x1000  }
0xe3: {  	[sflag:s11] =	ssyncset.done $0x0  }
0xe4: {  	s7 =	sadd.s32 $0x600, s29;
	[sflag:s11] =	ssyncadd.s32 $0xFFFFF000  }
0xe5: {  	[tilespmem:s16], [sflag:$0x2] =	stream.indirect.gather [hbm4b:s22+s15], $0x20, s7, s15, $0xb8;
	[tilespmem:$0x1FC80] =	vst v63  }
0xe6: {  	_ =	swait.ge [sflag:s23], $0x1000  }
0xe7: {  	[sflag:s23] =	ssyncset.done $0x0  }
0xe8: {  	s8 =	sadd.s32 $0x1380, s29;
	[sflag:s23] =	ssyncadd.s32 $0xFFFFF000  }
0xe9: {  	[spmem:s2] =	stream.indirect.scatter.add.f32 [tilespmem:s21], [sflag:$0x9], $0x20, s8, s15, $0xb8;
	[tilespmem:$0x1FC80] =	vst v63  }
0xea: {  	_ =	swait.ge [sflag:s24], $0x1000  }
0xeb: {  	[sflag:s24] =	ssyncset.done $0x0  }
0xec: {  	s9 =	sadd.s32 $0x680, s29;
	[sflag:s24] =	ssyncadd.s32 $0xFFFFF000  }
0xed: {  	[tilespmem:s17], [sflag:$0x3] =	stream.indirect.gather [hbm4b:s22+s15], $0x20, s9, s15, $0xb8;
	[tilespmem:$0x1FC80] =	vst v63  }
0xee: {  	_ =	swait.ge [sflag:s18], $0x1000  }
0xef: {  	[sflag:s18] =	ssyncset.done $0x0  }
0xf0: {  	s28 =	sadd.s32 $0x1400, s29;
	[sflag:s18] =	ssyncadd.s32 $0xFFFFF000  }
0xf1: {  	[spmem:s2] =	stream.indirect.scatter.add.f32 [tilespmem:s16], [sflag:$0x6], $0x20, s28, s15, $0xb8;
	[tilespmem:$0x1FC80] =	vst v63  }
0xf2: {  	_ =	swait.ge [sflag:s20], $0x1000  }
0xf3: {  	[sflag:s20] =	ssyncset.done $0x0  }
0xf4: {  	s31 =	sadd.s32 $0x1480, s29;
	[sflag:s20] =	ssyncadd.s32 $0xFFFFF000  }
0xf5: {  	[spmem:s2] =	stream.indirect.scatter.add.f32 [tilespmem:s17], [sflag:$0x7], $0x20, s31, s15, $0xb8;
	[tilespmem:$0x1FC80] =	vst v63  }
0xf6: {  	_ =	swait.ge [sflag:s11], $0x1000  }
0xf7: {  	[sflag:s11] =	ssyncset.done $0x0  }
0xf8: {  	[sflag:s11] =	ssyncadd.s32 $0xFFFFF000  }
0xf9: {  	_ =	swait.ge [sflag:s24], $0x1000  }
0xfa: {  	[sflag:s24] =	ssyncset.done $0x0  }
0xfb: {  	[sflag:s24] =	ssyncadd.s32 $0xFFFFF000  }
0xfc: {  	_ =	swait.ge [sflag:s25], $0x1000  }
0xfd: {  	[sflag:s25] =	ssyncset.done $0x0  }
0xfe: {  	[sflag:s25] =	ssyncadd.s32 $0xFFFFF000  }
0xff: {  	s30 =	simm.s32 $0x0;
	_ =	swait.ge [sflag:s26], $0x1000  }
0x100: {  	s29 =	simm.s32 $0xE0;
	s4 =	simm.s32 $0x0;
	[sflag:s26] =	ssyncset.done $0x0  }
.LBB2_2:
0x101: {  	[sflag:s26] =	ssyncadd.s32 $0xFFFFF000  }
0x102: {  	_ =	swait.ge [sflag:s14], $0x700  }
0x103: {  	[sflag:s14] =	ssyncset.done $0x0  }
0x104: {  	s30 =	sadd.s32 $0x1, s30;
	s0 =	smov.u32 s29;
	[sflag:s14] =	ssyncadd.s32 $0xFFFFF900  }
0x105: {  	s31 =	sand.u32 $0x1, s30;
	p1 =	seq.s32 s0, $0xB60;
	_ =	swait.ge [sflag:s14], $0x700  }
0x106: {  	s1 =	sxor.u32 @!p1 $0x1, s31;
	s3 =	rddreg [dreg:$0x4]  }
0x107: {  	s1 =	smul.u32 @!p1 $0x700, s1;
	[sflag:s14] =	ssyncset.done $0x0;
	s0 =	sadd.s32 @!p1 s0, s3  }
0x108: {  	s6 =	simm.s32 @!p1 $0x0;
	[sflag:s14] =	ssyncadd.s32 $0xFFFFF900;
	s3 =	sadd.s32 @!p1 $0xE0, s0  }
0x109: {  	[tilespmem:s1], [sflag:$0x1] =	stream.linear.gather @!p1 [hbm4b:s3+s6], $0x700, $0x38;
	[tilespmem:$0x1FC80] =	vst v63  }
0x10a: {  	s31 =	smul.u32 $0x700, s31;
	s0 =	sadd.s32 @!p1 $0x188E0, s0;
	s1 =	sadd.s32 @!p1 $0xE00, s1  }
0x10b: {  	[tilespmem:s1], [sflag:$0x1] =	stream.linear.gather @!p1 [hbm4b:s0+s6], $0x700, $0x38;
	[tilespmem:$0x1FC80] =	vst v63  }
0x10c: {  	_ = 	snop  }
0x10d: {  	[tilespmem:s16], [sflag:$0x2] =	stream.indirect.gather [hbm4b:s22+s15], $0x20, s31, s15, $0xb8;
	[tilespmem:$0x1FC80] =	vst v63  }
0x10e: {  	s9 =	sor.u32 $0x80, s31  }
0x10f: {  	[tilespmem:s17], [sflag:$0x3] =	stream.indirect.gather [hbm4b:s22+s15], $0x20, s9, s15, $0xb8;
	[tilespmem:$0x1FC80] =	vst v63  }
0x110: {  	_ =	swait.ge [sflag:s18], $0x1000  }
0x111: {  	[sflag:s18] =	ssyncset.done $0x0  }
0x112: {  	s28 =	sadd.s32 $0xE00, s31;
	[sflag:s18] =	ssyncadd.s32 $0xFFFFF000  }
0x113: {  	[spmem:s2] =	stream.indirect.scatter.add.f32 [tilespmem:s16], [sflag:$0x6], $0x20, s28, s15, $0xb8;
	[tilespmem:$0x1FC80] =	vst v63  }
0x114: {  	s1 =	sadd.s32 $0x100, s31  }
0x115: {  	[tilespmem:s19], [sflag:$0x4] =	stream.indirect.gather [hbm4b:s22+s15], $0x20, s1, s15, $0xb8;
	[tilespmem:$0x1FC80] =	vst v63  }
0x116: {  	_ =	swait.ge [sflag:s20], $0x1000  }
0x117: {  	[sflag:s20] =	ssyncset.done $0x0  }
0x118: {  	s3 =	sadd.s32 $0xE80, s31;
	[sflag:s20] =	ssyncadd.s32 $0xFFFFF000  }
0x119: {  	[spmem:s2] =	stream.indirect.scatter.add.f32 [tilespmem:s17], [sflag:$0x7], $0x20, s3, s15, $0xb8;
	[tilespmem:$0x1FC80] =	vst v63  }
0x11a: {  	s5 =	sadd.s32 $0x180, s31  }
0x11b: {  	[tilespmem:s21], [sflag:$0x5] =	stream.indirect.gather [hbm4b:s22+s15], $0x20, s5, s15, $0xb8;
	[tilespmem:$0x1FC80] =	vst v63  }
0x11c: {  	_ =	swait.ge [sflag:s10], $0x1000  }
0x11d: {  	[sflag:s10] =	ssyncset.done $0x0  }
0x11e: {  	s6 =	sadd.s32 $0xF00, s31;
	[sflag:s10] =	ssyncadd.s32 $0xFFFFF000  }
0x11f: {  	[spmem:s2] =	stream.indirect.scatter.add.f32 [tilespmem:s19], [sflag:$0x8], $0x20, s6, s15, $0xb8;
	[tilespmem:$0x1FC80] =	vst v63  }
0x120: {  	_ =	swait.ge [sflag:s11], $0x1000  }
0x121: {  	[sflag:s11] =	ssyncset.done $0x0  }
0x122: {  	s7 =	sadd.s32 $0x200, s31;
	[sflag:s11] =	ssyncadd.s32 $0xFFFFF000  }
0x123: {  	[tilespmem:s16], [sflag:$0x2] =	stream.indirect.gather [hbm4b:s22+s15], $0x20, s7, s15, $0xb8;
	[tilespmem:$0x1FC80] =	vst v63  }
0x124: {  	_ =	swait.ge [sflag:s23], $0x1000  }
0x125: {  	[sflag:s23] =	ssyncset.done $0x0  }
0x126: {  	s8 =	sadd.s32 $0xF80, s31;
	[sflag:s23] =	ssyncadd.s32 $0xFFFFF000  }
0x127: {  	[spmem:s2] =	stream.indirect.scatter.add.f32 [tilespmem:s21], [sflag:$0x9], $0x20, s8, s15, $0xb8;
	[tilespmem:$0x1FC80] =	vst v63  }
0x128: {  	_ =	swait.ge [sflag:s24], $0x1000  }
0x129: {  	[sflag:s24] =	ssyncset.done $0x0  }
0x12a: {  	s9 =	sadd.s32 $0x280, s31;
	[sflag:s24] =	ssyncadd.s32 $0xFFFFF000  }
0x12b: {  	[tilespmem:s17], [sflag:$0x3] =	stream.indirect.gather [hbm4b:s22+s15], $0x20, s9, s15, $0xb8;
	[tilespmem:$0x1FC80] =	vst v63  }
0x12c: {  	_ =	swait.ge [sflag:s18], $0x1000  }
0x12d: {  	[sflag:s18] =	ssyncset.done $0x0  }
0x12e: {  	s28 =	sor.u32 $0x1000, s31;
	[sflag:s18] =	ssyncadd.s32 $0xFFFFF000  }
0x12f: {  	[spmem:s2] =	stream.indirect.scatter.add.f32 [tilespmem:s16], [sflag:$0x6], $0x20, s28, s15, $0xb8;
	[tilespmem:$0x1FC80] =	vst v63  }
0x130: {  	_ =	swait.ge [sflag:s25], $0x1000  }
0x131: {  	[sflag:s25] =	ssyncset.done $0x0  }
0x132: {  	s1 =	sadd.s32 $0x300, s31;
	[sflag:s25] =	ssyncadd.s32 $0xFFFFF000  }
0x133: {  	[tilespmem:s19], [sflag:$0x4] =	stream.indirect.gather [hbm4b:s22+s15], $0x20, s1, s15, $0xb8;
	[tilespmem:$0x1FC80] =	vst v63  }
0x134: {  	_ =	swait.ge [sflag:s20], $0x1000  }
0x135: {  	[sflag:s20] =	ssyncset.done $0x0  }
0x136: {  	s3 =	sor.u32 $0x1080, s31;
	[sflag:s20] =	ssyncadd.s32 $0xFFFFF000  }
0x137: {  	[spmem:s2] =	stream.indirect.scatter.add.f32 [tilespmem:s17], [sflag:$0x7], $0x20, s3, s15, $0xb8;
	[tilespmem:$0x1FC80] =	vst v63  }
0x138: {  	_ =	swait.ge [sflag:s26], $0x1000  }
0x139: {  	[sflag:s26] =	ssyncset.done $0x0  }
0x13a: {  	s5 =	sadd.s32 $0x380, s31;
	[sflag:s26] =	ssyncadd.s32 $0xFFFFF000  }
0x13b: {  	[tilespmem:s21], [sflag:$0x5] =	stream.indirect.gather [hbm4b:s22+s15], $0x20, s5, s15, $0xb8;
	[tilespmem:$0x1FC80] =	vst v63  }
0x13c: {  	_ =	swait.ge [sflag:s10], $0x1000  }
0x13d: {  	[sflag:s10] =	ssyncset.done $0x0  }
0x13e: {  	s6 =	sadd.s32 $0x1100, s31;
	[sflag:s10] =	ssyncadd.s32 $0xFFFFF000  }
0x13f: {  	[spmem:s2] =	stream.indirect.scatter.add.f32 [tilespmem:s19], [sflag:$0x8], $0x20, s6, s15, $0xb8;
	[tilespmem:$0x1FC80] =	vst v63  }
0x140: {  	_ =	swait.ge [sflag:s11], $0x1000  }
0x141: {  	[sflag:s11] =	ssyncset.done $0x0  }
0x142: {  	s7 =	sadd.s32 $0x400, s31;
	[sflag:s11] =	ssyncadd.s32 $0xFFFFF000  }
0x143: {  	[tilespmem:s16], [sflag:$0x2] =	stream.indirect.gather [hbm4b:s22+s15], $0x20, s7, s15, $0xb8;
	[tilespmem:$0x1FC80] =	vst v63  }
0x144: {  	_ =	swait.ge [sflag:s23], $0x1000  }
0x145: {  	[sflag:s23] =	ssyncset.done $0x0  }
0x146: {  	s8 =	sadd.s32 $0x1180, s31;
	[sflag:s23] =	ssyncadd.s32 $0xFFFFF000  }
0x147: {  	[spmem:s2] =	stream.indirect.scatter.add.f32 [tilespmem:s21], [sflag:$0x9], $0x20, s8, s15, $0xb8;
	[tilespmem:$0x1FC80] =	vst v63  }
0x148: {  	_ =	swait.ge [sflag:s24], $0x1000  }
0x149: {  	[sflag:s24] =	ssyncset.done $0x0  }
0x14a: {  	s9 =	sadd.s32 $0x480, s31;
	[sflag:s24] =	ssyncadd.s32 $0xFFFFF000  }
0x14b: {  	[tilespmem:s17], [sflag:$0x3] =	stream.indirect.gather [hbm4b:s22+s15], $0x20, s9, s15, $0xb8;
	[tilespmem:$0x1FC80] =	vst v63  }
0x14c: {  	_ =	swait.ge [sflag:s18], $0x1000  }
0x14d: {  	[sflag:s18] =	ssyncset.done $0x0  }
0x14e: {  	s28 =	sadd.s32 $0x1200, s31;
	[sflag:s18] =	ssyncadd.s32 $0xFFFFF000  }
0x14f: {  	[spmem:s2] =	stream.indirect.scatter.add.f32 [tilespmem:s16], [sflag:$0x6], $0x20, s28, s15, $0xb8;
	[tilespmem:$0x1FC80] =	vst v63  }
0x150: {  	_ =	swait.ge [sflag:s25], $0x1000  }
0x151: {  	[sflag:s25] =	ssyncset.done $0x0  }
0x152: {  	s1 =	sadd.s32 $0x500, s31;
	[sflag:s25] =	ssyncadd.s32 $0xFFFFF000  }
0x153: {  	[tilespmem:s19], [sflag:$0x4] =	stream.indirect.gather [hbm4b:s22+s15], $0x20, s1, s15, $0xb8;
	[tilespmem:$0x1FC80] =	vst v63  }
0x154: {  	_ =	swait.ge [sflag:s20], $0x1000  }
0x155: {  	[sflag:s20] =	ssyncset.done $0x0  }
0x156: {  	s3 =	sadd.s32 $0x1280, s31;
	[sflag:s20] =	ssyncadd.s32 $0xFFFFF000  }
0x157: {  	[spmem:s2] =	stream.indirect.scatter.add.f32 [tilespmem:s17], [sflag:$0x7], $0x20, s3, s15, $0xb8;
	[tilespmem:$0x1FC80] =	vst v63  }
0x158: {  	_ =	swait.ge [sflag:s26], $0x1000  }
0x159: {  	[sflag:s26] =	ssyncset.done $0x0  }
0x15a: {  	s5 =	sadd.s32 $0x580, s31;
	[sflag:s26] =	ssyncadd.s32 $0xFFFFF000  }
0x15b: {  	[tilespmem:s21], [sflag:$0x5] =	stream.indirect.gather [hbm4b:s22+s15], $0x20, s5, s15, $0xb8;
	[tilespmem:$0x1FC80] =	vst v63  }
0x15c: {  	_ =	swait.ge [sflag:s10], $0x1000  }
0x15d: {  	[sflag:s10] =	ssyncset.done $0x0  }
0x15e: {  	s6 =	sadd.s32 $0x1300, s31;
	[sflag:s10] =	ssyncadd.s32 $0xFFFFF000  }
0x15f: {  	[spmem:s2] =	stream.indirect.scatter.add.f32 [tilespmem:s19], [sflag:$0x8], $0x20, s6, s15, $0xb8;
	[tilespmem:$0x1FC80] =	vst v63  }
0x160: {  	_ =	swait.ge [sflag:s11], $0x1000  }
0x161: {  	[sflag:s11] =	ssyncset.done $0x0  }
0x162: {  	s7 =	sadd.s32 $0x600, s31;
	[sflag:s11] =	ssyncadd.s32 $0xFFFFF000  }
0x163: {  	[tilespmem:s16], [sflag:$0x2] =	stream.indirect.gather [hbm4b:s22+s15], $0x20, s7, s15, $0xb8;
	[tilespmem:$0x1FC80] =	vst v63  }
0x164: {  	_ =	swait.ge [sflag:s23], $0x1000  }
0x165: {  	[sflag:s23] =	ssyncset.done $0x0  }
0x166: {  	s8 =	sadd.s32 $0x1380, s31;
	[sflag:s23] =	ssyncadd.s32 $0xFFFFF000  }
0x167: {  	[spmem:s2] =	stream.indirect.scatter.add.f32 [tilespmem:s21], [sflag:$0x9], $0x20, s8, s15, $0xb8;
	[tilespmem:$0x1FC80] =	vst v63  }
0x168: {  	_ =	swait.ge [sflag:s24], $0x1000  }
0x169: {  	[sflag:s24] =	ssyncset.done $0x0  }
0x16a: {  	s9 =	sadd.s32 $0x680, s31;
	[sflag:s24] =	ssyncadd.s32 $0xFFFFF000  }
0x16b: {  	[tilespmem:s17], [sflag:$0x3] =	stream.indirect.gather [hbm4b:s22+s15], $0x20, s9, s15, $0xb8;
	[tilespmem:$0x1FC80] =	vst v63  }
0x16c: {  	_ =	swait.ge [sflag:s18], $0x1000  }
0x16d: {  	[sflag:s18] =	ssyncset.done $0x0  }
0x16e: {  	s28 =	sadd.s32 $0x1400, s31;
	[sflag:s18] =	ssyncadd.s32 $0xFFFFF000  }
0x16f: {  	[spmem:s2] =	stream.indirect.scatter.add.f32 [tilespmem:s16], [sflag:$0x6], $0x20, s28, s15, $0xb8;
	[tilespmem:$0x1FC80] =	vst v63  }
0x170: {  	_ =	swait.ge [sflag:s20], $0x1000  }
0x171: {  	[sflag:s20] =	ssyncset.done $0x0  }
0x172: {  	s31 =	sadd.s32 $0x1480, s31;
	[sflag:s20] =	ssyncadd.s32 $0xFFFFF000  }
0x173: {  	[spmem:s2] =	stream.indirect.scatter.add.f32 [tilespmem:s17], [sflag:$0x7], $0x20, s31, s15, $0xb8;
	[tilespmem:$0x1FC80] =	vst v63  }
0x174: {  	_ =	swait.ge [sflag:s11], $0x1000  }
0x175: {  	[sflag:s11] =	ssyncset.done $0x0  }
0x176: {  	[sflag:s11] =	ssyncadd.s32 $0xFFFFF000  }
0x177: {  	_ =	swait.ge [sflag:s24], $0x1000  }
0x178: {  	s29 =	sadd.s32 $0xE0, s29;
	[sflag:s24] =	ssyncset.done $0x0  }
0x179: {  	p0 =	sne.s32 s29, $0xC40;
	[sflag:s24] =	ssyncadd.s32 $0xFFFFF000  }
.Ltmp0:
0x17a: {  	_ =	swait.ge [sflag:s25], $0x1000;
	(pc) =	sbr.rel @p0 .LBB2_2-.Ltmp0, $4  }
0x17b: {  	[sflag:s25] =	ssyncset.done $0x0  }
0x17c: {  	[sflag:s25] =	ssyncadd.s32 $0xFFFFF000  }
0x17d: {  	_ =	swait.ge [sflag:s26], $0x1000  }
0x17e: {  	[sflag:s26] =	ssyncset.done $0x0  }
0x17f: {  	[sflag:s26] =	ssyncadd.s32 $0xFFFFF000  }
0x180: {  	[bflag:$0x0] =	sbarrier.arrive $0xFFFF  }
0x181: {  	s0 =	rddreg [dreg:$0x1d]  }
0x182: {  	[tilespmem:s12], [sflag:$0xA] =	stream.linear.gather [spmem:s0], $0x1880, $0x38;
	[tilespmem:$0x1FC80] =	vst v63  }
0x183: {  	_ =	swait.ge [sflag:s13], $0x1880  }
0x184: {  	[sflag:s13] =	ssyncset.done $0x0  }
0x185: {  	s7 =	rddreg [dreg:$0x6];
	[sflag:s13] =	ssyncadd.s32 $0xFFFFE780  }
0x186: {  	[hbm4b:s7+s4] =	stream.linear.scatter [tilespmem:s12], [sflag:$0xA], $0x1880, $0x38;
	[tilespmem:$0x1FC80] =	vst v63  }
0x187: {  	_ =	swait.ge [sflag:s13], $0x1880  }
0x188: {  	s8 =	sld [smem:$0x7F6]  }
0x189: {  	[sflag:s13] =	ssyncset.done $0x0  }
0x18a: {  	[sflag:s13] =	ssyncadd.s32 $0xFFFFE780  }
0x18b: {  	[tilespmem:s12], [sflag:$0xA] =	stream.linear.gather [spmem:s8], $0x1880, $0x38;
	[tilespmem:$0x1FC80] =	vst v63  }
0x18c: {  	_ =	swait.ge [sflag:s13], $0x1880  }
0x18d: {  	[sflag:s13] =	ssyncset.done $0x0  }
0x18e: {  	s8 =	rddreg [dreg:$0x7];
	[sflag:s13] =	ssyncadd.s32 $0xFFFFE780  }
0x18f: {  	[hbm4b:s8+s4] =	stream.linear.scatter [tilespmem:s12], [sflag:$0xA], $0x1880, $0x38;
	[tilespmem:$0x1FC80] =	vst v63  }
0x190: {  	_ =	swait.ge [sflag:s13], $0x1880  }
0x191: {  	[sflag:s13] =	ssyncset.done $0x0  }
0x192: {  	s9 =	rddreg [dreg:$0x1a];
	[sflag:s13] =	ssyncadd.s32 $0xFFFFE780  }
0x193: {  	[tilespmem:s12], [sflag:$0xA] =	stream.linear.gather [spmem:s9], $0x1880, $0x38;
	[tilespmem:$0x1FC80] =	vst v63  }
0x194: {  	_ =	swait.ge [sflag:s13], $0x1880  }
0x195: {  	[sflag:s13] =	ssyncset.done $0x0  }
0x196: {  	s1 =	rddreg [dreg:$0x8];
	[sflag:s13] =	ssyncadd.s32 $0xFFFFE780  }
0x197: {  	[hbm4b:s1+s4] =	stream.linear.scatter [tilespmem:s12], [sflag:$0xA], $0x1880, $0x38;
	[tilespmem:$0x1FC80] =	vst v63  }
0x198: {  	_ =	swait.ge [sflag:s13], $0x1880  }
0x199: {  	s3 =	sld [smem:$0x7F7]  }
0x19a: {  	[sflag:s13] =	ssyncset.done $0x0  }
0x19b: {  	[sflag:s13] =	ssyncadd.s32 $0xFFFFE780  }
0x19c: {  	[tilespmem:s12], [sflag:$0xA] =	stream.linear.gather [spmem:s3], $0x1880, $0x38;
	[tilespmem:$0x1FC80] =	vst v63  }
0x19d: {  	_ =	swait.ge [sflag:s13], $0x1880  }
0x19e: {  	[sflag:s13] =	ssyncset.done $0x0  }
0x19f: {  	s5 =	rddreg [dreg:$0x9];
	[sflag:s13] =	ssyncadd.s32 $0xFFFFE780  }
0x1a0: {  	[hbm4b:s5+s4] =	stream.linear.scatter [tilespmem:s12], [sflag:$0xA], $0x1880, $0x38;
	[tilespmem:$0x1FC80] =	vst v63  }
0x1a1: {  	_ =	swait.ge [sflag:s13], $0x1880  }
0x1a2: {  	[sflag:s13] =	ssyncset.done $0x0  }
0x1a3: {  	s6 =	rddreg [dreg:$0x16];
	[sflag:s13] =	ssyncadd.s32 $0xFFFFE780  }
0x1a4: {  	[tilespmem:s12], [sflag:$0xA] =	stream.linear.gather [spmem:s6], $0x1880, $0x38;
	[tilespmem:$0x1FC80] =	vst v63  }
0x1a5: {  	_ =	swait.ge [sflag:s13], $0x1880  }
0x1a6: {  	[sflag:s13] =	ssyncset.done $0x0  }
0x1a7: {  	s7 =	rddreg [dreg:$0xa];
	[sflag:s13] =	ssyncadd.s32 $0xFFFFE780  }
0x1a8: {  	[hbm4b:s7+s4] =	stream.linear.scatter [tilespmem:s12], [sflag:$0xA], $0x1880, $0x38;
	[tilespmem:$0x1FC80] =	vst v63  }
0x1a9: {  	_ =	swait.ge [sflag:s13], $0x1880  }
0x1aa: {  	[sflag:s13] =	ssyncset.done $0x0  }
0x1ab: {  	s31 =	rddreg [dreg:$0x17];
	[sflag:s13] =	ssyncadd.s32 $0xFFFFE780  }
0x1ac: {  	[tilespmem:s12], [sflag:$0xA] =	stream.linear.gather [spmem:s31], $0x1880, $0x38;
	[tilespmem:$0x1FC80] =	vst v63  }
0x1ad: {  	_ =	swait.ge [sflag:s13], $0x1880  }
0x1ae: {  	[sflag:s13] =	ssyncset.done $0x0  }
0x1af: {  	s8 =	rddreg [dreg:$0xb];
	[sflag:s13] =	ssyncadd.s32 $0xFFFFE780  }
0x1b0: {  	[hbm4b:s8+s4] =	stream.linear.scatter [tilespmem:s12], [sflag:$0xA], $0x1880, $0x38;
	[tilespmem:$0x1FC80] =	vst v63  }
0x1b1: {  	_ =	swait.ge [sflag:s13], $0x1880  }
0x1b2: {  	[sflag:s13] =	ssyncset.done $0x0  }
0x1b3: {  	s9 =	rddreg [dreg:$0x18];
	[sflag:s13] =	ssyncadd.s32 $0xFFFFE780  }
0x1b4: {  	[tilespmem:s12], [sflag:$0xA] =	stream.linear.gather [spmem:s9], $0x1880, $0x38;
	[tilespmem:$0x1FC80] =	vst v63  }
0x1b5: {  	_ =	swait.ge [sflag:s13], $0x1880  }
0x1b6: {  	[sflag:s13] =	ssyncset.done $0x0  }
0x1b7: {  	s1 =	rddreg [dreg:$0xc];
	[sflag:s13] =	ssyncadd.s32 $0xFFFFE780  }
0x1b8: {  	[hbm4b:s1+s4] =	stream.linear.scatter [tilespmem:s12], [sflag:$0xA], $0x1880, $0x38;
	[tilespmem:$0x1FC80] =	vst v63  }
0x1b9: {  	_ =	swait.ge [sflag:s13], $0x1880  }
0x1ba: {  	[sflag:s13] =	ssyncset.done $0x0  }
0x1bb: {  	s7 =	rddreg [dreg:$0x19];
	[sflag:s13] =	ssyncadd.s32 $0xFFFFE780  }
0x1bc: {  	[tilespmem:s12], [sflag:$0xA] =	stream.linear.gather [spmem:s7], $0x1880, $0x38;
	[tilespmem:$0x1FC80] =	vst v63  }
0x1bd: {  	_ =	swait.ge [sflag:s13], $0x1880  }
0x1be: {  	[sflag:s13] =	ssyncset.done $0x0  }
0x1bf: {  	s3 =	rddreg [dreg:$0xd];
	[sflag:s13] =	ssyncadd.s32 $0xFFFFE780  }
0x1c0: {  	[hbm4b:s3+s4] =	stream.linear.scatter [tilespmem:s12], [sflag:$0xA], $0x1880, $0x38;
	[tilespmem:$0x1FC80] =	vst v63  }
0x1c1: {  	_ =	swait.ge [sflag:s13], $0x1880  }
0x1c2: {  	[sflag:s13] =	ssyncset.done $0x0  }
0x1c3: {  	s8 =	rddreg [dreg:$0x1b];
	[sflag:s13] =	ssyncadd.s32 $0xFFFFE780  }
0x1c4: {  	[tilespmem:s12], [sflag:$0xA] =	stream.linear.gather [spmem:s8], $0x1880, $0x38;
	[tilespmem:$0x1FC80] =	vst v63  }
0x1c5: {  	_ =	swait.ge [sflag:s13], $0x1880  }
0x1c6: {  	[sflag:s13] =	ssyncset.done $0x0  }
0x1c7: {  	s5 =	rddreg [dreg:$0xe];
	[sflag:s13] =	ssyncadd.s32 $0xFFFFE780  }
0x1c8: {  	[hbm4b:s5+s4] =	stream.linear.scatter [tilespmem:s12], [sflag:$0xA], $0x1880, $0x38;
	[tilespmem:$0x1FC80] =	vst v63  }
0x1c9: {  	_ =	swait.ge [sflag:s13], $0x1880  }
0x1ca: {  	[sflag:s13] =	ssyncset.done $0x0  }
0x1cb: {  	s9 =	rddreg [dreg:$0x1c];
	[sflag:s13] =	ssyncadd.s32 $0xFFFFE780  }
0x1cc: {  	[tilespmem:s12], [sflag:$0xA] =	stream.linear.gather [spmem:s9], $0x1880, $0x38;
	[tilespmem:$0x1FC80] =	vst v63  }
0x1cd: {  	_ =	swait.ge [sflag:s13], $0x1880  }
0x1ce: {  	[sflag:s13] =	ssyncset.done $0x0  }
0x1cf: {  	s6 =	rddreg [dreg:$0xf];
	[sflag:s13] =	ssyncadd.s32 $0xFFFFE780  }
0x1d0: {  	[hbm4b:s6+s4] =	stream.linear.scatter [tilespmem:s12], [sflag:$0xA], $0x1880, $0x38;
	[tilespmem:$0x1FC80] =	vst v63  }
0x1d1: {  	_ =	swait.ge [sflag:s13], $0x1880  }
0x1d2: {  	[sflag:s13] =	ssyncset.done $0x0  }
0x1d3: {  	s28 =	rddreg [dreg:$0x1e];
	[sflag:s13] =	ssyncadd.s32 $0xFFFFE780  }
0x1d4: {  	[tilespmem:s12], [sflag:$0xA] =	stream.linear.gather [spmem:s28], $0x1880, $0x38;
	[tilespmem:$0x1FC80] =	vst v63  }
0x1d5: {  	_ =	swait.ge [sflag:s13], $0x1880  }
0x1d6: {  	[sflag:s13] =	ssyncset.done $0x0  }
0x1d7: {  	s1 =	rddreg [dreg:$0x10];
	[sflag:s13] =	ssyncadd.s32 $0xFFFFE780  }
0x1d8: {  	[hbm4b:s1+s4] =	stream.linear.scatter [tilespmem:s12], [sflag:$0xA], $0x1880, $0x38;
	[tilespmem:$0x1FC80] =	vst v63  }
0x1d9: {  	_ =	swait.ge [sflag:s13], $0x1880  }
0x1da: {  	[sflag:s13] =	ssyncset.done $0x0  }
0x1db: {  	s4 =	rddreg [dreg:$0x1f];
	[sflag:s13] =	ssyncadd.s32 $0xFFFFE780  }
0x1dc: {  	[tilespmem:s12], [sflag:$0xA] =	stream.linear.gather [spmem:s4], $0x1880, $0x38;
	[tilespmem:$0x1FC80] =	vst v63  }
0x1dd: {  	_ =	swait.ge [sflag:s13], $0x1880  }
0x1de: {  	[sflag:s13] =	ssyncset.done $0x0  }
0x1df: {  	s6 =	simm.s32 $0x0;
	s3 =	rddreg [dreg:$0x11];
	[sflag:s13] =	ssyncadd.s32 $0xFFFFE780  }
0x1e0: {  	[hbm4b:s3+s6] =	stream.linear.scatter [tilespmem:s12], [sflag:$0xA], $0x1880, $0x38;
	[tilespmem:$0x1FC80] =	vst v63  }
0x1e1: {  	_ =	swait.ge [sflag:s13], $0x1880  }
0x1e2: {  	s3 =	sld [smem:$0x7FA]  }
0x1e3: {  	[sflag:s13] =	ssyncset.done $0x0  }
0x1e4: {  	[sflag:s13] =	ssyncadd.s32 $0xFFFFE780  }
0x1e5: {  	[tilespmem:s12], [sflag:$0xA] =	stream.linear.gather [spmem:s3], $0x1880, $0x38;
	[tilespmem:$0x1FC80] =	vst v63  }
0x1e6: {  	_ =	swait.ge [sflag:s13], $0x1880  }
0x1e7: {  	[sflag:s13] =	ssyncset.done $0x0  }
0x1e8: {  	s5 =	rddreg [dreg:$0x12];
	[sflag:s13] =	ssyncadd.s32 $0xFFFFE780  }
0x1e9: {  	[hbm4b:s5+s6] =	stream.linear.scatter [tilespmem:s12], [sflag:$0xA], $0x1880, $0x38;
	[tilespmem:$0x1FC80] =	vst v63  }
0x1ea: {  	_ =	swait.ge [sflag:s13], $0x1880  }
0x1eb: {  	s5 =	sld [smem:$0x7FB]  }
0x1ec: {  	[sflag:s13] =	ssyncset.done $0x0  }
0x1ed: {  	[sflag:s13] =	ssyncadd.s32 $0xFFFFE780  }
0x1ee: {  	[tilespmem:s12], [sflag:$0xA] =	stream.linear.gather [spmem:s5], $0x1880, $0x38;
	[tilespmem:$0x1FC80] =	vst v63  }
0x1ef: {  	_ =	swait.ge [sflag:s13], $0x1880  }
0x1f0: {  	[sflag:s13] =	ssyncset.done $0x0  }
0x1f1: {  	s1 =	rddreg [dreg:$0x13];
	[sflag:s13] =	ssyncadd.s32 $0xFFFFE780  }
0x1f2: {  	[hbm4b:s1+s6] =	stream.linear.scatter [tilespmem:s12], [sflag:$0xA], $0x1880, $0x38;
	[tilespmem:$0x1FC80] =	vst v63  }
0x1f3: {  	_ =	swait.ge [sflag:s13], $0x1880  }
0x1f4: {  	s29 =	sld [smem:$0x7FC]  }
0x1f5: {  	[sflag:s13] =	ssyncset.done $0x0  }
0x1f6: {  	[sflag:s13] =	ssyncadd.s32 $0xFFFFE780  }
0x1f7: {  	[tilespmem:s12], [sflag:$0xA] =	stream.linear.gather [spmem:s29], $0x1880, $0x38;
	[tilespmem:$0x1FC80] =	vst v63  }
0x1f8: {  	_ =	swait.ge [sflag:s13], $0x1880  }
0x1f9: {  	[sflag:s13] =	ssyncset.done $0x0  }
0x1fa: {  	s1 =	rddreg [dreg:$0x14];
	[sflag:s13] =	ssyncadd.s32 $0xFFFFE780  }
0x1fb: {  	[hbm4b:s1+s6] =	stream.linear.scatter [tilespmem:s12], [sflag:$0xA], $0x1880, $0x38;
	[tilespmem:$0x1FC80] =	vst v63  }
0x1fc: {  	_ =	swait.ge [sflag:s13], $0x1880  }
0x1fd: {  	s30 =	sld [smem:$0x7FD]  }
0x1fe: {  	[sflag:s13] =	ssyncset.done $0x0  }
0x1ff: {  	[sflag:s13] =	ssyncadd.s32 $0xFFFFE780  }
0x200: {  	[tilespmem:s12], [sflag:$0xA] =	stream.linear.gather [spmem:s30], $0x1880, $0x38;
	[tilespmem:$0x1FC80] =	vst v63  }
0x201: {  	_ =	swait.ge [sflag:s13], $0x1880  }
0x202: {  	[sflag:s13] =	ssyncset.done $0x0  }
0x203: {  	s1 =	rddreg [dreg:$0x15];
	[sflag:s13] =	ssyncadd.s32 $0xFFFFE780  }
0x204: {  	[hbm4b:s1+s6] =	stream.linear.scatter [tilespmem:s12], [sflag:$0xA], $0x1880, $0x38;
	[tilespmem:$0x1FC80] =	vst v63  }
0x205: {  	_ =	swait.ge [sflag:s13], $0x1880  }
0x206: {  	s1 =	sld [smem:$0x7F5]  }
0x207: {  	s0 =	sld [smem:$0x7F8];
	_ =	sdelay $0x1  }
0x208: {  	s1 =	sadd.s32 $0x1, s1  }
0x209: {  	p0 =	sne.s32 s1, s0  }
.Ltmp1:
0x20a: {  	_ = 	snop;
	(pc) =	sbr.rel @p0 .LBB2_1-.Ltmp1, $3  }
0x20b: {  	_ =	sdelay $0x1  }
0x20c: {  	[sflag:s13] =	ssyncset.done $0x0  }
0x20d: {  	[sflag:s13] =	ssyncadd.s32 $0xFFFFE780  }
0x20e: {  	_ =	sfence.sel $0x180000  }
0x20f: {  	[bflag:$0x0] =	sbarrier.arrive $0xFFFF  }
0x210: {  	_ =	strace $0x9000004D  }
0x211: {  	s0 =	stileid.u32;
	[bflag:$0x2] =	sbarrier.arrive $0xFFFF  }
0x212: {  	p0 =	sne.s32 s0, $0x0;
	s0 =	rddreg [dreg:$0x3]  }
0x213: {  	s0 =	sadd.s32 @!p0 $0x100000, s0  }
0x214: {  	[sflag:s0] =	ssyncadd.tile.s32 @!p0 $0x1;
	_ =	shalt  }
.Lfunc_end2:
_tile_overlayer_lowered:
.L_overlay_start_2:
0x215: {  	(tag) =	ssettag $0x2  }
0x216: {  	s0 =	rddreg [dreg:$0x0];
	s2 =	stileid.u32  }
0x217: {  	s1 =	rddreg [dreg:$0x1];
	p0 =	sne.s32 s2, $0x0  }
0x218: {  	s3 =	rddreg [dreg:$0x2];
	[bflag:$0x3] =	sbarrier.arrive $0xFFFF;
	s2 =	simm.s32 @!p0 $0x1C0A  }
0x219: {  	[timem:s3], [sflag:s2] =	dma.local @!p0 [hbm:s0], s1  }
0x21a: {  	s0 =	simm.s32 @!p0 $0xA  }
0x21b: {  	_ =	swait.ge @!p0 [sflag:s0], s1  }
0x21c: {  	s1 =	ssub.s32 @!p0 $0x0, s1;
	[sflag:s0] =	ssyncset.done @!p0 $0x0  }
0x21d: {  	[sflag:s0] =	ssyncadd.s32 @!p0 s1  }
0x21e: {  	[bflag:$0x3] =	sbarrier.arrive $0xFFFF  }
0x21f: {  	_ =	shalt  }

// kernel: kernel.9.cloned.1.call-start
scs
__scs_entry_jumppad:
0x0: {  	(pc) =	sbr.rel $0x88, $3  }
0x1: {  	(tag) =	ssettag $0x0;
	lr =	simm.s32 $0x1  }
0x2: {  	[smem:$0x3F95] =	sst lr;
	_ =	strace $0xD0000000  }
0x3: {  	_ = 	snop  }
0x4: {  	_ = 	snop  }
0x5: {  	_ = 	snop  }
0x6: {  	_ = 	snop  }
0x7: {  	_ = 	snop  }
__scs_overlays_trampoline_lowered:
0x8: {  	[smem:$0x3FA4] =	sst s0  }
0x9: {  	[smem:$0x3FA5] =	sst s1  }
0xa: {  	[smem:$0x3FA6] =	sst s2  }
0xb: {  	[smem:$0x3FA7] =	sst s3  }
0xc: {  	[smem:$0x3FA8] =	sst s4  }
0xd: {  	[smem:$0x3FA9] =	sst s5  }
0xe: {  	[smem:$0x3FAA] =	sst s6  }
0xf: {  	[smem:$0x3FAB] =	sst s7  }
0x10: {  	[smem:$0x3FAC] =	sst s8  }
0x11: {  	[smem:$0x3FAD] =	sst s9;
	s0 =	simm.s32 @!p0 $0x0  }
0x12: {  	s1 =	sld [smem:$0x3F93];
	s0 =	simm.s32 @p0 $0x1  }
0x13: {  	[smem:$0x3FAE] =	sst s0;
	s0 =	simm.s32 @!p1 $0x0  }
0x14: {  	s2 =	sld [smem:$0x3F92];
	s0 =	simm.s32 @p1 $0x1  }
0x15: {  	[smem:$0x3FAF] =	sst s0;
	s0 =	simm.s32 @!p2 $0x0  }
0x16: {  	s3 =	sld [smem:$0x3FDB];
	s0 =	simm.s32 @p2 $0x1  }
0x17: {  	s4 =	simm.s32 $0x1BF5;
	[smem:$0x3FB1] =	sst s0  }
0x18: {  	s0 =	sld [smem:$0x3F94];
	_ =	swait.ge [sflag:s4], $0x0  }
0x19: {  	s7 =	sld [smem:$0x3F95]  }
0x1a: {  	s8 =	sadd.s32 $0xFFFFE003, lr  }
0x1b: {  	s9 =	sadd.s32 $0xFFFFFEF7, lr;
	s5 =	simm.s32 $0xFFFFFFFF;
	p2 =	slt.u32 s8, $0xFFFFF086  }
0x1c: {  	p1 =	slt.u32 s9, $0xF7A;
	s5 =	simm.s32 @!p2 $0x0  }
0x1d: {  	s5 =	simm.s32 @p1 $0x1;
	p0 =	seq.s32 s7, s2  }
0x1e: {  	s7 =	smul.u32 @!p0 $0xF7A, s2;
	p2 =	seq.s32 @!p0 s5, $0x0  }
0x1f: {  	s9 =	smul.u32 $0xF7A, s1;
	s8 =	simm.s32 @!p0 $0x1BF5;
	p2 =	por !p2, p0  }
0x20: {  	[sflag:s8] =	ssyncset.s32 @!p0 $0xFFFFF086;
	s6 =	sadd.s32 @!p0 s3, s7;
	s7 =	simm.s32 @!p0 $0x108  }
0x21: {  	s3 =	sadd.s32 s3, s9;
	s6 =	sadd.s32 @!p0 $0x88, s6;
	s7 =	simm.s32 @p2 $0x1082  }
0x22: {  	[simem:s7], [sflag:s8] =	dma.local @!p0 [hbm:s6], $0xF7A  }
0x23: {  	s9 =	sor.u32 $0xD0000000, s2;
	s6 =	simm.s32 $0x108;
	_ =	swait.ge @!p0 [sflag:s8], $0x0  }
0x24: {  	s3 =	sadd.s32 $0x88, s3;
	s6 =	simm.s32 @!p1 $0x1082;
	[sflag:s4] =	ssyncset.s32 $0xFFFFF086  }
0x25: {  	[simem:s6], [sflag:s4] =	dma.local [hbm:s3], $0xF7A  }
0x26: {  	[smem:$0x3F95] =	sst s1;
	(tag) =	ssettag s2;
	_ =	strace s9  }
0x27: {  	s1 =	sld [smem:$0x3FA5]  }
0x28: {  	s2 =	sld [smem:$0x3FA6]  }
0x29: {  	s4 =	sld [smem:$0x3FA8]  }
0x2a: {  	p0 =	seq.s32 s5, $0x0;
	s5 =	sld [smem:$0x3FA9]  }
0x2b: {  	s6 =	sld [smem:$0x3FAA]  }
0x2c: {  	s7 =	sld [smem:$0x3FAB]  }
0x2d: {  	s3 =	simm.s32 $0x108;
	s8 =	sld [smem:$0x3FAC]  }
0x2e: {  	s3 =	simm.s32 @!p0 $0x1082;
	s9 =	sld [smem:$0x3FAD]  }
0x2f: {  	lr =	sadd.s32 s0, s3;
	s0 =	sld [smem:$0x3FA4]  }
0x30: {  	s3 =	sld [smem:$0x3FA7]  }
0x31: {  	[smem:$0x3FB0] =	sst s10  }
0x32: {  	s10 =	sld [smem:$0x3FAE];
	_ =	sdelay $0x3  }
0x33: {  	p0 =	seq.s32 s10, $0x1;
	s10 =	sld [smem:$0x3FB0];
	_ =	sdelay $0x3  }
0x34: {  	[smem:$0x3FB0] =	sst s10  }
0x35: {  	s10 =	sld [smem:$0x3FAF];
	_ =	sdelay $0x3  }
0x36: {  	p1 =	seq.s32 s10, $0x1;
	s10 =	sld [smem:$0x3FB0];
	_ =	sdelay $0x3  }
0x37: {  	[smem:$0x3FB0] =	sst s10  }
0x38: {  	s10 =	sld [smem:$0x3FB1]  }
0x39: {  	_ = 	snop;
	(pc) =	sbr.ind lr, $3  }
0x3a: {  	_ = 	snop  }
0x3b: {  	_ = 	snop  }
0x3c: {  	p2 =	seq.s32 s10, $0x1;
	s10 =	sld [smem:$0x3FB0]  }
0x3d: {  	_ =	shalt  }
0x3e: {  	_ =	shalt  }
0x3f: {  	_ =	shalt  }
0x40: {  	_ =	shalt  }
0x41: {  	_ =	shalt  }
0x42: {  	_ =	shalt  }
0x43: {  	_ =	shalt  }
0x44: {  	_ =	shalt  }
0x45: {  	_ =	shalt  }
0x46: {  	_ =	shalt  }
0x47: {  	_ =	shalt  }
0x48: {  	_ =	shalt  }
0x49: {  	_ =	shalt  }
0x4a: {  	_ =	shalt  }
0x4b: {  	_ =	shalt  }
0x4c: {  	_ =	shalt  }
0x4d: {  	_ =	shalt  }
0x4e: {  	_ =	shalt  }
0x4f: {  	_ =	shalt  }
0x50: {  	_ =	shalt  }
0x51: {  	_ =	shalt  }
0x52: {  	_ =	shalt  }
0x53: {  	_ =	shalt  }
0x54: {  	_ =	shalt  }
0x55: {  	_ =	shalt  }
0x56: {  	_ =	shalt  }
0x57: {  	_ =	shalt  }
0x58: {  	_ =	shalt  }
0x59: {  	_ =	shalt  }
0x5a: {  	_ =	shalt  }
0x5b: {  	_ =	shalt  }
0x5c: {  	_ =	shalt  }
0x5d: {  	_ =	shalt  }
0x5e: {  	_ =	shalt  }
0x5f: {  	_ =	shalt  }
0x60: {  	_ =	shalt  }
0x61: {  	_ =	shalt  }
0x62: {  	_ =	shalt  }
0x63: {  	_ =	shalt  }
0x64: {  	_ =	shalt  }
0x65: {  	_ =	shalt  }
0x66: {  	_ =	shalt  }
0x67: {  	_ =	shalt  }
0x68: {  	_ =	shalt  }
0x69: {  	_ =	shalt  }
0x6a: {  	_ =	shalt  }
0x6b: {  	_ =	shalt  }
0x6c: {  	_ =	shalt  }
0x6d: {  	_ =	shalt  }
0x6e: {  	_ =	shalt  }
0x6f: {  	_ =	shalt  }
0x70: {  	_ =	shalt  }
0x71: {  	_ =	shalt  }
0x72: {  	_ =	shalt  }
0x73: {  	_ =	shalt  }
0x74: {  	_ =	shalt  }
0x75: {  	_ =	shalt  }
0x76: {  	_ =	shalt  }
0x77: {  	_ =	shalt  }
0x78: {  	_ =	shalt  }
0x79: {  	_ =	shalt  }
0x7a: {  	_ =	shalt  }
0x7b: {  	_ =	shalt  }
0x7c: {  	_ =	shalt  }
0x7d: {  	_ =	shalt  }
0x7e: {  	_ =	shalt  }
0x7f: {  	_ =	shalt  }
0x80: {  	_ =	shalt  }
0x81: {  	_ =	shalt  }
0x82: {  	_ =	shalt  }
0x83: {  	_ =	shalt  }
0x84: {  	_ =	shalt  }
0x85: {  	_ =	shalt  }
0x86: {  	_ =	shalt  }
0x87: {  	_ =	shalt  }
.Lfunc_end0:
.L_simem_size_0:
called_computation_lowered:
.L_overlay_start_0:
0x88: {  	s2 =	sld [smem:$0x3FD9]  }
0x89: {  	s3 =	sld [smem:$0x3FFE];
	_ =	sdelay $0x1  }
0x8a: {  	s1 =	srdreg.scid  }
0x8b: {  	s0 =	sand.u32 $0x1, s1  }
0x8c: {  	s16 =	sshll.u32 s0, $0xA;
	s2 =	sadd.s32 s3, s2  }
0x8d: {  	s2 =	sadd.s32 s2, s16  }
0x8e: {  	[smem:$0x3FBC] =	sst s2  }
0x8f: {  	_ = 	snop  }
0x90: {  	(tm) =	ssettm $0x1  }
0x91: {  	s17 =	sld [smem:$0x3FFB];
	_ =	sdelay $0x3  }
0x92: {  	_ =	strace s17  }
0x93: {  	s2 =	sld [smem:$0x3FFC];
	_ =	sdelay $0x3  }
0x94: {  	_ =	strace s2  }
0x95: {  	s2 =	sld [smem:$0x3FFD];
	_ =	sdelay $0x3  }
0x96: {  	_ =	strace s2  }
0x97: {  	_ =	strace $0x8FFFFFFF  }
0x98: {  	s18 =	sld [smem:$0x3FDB];
	_ =	sdelay $0x1  }
0x99: {  	s19 =	simm.s32 $_scs_section_size  }
0x9a: {  	s4 =	simm.s32 $_size__tile_overlayer_lowered;
	s5 =	simm.s32 $_tile_overlayer_lowered  }
0x9b: {  	s22 =	simm.s32 $0x1BFF;
	s21 =	sshll.u32 s5, $0x1;
	s2 =	sadd.s32 s19, s18  }
0x9c: {  	s6 =	simm.s32 $0x0;
	s20 =	sshll.u32 s4, $0x1;
	s4 =	sadd.s32 s21, s2  }
0x9d: {  	[timem:s6], [sflag:s22] =	dma.local [hbm:s4], s20  }
0x9e: {  	_ =	swait.ge [sflag:s22], s20  }
0x9f: {  	s3 =	ssub.s32 $0x0, s20;
	[sflag:s22] =	ssyncset.done $0x0  }
0xa0: {  	[sflag:s22] =	ssyncadd.s32 s3;
	_ =	sdelay $0x1  }
0xa1: {  	s23 =	simm.s32 $0x1B8B  }
0xa2: {  	_ =	swait.ge [sflag:s23], $0x1  }
0xa3: {  	[sflag:s23] =	ssyncset.done $0x0  }
0xa4: {  	s25 =	simm.s32 $0x1B8E;
	s24 =	sld [smem:$0x3FFE];
	[sflag:s23] =	ssyncadd.s32 $0xFFFFFFFF  }
0xa5: {  	s26 =	simm.s32 $execute0_lowered;
	[smem:$0x3FD2] =	sst s25  }
0xa6: {  	s4 =	sshll.u32 s26, $0x1;
	_ =	strace $0x80000046;
	[dreg:$0x1] =	wrdreg $0xFFFFFFFF  }
0xa7: {  	s28 =	simm.s32 $_size_execute0_lowered;
	s2 =	sadd.s32 s2, s4;
	[dreg:$0x0] =	wrdreg $0x0  }
0xa8: {  	s4 =	sshll.u32 s28, $0x1;
	[dreg:$0x2] =	wrdreg s2  }
0xa9: {  	[dreg:$0x3] =	wrdreg s4  }
0xaa: {  	[dreg:$0x4] =	wrdreg $0xC0  }
0xab: {  	_ =	task [dreg:s6], $0x5FFFF  }
0xac: {  	[dreg:$0x1] =	wrdreg $0xFFFFFFFF  }
0xad: {  	[dreg:$0x0] =	wrdreg $0x60  }
0xae: {  	[dreg:$0x2] =	wrdreg s24  }
0xaf: {  	[dreg:$0x3] =	wrdreg $0x9  }
0xb0: {  	_ =	task.clear_ibuf [dreg:s6], $0x4FFFF;
	_ =	strace $0x90000046  }
0xb1: {  	s29 =	simm.s32 $0x9;
	_ =	strace $0x80000048  }
0xb2: {  	_ =	swait.ge [sflag:s29], $0x1  }
0xb3: {  	[sflag:s29] =	ssyncadd.s32 $0xFFFFFFFF  }
0xb4: {  	_ =	strace $0x90000048  }
0xb5: {  	_ =	sfence  }
0xb6: {  	s30 =	sld [smem:$0x0];
	_ =	sdelay $0x2  }
0xb7: {  	s31 =	sshll.u32 s1, $0xD;
	s1 =	sshrl.u32 s1, $0x2  }
0xb8: {  	s3 =	sand.u32 $0x4000, s31;
	s1 =	sadd.s32 s1, s30  }
0xb9: {  	s0 =	sor.u32 s3, s0;
	s1 =	sshll.u32 s1, $0x11  }
0xba: {  	s0 =	sor.u32 s1, s0  }
0xbb: {  	s0 =	sadd.s32 $0x8F2B, s0  }
0xbc: {  	[sflag:s0] =	ssyncadd.remote.s32 $0x1  }
0xbd: {  	_ =	sfence.sel $0xFFFF  }
0xbe: {  	[dreg:$0x0] =	wrdreg $0xFFFFFFFF;
	(pc) =	sbr.abs _section_cstart, $3  }
0xbf: {  	[dreg:$0x1] =	wrdreg $0xFFFFFFFF  }
0xc0: {  	_ =	task.clear_ibuf [dreg:s6], $0x2FFFF;
	_ =	strace $0x9FFFFFFF  }
0xc1: {  	(tm) =	ssettm $0x7FFFFFFF  }
tec
execute0_lowered:
.L_overlay_start_1:
0x0: {  	(tag) =	ssettag $0x1  }
0x1: {  	s3 =	rddreg [dreg:$0x0];
	s1 =	srdreg.scid  }
0x2: {  	s0 =	rddreg [dreg:$0x1];
	s4 =	sand.u32 $0x1, s1  }
0x3: {  	s2 =	simm.s32 $0x0;
	s1 =	stileid.u32;
	s5 =	smul.u32 $0xC400, s4  }
0x4: {  	s8 =	simm.s32 $0x0;
	s6 =	sshll.u32 s4, $0x4;
	s7 =	smul.u32 $0xC40, s1  }
0x5: {  	[smem:$0x7FF] =	sst s2;
	s4 =	ssub.s32 $0x2, s4;
	s6 =	sor.u32 s1, s6  }
0x6: {  	s31 =	sshrl.u32 s4, $0x1;
	s6 =	smul.u32 $0x1880, s6;
	s5 =	sadd.s32 s7, s5  }
0x7: {  	_ =	strace $0x80000047;
	s7 =	ssub.s32 s4, s31;
	s5 =	sadd.s32 s5, s3  }
0x8: {  	s6 =	sadd.s32 s6, s3;
	s3 =	sadd.s32 $0x1B000, s5;
	s5 =	smax.u32 s7, $0x1  }
0x9: {  	v0 =	vimm.f32 $0.0e+00;
	v1 =	vimm.f32 $1.000000000e+00;
	s7 =	simm.s32 $0x6200;
	s4 =	sadd.s32 $0x33800, s6;
	s6 =	simm.s32 $0x1  }
.LBB2_1:
0xa: {  	[tilespmem:s2], [sflag:$0x1] =	stream.linear.gather [hbm4b:s3+s2], $0x6200, $0x38;
	[tilespmem:$0x12600] =	vst v63  }
0xb: {  	_ =	swait.ge [sflag:s6], $0x6200  }
0xc: {  	[sflag:s6] =	ssyncset.done $0x0  }
0xd: {  	s9 =	simm.s32 $0x0;
	[sflag:s6] =	ssyncadd.s32 $0xFFFF9E00  }
.LBB2_2:
0xe: {  	p0 =	sne.s32 s9, $0x30FC0  }
.Ltmp0:
0xf: {  	_ = 	snop;
	(pc) =	sbr.rel @p0 .LBB2_2-.Ltmp0, $3  }
0x10: {  	_ =	sdelay $0x1  }
0x11: {  	s10 =	sshra.s32 s9, $0x2  }
0x12: {  	s9 =	sadd.s32 $0x40, s9;
	[tilespmem:s10+$0x6200] =	vst v0  }
0x13: {  	s9 =	simm.s32 $0x0  }
.LBB2_4:
0x14: {  	s10 =	sshra.s32 s9, $0x2  }
0x15: {  	v2 =	vld [tilespmem:s10+$0x0];
	_ =	sdelay $0x7  }
0x16: {  	[tilespmem:v2+s7+$0x0] =	vst.idx.add.f32.msk $0xffff, v1  }
0x17: {  	v2 =	vld [tilespmem:s10+$0x10];
	_ =	sdelay $0x7  }
0x18: {  	[tilespmem:v2+s7+$0x0] =	vst.idx.add.f32.msk $0xffff, v1  }
0x19: {  	v2 =	vld [tilespmem:s10+$0x20];
	_ =	sdelay $0x7  }
0x1a: {  	[tilespmem:v2+s7+$0x0] =	vst.idx.add.f32.msk $0xffff, v1  }
0x1b: {  	v2 =	vld [tilespmem:s10+$0x30];
	_ =	sdelay $0x7  }
0x1c: {  	[tilespmem:v2+s7+$0x0] =	vst.idx.add.f32.msk $0xffff, v1  }
0x1d: {  	v2 =	vld [tilespmem:s10+$0x40];
	_ =	sdelay $0x7  }
0x1e: {  	[tilespmem:v2+s7+$0x0] =	vst.idx.add.f32.msk $0xffff, v1  }
0x1f: {  	v2 =	vld [tilespmem:s10+$0x50];
	_ =	sdelay $0x7  }
0x20: {  	[tilespmem:v2+s7+$0x0] =	vst.idx.add.f32.msk $0xffff, v1  }
0x21: {  	v2 =	vld [tilespmem:s10+$0x60];
	_ =	sdelay $0x7  }
0x22: {  	[tilespmem:v2+s7+$0x0] =	vst.idx.add.f32.msk $0xffff, v1  }
0x23: {  	v2 =	vld [tilespmem:s10+$0x70];
	_ =	sdelay $0x2  }
0x24: {  	p0 =	sne.s32 s9, $0x18600  }
.Ltmp1:
0x25: {  	_ = 	snop;
	(pc) =	sbr.rel @p0 .LBB2_4-.Ltmp1, $2  }
0x26: {  	_ =	sdelay $0x2  }
0x27: {  	s9 =	sadd.s32 $0x200, s9;
	[tilespmem:v2+s7+$0x0] =	vst.idx.add.f32.msk $0xffff, v1  }
0x28: {  	s8 =	sadd.s32 $0x1, s8  }
0x29: {  	p0 =	sne.s32 s8, s5  }
.Ltmp2:
0x2a: {  	_ = 	snop;
	(pc) =	sbr.rel @p0 .LBB2_1-.Ltmp2, $4  }
0x2b: {  	[hbm4b:s4+s2] =	stream.linear.scatter [tilespmem:s7], [sflag:$0x1], $0xC400, $0x38;
	[tilespmem:$0x12600] =	vst v63  }
0x2c: {  	_ =	swait.ge [sflag:s6], $0xC400  }
0x2d: {  	[sflag:s6] =	ssyncset.done $0x0  }
0x2e: {  	[sflag:s6] =	ssyncadd.s32 $0xFFFF3C00  }
0x2f: {  	_ =	sfence.sel $0x180000  }
0x30: {  	[bflag:$0x0] =	sbarrier.arrive $0xFFFF  }
0x31: {  	p0 =	sne.s32 s1, $0x0;
	_ =	strace $0x90000047  }
0x32: {  	s0 =	sadd.s32 @!p0 $0x100000, s0;
	[bflag:$0x2] =	sbarrier.arrive $0xFFFF  }
0x33: {  	[sflag:s0] =	ssyncadd.tile.s32 @!p0 $0x1;
	_ =	shalt  }
.Lfunc_end2:
_tile_overlayer_lowered:
.L_overlay_start_2:
0x34: {  	(tag) =	ssettag $0x2  }
0x35: {  	s0 =	rddreg [dreg:$0x0];
	s2 =	stileid.u32  }
0x36: {  	s1 =	rddreg [dreg:$0x1];
	p0 =	sne.s32 s2, $0x0  }
0x37: {  	s3 =	rddreg [dreg:$0x2];
	[bflag:$0x3] =	sbarrier.arrive $0xFFFF;
	s2 =	simm.s32 @!p0 $0x1C01  }
0x38: {  	[timem:s3], [sflag:s2] =	dma.local @!p0 [hbm:s0], s1  }
0x39: {  	s0 =	simm.s32 @!p0 $0x1  }
0x3a: {  	_ =	swait.ge @!p0 [sflag:s0], s1  }
0x3b: {  	s1 =	ssub.s32 @!p0 $0x0, s1;
	[sflag:s0] =	ssyncset.done @!p0 $0x0  }
0x3c: {  	[sflag:s0] =	ssyncadd.s32 @!p0 s1  }
0x3d: {  	[bflag:$0x3] =	sbarrier.arrive $0xFFFF  }
0x3e: {  	_ =	shalt  }

</sc_bundles>
